<compile_context>
chip_gen: v7x
topology: tpu7x:2x2x1
jax: 0.10.2.dev20260603
libtpu: 0.0.44.dev20260713+nightly
codegen_flags: <defaults>
</compile_context>

<pallas_src>
import functools

import jax
import jax.numpy as jnp
from jax import lax
from jax.experimental import pallas as pl
from jax.experimental.pallas import tpu as pltpu
from jax.experimental.pallas import tpu_sc as plsc

N = 10000
D = 128
C = 21
E = 320000

NC = 2
NS = 16
NW = NC * NS
K = 128
GSPLIT = 4
KS = K // GSPLIT
CH0 = 80
CH1 = 80
CHD = 80
CH_MAX = max(CH0, CH1)
TOT_CHUNKS = NS * (CH0 + CH1)
E_PAD = K * TOT_CHUNKS
IDX_ROWS = TOT_CHUNKS + CH_MAX
NACC = 10112
RPT = NACC // NS

_sc_mesh = plsc.VectorSubcoreMesh(core_axis_name="c", subcore_axis_name="s")



def _chunk_base(cid, sid):
    base = jnp.where(cid == 0, sid * CH0, NS * CH0 + sid * CH1)
    cnt = jnp.where(cid == 0, CH0, CH1)
    return base, cnt


def _deg_body(dst_hbm, ones_hbm, zacc_hbm, out_hbm, deg_sh, didx_all, ones_v, sem):
    cid = lax.axis_index("c")
    sid = lax.axis_index("s")
    base = (cid * NS + sid) * CHD
    cnt = CHD
    pltpu.sync_copy(zacc_hbm.at[pl.ds(sid * RPT, RPT)],
                    deg_sh.at[pl.ds(sid * RPT, RPT)])
    pltpu.sync_copy(dst_hbm.at[pl.ds(base, CHD)], didx_all)
    pltpu.sync_copy(ones_hbm, ones_v)
    plsc.subcore_barrier()

    def body(c, carry):
        @pl.when(c < cnt)
        def _():
            pltpu.sync_copy(ones_v, deg_sh.at[didx_all.at[c]], add=True)
        return carry

    lax.fori_loop(0, CHD, body, 0)
    plsc.subcore_barrier()
    pltpu.sync_copy(deg_sh.at[pl.ds(sid * RPT, RPT)],
                    out_hbm.at[cid, pl.ds(sid * RPT, RPT)])


_deg_pass = functools.partial(
    pl.kernel,
    out_type=jax.ShapeDtypeStruct((NC, NACC, D), jnp.float32),
    mesh=_sc_mesh,
    scratch_types=[
        pltpu.VMEM_SHARED((NACC, D), jnp.float32),
        pltpu.VMEM((CHD, K), jnp.int32),
        pltpu.VMEM((K, D), jnp.float32),
        pltpu.SemaphoreType.DMA,
    ],
)(_deg_body)


def _scat_body(g_hbm, idx_hbm, zacc_hbm, out_hbm,
               acc_sh, i0, i1, i2, i3, rows0, rows1,
               si0, si1, si2, si3, sg0, sg1):
    cid = lax.axis_index("c")
    sid = lax.axis_index("s")
    base, cnt = _chunk_base(cid, sid)
    ibuf = (i0, i1, i2, i3)
    isem = (si0, si1, si2, si3)
    rows = (rows0, rows1)
    gsem = (sg0, sg1)
    pltpu.sync_copy(zacc_hbm.at[pl.ds(sid * RPT, RPT)],
                    acc_sh.at[pl.ds(sid * RPT, RPT)])
    plsc.subcore_barrier()

    def _gather(j, r):
        for h in range(GSPLIT):
            pltpu.async_copy(
                g_hbm.at[ibuf[j].at[0, pl.ds(h * KS, KS)]],
                rows[r].at[pl.ds(h * KS, KS)], gsem[r])

    pltpu.async_copy(idx_hbm.at[base], ibuf[0], isem[0])
    pltpu.async_copy(idx_hbm.at[base + 1], ibuf[1], isem[1])
    pltpu.make_async_copy(idx_hbm.at[base], ibuf[0], isem[0]).wait()
    _gather(0, 0)

    def outer(c4, carry):
        for u in range(4):
            c = c4 * 4 + u
            b2 = u % 2
            bi = u

            @pl.when(c + 2 < cnt)
            def _():
                pltpu.async_copy(idx_hbm.at[base + c + 2],
                                 ibuf[(bi + 2) % 4], isem[(bi + 2) % 4])

            @pl.when(c + 1 < cnt)
            def _():
                pltpu.make_async_copy(idx_hbm.at[base],
                                      ibuf[(bi + 1) % 4],
                                      isem[(bi + 1) % 4]).wait()
                _gather((bi + 1) % 4, 1 - b2)

            @pl.when(c < cnt)
            def _():
                pltpu.make_async_copy(g_hbm.at[pl.ds(0, K)],
                                      rows[b2], gsem[b2]).wait()
                pltpu.sync_copy(rows[b2], acc_sh.at[ibuf[bi].at[1]], add=True)
        return carry

    lax.fori_loop(0, CH_MAX // 4, outer, 0)
    plsc.subcore_barrier()
    pltpu.sync_copy(acc_sh.at[pl.ds(sid * RPT, RPT)],
                    out_hbm.at[cid, pl.ds(sid * RPT, RPT)])


_scat_pass = functools.partial(
    pl.kernel,
    out_type=jax.ShapeDtypeStruct((NC, NACC, D), jnp.float32),
    mesh=_sc_mesh,
    scratch_types=[
        pltpu.VMEM_SHARED((NACC, D), jnp.float32),
        pltpu.VMEM((2, K), jnp.int32),
        pltpu.VMEM((2, K), jnp.int32),
        pltpu.VMEM((2, K), jnp.int32),
        pltpu.VMEM((2, K), jnp.int32),
        pltpu.VMEM((K, D), jnp.float32),
        pltpu.VMEM((K, D), jnp.float32),
        pltpu.SemaphoreType.DMA,
        pltpu.SemaphoreType.DMA,
        pltpu.SemaphoreType.DMA,
        pltpu.SemaphoreType.DMA,
        pltpu.SemaphoreType.DMA,
        pltpu.SemaphoreType.DMA,
    ],
)(_scat_body)



BR = 1264
_TC_GRID = NACC // BR


def _g1_body(x_ref, degp_ref, w_ref, g_ref, dinv_ref):
    deg = jnp.sum(degp_ref[0] + degp_ref[1], axis=-1) * (1.0 / D) + 1.0
    dinv = (1.0 / jnp.sqrt(deg))[:, None]
    dinv_ref[:, :] = jnp.broadcast_to(dinv, (BR, D))
    g_ref[:, :] = jnp.dot(x_ref[:, :], w_ref[:, :],
                          preferred_element_type=jnp.float32) * dinv


def _mid_body(acc_ref, g_ref, dinv_ref, b_ref, w_ref, out_ref):
    dinv = dinv_ref[:, :]
    v = (acc_ref[0] + acc_ref[1] + g_ref[:, :]) * dinv + b_ref[:]
    xn = jnp.maximum(v, 0.01 * v)
    out_ref[:, :] = jnp.dot(xn, w_ref[:, :],
                            preferred_element_type=jnp.float32) * dinv


def _final_body(acc_ref, g_ref, dinv_ref, b_ref, wl_ref, bl_ref, out_ref):
    dinv = dinv_ref[:, :]
    v = (acc_ref[0] + acc_ref[1] + g_ref[:, :]) * dinv + b_ref[:]
    xn = jnp.maximum(v, 0.01 * v)
    out_ref[:, :] = jnp.dot(xn, wl_ref[:, :],
                            preferred_element_type=jnp.float32) + bl_ref[:]


_row_spec = pl.BlockSpec((BR, D), lambda i: (i, 0))
_acc_spec = pl.BlockSpec((NC, BR, D), lambda i: (0, i, 0))
_w_spec = pl.BlockSpec((D, D), lambda i: (0, 0))
_b_spec = pl.BlockSpec((D,), lambda i: (0,))


def _tc_g1(x_pad, degp, w1):
    return pl.pallas_call(
        _g1_body,
        out_shape=[jax.ShapeDtypeStruct((NACC, D), jnp.float32),
                   jax.ShapeDtypeStruct((NACC, D), jnp.float32)],
        grid=(_TC_GRID,),
        in_specs=[_row_spec, _acc_spec, _w_spec],
        out_specs=[_row_spec, _row_spec],
    )(x_pad, degp, w1)


def _tc_mid(acc, g, dinv, b, w):
    return pl.pallas_call(
        _mid_body,
        out_shape=jax.ShapeDtypeStruct((NACC, D), jnp.float32),
        grid=(_TC_GRID,),
        in_specs=[_acc_spec, _row_spec, _row_spec, _b_spec, _w_spec],
        out_specs=_row_spec,
    )(acc, g, dinv, b, w)


def _tc_final(acc, g, dinv, b, wl, bl):
    return pl.pallas_call(
        _final_body,
        out_shape=jax.ShapeDtypeStruct((NACC, C), jnp.float32),
        grid=(_TC_GRID,),
        in_specs=[_acc_spec, _row_spec, _row_spec, _b_spec,
                  pl.BlockSpec((D, C), lambda i: (0, 0)),
                  pl.BlockSpec((C,), lambda i: (0,))],
        out_specs=pl.BlockSpec((BR, C), lambda i: (i, 0)),
    )(acc, g, dinv, b, wl, bl)



def kernel(x, edge_index, W1, b1, W2, b2, W3, b3, Wl, bl):
    ei = edge_index.astype(jnp.int32)
    pad = jnp.full((IDX_ROWS * K - E,), N, dtype=jnp.int32)
    src = jnp.concatenate([ei[0], pad]).reshape(IDX_ROWS, K)
    dst = jnp.concatenate([ei[1], pad]).reshape(IDX_ROWS, K)
    idx2 = jnp.stack([src, dst], axis=1)
    x_pad = jnp.pad(x, ((0, NACC - N), (0, 0)))

    ones_rows = jnp.ones((K, D), jnp.float32)
    zacc = jnp.zeros((NACC, D), jnp.float32)

    degp = _deg_pass(dst, ones_rows, zacc)

    g1, dinv = _tc_g1(x_pad, degp, W1)
    acc1 = _scat_pass(g1, idx2, zacc)
    g2 = _tc_mid(acc1, g1, dinv, b1, W2)
    acc2 = _scat_pass(g2, idx2, zacc)
    g3 = _tc_mid(acc2, g2, dinv, b2, W3)
    acc3 = _scat_pass(g3, idx2, zacc)
    out = _tc_final(acc3, g3, dinv, b3, Wl, bl)
    return out[:N]

# --- scband reference (transcript-rebuilt; emitter-appended) ---
"""Pipeline reference for scband-gcn-46583215292438 (READ-ONLY COPY).

The authoritative reference and input builder live on the scoring server;
editing this copy changes nothing except your own understanding.
"""

import jax, jax.numpy as jnp
import numpy as np

N = 10000
E = 320000
D = 128
H = 128
C = 21


def setup_inputs(seed: int = 0) -> dict:
    key = jax.random.key(seed)
    ks = jax.random.split(key, 12)
    x = jax.random.normal(ks[0], (N, D), dtype=jnp.float32)
    edge_index = jax.random.randint(ks[1], (2, E), 0, N)
    s = 0.05
    W1 = jax.random.normal(ks[2], (D, H), dtype=jnp.float32) * s
    b1 = jnp.zeros((H,), dtype=jnp.float32)
    W2 = jax.random.normal(ks[3], (H, H), dtype=jnp.float32) * s
    b2 = jnp.zeros((H,), dtype=jnp.float32)
    W3 = jax.random.normal(ks[4], (H, H), dtype=jnp.float32) * s
    b3 = jnp.zeros((H,), dtype=jnp.float32)
    Wl = jax.random.normal(ks[5], (H, C), dtype=jnp.float32) * s
    bl = jnp.zeros((C,), dtype=jnp.float32)
    return {"x": x, "edge_index": edge_index, "W1": W1, "b1": b1, "W2": W2, "b2": b2, "W3": W3, "b3": b3, "Wl": Wl, "bl": bl}


def _gcn_conv(x, src, dst, W, b, n):
    # PyG GCNConv with add_self_loops=True, normalize=True (self-loops already appended in src/dst)
    h = x @ W
    deg = jnp.zeros((n,), dtype=x.dtype).at[dst].add(1.0)
    dinv = jnp.where(deg > 0, 1.0 / jnp.sqrt(deg), 0.0)
    norm = dinv[src] * dinv[dst]
    msg = h[src] * norm[:, None]
    out = jnp.zeros((n, W.shape[1]), dtype=x.dtype).at[dst].add(msg)
    return out + b


def reference(x, edge_index, W1, b1, W2, b2, W3, b3, Wl, bl):
    loop = jnp.arange(N, dtype=edge_index.dtype)
    src = jnp.concatenate([edge_index[0], loop])
    dst = jnp.concatenate([edge_index[1], loop])
    h = _gcn_conv(x, src, dst, W1, b1, N)
    h = jax.nn.leaky_relu(h, negative_slope=0.01)
    # dropout p=0.5 is identity in eval mode
    h = _gcn_conv(h, src, dst, W2, b2, N)
    h = jax.nn.leaky_relu(h, negative_slope=0.01)
    h = _gcn_conv(h, src, dst, W3, b3, N)
    h = jax.nn.leaky_relu(h, negative_slope=0.01)
    out = h @ Wl + bl
    return out

if __name__ == "__main__":
    import jax
    _d = setup_inputs()
    print(jax.jit(kernel)(*tuple(_d.values())))

</pallas_src>

<mosaic_0001>
#map = affine_map<(d0, d1) -> (0, 0)>
#map1 = affine_map<(d0, d1) -> (0, 0, 0)>
module attributes {stable_mosaic.version = 14 : i64} {
  func.func @_deg_body(%arg0: i32, %arg1: i32, %arg2: memref<2640x128xi32, #tpu.memory_space<hbm>>, %arg3: memref<128x128xf32, #tpu.memory_space<hbm>>, %arg4: memref<10112x128xf32, #tpu.memory_space<hbm>>, %arg5: memref<2x10112x128xf32, #tpu.memory_space<hbm>>, %arg6: memref<10112x128xf32, #tpu.memory_space<vmem_shared>>, %arg7: memref<80x128xi32, #tpu.memory_space<vmem>>, %arg8: memref<128x128xf32, #tpu.memory_space<vmem>>, %arg9: memref<!tpu.dma_semaphore, #tpu.memory_space<semaphore_mem>>) attributes {dimension_semantics = [#tpu.dimension_semantics<core_parallel>, #tpu.dimension_semantics<subcore_parallel>], iteration_bounds = array<i64: 2, 16>, scalar_prefetch = 0 : i64, scratch_operands = 4 : i64, tpu.core_type = #tpu.core_type<sc_vector_subcore>, window_params = [{transform_indices = #map}, {transform_indices = #map}, {transform_indices = #map}, {transform_indices = #map1}]} {
    %mul3A = arith.constant 16 : i32
    %mul3A_0 = arith.muli %arg0, %mul3A : i32
    %add3A = arith.addi %mul3A_0, %arg1 : i32
    %mul3A_1 = arith.constant 80 : i32
    %mul3A_2 = arith.muli %add3A, %mul3A_1 : i32
    %mul3A_3 = arith.constant 632 : i32
    %mul3A_4 = arith.muli %arg1, %mul3A_3 : i32
    %mul3A_5 = arith.constant 632 : i32
    %mul3A_6 = arith.muli %arg1, %mul3A_5 : i32
    "tpu.region"() ({
      %run_scoped3A = tpu.sem_alloc : memref<!tpu.dma_semaphore, #tpu.memory_space<semaphore_mem>>
      %dma_start3A = arith.constant 0 : i32
      %dma_start3A_17 = tpu.memref_slice %arg6[%mul3A_6, %dma_start3A] : memref<10112x128xf32, #tpu.memory_space<vmem_shared>> -> memref<632x128xf32, #tpu.memory_space<vmem_shared>>
      %dma_start3A_18 = arith.constant 0 : i32
      %dma_start3A_19 = tpu.memref_slice %arg4[%mul3A_4, %dma_start3A_18] : memref<10112x128xf32, #tpu.memory_space<hbm>> -> memref<632x128xf32, #tpu.memory_space<hbm>>
      tpu.enqueue_dma source(%dma_start3A_19 : memref<632x128xf32, #tpu.memory_space<hbm>>) target(%dma_start3A_17 : memref<632x128xf32, #tpu.memory_space<vmem_shared>>) target_semaphore(%run_scoped3A : memref<!tpu.dma_semaphore, #tpu.memory_space<semaphore_mem>>)
      %dma_wait3A = arith.constant 0 : i32
      %dma_wait3A_20 = tpu.memref_slice %arg6[%mul3A_6, %dma_wait3A] : memref<10112x128xf32, #tpu.memory_space<vmem_shared>> -> memref<632x128xf32, #tpu.memory_space<vmem_shared>>
      %dma_wait3A_21 = arith.constant 0 : i32
      %dma_wait3A_22 = tpu.memref_slice %arg4[%mul3A_4, %dma_wait3A_21] : memref<10112x128xf32, #tpu.memory_space<hbm>> -> memref<632x128xf32, #tpu.memory_space<hbm>>
      tpu.wait_dma2 semaphore(%run_scoped3A : memref<!tpu.dma_semaphore, #tpu.memory_space<semaphore_mem>>) src(%dma_wait3A_22 : memref<632x128xf32, #tpu.memory_space<hbm>>) dst(%dma_wait3A_20 : memref<632x128xf32, #tpu.memory_space<vmem_shared>>)
      tpu.yield
    }) : () -> ()
    "tpu.region"() ({
      %run_scoped3A = tpu.sem_alloc : memref<!tpu.dma_semaphore, #tpu.memory_space<semaphore_mem>>
      %dma_start3A = arith.constant 0 : i32
      %dma_start3A_17 = tpu.memref_slice %arg2[%mul3A_2, %dma_start3A] : memref<2640x128xi32, #tpu.memory_space<hbm>> -> memref<80x128xi32, #tpu.memory_space<hbm>>
      %dma_start3A_18 = arith.constant 0 : i32
      %dma_start3A_19 = tpu.memref_slice %arg2[%mul3A_2, %dma_start3A_18] : memref<2640x128xi32, #tpu.memory_space<hbm>> -> memref<80x128xi32, #tpu.memory_space<hbm>>
      tpu.enqueue_dma source(%dma_start3A_19 : memref<80x128xi32, #tpu.memory_space<hbm>>) target(%arg7 : memref<80x128xi32, #tpu.memory_space<vmem>>) target_semaphore(%run_scoped3A : memref<!tpu.dma_semaphore, #tpu.memory_space<semaphore_mem>>)
      %dma_wait3A = arith.constant 0 : i32
      %dma_wait3A_20 = tpu.memref_slice %arg2[%mul3A_2, %dma_wait3A] : memref<2640x128xi32, #tpu.memory_space<hbm>> -> memref<80x128xi32, #tpu.memory_space<hbm>>
      %dma_wait3A_21 = arith.constant 0 : i32
      %dma_wait3A_22 = tpu.memref_slice %arg2[%mul3A_2, %dma_wait3A_21] : memref<2640x128xi32, #tpu.memory_space<hbm>> -> memref<80x128xi32, #tpu.memory_space<hbm>>
      tpu.wait_dma2 semaphore(%run_scoped3A : memref<!tpu.dma_semaphore, #tpu.memory_space<semaphore_mem>>) src(%dma_wait3A_22 : memref<80x128xi32, #tpu.memory_space<hbm>>) dst(%arg7 : memref<80x128xi32, #tpu.memory_space<vmem>>)
      tpu.yield
    }) : () -> ()
    "tpu.region"() ({
      %run_scoped3A = tpu.sem_alloc : memref<!tpu.dma_semaphore, #tpu.memory_space<semaphore_mem>>
      tpu.enqueue_dma source(%arg3 : memref<128x128xf32, #tpu.memory_space<hbm>>) target(%arg8 : memref<128x128xf32, #tpu.memory_space<vmem>>) target_semaphore(%run_scoped3A : memref<!tpu.dma_semaphore, #tpu.memory_space<semaphore_mem>>)
      tpu.wait_dma2 semaphore(%run_scoped3A : memref<!tpu.dma_semaphore, #tpu.memory_space<semaphore_mem>>) src(%arg3 : memref<128x128xf32, #tpu.memory_space<hbm>>) dst(%arg8 : memref<128x128xf32, #tpu.memory_space<vmem>>)
      tpu.yield
    }) : () -> ()
    %barrier3A = arith.constant 0 : index
    tpu.barrier barrier_id(%barrier3A)
    %scan3A = arith.constant 0 : i32
    %scan3A_7 = arith.constant 0 : i32
    %scan3A_8 = arith.constant 80 : i32
    %scan3A_9 = arith.addi %scan3A_7, %scan3A_8 : i32
    %scan3A_10 = arith.constant 1 : i32
    scf.for %scan3A_17 = %scan3A_7 to %scan3A_9 step %scan3A_10  : i32 {
      %lt3A = arith.constant 80 : i32
      %lt3A_18 = arith.cmpi slt, %scan3A_17, %lt3A : i32
      %convert_element_type3A = arith.extui %lt3A_18 : i1 to i32
      %cond3A = arith.constant 0 : i32
      %cond3A_19 = arith.cmpi ne, %convert_element_type3A, %cond3A : i32
      scf.if %cond3A_19 {
        "tpu.region"() ({
          %run_scoped3A = tpu.sem_alloc : memref<!tpu.dma_semaphore, #tpu.memory_space<semaphore_mem>>
          %dma_start3A = arith.constant 0 : i32
          %dma_start3A_20 = tpu.memref_slice %arg7[%scan3A_17, %dma_start3A] : memref<80x128xi32, #tpu.memory_space<vmem>> -> memref<1x128xi32, #tpu.memory_space<vmem>>
          %dma_start3A_21 = tpu.memref_squeeze %dma_start3A_20 : memref<1x128xi32, #tpu.memory_space<vmem>> -> memref<128xi32, #tpu.memory_space<vmem>>
          %dma_start3A_22 = arith.constant 0 : i32
          %dma_start3A_23 = arith.constant 0 : i32
          %dma_start3A_24 = tpu.memref_slice %arg6[%dma_start3A_22, %dma_start3A_23] : memref<10112x128xf32, #tpu.memory_space<vmem_shared>> -> memref<10112x128xf32, #tpu.memory_space<vmem_shared>>
          tpu.enqueue_indirect_dma source(%arg8 : memref<128x128xf32, #tpu.memory_space<vmem>>) target(%dma_start3A_24 : memref<10112x128xf32, #tpu.memory_space<vmem_shared>>) offsets(%dma_start3A_21 : memref<128xi32, #tpu.memory_space<vmem>>) semaphore(%run_scoped3A : memref<!tpu.dma_semaphore, #tpu.memory_space<semaphore_mem>>) {add = true}
          %dma_wait3A = arith.constant 0 : i32
          %dma_wait3A_25 = tpu.memref_slice %arg7[%scan3A_17, %dma_wait3A] : memref<80x128xi32, #tpu.memory_space<vmem>> -> memref<1x128xi32, #tpu.memory_space<vmem>>
          %dma_wait3A_26 = tpu.memref_squeeze %dma_wait3A_25 : memref<1x128xi32, #tpu.memory_space<vmem>> -> memref<128xi32, #tpu.memory_space<vmem>>
          %dma_wait3A_27 = arith.constant 0 : i32
          %dma_wait3A_28 = arith.constant 0 : i32
          %dma_wait3A_29 = tpu.memref_slice %arg6[%dma_wait3A_27, %dma_wait3A_28] : memref<10112x128xf32, #tpu.memory_space<vmem_shared>> -> memref<10112x128xf32, #tpu.memory_space<vmem_shared>>
          tpu.wait_indirect_dma semaphore(%run_scoped3A : memref<!tpu.dma_semaphore, #tpu.memory_space<semaphore_mem>>) src(%arg8 : memref<128x128xf32, #tpu.memory_space<vmem>>) dst(%dma_wait3A_29 : memref<10112x128xf32, #tpu.memory_space<vmem_shared>>)
          tpu.yield
        }) : () -> ()
      } else {
      }
    }
    %scan3A_11 = arith.constant 80 : i32
    %barrier3A_12 = arith.constant 0 : index
    tpu.barrier barrier_id(%barrier3A_12)
    %mul3A_13 = arith.constant 632 : i32
    %mul3A_14 = arith.muli %arg1, %mul3A_13 : i32
    %mul3A_15 = arith.constant 632 : i32
    %mul3A_16 = arith.muli %arg1, %mul3A_15 : i32
    "tpu.region"() ({
      %run_scoped3A = tpu.sem_alloc : memref<!tpu.dma_semaphore, #tpu.memory_space<semaphore_mem>>
      %dma_start3A = arith.constant 0 : i32
      %dma_start3A_17 = tpu.memref_slice %arg5[%arg0, %mul3A_16, %dma_start3A] : memref<2x10112x128xf32, #tpu.memory_space<hbm>> -> memref<1x632x128xf32, #tpu.memory_space<hbm>>
      %dma_start3A_18 = tpu.memref_squeeze %dma_start3A_17 : memref<1x632x128xf32, #tpu.memory_space<hbm>> -> memref<632x128xf32, #tpu.memory_space<hbm>>
      %dma_start3A_19 = arith.constant 0 : i32
      %dma_start3A_20 = tpu.memref_slice %arg6[%mul3A_14, %dma_start3A_19] : memref<10112x128xf32, #tpu.memory_space<vmem_shared>> -> memref<632x128xf32, #tpu.memory_space<vmem_shared>>
      tpu.enqueue_dma source(%dma_start3A_20 : memref<632x128xf32, #tpu.memory_space<vmem_shared>>) target(%dma_start3A_18 : memref<632x128xf32, #tpu.memory_space<hbm>>) target_semaphore(%run_scoped3A : memref<!tpu.dma_semaphore, #tpu.memory_space<semaphore_mem>>)
      %dma_wait3A = arith.constant 0 : i32
      %dma_wait3A_21 = tpu.memref_slice %arg5[%arg0, %mul3A_16, %dma_wait3A] : memref<2x10112x128xf32, #tpu.memory_space<hbm>> -> memref<1x632x128xf32, #tpu.memory_space<hbm>>
      %dma_wait3A_22 = tpu.memref_squeeze %dma_wait3A_21 : memref<1x632x128xf32, #tpu.memory_space<hbm>> -> memref<632x128xf32, #tpu.memory_space<hbm>>
      %dma_wait3A_23 = arith.constant 0 : i32
      %dma_wait3A_24 = tpu.memref_slice %arg6[%mul3A_14, %dma_wait3A_23] : memref<10112x128xf32, #tpu.memory_space<vmem_shared>> -> memref<632x128xf32, #tpu.memory_space<vmem_shared>>
      tpu.wait_dma2 semaphore(%run_scoped3A : memref<!tpu.dma_semaphore, #tpu.memory_space<semaphore_mem>>) src(%dma_wait3A_24 : memref<632x128xf32, #tpu.memory_space<vmem_shared>>) dst(%dma_wait3A_22 : memref<632x128xf32, #tpu.memory_space<hbm>>)
      tpu.yield
    }) : () -> ()
    return
  }
}

#map = affine_map<(d0, d1) -> (0, 0)>
#map1 = affine_map<(d0, d1) -> (0, 0, 0)>
module attributes {stable_mosaic.version = 14 : i64} {
  func.func @_scat_body(%arg0: i32, %arg1: i32, %arg2: memref<10112x128xf32, #tpu.memory_space<hbm>>, %arg3: memref<2640x2x128xi32, #tpu.memory_space<hbm>>, %arg4: memref<10112x128xf32, #tpu.memory_space<hbm>>, %arg5: memref<2x10112x128xf32, #tpu.memory_space<hbm>>, %arg6: memref<10112x128xf32, #tpu.memory_space<vmem_shared>>, %arg7: memref<2x128xi32, #tpu.memory_space<vmem>>, %arg8: memref<2x128xi32, #tpu.memory_space<vmem>>, %arg9: memref<2x128xi32, #tpu.memory_space<vmem>>, %arg10: memref<2x128xi32, #tpu.memory_space<vmem>>, %arg11: memref<128x128xf32, #tpu.memory_space<vmem>>, %arg12: memref<128x128xf32, #tpu.memory_space<vmem>>, %arg13: memref<!tpu.dma_semaphore, #tpu.memory_space<semaphore_mem>>, %arg14: memref<!tpu.dma_semaphore, #tpu.memory_space<semaphore_mem>>, %arg15: memref<!tpu.dma_semaphore, #tpu.memory_space<semaphore_mem>>, %arg16: memref<!tpu.dma_semaphore, #tpu.memory_space<semaphore_mem>>, %arg17: memref<!tpu.dma_semaphore, #tpu.memory_space<semaphore_mem>>, %arg18: memref<!tpu.dma_semaphore, #tpu.memory_space<semaphore_mem>>) attributes {dimension_semantics = [#tpu.dimension_semantics<core_parallel>, #tpu.dimension_semantics<subcore_parallel>], iteration_bounds = array<i64: 2, 16>, scalar_prefetch = 0 : i64, scratch_operands = 13 : i64, tpu.core_type = #tpu.core_type<sc_vector_subcore>, window_params = [{transform_indices = #map}, {transform_indices = #map1}, {transform_indices = #map}, {transform_indices = #map1}]} {
    %eq3A = arith.constant 0 : i32
    %eq3A_0 = arith.cmpi eq, %arg0, %eq3A : i32
    %mul3A = arith.constant 80 : i32
    %mul3A_1 = arith.muli %arg1, %mul3A : i32
    %mul3A_2 = arith.constant 80 : i32
    %mul3A_3 = arith.muli %arg1, %mul3A_2 : i32
    %add3A = arith.constant 1280 : i32
    %add3A_4 = arith.addi %add3A, %mul3A_3 : i32
    %select_n3A = arith.select %eq3A_0, %mul3A_1, %add3A_4 : i32
    %eq3A_5 = arith.constant 0 : i32
    %eq3A_6 = arith.cmpi eq, %arg0, %eq3A_5 : i32
    %jit3A = arith.constant 80 : i32
    %jit3A_7 = arith.constant 80 : i32
    %select_n3A_8 = arith.select %eq3A_6, %jit3A, %jit3A_7 : i32
    %mul3A_9 = arith.constant 632 : i32
    %mul3A_10 = arith.muli %arg1, %mul3A_9 : i32
    %mul3A_11 = arith.constant 632 : i32
    %mul3A_12 = arith.muli %arg1, %mul3A_11 : i32
    "tpu.region"() ({
      %run_scoped3A = tpu.sem_alloc : memref<!tpu.dma_semaphore, #tpu.memory_space<semaphore_mem>>
      %dma_start3A_87 = arith.constant 0 : i32
      %dma_start3A_88 = tpu.memref_slice %arg6[%mul3A_12, %dma_start3A_87] : memref<10112x128xf32, #tpu.memory_space<vmem_shared>> -> memref<632x128xf32, #tpu.memory_space<vmem_shared>>
      %dma_start3A_89 = arith.constant 0 : i32
      %dma_start3A_90 = tpu.memref_slice %arg4[%mul3A_10, %dma_start3A_89] : memref<10112x128xf32, #tpu.memory_space<hbm>> -> memref<632x128xf32, #tpu.memory_space<hbm>>
      tpu.enqueue_dma source(%dma_start3A_90 : memref<632x128xf32, #tpu.memory_space<hbm>>) target(%dma_start3A_88 : memref<632x128xf32, #tpu.memory_space<vmem_shared>>) target_semaphore(%run_scoped3A : memref<!tpu.dma_semaphore, #tpu.memory_space<semaphore_mem>>)
      %dma_wait3A_91 = arith.constant 0 : i32
      %dma_wait3A_92 = tpu.memref_slice %arg6[%mul3A_12, %dma_wait3A_91] : memref<10112x128xf32, #tpu.memory_space<vmem_shared>> -> memref<632x128xf32, #tpu.memory_space<vmem_shared>>
      %dma_wait3A_93 = arith.constant 0 : i32
      %dma_wait3A_94 = tpu.memref_slice %arg4[%mul3A_10, %dma_wait3A_93] : memref<10112x128xf32, #tpu.memory_space<hbm>> -> memref<632x128xf32, #tpu.memory_space<hbm>>
      tpu.wait_dma2 semaphore(%run_scoped3A : memref<!tpu.dma_semaphore, #tpu.memory_space<semaphore_mem>>) src(%dma_wait3A_94 : memref<632x128xf32, #tpu.memory_space<hbm>>) dst(%dma_wait3A_92 : memref<632x128xf32, #tpu.memory_space<vmem_shared>>)
      tpu.yield
    }) : () -> ()
    %barrier3A = arith.constant 0 : index
    tpu.barrier barrier_id(%barrier3A)
    %dma_start3A = arith.constant 0 : i32
    %dma_start3A_13 = arith.constant 0 : i32
    %dma_start3A_14 = tpu.memref_slice %arg3[%select_n3A, %dma_start3A, %dma_start3A_13] : memref<2640x2x128xi32, #tpu.memory_space<hbm>> -> memref<1x2x128xi32, #tpu.memory_space<hbm>>
    %dma_start3A_15 = tpu.memref_squeeze %dma_start3A_14 : memref<1x2x128xi32, #tpu.memory_space<hbm>> -> memref<2x128xi32, #tpu.memory_space<hbm>>
    %dma_start3A_16 = arith.constant 0 : i32
    %dma_start3A_17 = arith.constant 0 : i32
    %dma_start3A_18 = tpu.memref_slice %arg3[%select_n3A, %dma_start3A_16, %dma_start3A_17] : memref<2640x2x128xi32, #tpu.memory_space<hbm>> -> memref<1x2x128xi32, #tpu.memory_space<hbm>>
    %dma_start3A_19 = tpu.memref_squeeze %dma_start3A_18 : memref<1x2x128xi32, #tpu.memory_space<hbm>> -> memref<2x128xi32, #tpu.memory_space<hbm>>
    tpu.enqueue_dma source(%dma_start3A_19 : memref<2x128xi32, #tpu.memory_space<hbm>>) target(%arg7 : memref<2x128xi32, #tpu.memory_space<vmem>>) target_semaphore(%arg13 : memref<!tpu.dma_semaphore, #tpu.memory_space<semaphore_mem>>)
    %add3A_20 = arith.constant 1 : i32
    %add3A_21 = arith.addi %select_n3A, %add3A_20 : i32
    %dma_start3A_22 = arith.constant 0 : i32
    %dma_start3A_23 = arith.constant 0 : i32
    %dma_start3A_24 = tpu.memref_slice %arg3[%add3A_21, %dma_start3A_22, %dma_start3A_23] : memref<2640x2x128xi32, #tpu.memory_space<hbm>> -> memref<1x2x128xi32, #tpu.memory_space<hbm>>
    %dma_start3A_25 = tpu.memref_squeeze %dma_start3A_24 : memref<1x2x128xi32, #tpu.memory_space<hbm>> -> memref<2x128xi32, #tpu.memory_space<hbm>>
    %dma_start3A_26 = arith.constant 0 : i32
    %dma_start3A_27 = arith.constant 0 : i32
    %dma_start3A_28 = tpu.memref_slice %arg3[%add3A_21, %dma_start3A_26, %dma_start3A_27] : memref<2640x2x128xi32, #tpu.memory_space<hbm>> -> memref<1x2x128xi32, #tpu.memory_space<hbm>>
    %dma_start3A_29 = tpu.memref_squeeze %dma_start3A_28 : memref<1x2x128xi32, #tpu.memory_space<hbm>> -> memref<2x128xi32, #tpu.memory_space<hbm>>
    tpu.enqueue_dma source(%dma_start3A_29 : memref<2x128xi32, #tpu.memory_space<hbm>>) target(%arg8 : memref<2x128xi32, #tpu.memory_space<vmem>>) target_semaphore(%arg14 : memref<!tpu.dma_semaphore, #tpu.memory_space<semaphore_mem>>)
    %dma_wait3A = arith.constant 0 : i32
    %dma_wait3A_30 = arith.constant 0 : i32
    %dma_wait3A_31 = tpu.memref_slice %arg3[%select_n3A, %dma_wait3A, %dma_wait3A_30] : memref<2640x2x128xi32, #tpu.memory_space<hbm>> -> memref<1x2x128xi32, #tpu.memory_space<hbm>>
    %dma_wait3A_32 = tpu.memref_squeeze %dma_wait3A_31 : memref<1x2x128xi32, #tpu.memory_space<hbm>> -> memref<2x128xi32, #tpu.memory_space<hbm>>
    %dma_wait3A_33 = arith.constant 0 : i32
    %dma_wait3A_34 = arith.constant 0 : i32
    %dma_wait3A_35 = tpu.memref_slice %arg3[%select_n3A, %dma_wait3A_33, %dma_wait3A_34] : memref<2640x2x128xi32, #tpu.memory_space<hbm>> -> memref<1x2x128xi32, #tpu.memory_space<hbm>>
    %dma_wait3A_36 = tpu.memref_squeeze %dma_wait3A_35 : memref<1x2x128xi32, #tpu.memory_space<hbm>> -> memref<2x128xi32, #tpu.memory_space<hbm>>
    tpu.wait_dma2 semaphore(%arg13 : memref<!tpu.dma_semaphore, #tpu.memory_space<semaphore_mem>>) src(%dma_wait3A_36 : memref<2x128xi32, #tpu.memory_space<hbm>>) dst(%arg7 : memref<2x128xi32, #tpu.memory_space<vmem>>)
    %dma_start3A_37 = arith.constant 0 : i32
    %dma_start3A_38 = arith.constant 0 : i32
    %dma_start3A_39 = arith.constant 0 : i32
    %dma_start3A_40 = tpu.memref_slice %arg11[%dma_start3A_38, %dma_start3A_39] : memref<128x128xf32, #tpu.memory_space<vmem>> -> memref<32x128xf32, #tpu.memory_space<vmem>>
    %dma_start3A_41 = arith.constant 0 : i32
    %dma_start3A_42 = tpu.memref_slice %arg7[%dma_start3A_37, %dma_start3A_41] : memref<2x128xi32, #tpu.memory_space<vmem>> -> memref<1x32xi32, #tpu.memory_space<vmem>>
    %dma_start3A_43 = tpu.memref_squeeze %dma_start3A_42 : memref<1x32xi32, #tpu.memory_space<vmem>> -> memref<32xi32, #tpu.memory_space<vmem>>
    %dma_start3A_44 = arith.constant 0 : i32
    %dma_start3A_45 = arith.constant 0 : i32
    %dma_start3A_46 = tpu.memref_slice %arg2[%dma_start3A_44, %dma_start3A_45] : memref<10112x128xf32, #tpu.memory_space<hbm>> -> memref<10112x128xf32, #tpu.memory_space<hbm>>
    tpu.enqueue_indirect_dma source(%dma_start3A_46 : memref<10112x128xf32, #tpu.memory_space<hbm>>) target(%dma_start3A_40 : memref<32x128xf32, #tpu.memory_space<vmem>>) offsets(%dma_start3A_43 : memref<32xi32, #tpu.memory_space<vmem>>) semaphore(%arg17 : memref<!tpu.dma_semaphore, #tpu.memory_space<semaphore_mem>>)
    %dma_start3A_47 = arith.constant 0 : i32
    %dma_start3A_48 = arith.constant 32 : i32
    %dma_start3A_49 = arith.constant 0 : i32
    %dma_start3A_50 = tpu.memref_slice %arg11[%dma_start3A_48, %dma_start3A_49] : memref<128x128xf32, #tpu.memory_space<vmem>> -> memref<32x128xf32, #tpu.memory_space<vmem>>
    %dma_start3A_51 = arith.constant 32 : i32
    %dma_start3A_52 = tpu.memref_slice %arg7[%dma_start3A_47, %dma_start3A_51] : memref<2x128xi32, #tpu.memory_space<vmem>> -> memref<1x32xi32, #tpu.memory_space<vmem>>
    %dma_start3A_53 = tpu.memref_squeeze %dma_start3A_52 : memref<1x32xi32, #tpu.memory_space<vmem>> -> memref<32xi32, #tpu.memory_space<vmem>>
    %dma_start3A_54 = arith.constant 0 : i32
    %dma_start3A_55 = arith.constant 0 : i32
    %dma_start3A_56 = tpu.memref_slice %arg2[%dma_start3A_54, %dma_start3A_55] : memref<10112x128xf32, #tpu.memory_space<hbm>> -> memref<10112x128xf32, #tpu.memory_space<hbm>>
    tpu.enqueue_indirect_dma source(%dma_start3A_56 : memref<10112x128xf32, #tpu.memory_space<hbm>>) target(%dma_start3A_50 : memref<32x128xf32, #tpu.memory_space<vmem>>) offsets(%dma_start3A_53 : memref<32xi32, #tpu.memory_space<vmem>>) semaphore(%arg17 : memref<!tpu.dma_semaphore, #tpu.memory_space<semaphore_mem>>)
    %dma_start3A_57 = arith.constant 0 : i32
    %dma_start3A_58 = arith.constant 64 : i32
    %dma_start3A_59 = arith.constant 0 : i32
    %dma_start3A_60 = tpu.memref_slice %arg11[%dma_start3A_58, %dma_start3A_59] : memref<128x128xf32, #tpu.memory_space<vmem>> -> memref<32x128xf32, #tpu.memory_space<vmem>>
    %dma_start3A_61 = arith.constant 64 : i32
    %dma_start3A_62 = tpu.memref_slice %arg7[%dma_start3A_57, %dma_start3A_61] : memref<2x128xi32, #tpu.memory_space<vmem>> -> memref<1x32xi32, #tpu.memory_space<vmem>>
    %dma_start3A_63 = tpu.memref_squeeze %dma_start3A_62 : memref<1x32xi32, #tpu.memory_space<vmem>> -> memref<32xi32, #tpu.memory_space<vmem>>
    %dma_start3A_64 = arith.constant 0 : i32
    %dma_start3A_65 = arith.constant 0 : i32
    %dma_start3A_66 = tpu.memref_slice %arg2[%dma_start3A_64, %dma_start3A_65] : memref<10112x128xf32, #tpu.memory_space<hbm>> -> memref<10112x128xf32, #tpu.memory_space<hbm>>
    tpu.enqueue_indirect_dma source(%dma_start3A_66 : memref<10112x128xf32, #tpu.memory_space<hbm>>) target(%dma_start3A_60 : memref<32x128xf32, #tpu.memory_space<vmem>>) offsets(%dma_start3A_63 : memref<32xi32, #tpu.memory_space<vmem>>) semaphore(%arg17 : memref<!tpu.dma_semaphore, #tpu.memory_space<semaphore_mem>>)
    %dma_start3A_67 = arith.constant 0 : i32
    %dma_start3A_68 = arith.constant 96 : i32
    %dma_start3A_69 = arith.constant 0 : i32
    %dma_start3A_70 = tpu.memref_slice %arg11[%dma_start3A_68, %dma_start3A_69] : memref<128x128xf32, #tpu.memory_space<vmem>> -> memref<32x128xf32, #tpu.memory_space<vmem>>
    %dma_start3A_71 = arith.constant 96 : i32
    %dma_start3A_72 = tpu.memref_slice %arg7[%dma_start3A_67, %dma_start3A_71] : memref<2x128xi32, #tpu.memory_space<vmem>> -> memref<1x32xi32, #tpu.memory_space<vmem>>
    %dma_start3A_73 = tpu.memref_squeeze %dma_start3A_72 : memref<1x32xi32, #tpu.memory_space<vmem>> -> memref<32xi32, #tpu.memory_space<vmem>>
    %dma_start3A_74 = arith.constant 0 : i32
    %dma_start3A_75 = arith.constant 0 : i32
    %dma_start3A_76 = tpu.memref_slice %arg2[%dma_start3A_74, %dma_start3A_75] : memref<10112x128xf32, #tpu.memory_space<hbm>> -> memref<10112x128xf32, #tpu.memory_space<hbm>>
    tpu.enqueue_indirect_dma source(%dma_start3A_76 : memref<10112x128xf32, #tpu.memory_space<hbm>>) target(%dma_start3A_70 : memref<32x128xf32, #tpu.memory_space<vmem>>) offsets(%dma_start3A_73 : memref<32xi32, #tpu.memory_space<vmem>>) semaphore(%arg17 : memref<!tpu.dma_semaphore, #tpu.memory_space<semaphore_mem>>)
    %scan3A = arith.constant 0 : i32
    %scan3A_77 = arith.constant 0 : i32
    %scan3A_78 = arith.constant 20 : i32
    %scan3A_79 = arith.addi %scan3A_77, %scan3A_78 : i32
    %scan3A_80 = arith.constant 1 : i32
    scf.for %scan3A_87 = %scan3A_77 to %scan3A_79 step %scan3A_80  : i32 {
      %mul3A_88 = arith.constant 4 : i32
      %mul3A_89 = arith.muli %scan3A_87, %mul3A_88 : i32
      %add3A_90 = arith.constant 0 : i32
      %add3A_91 = arith.addi %mul3A_89, %add3A_90 : i32
      %add3A_92 = arith.constant 2 : i32
      %add3A_93 = arith.addi %add3A_91, %add3A_92 : i32
      %lt3A = arith.cmpi slt, %add3A_93, %select_n3A_8 : i32
      %convert_element_type3A = arith.extui %lt3A : i1 to i32
      %cond3A = arith.constant 0 : i32
      %cond3A_94 = arith.cmpi ne, %convert_element_type3A, %cond3A : i32
      scf.if %cond3A_94 {
        %add3A_165 = arith.addi %select_n3A, %add3A_91 : i32
        %add3A_166 = arith.constant 2 : i32
        %add3A_167 = arith.addi %add3A_165, %add3A_166 : i32
        %dma_start3A_168 = arith.constant 0 : i32
        %dma_start3A_169 = arith.constant 0 : i32
        %dma_start3A_170 = tpu.memref_slice %arg3[%add3A_167, %dma_start3A_168, %dma_start3A_169] : memref<2640x2x128xi32, #tpu.memory_space<hbm>> -> memref<1x2x128xi32, #tpu.memory_space<hbm>>
        %dma_start3A_171 = tpu.memref_squeeze %dma_start3A_170 : memref<1x2x128xi32, #tpu.memory_space<hbm>> -> memref<2x128xi32, #tpu.memory_space<hbm>>
        %dma_start3A_172 = arith.constant 0 : i32
        %dma_start3A_173 = arith.constant 0 : i32
        %dma_start3A_174 = tpu.memref_slice %arg3[%add3A_167, %dma_start3A_172, %dma_start3A_173] : memref<2640x2x128xi32, #tpu.memory_space<hbm>> -> memref<1x2x128xi32, #tpu.memory_space<hbm>>
        %dma_start3A_175 = tpu.memref_squeeze %dma_start3A_174 : memref<1x2x128xi32, #tpu.memory_space<hbm>> -> memref<2x128xi32, #tpu.memory_space<hbm>>
        tpu.enqueue_dma source(%dma_start3A_175 : memref<2x128xi32, #tpu.memory_space<hbm>>) target(%arg9 : memref<2x128xi32, #tpu.memory_space<vmem>>) target_semaphore(%arg15 : memref<!tpu.dma_semaphore, #tpu.memory_space<semaphore_mem>>)
      } else {
      }
      %add3A_95 = arith.constant 1 : i32
      %add3A_96 = arith.addi %add3A_91, %add3A_95 : i32
      %lt3A_97 = arith.cmpi slt, %add3A_96, %select_n3A_8 : i32
      %convert_element_type3A_98 = arith.extui %lt3A_97 : i1 to i32
      %cond3A_99 = arith.constant 0 : i32
      %cond3A_100 = arith.cmpi ne, %convert_element_type3A_98, %cond3A_99 : i32
      scf.if %cond3A_100 {
        %dma_wait3A_165 = arith.constant 0 : i32
        %dma_wait3A_166 = arith.constant 0 : i32
        %dma_wait3A_167 = tpu.memref_slice %arg3[%select_n3A, %dma_wait3A_165, %dma_wait3A_166] : memref<2640x2x128xi32, #tpu.memory_space<hbm>> -> memref<1x2x128xi32, #tpu.memory_space<hbm>>
        %dma_wait3A_168 = tpu.memref_squeeze %dma_wait3A_167 : memref<1x2x128xi32, #tpu.memory_space<hbm>> -> memref<2x128xi32, #tpu.memory_space<hbm>>
        %dma_wait3A_169 = arith.constant 0 : i32
        %dma_wait3A_170 = arith.constant 0 : i32
        %dma_wait3A_171 = tpu.memref_slice %arg3[%select_n3A, %dma_wait3A_169, %dma_wait3A_170] : memref<2640x2x128xi32, #tpu.memory_space<hbm>> -> memref<1x2x128xi32, #tpu.memory_space<hbm>>
        %dma_wait3A_172 = tpu.memref_squeeze %dma_wait3A_171 : memref<1x2x128xi32, #tpu.memory_space<hbm>> -> memref<2x128xi32, #tpu.memory_space<hbm>>
        tpu.wait_dma2 semaphore(%arg14 : memref<!tpu.dma_semaphore, #tpu.memory_space<semaphore_mem>>) src(%dma_wait3A_172 : memref<2x128xi32, #tpu.memory_space<hbm>>) dst(%arg8 : memref<2x128xi32, #tpu.memory_space<vmem>>)
        %dma_start3A_173 = arith.constant 0 : i32
        %dma_start3A_174 = arith.constant 0 : i32
        %dma_start3A_175 = arith.constant 0 : i32
        %dma_start3A_176 = tpu.memref_slice %arg12[%dma_start3A_174, %dma_start3A_175] : memref<128x128xf32, #tpu.memory_space<vmem>> -> memref<32x128xf32, #tpu.memory_space<vmem>>
        %dma_start3A_177 = arith.constant 0 : i32
        %dma_start3A_178 = tpu.memref_slice %arg8[%dma_start3A_173, %dma_start3A_177] : memref<2x128xi32, #tpu.memory_space<vmem>> -> memref<1x32xi32, #tpu.memory_space<vmem>>
        %dma_start3A_179 = tpu.memref_squeeze %dma_start3A_178 : memref<1x32xi32, #tpu.memory_space<vmem>> -> memref<32xi32, #tpu.memory_space<vmem>>
        %dma_start3A_180 = arith.constant 0 : i32
        %dma_start3A_181 = arith.constant 0 : i32
        %dma_start3A_182 = tpu.memref_slice %arg2[%dma_start3A_180, %dma_start3A_181] : memref<10112x128xf32, #tpu.memory_space<hbm>> -> memref<10112x128xf32, #tpu.memory_space<hbm>>
        tpu.enqueue_indirect_dma source(%dma_start3A_182 : memref<10112x128xf32, #tpu.memory_space<hbm>>) target(%dma_start3A_176 : memref<32x128xf32, #tpu.memory_space<vmem>>) offsets(%dma_start3A_179 : memref<32xi32, #tpu.memory_space<vmem>>) semaphore(%arg18 : memref<!tpu.dma_semaphore, #tpu.memory_space<semaphore_mem>>)
        %dma_start3A_183 = arith.constant 0 : i32
        %dma_start3A_184 = arith.constant 32 : i32
        %dma_start3A_185 = arith.constant 0 : i32
        %dma_start3A_186 = tpu.memref_slice %arg12[%dma_start3A_184, %dma_start3A_185] : memref<128x128xf32, #tpu.memory_space<vmem>> -> memref<32x128xf32, #tpu.memory_space<vmem>>
        %dma_start3A_187 = arith.constant 32 : i32
        %dma_start3A_188 = tpu.memref_slice %arg8[%dma_start3A_183, %dma_start3A_187] : memref<2x128xi32, #tpu.memory_space<vmem>> -> memref<1x32xi32, #tpu.memory_space<vmem>>
        %dma_start3A_189 = tpu.memref_squeeze %dma_start3A_188 : memref<1x32xi32, #tpu.memory_space<vmem>> -> memref<32xi32, #tpu.memory_space<vmem>>
        %dma_start3A_190 = arith.constant 0 : i32
        %dma_start3A_191 = arith.constant 0 : i32
        %dma_start3A_192 = tpu.memref_slice %arg2[%dma_start3A_190, %dma_start3A_191] : memref<10112x128xf32, #tpu.memory_space<hbm>> -> memref<10112x128xf32, #tpu.memory_space<hbm>>
        tpu.enqueue_indirect_dma source(%dma_start3A_192 : memref<10112x128xf32, #tpu.memory_space<hbm>>) target(%dma_start3A_186 : memref<32x128xf32, #tpu.memory_space<vmem>>) offsets(%dma_start3A_189 : memref<32xi32, #tpu.memory_space<vmem>>) semaphore(%arg18 : memref<!tpu.dma_semaphore, #tpu.memory_space<semaphore_mem>>)
        %dma_start3A_193 = arith.constant 0 : i32
        %dma_start3A_194 = arith.constant 64 : i32
        %dma_start3A_195 = arith.constant 0 : i32
        %dma_start3A_196 = tpu.memref_slice %arg12[%dma_start3A_194, %dma_start3A_195] : memref<128x128xf32, #tpu.memory_space<vmem>> -> memref<32x128xf32, #tpu.memory_space<vmem>>
        %dma_start3A_197 = arith.constant 64 : i32
        %dma_start3A_198 = tpu.memref_slice %arg8[%dma_start3A_193, %dma_start3A_197] : memref<2x128xi32, #tpu.memory_space<vmem>> -> memref<1x32xi32, #tpu.memory_space<vmem>>
        %dma_start3A_199 = tpu.memref_squeeze %dma_start3A_198 : memref<1x32xi32, #tpu.memory_space<vmem>> -> memref<32xi32, #tpu.memory_space<vmem>>
        %dma_start3A_200 = arith.constant 0 : i32
        %dma_start3A_201 = arith.constant 0 : i32
        %dma_start3A_202 = tpu.memref_slice %arg2[%dma_start3A_200, %dma_start3A_201] : memref<10112x128xf32, #tpu.memory_space<hbm>> -> memref<10112x128xf32, #tpu.memory_space<hbm>>
        tpu.enqueue_indirect_dma source(%dma_start3A_202 : memref<10112x128xf32, #tpu.memory_space<hbm>>) target(%dma_start3A_196 : memref<32x128xf32, #tpu.memory_space<vmem>>) offsets(%dma_start3A_199 : memref<32xi32, #tpu.memory_space<vmem>>) semaphore(%arg18 : memref<!tpu.dma_semaphore, #tpu.memory_space<semaphore_mem>>)
        %dma_start3A_203 = arith.constant 0 : i32
        %dma_start3A_204 = arith.constant 96 : i32
        %dma_start3A_205 = arith.constant 0 : i32
        %dma_start3A_206 = tpu.memref_slice %arg12[%dma_start3A_204, %dma_start3A_205] : memref<128x128xf32, #tpu.memory_space<vmem>> -> memref<32x128xf32, #tpu.memory_space<vmem>>
        %dma_start3A_207 = arith.constant 96 : i32
        %dma_start3A_208 = tpu.memref_slice %arg8[%dma_start3A_203, %dma_start3A_207] : memref<2x128xi32, #tpu.memory_space<vmem>> -> memref<1x32xi32, #tpu.memory_space<vmem>>
        %dma_start3A_209 = tpu.memref_squeeze %dma_start3A_208 : memref<1x32xi32, #tpu.memory_space<vmem>> -> memref<32xi32, #tpu.memory_space<vmem>>
        %dma_start3A_210 = arith.constant 0 : i32
        %dma_start3A_211 = arith.constant 0 : i32
        %dma_start3A_212 = tpu.memref_slice %arg2[%dma_start3A_210, %dma_start3A_211] : memref<10112x128xf32, #tpu.memory_space<hbm>> -> memref<10112x128xf32, #tpu.memory_space<hbm>>
        tpu.enqueue_indirect_dma source(%dma_start3A_212 : memref<10112x128xf32, #tpu.memory_space<hbm>>) target(%dma_start3A_206 : memref<32x128xf32, #tpu.memory_space<vmem>>) offsets(%dma_start3A_209 : memref<32xi32, #tpu.memory_space<vmem>>) semaphore(%arg18 : memref<!tpu.dma_semaphore, #tpu.memory_space<semaphore_mem>>)
      } else {
      }
      %lt3A_101 = arith.cmpi slt, %add3A_91, %select_n3A_8 : i32
      %convert_element_type3A_102 = arith.extui %lt3A_101 : i1 to i32
      %cond3A_103 = arith.constant 0 : i32
      %cond3A_104 = arith.cmpi ne, %convert_element_type3A_102, %cond3A_103 : i32
      scf.if %cond3A_104 {
        %dma_wait3A_165 = arith.constant 0 : i32
        %dma_wait3A_166 = arith.constant 0 : i32
        %dma_wait3A_167 = tpu.memref_slice %arg2[%dma_wait3A_165, %dma_wait3A_166] : memref<10112x128xf32, #tpu.memory_space<hbm>> -> memref<128x128xf32, #tpu.memory_space<hbm>>
        %dma_wait3A_168 = arith.constant 0 : i32
        %dma_wait3A_169 = arith.constant 0 : i32
        %dma_wait3A_170 = tpu.memref_slice %arg2[%dma_wait3A_168, %dma_wait3A_169] : memref<10112x128xf32, #tpu.memory_space<hbm>> -> memref<128x128xf32, #tpu.memory_space<hbm>>
        tpu.wait_dma2 semaphore(%arg17 : memref<!tpu.dma_semaphore, #tpu.memory_space<semaphore_mem>>) src(%dma_wait3A_170 : memref<128x128xf32, #tpu.memory_space<hbm>>) dst(%arg11 : memref<128x128xf32, #tpu.memory_space<vmem>>)
        %run_scoped3A = arith.constant 1 : i32
        "tpu.region"() ({
          %run_scoped3A_171 = tpu.sem_alloc : memref<!tpu.dma_semaphore, #tpu.memory_space<semaphore_mem>>
          %dma_start3A_172 = arith.constant 0 : i32
          %dma_start3A_173 = tpu.memref_slice %arg7[%run_scoped3A, %dma_start3A_172] : memref<2x128xi32, #tpu.memory_space<vmem>> -> memref<1x128xi32, #tpu.memory_space<vmem>>
          %dma_start3A_174 = tpu.memref_squeeze %dma_start3A_173 : memref<1x128xi32, #tpu.memory_space<vmem>> -> memref<128xi32, #tpu.memory_space<vmem>>
          %dma_start3A_175 = arith.constant 0 : i32
          %dma_start3A_176 = arith.constant 0 : i32
          %dma_start3A_177 = tpu.memref_slice %arg6[%dma_start3A_175, %dma_start3A_176] : memref<10112x128xf32, #tpu.memory_space<vmem_shared>> -> memref<10112x128xf32, #tpu.memory_space<vmem_shared>>
          tpu.enqueue_indirect_dma source(%arg11 : memref<128x128xf32, #tpu.memory_space<vmem>>) target(%dma_start3A_177 : memref<10112x128xf32, #tpu.memory_space<vmem_shared>>) offsets(%dma_start3A_174 : memref<128xi32, #tpu.memory_space<vmem>>) semaphore(%run_scoped3A_171 : memref<!tpu.dma_semaphore, #tpu.memory_space<semaphore_mem>>) {add = true}
          %dma_wait3A_178 = arith.constant 0 : i32
          %dma_wait3A_179 = tpu.memref_slice %arg7[%run_scoped3A, %dma_wait3A_178] : memref<2x128xi32, #tpu.memory_space<vmem>> -> memref<1x128xi32, #tpu.memory_space<vmem>>
          %dma_wait3A_180 = tpu.memref_squeeze %dma_wait3A_179 : memref<1x128xi32, #tpu.memory_space<vmem>> -> memref<128xi32, #tpu.memory_space<vmem>>
          %dma_wait3A_181 = arith.constant 0 : i32
          %dma_wait3A_182 = arith.constant 0 : i32
          %dma_wait3A_183 = tpu.memref_slice %arg6[%dma_wait3A_181, %dma_wait3A_182] : memref<10112x128xf32, #tpu.memory_space<vmem_shared>> -> memref<10112x128xf32, #tpu.memory_space<vmem_shared>>
          tpu.wait_indirect_dma semaphore(%run_scoped3A_171 : memref<!tpu.dma_semaphore, #tpu.memory_space<semaphore_mem>>) src(%arg11 : memref<128x128xf32, #tpu.memory_space<vmem>>) dst(%dma_wait3A_183 : memref<10112x128xf32, #tpu.memory_space<vmem_shared>>)
          tpu.yield
        }) : () -> ()
      } else {
      }
      %mul3A_105 = arith.constant 4 : i32
      %mul3A_106 = arith.muli %scan3A_87, %mul3A_105 : i32
      %add3A_107 = arith.constant 1 : i32
      %add3A_108 = arith.addi %mul3A_106, %add3A_107 : i32
      %add3A_109 = arith.constant 2 : i32
      %add3A_110 = arith.addi %add3A_108, %add3A_109 : i32
      %lt3A_111 = arith.cmpi slt, %add3A_110, %select_n3A_8 : i32
      %convert_element_type3A_112 = arith.extui %lt3A_111 : i1 to i32
      %cond3A_113 = arith.constant 0 : i32
      %cond3A_114 = arith.cmpi ne, %convert_element_type3A_112, %cond3A_113 : i32
      scf.if %cond3A_114 {
        %add3A_165 = arith.addi %select_n3A, %add3A_108 : i32
        %add3A_166 = arith.constant 2 : i32
        %add3A_167 = arith.addi %add3A_165, %add3A_166 : i32
        %dma_start3A_168 = arith.constant 0 : i32
        %dma_start3A_169 = arith.constant 0 : i32
        %dma_start3A_170 = tpu.memref_slice %arg3[%add3A_167, %dma_start3A_168, %dma_start3A_169] : memref<2640x2x128xi32, #tpu.memory_space<hbm>> -> memref<1x2x128xi32, #tpu.memory_space<hbm>>
        %dma_start3A_171 = tpu.memref_squeeze %dma_start3A_170 : memref<1x2x128xi32, #tpu.memory_space<hbm>> -> memref<2x128xi32, #tpu.memory_space<hbm>>
        %dma_start3A_172 = arith.constant 0 : i32
        %dma_start3A_173 = arith.constant 0 : i32
        %dma_start3A_174 = tpu.memref_slice %arg3[%add3A_167, %dma_start3A_172, %dma_start3A_173] : memref<2640x2x128xi32, #tpu.memory_space<hbm>> -> memref<1x2x128xi32, #tpu.memory_space<hbm>>
        %dma_start3A_175 = tpu.memref_squeeze %dma_start3A_174 : memref<1x2x128xi32, #tpu.memory_space<hbm>> -> memref<2x128xi32, #tpu.memory_space<hbm>>
        tpu.enqueue_dma source(%dma_start3A_175 : memref<2x128xi32, #tpu.memory_space<hbm>>) target(%arg10 : memref<2x128xi32, #tpu.memory_space<vmem>>) target_semaphore(%arg16 : memref<!tpu.dma_semaphore, #tpu.memory_space<semaphore_mem>>)
      } else {
      }
      %add3A_115 = arith.constant 1 : i32
      %add3A_116 = arith.addi %add3A_108, %add3A_115 : i32
      %lt3A_117 = arith.cmpi slt, %add3A_116, %select_n3A_8 : i32
      %convert_element_type3A_118 = arith.extui %lt3A_117 : i1 to i32
      %cond3A_119 = arith.constant 0 : i32
      %cond3A_120 = arith.cmpi ne, %convert_element_type3A_118, %cond3A_119 : i32
      scf.if %cond3A_120 {
        %dma_wait3A_165 = arith.constant 0 : i32
        %dma_wait3A_166 = arith.constant 0 : i32
        %dma_wait3A_167 = tpu.memref_slice %arg3[%select_n3A, %dma_wait3A_165, %dma_wait3A_166] : memref<2640x2x128xi32, #tpu.memory_space<hbm>> -> memref<1x2x128xi32, #tpu.memory_space<hbm>>
        %dma_wait3A_168 = tpu.memref_squeeze %dma_wait3A_167 : memref<1x2x128xi32, #tpu.memory_space<hbm>> -> memref<2x128xi32, #tpu.memory_space<hbm>>
        %dma_wait3A_169 = arith.constant 0 : i32
        %dma_wait3A_170 = arith.constant 0 : i32
        %dma_wait3A_171 = tpu.memref_slice %arg3[%select_n3A, %dma_wait3A_169, %dma_wait3A_170] : memref<2640x2x128xi32, #tpu.memory_space<hbm>> -> memref<1x2x128xi32, #tpu.memory_space<hbm>>
        %dma_wait3A_172 = tpu.memref_squeeze %dma_wait3A_171 : memref<1x2x128xi32, #tpu.memory_space<hbm>> -> memref<2x128xi32, #tpu.memory_space<hbm>>
        tpu.wait_dma2 semaphore(%arg15 : memref<!tpu.dma_semaphore, #tpu.memory_space<semaphore_mem>>) src(%dma_wait3A_172 : memref<2x128xi32, #tpu.memory_space<hbm>>) dst(%arg9 : memref<2x128xi32, #tpu.memory_space<vmem>>)
        %dma_start3A_173 = arith.constant 0 : i32
        %dma_start3A_174 = arith.constant 0 : i32
        %dma_start3A_175 = arith.constant 0 : i32
        %dma_start3A_176 = tpu.memref_slice %arg11[%dma_start3A_174, %dma_start3A_175] : memref<128x128xf32, #tpu.memory_space<vmem>> -> memref<32x128xf32, #tpu.memory_space<vmem>>
        %dma_start3A_177 = arith.constant 0 : i32
        %dma_start3A_178 = tpu.memref_slice %arg9[%dma_start3A_173, %dma_start3A_177] : memref<2x128xi32, #tpu.memory_space<vmem>> -> memref<1x32xi32, #tpu.memory_space<vmem>>
        %dma_start3A_179 = tpu.memref_squeeze %dma_start3A_178 : memref<1x32xi32, #tpu.memory_space<vmem>> -> memref<32xi32, #tpu.memory_space<vmem>>
        %dma_start3A_180 = arith.constant 0 : i32
        %dma_start3A_181 = arith.constant 0 : i32
        %dma_start3A_182 = tpu.memref_slice %arg2[%dma_start3A_180, %dma_start3A_181] : memref<10112x128xf32, #tpu.memory_space<hbm>> -> memref<10112x128xf32, #tpu.memory_space<hbm>>
        tpu.enqueue_indirect_dma source(%dma_start3A_182 : memref<10112x128xf32, #tpu.memory_space<hbm>>) target(%dma_start3A_176 : memref<32x128xf32, #tpu.memory_space<vmem>>) offsets(%dma_start3A_179 : memref<32xi32, #tpu.memory_space<vmem>>) semaphore(%arg17 : memref<!tpu.dma_semaphore, #tpu.memory_space<semaphore_mem>>)
        %dma_start3A_183 = arith.constant 0 : i32
        %dma_start3A_184 = arith.constant 32 : i32
        %dma_start3A_185 = arith.constant 0 : i32
        %dma_start3A_186 = tpu.memref_slice %arg11[%dma_start3A_184, %dma_start3A_185] : memref<128x128xf32, #tpu.memory_space<vmem>> -> memref<32x128xf32, #tpu.memory_space<vmem>>
        %dma_start3A_187 = arith.constant 32 : i32
        %dma_start3A_188 = tpu.memref_slice %arg9[%dma_start3A_183, %dma_start3A_187] : memref<2x128xi32, #tpu.memory_space<vmem>> -> memref<1x32xi32, #tpu.memory_space<vmem>>
        %dma_start3A_189 = tpu.memref_squeeze %dma_start3A_188 : memref<1x32xi32, #tpu.memory_space<vmem>> -> memref<32xi32, #tpu.memory_space<vmem>>
        %dma_start3A_190 = arith.constant 0 : i32
        %dma_start3A_191 = arith.constant 0 : i32
        %dma_start3A_192 = tpu.memref_slice %arg2[%dma_start3A_190, %dma_start3A_191] : memref<10112x128xf32, #tpu.memory_space<hbm>> -> memref<10112x128xf32, #tpu.memory_space<hbm>>
        tpu.enqueue_indirect_dma source(%dma_start3A_192 : memref<10112x128xf32, #tpu.memory_space<hbm>>) target(%dma_start3A_186 : memref<32x128xf32, #tpu.memory_space<vmem>>) offsets(%dma_start3A_189 : memref<32xi32, #tpu.memory_space<vmem>>) semaphore(%arg17 : memref<!tpu.dma_semaphore, #tpu.memory_space<semaphore_mem>>)
        %dma_start3A_193 = arith.constant 0 : i32
        %dma_start3A_194 = arith.constant 64 : i32
        %dma_start3A_195 = arith.constant 0 : i32
        %dma_start3A_196 = tpu.memref_slice %arg11[%dma_start3A_194, %dma_start3A_195] : memref<128x128xf32, #tpu.memory_space<vmem>> -> memref<32x128xf32, #tpu.memory_space<vmem>>
        %dma_start3A_197 = arith.constant 64 : i32
        %dma_start3A_198 = tpu.memref_slice %arg9[%dma_start3A_193, %dma_start3A_197] : memref<2x128xi32, #tpu.memory_space<vmem>> -> memref<1x32xi32, #tpu.memory_space<vmem>>
        %dma_start3A_199 = tpu.memref_squeeze %dma_start3A_198 : memref<1x32xi32, #tpu.memory_space<vmem>> -> memref<32xi32, #tpu.memory_space<vmem>>
        %dma_start3A_200 = arith.constant 0 : i32
        %dma_start3A_201 = arith.constant 0 : i32
        %dma_start3A_202 = tpu.memref_slice %arg2[%dma_start3A_200, %dma_start3A_201] : memref<10112x128xf32, #tpu.memory_space<hbm>> -> memref<10112x128xf32, #tpu.memory_space<hbm>>
        tpu.enqueue_indirect_dma source(%dma_start3A_202 : memref<10112x128xf32, #tpu.memory_space<hbm>>) target(%dma_start3A_196 : memref<32x128xf32, #tpu.memory_space<vmem>>) offsets(%dma_start3A_199 : memref<32xi32, #tpu.memory_space<vmem>>) semaphore(%arg17 : memref<!tpu.dma_semaphore, #tpu.memory_space<semaphore_mem>>)
        %dma_start3A_203 = arith.constant 0 : i32
        %dma_start3A_204 = arith.constant 96 : i32
        %dma_start3A_205 = arith.constant 0 : i32
        %dma_start3A_206 = tpu.memref_slice %arg11[%dma_start3A_204, %dma_start3A_205] : memref<128x128xf32, #tpu.memory_space<vmem>> -> memref<32x128xf32, #tpu.memory_space<vmem>>
        %dma_start3A_207 = arith.constant 96 : i32
        %dma_start3A_208 = tpu.memref_slice %arg9[%dma_start3A_203, %dma_start3A_207] : memref<2x128xi32, #tpu.memory_space<vmem>> -> memref<1x32xi32, #tpu.memory_space<vmem>>
        %dma_start3A_209 = tpu.memref_squeeze %dma_start3A_208 : memref<1x32xi32, #tpu.memory_space<vmem>> -> memref<32xi32, #tpu.memory_space<vmem>>
        %dma_start3A_210 = arith.constant 0 : i32
        %dma_start3A_211 = arith.constant 0 : i32
        %dma_start3A_212 = tpu.memref_slice %arg2[%dma_start3A_210, %dma_start3A_211] : memref<10112x128xf32, #tpu.memory_space<hbm>> -> memref<10112x128xf32, #tpu.memory_space<hbm>>
        tpu.enqueue_indirect_dma source(%dma_start3A_212 : memref<10112x128xf32, #tpu.memory_space<hbm>>) target(%dma_start3A_206 : memref<32x128xf32, #tpu.memory_space<vmem>>) offsets(%dma_start3A_209 : memref<32xi32, #tpu.memory_space<vmem>>) semaphore(%arg17 : memref<!tpu.dma_semaphore, #tpu.memory_space<semaphore_mem>>)
      } else {
      }
      %lt3A_121 = arith.cmpi slt, %add3A_108, %select_n3A_8 : i32
      %convert_element_type3A_122 = arith.extui %lt3A_121 : i1 to i32
      %cond3A_123 = arith.constant 0 : i32
      %cond3A_124 = arith.cmpi ne, %convert_element_type3A_122, %cond3A_123 : i32
      scf.if %cond3A_124 {
        %dma_wait3A_165 = arith.constant 0 : i32
        %dma_wait3A_166 = arith.constant 0 : i32
        %dma_wait3A_167 = tpu.memref_slice %arg2[%dma_wait3A_165, %dma_wait3A_166] : memref<10112x128xf32, #tpu.memory_space<hbm>> -> memref<128x128xf32, #tpu.memory_space<hbm>>
        %dma_wait3A_168 = arith.constant 0 : i32
        %dma_wait3A_169 = arith.constant 0 : i32
        %dma_wait3A_170 = tpu.memref_slice %arg2[%dma_wait3A_168, %dma_wait3A_169] : memref<10112x128xf32, #tpu.memory_space<hbm>> -> memref<128x128xf32, #tpu.memory_space<hbm>>
        tpu.wait_dma2 semaphore(%arg18 : memref<!tpu.dma_semaphore, #tpu.memory_space<semaphore_mem>>) src(%dma_wait3A_170 : memref<128x128xf32, #tpu.memory_space<hbm>>) dst(%arg12 : memref<128x128xf32, #tpu.memory_space<vmem>>)
        %run_scoped3A = arith.constant 1 : i32
        "tpu.region"() ({
          %run_scoped3A_171 = tpu.sem_alloc : memref<!tpu.dma_semaphore, #tpu.memory_space<semaphore_mem>>
          %dma_start3A_172 = arith.constant 0 : i32
          %dma_start3A_173 = tpu.memref_slice %arg8[%run_scoped3A, %dma_start3A_172] : memref<2x128xi32, #tpu.memory_space<vmem>> -> memref<1x128xi32, #tpu.memory_space<vmem>>
          %dma_start3A_174 = tpu.memref_squeeze %dma_start3A_173 : memref<1x128xi32, #tpu.memory_space<vmem>> -> memref<128xi32, #tpu.memory_space<vmem>>
          %dma_start3A_175 = arith.constant 0 : i32
          %dma_start3A_176 = arith.constant 0 : i32
          %dma_start3A_177 = tpu.memref_slice %arg6[%dma_start3A_175, %dma_start3A_176] : memref<10112x128xf32, #tpu.memory_space<vmem_shared>> -> memref<10112x128xf32, #tpu.memory_space<vmem_shared>>
          tpu.enqueue_indirect_dma source(%arg12 : memref<128x128xf32, #tpu.memory_space<vmem>>) target(%dma_start3A_177 : memref<10112x128xf32, #tpu.memory_space<vmem_shared>>) offsets(%dma_start3A_174 : memref<128xi32, #tpu.memory_space<vmem>>) semaphore(%run_scoped3A_171 : memref<!tpu.dma_semaphore, #tpu.memory_space<semaphore_mem>>) {add = true}
          %dma_wait3A_178 = arith.constant 0 : i32
          %dma_wait3A_179 = tpu.memref_slice %arg8[%run_scoped3A, %dma_wait3A_178] : memref<2x128xi32, #tpu.memory_space<vmem>> -> memref<1x128xi32, #tpu.memory_space<vmem>>
          %dma_wait3A_180 = tpu.memref_squeeze %dma_wait3A_179 : memref<1x128xi32, #tpu.memory_space<vmem>> -> memref<128xi32, #tpu.memory_space<vmem>>
          %dma_wait3A_181 = arith.constant 0 : i32
          %dma_wait3A_182 = arith.constant 0 : i32
          %dma_wait3A_183 = tpu.memref_slice %arg6[%dma_wait3A_181, %dma_wait3A_182] : memref<10112x128xf32, #tpu.memory_space<vmem_shared>> -> memref<10112x128xf32, #tpu.memory_space<vmem_shared>>
          tpu.wait_indirect_dma semaphore(%run_scoped3A_171 : memref<!tpu.dma_semaphore, #tpu.memory_space<semaphore_mem>>) src(%arg12 : memref<128x128xf32, #tpu.memory_space<vmem>>) dst(%dma_wait3A_183 : memref<10112x128xf32, #tpu.memory_space<vmem_shared>>)
          tpu.yield
        }) : () -> ()
      } else {
      }
      %mul3A_125 = arith.constant 4 : i32
      %mul3A_126 = arith.muli %scan3A_87, %mul3A_125 : i32
      %add3A_127 = arith.constant 2 : i32
      %add3A_128 = arith.addi %mul3A_126, %add3A_127 : i32
      %add3A_129 = arith.constant 2 : i32
      %add3A_130 = arith.addi %add3A_128, %add3A_129 : i32
      %lt3A_131 = arith.cmpi slt, %add3A_130, %select_n3A_8 : i32
      %convert_element_type3A_132 = arith.extui %lt3A_131 : i1 to i32
      %cond3A_133 = arith.constant 0 : i32
      %cond3A_134 = arith.cmpi ne, %convert_element_type3A_132, %cond3A_133 : i32
      scf.if %cond3A_134 {
        %add3A_165 = arith.addi %select_n3A, %add3A_128 : i32
        %add3A_166 = arith.constant 2 : i32
        %add3A_167 = arith.addi %add3A_165, %add3A_166 : i32
        %dma_start3A_168 = arith.constant 0 : i32
        %dma_start3A_169 = arith.constant 0 : i32
        %dma_start3A_170 = tpu.memref_slice %arg3[%add3A_167, %dma_start3A_168, %dma_start3A_169] : memref<2640x2x128xi32, #tpu.memory_space<hbm>> -> memref<1x2x128xi32, #tpu.memory_space<hbm>>
        %dma_start3A_171 = tpu.memref_squeeze %dma_start3A_170 : memref<1x2x128xi32, #tpu.memory_space<hbm>> -> memref<2x128xi32, #tpu.memory_space<hbm>>
        %dma_start3A_172 = arith.constant 0 : i32
        %dma_start3A_173 = arith.constant 0 : i32
        %dma_start3A_174 = tpu.memref_slice %arg3[%add3A_167, %dma_start3A_172, %dma_start3A_173] : memref<2640x2x128xi32, #tpu.memory_space<hbm>> -> memref<1x2x128xi32, #tpu.memory_space<hbm>>
        %dma_start3A_175 = tpu.memref_squeeze %dma_start3A_174 : memref<1x2x128xi32, #tpu.memory_space<hbm>> -> memref<2x128xi32, #tpu.memory_space<hbm>>
        tpu.enqueue_dma source(%dma_start3A_175 : memref<2x128xi32, #tpu.memory_space<hbm>>) target(%arg7 : memref<2x128xi32, #tpu.memory_space<vmem>>) target_semaphore(%arg13 : memref<!tpu.dma_semaphore, #tpu.memory_space<semaphore_mem>>)
      } else {
      }
      %add3A_135 = arith.constant 1 : i32
      %add3A_136 = arith.addi %add3A_128, %add3A_135 : i32
      %lt3A_137 = arith.cmpi slt, %add3A_136, %select_n3A_8 : i32
      %convert_element_type3A_138 = arith.extui %lt3A_137 : i1 to i32
      %cond3A_139 = arith.constant 0 : i32
      %cond3A_140 = arith.cmpi ne, %convert_element_type3A_138, %cond3A_139 : i32
      scf.if %cond3A_140 {
        %dma_wait3A_165 = arith.constant 0 : i32
        %dma_wait3A_166 = arith.constant 0 : i32
        %dma_wait3A_167 = tpu.memref_slice %arg3[%select_n3A, %dma_wait3A_165, %dma_wait3A_166] : memref<2640x2x128xi32, #tpu.memory_space<hbm>> -> memref<1x2x128xi32, #tpu.memory_space<hbm>>
        %dma_wait3A_168 = tpu.memref_squeeze %dma_wait3A_167 : memref<1x2x128xi32, #tpu.memory_space<hbm>> -> memref<2x128xi32, #tpu.memory_space<hbm>>
        %dma_wait3A_169 = arith.constant 0 : i32
        %dma_wait3A_170 = arith.constant 0 : i32
        %dma_wait3A_171 = tpu.memref_slice %arg3[%select_n3A, %dma_wait3A_169, %dma_wait3A_170] : memref<2640x2x128xi32, #tpu.memory_space<hbm>> -> memref<1x2x128xi32, #tpu.memory_space<hbm>>
        %dma_wait3A_172 = tpu.memref_squeeze %dma_wait3A_171 : memref<1x2x128xi32, #tpu.memory_space<hbm>> -> memref<2x128xi32, #tpu.memory_space<hbm>>
        tpu.wait_dma2 semaphore(%arg16 : memref<!tpu.dma_semaphore, #tpu.memory_space<semaphore_mem>>) src(%dma_wait3A_172 : memref<2x128xi32, #tpu.memory_space<hbm>>) dst(%arg10 : memref<2x128xi32, #tpu.memory_space<vmem>>)
        %dma_start3A_173 = arith.constant 0 : i32
        %dma_start3A_174 = arith.constant 0 : i32
        %dma_start3A_175 = arith.constant 0 : i32
        %dma_start3A_176 = tpu.memref_slice %arg12[%dma_start3A_174, %dma_start3A_175] : memref<128x128xf32, #tpu.memory_space<vmem>> -> memref<32x128xf32, #tpu.memory_space<vmem>>
        %dma_start3A_177 = arith.constant 0 : i32
        %dma_start3A_178 = tpu.memref_slice %arg10[%dma_start3A_173, %dma_start3A_177] : memref<2x128xi32, #tpu.memory_space<vmem>> -> memref<1x32xi32, #tpu.memory_space<vmem>>
        %dma_start3A_179 = tpu.memref_squeeze %dma_start3A_178 : memref<1x32xi32, #tpu.memory_space<vmem>> -> memref<32xi32, #tpu.memory_space<vmem>>
        %dma_start3A_180 = arith.constant 0 : i32
        %dma_start3A_181 = arith.constant 0 : i32
        %dma_start3A_182 = tpu.memref_slice %arg2[%dma_start3A_180, %dma_start3A_181] : memref<10112x128xf32, #tpu.memory_space<hbm>> -> memref<10112x128xf32, #tpu.memory_space<hbm>>
        tpu.enqueue_indirect_dma source(%dma_start3A_182 : memref<10112x128xf32, #tpu.memory_space<hbm>>) target(%dma_start3A_176 : memref<32x128xf32, #tpu.memory_space<vmem>>) offsets(%dma_start3A_179 : memref<32xi32, #tpu.memory_space<vmem>>) semaphore(%arg18 : memref<!tpu.dma_semaphore, #tpu.memory_space<semaphore_mem>>)
        %dma_start3A_183 = arith.constant 0 : i32
        %dma_start3A_184 = arith.constant 32 : i32
        %dma_start3A_185 = arith.constant 0 : i32
        %dma_start3A_186 = tpu.memref_slice %arg12[%dma_start3A_184, %dma_start3A_185] : memref<128x128xf32, #tpu.memory_space<vmem>> -> memref<32x128xf32, #tpu.memory_space<vmem>>
        %dma_start3A_187 = arith.constant 32 : i32
        %dma_start3A_188 = tpu.memref_slice %arg10[%dma_start3A_183, %dma_start3A_187] : memref<2x128xi32, #tpu.memory_space<vmem>> -> memref<1x32xi32, #tpu.memory_space<vmem>>
        %dma_start3A_189 = tpu.memref_squeeze %dma_start3A_188 : memref<1x32xi32, #tpu.memory_space<vmem>> -> memref<32xi32, #tpu.memory_space<vmem>>
        %dma_start3A_190 = arith.constant 0 : i32
        %dma_start3A_191 = arith.constant 0 : i32
        %dma_start3A_192 = tpu.memref_slice %arg2[%dma_start3A_190, %dma_start3A_191] : memref<10112x128xf32, #tpu.memory_space<hbm>> -> memref<10112x128xf32, #tpu.memory_space<hbm>>
        tpu.enqueue_indirect_dma source(%dma_start3A_192 : memref<10112x128xf32, #tpu.memory_space<hbm>>) target(%dma_start3A_186 : memref<32x128xf32, #tpu.memory_space<vmem>>) offsets(%dma_start3A_189 : memref<32xi32, #tpu.memory_space<vmem>>) semaphore(%arg18 : memref<!tpu.dma_semaphore, #tpu.memory_space<semaphore_mem>>)
        %dma_start3A_193 = arith.constant 0 : i32
        %dma_start3A_194 = arith.constant 64 : i32
        %dma_start3A_195 = arith.constant 0 : i32
        %dma_start3A_196 = tpu.memref_slice %arg12[%dma_start3A_194, %dma_start3A_195] : memref<128x128xf32, #tpu.memory_space<vmem>> -> memref<32x128xf32, #tpu.memory_space<vmem>>
        %dma_start3A_197 = arith.constant 64 : i32
        %dma_start3A_198 = tpu.memref_slice %arg10[%dma_start3A_193, %dma_start3A_197] : memref<2x128xi32, #tpu.memory_space<vmem>> -> memref<1x32xi32, #tpu.memory_space<vmem>>
        %dma_start3A_199 = tpu.memref_squeeze %dma_start3A_198 : memref<1x32xi32, #tpu.memory_space<vmem>> -> memref<32xi32, #tpu.memory_space<vmem>>
        %dma_start3A_200 = arith.constant 0 : i32
        %dma_start3A_201 = arith.constant 0 : i32
        %dma_start3A_202 = tpu.memref_slice %arg2[%dma_start3A_200, %dma_start3A_201] : memref<10112x128xf32, #tpu.memory_space<hbm>> -> memref<10112x128xf32, #tpu.memory_space<hbm>>
        tpu.enqueue_indirect_dma source(%dma_start3A_202 : memref<10112x128xf32, #tpu.memory_space<hbm>>) target(%dma_start3A_196 : memref<32x128xf32, #tpu.memory_space<vmem>>) offsets(%dma_start3A_199 : memref<32xi32, #tpu.memory_space<vmem>>) semaphore(%arg18 : memref<!tpu.dma_semaphore, #tpu.memory_space<semaphore_mem>>)
        %dma_start3A_203 = arith.constant 0 : i32
        %dma_start3A_204 = arith.constant 96 : i32
        %dma_start3A_205 = arith.constant 0 : i32
        %dma_start3A_206 = tpu.memref_slice %arg12[%dma_start3A_204, %dma_start3A_205] : memref<128x128xf32, #tpu.memory_space<vmem>> -> memref<32x128xf32, #tpu.memory_space<vmem>>
        %dma_start3A_207 = arith.constant 96 : i32
        %dma_start3A_208 = tpu.memref_slice %arg10[%dma_start3A_203, %dma_start3A_207] : memref<2x128xi32, #tpu.memory_space<vmem>> -> memref<1x32xi32, #tpu.memory_space<vmem>>
        %dma_start3A_209 = tpu.memref_squeeze %dma_start3A_208 : memref<1x32xi32, #tpu.memory_space<vmem>> -> memref<32xi32, #tpu.memory_space<vmem>>
        %dma_start3A_210 = arith.constant 0 : i32
        %dma_start3A_211 = arith.constant 0 : i32
        %dma_start3A_212 = tpu.memref_slice %arg2[%dma_start3A_210, %dma_start3A_211] : memref<10112x128xf32, #tpu.memory_space<hbm>> -> memref<10112x128xf32, #tpu.memory_space<hbm>>
        tpu.enqueue_indirect_dma source(%dma_start3A_212 : memref<10112x128xf32, #tpu.memory_space<hbm>>) target(%dma_start3A_206 : memref<32x128xf32, #tpu.memory_space<vmem>>) offsets(%dma_start3A_209 : memref<32xi32, #tpu.memory_space<vmem>>) semaphore(%arg18 : memref<!tpu.dma_semaphore, #tpu.memory_space<semaphore_mem>>)
      } else {
      }
      %lt3A_141 = arith.cmpi slt, %add3A_128, %select_n3A_8 : i32
      %convert_element_type3A_142 = arith.extui %lt3A_141 : i1 to i32
      %cond3A_143 = arith.constant 0 : i32
      %cond3A_144 = arith.cmpi ne, %convert_element_type3A_142, %cond3A_143 : i32
      scf.if %cond3A_144 {
        %dma_wait3A_165 = arith.constant 0 : i32
        %dma_wait3A_166 = arith.constant 0 : i32
        %dma_wait3A_167 = tpu.memref_slice %arg2[%dma_wait3A_165, %dma_wait3A_166] : memref<10112x128xf32, #tpu.memory_space<hbm>> -> memref<128x128xf32, #tpu.memory_space<hbm>>
        %dma_wait3A_168 = arith.constant 0 : i32
        %dma_wait3A_169 = arith.constant 0 : i32
        %dma_wait3A_170 = tpu.memref_slice %arg2[%dma_wait3A_168, %dma_wait3A_169] : memref<10112x128xf32, #tpu.memory_space<hbm>> -> memref<128x128xf32, #tpu.memory_space<hbm>>
        tpu.wait_dma2 semaphore(%arg17 : memref<!tpu.dma_semaphore, #tpu.memory_space<semaphore_mem>>) src(%dma_wait3A_170 : memref<128x128xf32, #tpu.memory_space<hbm>>) dst(%arg11 : memref<128x128xf32, #tpu.memory_space<vmem>>)
        %run_scoped3A = arith.constant 1 : i32
        "tpu.region"() ({
          %run_scoped3A_171 = tpu.sem_alloc : memref<!tpu.dma_semaphore, #tpu.memory_space<semaphore_mem>>
          %dma_start3A_172 = arith.constant 0 : i32
          %dma_start3A_173 = tpu.memref_slice %arg9[%run_scoped3A, %dma_start3A_172] : memref<2x128xi32, #tpu.memory_space<vmem>> -> memref<1x128xi32, #tpu.memory_space<vmem>>
          %dma_start3A_174 = tpu.memref_squeeze %dma_start3A_173 : memref<1x128xi32, #tpu.memory_space<vmem>> -> memref<128xi32, #tpu.memory_space<vmem>>
          %dma_start3A_175 = arith.constant 0 : i32
          %dma_start3A_176 = arith.constant 0 : i32
          %dma_start3A_177 = tpu.memref_slice %arg6[%dma_start3A_175, %dma_start3A_176] : memref<10112x128xf32, #tpu.memory_space<vmem_shared>> -> memref<10112x128xf32, #tpu.memory_space<vmem_shared>>
          tpu.enqueue_indirect_dma source(%arg11 : memref<128x128xf32, #tpu.memory_space<vmem>>) target(%dma_start3A_177 : memref<10112x128xf32, #tpu.memory_space<vmem_shared>>) offsets(%dma_start3A_174 : memref<128xi32, #tpu.memory_space<vmem>>) semaphore(%run_scoped3A_171 : memref<!tpu.dma_semaphore, #tpu.memory_space<semaphore_mem>>) {add = true}
          %dma_wait3A_178 = arith.constant 0 : i32
          %dma_wait3A_179 = tpu.memref_slice %arg9[%run_scoped3A, %dma_wait3A_178] : memref<2x128xi32, #tpu.memory_space<vmem>> -> memref<1x128xi32, #tpu.memory_space<vmem>>
          %dma_wait3A_180 = tpu.memref_squeeze %dma_wait3A_179 : memref<1x128xi32, #tpu.memory_space<vmem>> -> memref<128xi32, #tpu.memory_space<vmem>>
          %dma_wait3A_181 = arith.constant 0 : i32
          %dma_wait3A_182 = arith.constant 0 : i32
          %dma_wait3A_183 = tpu.memref_slice %arg6[%dma_wait3A_181, %dma_wait3A_182] : memref<10112x128xf32, #tpu.memory_space<vmem_shared>> -> memref<10112x128xf32, #tpu.memory_space<vmem_shared>>
          tpu.wait_indirect_dma semaphore(%run_scoped3A_171 : memref<!tpu.dma_semaphore, #tpu.memory_space<semaphore_mem>>) src(%arg11 : memref<128x128xf32, #tpu.memory_space<vmem>>) dst(%dma_wait3A_183 : memref<10112x128xf32, #tpu.memory_space<vmem_shared>>)
          tpu.yield
        }) : () -> ()
      } else {
      }
      %mul3A_145 = arith.constant 4 : i32
      %mul3A_146 = arith.muli %scan3A_87, %mul3A_145 : i32
      %add3A_147 = arith.constant 3 : i32
      %add3A_148 = arith.addi %mul3A_146, %add3A_147 : i32
      %add3A_149 = arith.constant 2 : i32
      %add3A_150 = arith.addi %add3A_148, %add3A_149 : i32
      %lt3A_151 = arith.cmpi slt, %add3A_150, %select_n3A_8 : i32
      %convert_element_type3A_152 = arith.extui %lt3A_151 : i1 to i32
      %cond3A_153 = arith.constant 0 : i32
      %cond3A_154 = arith.cmpi ne, %convert_element_type3A_152, %cond3A_153 : i32
      scf.if %cond3A_154 {
        %add3A_165 = arith.addi %select_n3A, %add3A_148 : i32
        %add3A_166 = arith.constant 2 : i32
        %add3A_167 = arith.addi %add3A_165, %add3A_166 : i32
        %dma_start3A_168 = arith.constant 0 : i32
        %dma_start3A_169 = arith.constant 0 : i32
        %dma_start3A_170 = tpu.memref_slice %arg3[%add3A_167, %dma_start3A_168, %dma_start3A_169] : memref<2640x2x128xi32, #tpu.memory_space<hbm>> -> memref<1x2x128xi32, #tpu.memory_space<hbm>>
        %dma_start3A_171 = tpu.memref_squeeze %dma_start3A_170 : memref<1x2x128xi32, #tpu.memory_space<hbm>> -> memref<2x128xi32, #tpu.memory_space<hbm>>
        %dma_start3A_172 = arith.constant 0 : i32
        %dma_start3A_173 = arith.constant 0 : i32
        %dma_start3A_174 = tpu.memref_slice %arg3[%add3A_167, %dma_start3A_172, %dma_start3A_173] : memref<2640x2x128xi32, #tpu.memory_space<hbm>> -> memref<1x2x128xi32, #tpu.memory_space<hbm>>
        %dma_start3A_175 = tpu.memref_squeeze %dma_start3A_174 : memref<1x2x128xi32, #tpu.memory_space<hbm>> -> memref<2x128xi32, #tpu.memory_space<hbm>>
        tpu.enqueue_dma source(%dma_start3A_175 : memref<2x128xi32, #tpu.memory_space<hbm>>) target(%arg8 : memref<2x128xi32, #tpu.memory_space<vmem>>) target_semaphore(%arg14 : memref<!tpu.dma_semaphore, #tpu.memory_space<semaphore_mem>>)
      } else {
      }
      %add3A_155 = arith.constant 1 : i32
      %add3A_156 = arith.addi %add3A_148, %add3A_155 : i32
      %lt3A_157 = arith.cmpi slt, %add3A_156, %select_n3A_8 : i32
      %convert_element_type3A_158 = arith.extui %lt3A_157 : i1 to i32
      %cond3A_159 = arith.constant 0 : i32
      %cond3A_160 = arith.cmpi ne, %convert_element_type3A_158, %cond3A_159 : i32
      scf.if %cond3A_160 {
        %dma_wait3A_165 = arith.constant 0 : i32
        %dma_wait3A_166 = arith.constant 0 : i32
        %dma_wait3A_167 = tpu.memref_slice %arg3[%select_n3A, %dma_wait3A_165, %dma_wait3A_166] : memref<2640x2x128xi32, #tpu.memory_space<hbm>> -> memref<1x2x128xi32, #tpu.memory_space<hbm>>
        %dma_wait3A_168 = tpu.memref_squeeze %dma_wait3A_167 : memref<1x2x128xi32, #tpu.memory_space<hbm>> -> memref<2x128xi32, #tpu.memory_space<hbm>>
        %dma_wait3A_169 = arith.constant 0 : i32
        %dma_wait3A_170 = arith.constant 0 : i32
        %dma_wait3A_171 = tpu.memref_slice %arg3[%select_n3A, %dma_wait3A_169, %dma_wait3A_170] : memref<2640x2x128xi32, #tpu.memory_space<hbm>> -> memref<1x2x128xi32, #tpu.memory_space<hbm>>
        %dma_wait3A_172 = tpu.memref_squeeze %dma_wait3A_171 : memref<1x2x128xi32, #tpu.memory_space<hbm>> -> memref<2x128xi32, #tpu.memory_space<hbm>>
        tpu.wait_dma2 semaphore(%arg13 : memref<!tpu.dma_semaphore, #tpu.memory_space<semaphore_mem>>) src(%dma_wait3A_172 : memref<2x128xi32, #tpu.memory_space<hbm>>) dst(%arg7 : memref<2x128xi32, #tpu.memory_space<vmem>>)
        %dma_start3A_173 = arith.constant 0 : i32
        %dma_start3A_174 = arith.constant 0 : i32
        %dma_start3A_175 = arith.constant 0 : i32
        %dma_start3A_176 = tpu.memref_slice %arg11[%dma_start3A_174, %dma_start3A_175] : memref<128x128xf32, #tpu.memory_space<vmem>> -> memref<32x128xf32, #tpu.memory_space<vmem>>
        %dma_start3A_177 = arith.constant 0 : i32
        %dma_start3A_178 = tpu.memref_slice %arg7[%dma_start3A_173, %dma_start3A_177] : memref<2x128xi32, #tpu.memory_space<vmem>> -> memref<1x32xi32, #tpu.memory_space<vmem>>
        %dma_start3A_179 = tpu.memref_squeeze %dma_start3A_178 : memref<1x32xi32, #tpu.memory_space<vmem>> -> memref<32xi32, #tpu.memory_space<vmem>>
        %dma_start3A_180 = arith.constant 0 : i32
        %dma_start3A_181 = arith.constant 0 : i32
        %dma_start3A_182 = tpu.memref_slice %arg2[%dma_start3A_180, %dma_start3A_181] : memref<10112x128xf32, #tpu.memory_space<hbm>> -> memref<10112x128xf32, #tpu.memory_space<hbm>>
        tpu.enqueue_indirect_dma source(%dma_start3A_182 : memref<10112x128xf32, #tpu.memory_space<hbm>>) target(%dma_start3A_176 : memref<32x128xf32, #tpu.memory_space<vmem>>) offsets(%dma_start3A_179 : memref<32xi32, #tpu.memory_space<vmem>>) semaphore(%arg17 : memref<!tpu.dma_semaphore, #tpu.memory_space<semaphore_mem>>)
        %dma_start3A_183 = arith.constant 0 : i32
        %dma_start3A_184 = arith.constant 32 : i32
        %dma_start3A_185 = arith.constant 0 : i32
        %dma_start3A_186 = tpu.memref_slice %arg11[%dma_start3A_184, %dma_start3A_185] : memref<128x128xf32, #tpu.memory_space<vmem>> -> memref<32x128xf32, #tpu.memory_space<vmem>>
        %dma_start3A_187 = arith.constant 32 : i32
        %dma_start3A_188 = tpu.memref_slice %arg7[%dma_start3A_183, %dma_start3A_187] : memref<2x128xi32, #tpu.memory_space<vmem>> -> memref<1x32xi32, #tpu.memory_space<vmem>>
        %dma_start3A_189 = tpu.memref_squeeze %dma_start3A_188 : memref<1x32xi32, #tpu.memory_space<vmem>> -> memref<32xi32, #tpu.memory_space<vmem>>
        %dma_start3A_190 = arith.constant 0 : i32
        %dma_start3A_191 = arith.constant 0 : i32
        %dma_start3A_192 = tpu.memref_slice %arg2[%dma_start3A_190, %dma_start3A_191] : memref<10112x128xf32, #tpu.memory_space<hbm>> -> memref<10112x128xf32, #tpu.memory_space<hbm>>
        tpu.enqueue_indirect_dma source(%dma_start3A_192 : memref<10112x128xf32, #tpu.memory_space<hbm>>) target(%dma_start3A_186 : memref<32x128xf32, #tpu.memory_space<vmem>>) offsets(%dma_start3A_189 : memref<32xi32, #tpu.memory_space<vmem>>) semaphore(%arg17 : memref<!tpu.dma_semaphore, #tpu.memory_space<semaphore_mem>>)
        %dma_start3A_193 = arith.constant 0 : i32
        %dma_start3A_194 = arith.constant 64 : i32
        %dma_start3A_195 = arith.constant 0 : i32
        %dma_start3A_196 = tpu.memref_slice %arg11[%dma_start3A_194, %dma_start3A_195] : memref<128x128xf32, #tpu.memory_space<vmem>> -> memref<32x128xf32, #tpu.memory_space<vmem>>
        %dma_start3A_197 = arith.constant 64 : i32
        %dma_start3A_198 = tpu.memref_slice %arg7[%dma_start3A_193, %dma_start3A_197] : memref<2x128xi32, #tpu.memory_space<vmem>> -> memref<1x32xi32, #tpu.memory_space<vmem>>
        %dma_start3A_199 = tpu.memref_squeeze %dma_start3A_198 : memref<1x32xi32, #tpu.memory_space<vmem>> -> memref<32xi32, #tpu.memory_space<vmem>>
        %dma_start3A_200 = arith.constant 0 : i32
        %dma_start3A_201 = arith.constant 0 : i32
        %dma_start3A_202 = tpu.memref_slice %arg2[%dma_start3A_200, %dma_start3A_201] : memref<10112x128xf32, #tpu.memory_space<hbm>> -> memref<10112x128xf32, #tpu.memory_space<hbm>>
        tpu.enqueue_indirect_dma source(%dma_start3A_202 : memref<10112x128xf32, #tpu.memory_space<hbm>>) target(%dma_start3A_196 : memref<32x128xf32, #tpu.memory_space<vmem>>) offsets(%dma_start3A_199 : memref<32xi32, #tpu.memory_space<vmem>>) semaphore(%arg17 : memref<!tpu.dma_semaphore, #tpu.memory_space<semaphore_mem>>)
        %dma_start3A_203 = arith.constant 0 : i32
        %dma_start3A_204 = arith.constant 96 : i32
        %dma_start3A_205 = arith.constant 0 : i32
        %dma_start3A_206 = tpu.memref_slice %arg11[%dma_start3A_204, %dma_start3A_205] : memref<128x128xf32, #tpu.memory_space<vmem>> -> memref<32x128xf32, #tpu.memory_space<vmem>>
        %dma_start3A_207 = arith.constant 96 : i32
        %dma_start3A_208 = tpu.memref_slice %arg7[%dma_start3A_203, %dma_start3A_207] : memref<2x128xi32, #tpu.memory_space<vmem>> -> memref<1x32xi32, #tpu.memory_space<vmem>>
        %dma_start3A_209 = tpu.memref_squeeze %dma_start3A_208 : memref<1x32xi32, #tpu.memory_space<vmem>> -> memref<32xi32, #tpu.memory_space<vmem>>
        %dma_start3A_210 = arith.constant 0 : i32
        %dma_start3A_211 = arith.constant 0 : i32
        %dma_start3A_212 = tpu.memref_slice %arg2[%dma_start3A_210, %dma_start3A_211] : memref<10112x128xf32, #tpu.memory_space<hbm>> -> memref<10112x128xf32, #tpu.memory_space<hbm>>
        tpu.enqueue_indirect_dma source(%dma_start3A_212 : memref<10112x128xf32, #tpu.memory_space<hbm>>) target(%dma_start3A_206 : memref<32x128xf32, #tpu.memory_space<vmem>>) offsets(%dma_start3A_209 : memref<32xi32, #tpu.memory_space<vmem>>) semaphore(%arg17 : memref<!tpu.dma_semaphore, #tpu.memory_space<semaphore_mem>>)
      } else {
      }
      %lt3A_161 = arith.cmpi slt, %add3A_148, %select_n3A_8 : i32
      %convert_element_type3A_162 = arith.extui %lt3A_161 : i1 to i32
      %cond3A_163 = arith.constant 0 : i32
      %cond3A_164 = arith.cmpi ne, %convert_element_type3A_162, %cond3A_163 : i32
      scf.if %cond3A_164 {
        %dma_wait3A_165 = arith.constant 0 : i32
        %dma_wait3A_166 = arith.constant 0 : i32
        %dma_wait3A_167 = tpu.memref_slice %arg2[%dma_wait3A_165, %dma_wait3A_166] : memref<10112x128xf32, #tpu.memory_space<hbm>> -> memref<128x128xf32, #tpu.memory_space<hbm>>
        %dma_wait3A_168 = arith.constant 0 : i32
        %dma_wait3A_169 = arith.constant 0 : i32
        %dma_wait3A_170 = tpu.memref_slice %arg2[%dma_wait3A_168, %dma_wait3A_169] : memref<10112x128xf32, #tpu.memory_space<hbm>> -> memref<128x128xf32, #tpu.memory_space<hbm>>
        tpu.wait_dma2 semaphore(%arg18 : memref<!tpu.dma_semaphore, #tpu.memory_space<semaphore_mem>>) src(%dma_wait3A_170 : memref<128x128xf32, #tpu.memory_space<hbm>>) dst(%arg12 : memref<128x128xf32, #tpu.memory_space<vmem>>)
        %run_scoped3A = arith.constant 1 : i32
        "tpu.region"() ({
          %run_scoped3A_171 = tpu.sem_alloc : memref<!tpu.dma_semaphore, #tpu.memory_space<semaphore_mem>>
          %dma_start3A_172 = arith.constant 0 : i32
          %dma_start3A_173 = tpu.memref_slice %arg10[%run_scoped3A, %dma_start3A_172] : memref<2x128xi32, #tpu.memory_space<vmem>> -> memref<1x128xi32, #tpu.memory_space<vmem>>
          %dma_start3A_174 = tpu.memref_squeeze %dma_start3A_173 : memref<1x128xi32, #tpu.memory_space<vmem>> -> memref<128xi32, #tpu.memory_space<vmem>>
          %dma_start3A_175 = arith.constant 0 : i32
          %dma_start3A_176 = arith.constant 0 : i32
          %dma_start3A_177 = tpu.memref_slice %arg6[%dma_start3A_175, %dma_start3A_176] : memref<10112x128xf32, #tpu.memory_space<vmem_shared>> -> memref<10112x128xf32, #tpu.memory_space<vmem_shared>>
          tpu.enqueue_indirect_dma source(%arg12 : memref<128x128xf32, #tpu.memory_space<vmem>>) target(%dma_start3A_177 : memref<10112x128xf32, #tpu.memory_space<vmem_shared>>) offsets(%dma_start3A_174 : memref<128xi32, #tpu.memory_space<vmem>>) semaphore(%run_scoped3A_171 : memref<!tpu.dma_semaphore, #tpu.memory_space<semaphore_mem>>) {add = true}
          %dma_wait3A_178 = arith.constant 0 : i32
          %dma_wait3A_179 = tpu.memref_slice %arg10[%run_scoped3A, %dma_wait3A_178] : memref<2x128xi32, #tpu.memory_space<vmem>> -> memref<1x128xi32, #tpu.memory_space<vmem>>
          %dma_wait3A_180 = tpu.memref_squeeze %dma_wait3A_179 : memref<1x128xi32, #tpu.memory_space<vmem>> -> memref<128xi32, #tpu.memory_space<vmem>>
          %dma_wait3A_181 = arith.constant 0 : i32
          %dma_wait3A_182 = arith.constant 0 : i32
          %dma_wait3A_183 = tpu.memref_slice %arg6[%dma_wait3A_181, %dma_wait3A_182] : memref<10112x128xf32, #tpu.memory_space<vmem_shared>> -> memref<10112x128xf32, #tpu.memory_space<vmem_shared>>
          tpu.wait_indirect_dma semaphore(%run_scoped3A_171 : memref<!tpu.dma_semaphore, #tpu.memory_space<semaphore_mem>>) src(%arg12 : memref<128x128xf32, #tpu.memory_space<vmem>>) dst(%dma_wait3A_183 : memref<10112x128xf32, #tpu.memory_space<vmem_shared>>)
          tpu.yield
        }) : () -> ()
      } else {
      }
    }
    %scan3A_81 = arith.constant 20 : i32
    %barrier3A_82 = arith.constant 0 : index
    tpu.barrier barrier_id(%barrier3A_82)
    %mul3A_83 = arith.constant 632 : i32
    %mul3A_84 = arith.muli %arg1, %mul3A_83 : i32
    %mul3A_85 = arith.constant 632 : i32
    %mul3A_86 = arith.muli %arg1, %mul3A_85 : i32
    "tpu.region"() ({
      %run_scoped3A = tpu.sem_alloc : memref<!tpu.dma_semaphore, #tpu.memory_space<semaphore_mem>>
      %dma_start3A_87 = arith.constant 0 : i32
      %dma_start3A_88 = tpu.memref_slice %arg5[%arg0, %mul3A_86, %dma_start3A_87] : memref<2x10112x128xf32, #tpu.memory_space<hbm>> -> memref<1x632x128xf32, #tpu.memory_space<hbm>>
      %dma_start3A_89 = tpu.memref_squeeze %dma_start3A_88 : memref<1x632x128xf32, #tpu.memory_space<hbm>> -> memref<632x128xf32, #tpu.memory_space<hbm>>
      %dma_start3A_90 = arith.constant 0 : i32
      %dma_start3A_91 = tpu.memref_slice %arg6[%mul3A_84, %dma_start3A_90] : memref<10112x128xf32, #tpu.memory_space<vmem_shared>> -> memref<632x128xf32, #tpu.memory_space<vmem_shared>>
      tpu.enqueue_dma source(%dma_start3A_91 : memref<632x128xf32, #tpu.memory_space<vmem_shared>>) target(%dma_start3A_89 : memref<632x128xf32, #tpu.memory_space<hbm>>) target_semaphore(%run_scoped3A : memref<!tpu.dma_semaphore, #tpu.memory_space<semaphore_mem>>)
      %dma_wait3A_92 = arith.constant 0 : i32
      %dma_wait3A_93 = tpu.memref_slice %arg5[%arg0, %mul3A_86, %dma_wait3A_92] : memref<2x10112x128xf32, #tpu.memory_space<hbm>> -> memref<1x632x128xf32, #tpu.memory_space<hbm>>
      %dma_wait3A_94 = tpu.memref_squeeze %dma_wait3A_93 : memref<1x632x128xf32, #tpu.memory_space<hbm>> -> memref<632x128xf32, #tpu.memory_space<hbm>>
      %dma_wait3A_95 = arith.constant 0 : i32
      %dma_wait3A_96 = tpu.memref_slice %arg6[%mul3A_84, %dma_wait3A_95] : memref<10112x128xf32, #tpu.memory_space<vmem_shared>> -> memref<632x128xf32, #tpu.memory_space<vmem_shared>>
      tpu.wait_dma2 semaphore(%run_scoped3A : memref<!tpu.dma_semaphore, #tpu.memory_space<semaphore_mem>>) src(%dma_wait3A_96 : memref<632x128xf32, #tpu.memory_space<vmem_shared>>) dst(%dma_wait3A_94 : memref<632x128xf32, #tpu.memory_space<hbm>>)
      tpu.yield
    }) : () -> ()
    return
  }
}

#map = affine_map<(d0, d1) -> (0, 0)>
#map1 = affine_map<(d0, d1) -> (0, 0, 0)>
module attributes {stable_mosaic.version = 14 : i64} {
  func.func @_scat_body(%arg0: i32, %arg1: i32, %arg2: memref<10112x128xf32, #tpu.memory_space<hbm>>, %arg3: memref<2640x2x128xi32, #tpu.memory_space<hbm>>, %arg4: memref<10112x128xf32, #tpu.memory_space<hbm>>, %arg5: memref<2x10112x128xf32, #tpu.memory_space<hbm>>, %arg6: memref<10112x128xf32, #tpu.memory_space<vmem_shared>>, %arg7: memref<2x128xi32, #tpu.memory_space<vmem>>, %arg8: memref<2x128xi32, #tpu.memory_space<vmem>>, %arg9: memref<2x128xi32, #tpu.memory_space<vmem>>, %arg10: memref<2x128xi32, #tpu.memory_space<vmem>>, %arg11: memref<128x128xf32, #tpu.memory_space<vmem>>, %arg12: memref<128x128xf32, #tpu.memory_space<vmem>>, %arg13: memref<!tpu.dma_semaphore, #tpu.memory_space<semaphore_mem>>, %arg14: memref<!tpu.dma_semaphore, #tpu.memory_space<semaphore_mem>>, %arg15: memref<!tpu.dma_semaphore, #tpu.memory_space<semaphore_mem>>, %arg16: memref<!tpu.dma_semaphore, #tpu.memory_space<semaphore_mem>>, %arg17: memref<!tpu.dma_semaphore, #tpu.memory_space<semaphore_mem>>, %arg18: memref<!tpu.dma_semaphore, #tpu.memory_space<semaphore_mem>>) attributes {dimension_semantics = [#tpu.dimension_semantics<core_parallel>, #tpu.dimension_semantics<subcore_parallel>], iteration_bounds = array<i64: 2, 16>, scalar_prefetch = 0 : i64, scratch_operands = 13 : i64, tpu.core_type = #tpu.core_type<sc_vector_subcore>, window_params = [{transform_indices = #map}, {transform_indices = #map1}, {transform_indices = #map}, {transform_indices = #map1}]} {
    %eq3A = arith.constant 0 : i32
    %eq3A_0 = arith.cmpi eq, %arg0, %eq3A : i32
    %mul3A = arith.constant 80 : i32
    %mul3A_1 = arith.muli %arg1, %mul3A : i32
    %mul3A_2 = arith.constant 80 : i32
    %mul3A_3 = arith.muli %arg1, %mul3A_2 : i32
    %add3A = arith.constant 1280 : i32
    %add3A_4 = arith.addi %add3A, %mul3A_3 : i32
    %select_n3A = arith.select %eq3A_0, %mul3A_1, %add3A_4 : i32
    %eq3A_5 = arith.constant 0 : i32
    %eq3A_6 = arith.cmpi eq, %arg0, %eq3A_5 : i32
    %jit3A = arith.constant 80 : i32
    %jit3A_7 = arith.constant 80 : i32
    %select_n3A_8 = arith.select %eq3A_6, %jit3A, %jit3A_7 : i32
    %mul3A_9 = arith.constant 632 : i32
    %mul3A_10 = arith.muli %arg1, %mul3A_9 : i32
    %mul3A_11 = arith.constant 632 : i32
    %mul3A_12 = arith.muli %arg1, %mul3A_11 : i32
    "tpu.region"() ({
      %run_scoped3A = tpu.sem_alloc : memref<!tpu.dma_semaphore, #tpu.memory_space<semaphore_mem>>
      %dma_start3A_87 = arith.constant 0 : i32
      %dma_start3A_88 = tpu.memref_slice %arg6[%mul3A_12, %dma_start3A_87] : memref<10112x128xf32, #tpu.memory_space<vmem_shared>> -> memref<632x128xf32, #tpu.memory_space<vmem_shared>>
      %dma_start3A_89 = arith.constant 0 : i32
      %dma_start3A_90 = tpu.memref_slice %arg4[%mul3A_10, %dma_start3A_89] : memref<10112x128xf32, #tpu.memory_space<hbm>> -> memref<632x128xf32, #tpu.memory_space<hbm>>
      tpu.enqueue_dma source(%dma_start3A_90 : memref<632x128xf32, #tpu.memory_space<hbm>>) target(%dma_start3A_88 : memref<632x128xf32, #tpu.memory_space<vmem_shared>>) target_semaphore(%run_scoped3A : memref<!tpu.dma_semaphore, #tpu.memory_space<semaphore_mem>>)
      %dma_wait3A_91 = arith.constant 0 : i32
      %dma_wait3A_92 = tpu.memref_slice %arg6[%mul3A_12, %dma_wait3A_91] : memref<10112x128xf32, #tpu.memory_space<vmem_shared>> -> memref<632x128xf32, #tpu.memory_space<vmem_shared>>
      %dma_wait3A_93 = arith.constant 0 : i32
      %dma_wait3A_94 = tpu.memref_slice %arg4[%mul3A_10, %dma_wait3A_93] : memref<10112x128xf32, #tpu.memory_space<hbm>> -> memref<632x128xf32, #tpu.memory_space<hbm>>
      tpu.wait_dma2 semaphore(%run_scoped3A : memref<!tpu.dma_semaphore, #tpu.memory_space<semaphore_mem>>) src(%dma_wait3A_94 : memref<632x128xf32, #tpu.memory_space<hbm>>) dst(%dma_wait3A_92 : memref<632x128xf32, #tpu.memory_space<vmem_shared>>)
      tpu.yield
    }) : () -> ()
    %barrier3A = arith.constant 0 : index
    tpu.barrier barrier_id(%barrier3A)
    %dma_start3A = arith.constant 0 : i32
    %dma_start3A_13 = arith.constant 0 : i32
    %dma_start3A_14 = tpu.memref_slice %arg3[%select_n3A, %dma_start3A, %dma_start3A_13] : memref<2640x2x128xi32, #tpu.memory_space<hbm>> -> memref<1x2x128xi32, #tpu.memory_space<hbm>>
    %dma_start3A_15 = tpu.memref_squeeze %dma_start3A_14 : memref<1x2x128xi32, #tpu.memory_space<hbm>> -> memref<2x128xi32, #tpu.memory_space<hbm>>
    %dma_start3A_16 = arith.constant 0 : i32
    %dma_start3A_17 = arith.constant 0 : i32
    %dma_start3A_18 = tpu.memref_slice %arg3[%select_n3A, %dma_start3A_16, %dma_start3A_17] : memref<2640x2x128xi32, #tpu.memory_space<hbm>> -> memref<1x2x128xi32, #tpu.memory_space<hbm>>
    %dma_start3A_19 = tpu.memref_squeeze %dma_start3A_18 : memref<1x2x128xi32, #tpu.memory_space<hbm>> -> memref<2x128xi32, #tpu.memory_space<hbm>>
    tpu.enqueue_dma source(%dma_start3A_19 : memref<2x128xi32, #tpu.memory_space<hbm>>) target(%arg7 : memref<2x128xi32, #tpu.memory_space<vmem>>) target_semaphore(%arg13 : memref<!tpu.dma_semaphore, #tpu.memory_space<semaphore_mem>>)
    %add3A_20 = arith.constant 1 : i32
    %add3A_21 = arith.addi %select_n3A, %add3A_20 : i32
    %dma_start3A_22 = arith.constant 0 : i32
    %dma_start3A_23 = arith.constant 0 : i32
    %dma_start3A_24 = tpu.memref_slice %arg3[%add3A_21, %dma_start3A_22, %dma_start3A_23] : memref<2640x2x128xi32, #tpu.memory_space<hbm>> -> memref<1x2x128xi32, #tpu.memory_space<hbm>>
    %dma_start3A_25 = tpu.memref_squeeze %dma_start3A_24 : memref<1x2x128xi32, #tpu.memory_space<hbm>> -> memref<2x128xi32, #tpu.memory_space<hbm>>
    %dma_start3A_26 = arith.constant 0 : i32
    %dma_start3A_27 = arith.constant 0 : i32
    %dma_start3A_28 = tpu.memref_slice %arg3[%add3A_21, %dma_start3A_26, %dma_start3A_27] : memref<2640x2x128xi32, #tpu.memory_space<hbm>> -> memref<1x2x128xi32, #tpu.memory_space<hbm>>
    %dma_start3A_29 = tpu.memref_squeeze %dma_start3A_28 : memref<1x2x128xi32, #tpu.memory_space<hbm>> -> memref<2x128xi32, #tpu.memory_space<hbm>>
    tpu.enqueue_dma source(%dma_start3A_29 : memref<2x128xi32, #tpu.memory_space<hbm>>) target(%arg8 : memref<2x128xi32, #tpu.memory_space<vmem>>) target_semaphore(%arg14 : memref<!tpu.dma_semaphore, #tpu.memory_space<semaphore_mem>>)
    %dma_wait3A = arith.constant 0 : i32
    %dma_wait3A_30 = arith.constant 0 : i32
    %dma_wait3A_31 = tpu.memref_slice %arg3[%select_n3A, %dma_wait3A, %dma_wait3A_30] : memref<2640x2x128xi32, #tpu.memory_space<hbm>> -> memref<1x2x128xi32, #tpu.memory_space<hbm>>
    %dma_wait3A_32 = tpu.memref_squeeze %dma_wait3A_31 : memref<1x2x128xi32, #tpu.memory_space<hbm>> -> memref<2x128xi32, #tpu.memory_space<hbm>>
    %dma_wait3A_33 = arith.constant 0 : i32
    %dma_wait3A_34 = arith.constant 0 : i32
    %dma_wait3A_35 = tpu.memref_slice %arg3[%select_n3A, %dma_wait3A_33, %dma_wait3A_34] : memref<2640x2x128xi32, #tpu.memory_space<hbm>> -> memref<1x2x128xi32, #tpu.memory_space<hbm>>
    %dma_wait3A_36 = tpu.memref_squeeze %dma_wait3A_35 : memref<1x2x128xi32, #tpu.memory_space<hbm>> -> memref<2x128xi32, #tpu.memory_space<hbm>>
    tpu.wait_dma2 semaphore(%arg13 : memref<!tpu.dma_semaphore, #tpu.memory_space<semaphore_mem>>) src(%dma_wait3A_36 : memref<2x128xi32, #tpu.memory_space<hbm>>) dst(%arg7 : memref<2x128xi32, #tpu.memory_space<vmem>>)
    %dma_start3A_37 = arith.constant 0 : i32
    %dma_start3A_38 = arith.constant 0 : i32
    %dma_start3A_39 = arith.constant 0 : i32
    %dma_start3A_40 = tpu.memref_slice %arg11[%dma_start3A_38, %dma_start3A_39] : memref<128x128xf32, #tpu.memory_space<vmem>> -> memref<32x128xf32, #tpu.memory_space<vmem>>
    %dma_start3A_41 = arith.constant 0 : i32
    %dma_start3A_42 = tpu.memref_slice %arg7[%dma_start3A_37, %dma_start3A_41] : memref<2x128xi32, #tpu.memory_space<vmem>> -> memref<1x32xi32, #tpu.memory_space<vmem>>
    %dma_start3A_43 = tpu.memref_squeeze %dma_start3A_42 : memref<1x32xi32, #tpu.memory_space<vmem>> -> memref<32xi32, #tpu.memory_space<vmem>>
    %dma_start3A_44 = arith.constant 0 : i32
    %dma_start3A_45 = arith.constant 0 : i32
    %dma_start3A_46 = tpu.memref_slice %arg2[%dma_start3A_44, %dma_start3A_45] : memref<10112x128xf32, #tpu.memory_space<hbm>> -> memref<10112x128xf32, #tpu.memory_space<hbm>>
    tpu.enqueue_indirect_dma source(%dma_start3A_46 : memref<10112x128xf32, #tpu.memory_space<hbm>>) target(%dma_start3A_40 : memref<32x128xf32, #tpu.memory_space<vmem>>) offsets(%dma_start3A_43 : memref<32xi32, #tpu.memory_space<vmem>>) semaphore(%arg17 : memref<!tpu.dma_semaphore, #tpu.memory_space<semaphore_mem>>)
    %dma_start3A_47 = arith.constant 0 : i32
    %dma_start3A_48 = arith.constant 32 : i32
    %dma_start3A_49 = arith.constant 0 : i32
    %dma_start3A_50 = tpu.memref_slice %arg11[%dma_start3A_48, %dma_start3A_49] : memref<128x128xf32, #tpu.memory_space<vmem>> -> memref<32x128xf32, #tpu.memory_space<vmem>>
    %dma_start3A_51 = arith.constant 32 : i32
    %dma_start3A_52 = tpu.memref_slice %arg7[%dma_start3A_47, %dma_start3A_51] : memref<2x128xi32, #tpu.memory_space<vmem>> -> memref<1x32xi32, #tpu.memory_space<vmem>>
    %dma_start3A_53 = tpu.memref_squeeze %dma_start3A_52 : memref<1x32xi32, #tpu.memory_space<vmem>> -> memref<32xi32, #tpu.memory_space<vmem>>
    %dma_start3A_54 = arith.constant 0 : i32
    %dma_start3A_55 = arith.constant 0 : i32
    %dma_start3A_56 = tpu.memref_slice %arg2[%dma_start3A_54, %dma_start3A_55] : memref<10112x128xf32, #tpu.memory_space<hbm>> -> memref<10112x128xf32, #tpu.memory_space<hbm>>
    tpu.enqueue_indirect_dma source(%dma_start3A_56 : memref<10112x128xf32, #tpu.memory_space<hbm>>) target(%dma_start3A_50 : memref<32x128xf32, #tpu.memory_space<vmem>>) offsets(%dma_start3A_53 : memref<32xi32, #tpu.memory_space<vmem>>) semaphore(%arg17 : memref<!tpu.dma_semaphore, #tpu.memory_space<semaphore_mem>>)
    %dma_start3A_57 = arith.constant 0 : i32
    %dma_start3A_58 = arith.constant 64 : i32
    %dma_start3A_59 = arith.constant 0 : i32
    %dma_start3A_60 = tpu.memref_slice %arg11[%dma_start3A_58, %dma_start3A_59] : memref<128x128xf32, #tpu.memory_space<vmem>> -> memref<32x128xf32, #tpu.memory_space<vmem>>
    %dma_start3A_61 = arith.constant 64 : i32
    %dma_start3A_62 = tpu.memref_slice %arg7[%dma_start3A_57, %dma_start3A_61] : memref<2x128xi32, #tpu.memory_space<vmem>> -> memref<1x32xi32, #tpu.memory_space<vmem>>
    %dma_start3A_63 = tpu.memref_squeeze %dma_start3A_62 : memref<1x32xi32, #tpu.memory_space<vmem>> -> memref<32xi32, #tpu.memory_space<vmem>>
    %dma_start3A_64 = arith.constant 0 : i32
    %dma_start3A_65 = arith.constant 0 : i32
    %dma_start3A_66 = tpu.memref_slice %arg2[%dma_start3A_64, %dma_start3A_65] : memref<10112x128xf32, #tpu.memory_space<hbm>> -> memref<10112x128xf32, #tpu.memory_space<hbm>>
    tpu.enqueue_indirect_dma source(%dma_start3A_66 : memref<10112x128xf32, #tpu.memory_space<hbm>>) target(%dma_start3A_60 : memref<32x128xf32, #tpu.memory_space<vmem>>) offsets(%dma_start3A_63 : memref<32xi32, #tpu.memory_space<vmem>>) semaphore(%arg17 : memref<!tpu.dma_semaphore, #tpu.memory_space<semaphore_mem>>)
    %dma_start3A_67 = arith.constant 0 : i32
    %dma_start3A_68 = arith.constant 96 : i32
    %dma_start3A_69 = arith.constant 0 : i32
    %dma_start3A_70 = tpu.memref_slice %arg11[%dma_start3A_68, %dma_start3A_69] : memref<128x128xf32, #tpu.memory_space<vmem>> -> memref<32x128xf32, #tpu.memory_space<vmem>>
    %dma_start3A_71 = arith.constant 96 : i32
    %dma_start3A_72 = tpu.memref_slice %arg7[%dma_start3A_67, %dma_start3A_71] : memref<2x128xi32, #tpu.memory_space<vmem>> -> memref<1x32xi32, #tpu.memory_space<vmem>>
    %dma_start3A_73 = tpu.memref_squeeze %dma_start3A_72 : memref<1x32xi32, #tpu.memory_space<vmem>> -> memref<32xi32, #tpu.memory_space<vmem>>
    %dma_start3A_74 = arith.constant 0 : i32
    %dma_start3A_75 = arith.constant 0 : i32
    %dma_start3A_76 = tpu.memref_slice %arg2[%dma_start3A_74, %dma_start3A_75] : memref<10112x128xf32, #tpu.memory_space<hbm>> -> memref<10112x128xf32, #tpu.memory_space<hbm>>
    tpu.enqueue_indirect_dma source(%dma_start3A_76 : memref<10112x128xf32, #tpu.memory_space<hbm>>) target(%dma_start3A_70 : memref<32x128xf32, #tpu.memory_space<vmem>>) offsets(%dma_start3A_73 : memref<32xi32, #tpu.memory_space<vmem>>) semaphore(%arg17 : memref<!tpu.dma_semaphore, #tpu.memory_space<semaphore_mem>>)
    %scan3A = arith.constant 0 : i32
    %scan3A_77 = arith.constant 0 : i32
    %scan3A_78 = arith.constant 20 : i32
    %scan3A_79 = arith.addi %scan3A_77, %scan3A_78 : i32
    %scan3A_80 = arith.constant 1 : i32
    scf.for %scan3A_87 = %scan3A_77 to %scan3A_79 step %scan3A_80  : i32 {
      %mul3A_88 = arith.constant 4 : i32
      %mul3A_89 = arith.muli %scan3A_87, %mul3A_88 : i32
      %add3A_90 = arith.constant 0 : i32
      %add3A_91 = arith.addi %mul3A_89, %add3A_90 : i32
      %add3A_92 = arith.constant 2 : i32
      %add3A_93 = arith.addi %add3A_91, %add3A_92 : i32
      %lt3A = arith.cmpi slt, %add3A_93, %select_n3A_8 : i32
      %convert_element_type3A = arith.extui %lt3A : i1 to i32
      %cond3A = arith.constant 0 : i32
      %cond3A_94 = arith.cmpi ne, %convert_element_type3A, %cond3A : i32
      scf.if %cond3A_94 {
        %add3A_165 = arith.addi %select_n3A, %add3A_91 : i32
        %add3A_166 = arith.constant 2 : i32
        %add3A_167 = arith.addi %add3A_165, %add3A_166 : i32
        %dma_start3A_168 = arith.constant 0 : i32
        %dma_start3A_169 = arith.constant 0 : i32
        %dma_start3A_170 = tpu.memref_slice %arg3[%add3A_167, %dma_start3A_168, %dma_start3A_169] : memref<2640x2x128xi32, #tpu.memory_space<hbm>> -> memref<1x2x128xi32, #tpu.memory_space<hbm>>
        %dma_start3A_171 = tpu.memref_squeeze %dma_start3A_170 : memref<1x2x128xi32, #tpu.memory_space<hbm>> -> memref<2x128xi32, #tpu.memory_space<hbm>>
        %dma_start3A_172 = arith.constant 0 : i32
        %dma_start3A_173 = arith.constant 0 : i32
        %dma_start3A_174 = tpu.memref_slice %arg3[%add3A_167, %dma_start3A_172, %dma_start3A_173] : memref<2640x2x128xi32, #tpu.memory_space<hbm>> -> memref<1x2x128xi32, #tpu.memory_space<hbm>>
        %dma_start3A_175 = tpu.memref_squeeze %dma_start3A_174 : memref<1x2x128xi32, #tpu.memory_space<hbm>> -> memref<2x128xi32, #tpu.memory_space<hbm>>
        tpu.enqueue_dma source(%dma_start3A_175 : memref<2x128xi32, #tpu.memory_space<hbm>>) target(%arg9 : memref<2x128xi32, #tpu.memory_space<vmem>>) target_semaphore(%arg15 : memref<!tpu.dma_semaphore, #tpu.memory_space<semaphore_mem>>)
      } else {
      }
      %add3A_95 = arith.constant 1 : i32
      %add3A_96 = arith.addi %add3A_91, %add3A_95 : i32
      %lt3A_97 = arith.cmpi slt, %add3A_96, %select_n3A_8 : i32
      %convert_element_type3A_98 = arith.extui %lt3A_97 : i1 to i32
      %cond3A_99 = arith.constant 0 : i32
      %cond3A_100 = arith.cmpi ne, %convert_element_type3A_98, %cond3A_99 : i32
      scf.if %cond3A_100 {
        %dma_wait3A_165 = arith.constant 0 : i32
        %dma_wait3A_166 = arith.constant 0 : i32
        %dma_wait3A_167 = tpu.memref_slice %arg3[%select_n3A, %dma_wait3A_165, %dma_wait3A_166] : memref<2640x2x128xi32, #tpu.memory_space<hbm>> -> memref<1x2x128xi32, #tpu.memory_space<hbm>>
        %dma_wait3A_168 = tpu.memref_squeeze %dma_wait3A_167 : memref<1x2x128xi32, #tpu.memory_space<hbm>> -> memref<2x128xi32, #tpu.memory_space<hbm>>
        %dma_wait3A_169 = arith.constant 0 : i32
        %dma_wait3A_170 = arith.constant 0 : i32
        %dma_wait3A_171 = tpu.memref_slice %arg3[%select_n3A, %dma_wait3A_169, %dma_wait3A_170] : memref<2640x2x128xi32, #tpu.memory_space<hbm>> -> memref<1x2x128xi32, #tpu.memory_space<hbm>>
        %dma_wait3A_172 = tpu.memref_squeeze %dma_wait3A_171 : memref<1x2x128xi32, #tpu.memory_space<hbm>> -> memref<2x128xi32, #tpu.memory_space<hbm>>
        tpu.wait_dma2 semaphore(%arg14 : memref<!tpu.dma_semaphore, #tpu.memory_space<semaphore_mem>>) src(%dma_wait3A_172 : memref<2x128xi32, #tpu.memory_space<hbm>>) dst(%arg8 : memref<2x128xi32, #tpu.memory_space<vmem>>)
        %dma_start3A_173 = arith.constant 0 : i32
        %dma_start3A_174 = arith.constant 0 : i32
        %dma_start3A_175 = arith.constant 0 : i32
        %dma_start3A_176 = tpu.memref_slice %arg12[%dma_start3A_174, %dma_start3A_175] : memref<128x128xf32, #tpu.memory_space<vmem>> -> memref<32x128xf32, #tpu.memory_space<vmem>>
        %dma_start3A_177 = arith.constant 0 : i32
        %dma_start3A_178 = tpu.memref_slice %arg8[%dma_start3A_173, %dma_start3A_177] : memref<2x128xi32, #tpu.memory_space<vmem>> -> memref<1x32xi32, #tpu.memory_space<vmem>>
        %dma_start3A_179 = tpu.memref_squeeze %dma_start3A_178 : memref<1x32xi32, #tpu.memory_space<vmem>> -> memref<32xi32, #tpu.memory_space<vmem>>
        %dma_start3A_180 = arith.constant 0 : i32
        %dma_start3A_181 = arith.constant 0 : i32
        %dma_start3A_182 = tpu.memref_slice %arg2[%dma_start3A_180, %dma_start3A_181] : memref<10112x128xf32, #tpu.memory_space<hbm>> -> memref<10112x128xf32, #tpu.memory_space<hbm>>
        tpu.enqueue_indirect_dma source(%dma_start3A_182 : memref<10112x128xf32, #tpu.memory_space<hbm>>) target(%dma_start3A_176 : memref<32x128xf32, #tpu.memory_space<vmem>>) offsets(%dma_start3A_179 : memref<32xi32, #tpu.memory_space<vmem>>) semaphore(%arg18 : memref<!tpu.dma_semaphore, #tpu.memory_space<semaphore_mem>>)
        %dma_start3A_183 = arith.constant 0 : i32
        %dma_start3A_184 = arith.constant 32 : i32
        %dma_start3A_185 = arith.constant 0 : i32
        %dma_start3A_186 = tpu.memref_slice %arg12[%dma_start3A_184, %dma_start3A_185] : memref<128x128xf32, #tpu.memory_space<vmem>> -> memref<32x128xf32, #tpu.memory_space<vmem>>
        %dma_start3A_187 = arith.constant 32 : i32
        %dma_start3A_188 = tpu.memref_slice %arg8[%dma_start3A_183, %dma_start3A_187] : memref<2x128xi32, #tpu.memory_space<vmem>> -> memref<1x32xi32, #tpu.memory_space<vmem>>
        %dma_start3A_189 = tpu.memref_squeeze %dma_start3A_188 : memref<1x32xi32, #tpu.memory_space<vmem>> -> memref<32xi32, #tpu.memory_space<vmem>>
        %dma_start3A_190 = arith.constant 0 : i32
        %dma_start3A_191 = arith.constant 0 : i32
        %dma_start3A_192 = tpu.memref_slice %arg2[%dma_start3A_190, %dma_start3A_191] : memref<10112x128xf32, #tpu.memory_space<hbm>> -> memref<10112x128xf32, #tpu.memory_space<hbm>>
        tpu.enqueue_indirect_dma source(%dma_start3A_192 : memref<10112x128xf32, #tpu.memory_space<hbm>>) target(%dma_start3A_186 : memref<32x128xf32, #tpu.memory_space<vmem>>) offsets(%dma_start3A_189 : memref<32xi32, #tpu.memory_space<vmem>>) semaphore(%arg18 : memref<!tpu.dma_semaphore, #tpu.memory_space<semaphore_mem>>)
        %dma_start3A_193 = arith.constant 0 : i32
        %dma_start3A_194 = arith.constant 64 : i32
        %dma_start3A_195 = arith.constant 0 : i32
        %dma_start3A_196 = tpu.memref_slice %arg12[%dma_start3A_194, %dma_start3A_195] : memref<128x128xf32, #tpu.memory_space<vmem>> -> memref<32x128xf32, #tpu.memory_space<vmem>>
        %dma_start3A_197 = arith.constant 64 : i32
        %dma_start3A_198 = tpu.memref_slice %arg8[%dma_start3A_193, %dma_start3A_197] : memref<2x128xi32, #tpu.memory_space<vmem>> -> memref<1x32xi32, #tpu.memory_space<vmem>>
        %dma_start3A_199 = tpu.memref_squeeze %dma_start3A_198 : memref<1x32xi32, #tpu.memory_space<vmem>> -> memref<32xi32, #tpu.memory_space<vmem>>
        %dma_start3A_200 = arith.constant 0 : i32
        %dma_start3A_201 = arith.constant 0 : i32
        %dma_start3A_202 = tpu.memref_slice %arg2[%dma_start3A_200, %dma_start3A_201] : memref<10112x128xf32, #tpu.memory_space<hbm>> -> memref<10112x128xf32, #tpu.memory_space<hbm>>
        tpu.enqueue_indirect_dma source(%dma_start3A_202 : memref<10112x128xf32, #tpu.memory_space<hbm>>) target(%dma_start3A_196 : memref<32x128xf32, #tpu.memory_space<vmem>>) offsets(%dma_start3A_199 : memref<32xi32, #tpu.memory_space<vmem>>) semaphore(%arg18 : memref<!tpu.dma_semaphore, #tpu.memory_space<semaphore_mem>>)
        %dma_start3A_203 = arith.constant 0 : i32
        %dma_start3A_204 = arith.constant 96 : i32
        %dma_start3A_205 = arith.constant 0 : i32
        %dma_start3A_206 = tpu.memref_slice %arg12[%dma_start3A_204, %dma_start3A_205] : memref<128x128xf32, #tpu.memory_space<vmem>> -> memref<32x128xf32, #tpu.memory_space<vmem>>
        %dma_start3A_207 = arith.constant 96 : i32
        %dma_start3A_208 = tpu.memref_slice %arg8[%dma_start3A_203, %dma_start3A_207] : memref<2x128xi32, #tpu.memory_space<vmem>> -> memref<1x32xi32, #tpu.memory_space<vmem>>
        %dma_start3A_209 = tpu.memref_squeeze %dma_start3A_208 : memref<1x32xi32, #tpu.memory_space<vmem>> -> memref<32xi32, #tpu.memory_space<vmem>>
        %dma_start3A_210 = arith.constant 0 : i32
        %dma_start3A_211 = arith.constant 0 : i32
        %dma_start3A_212 = tpu.memref_slice %arg2[%dma_start3A_210, %dma_start3A_211] : memref<10112x128xf32, #tpu.memory_space<hbm>> -> memref<10112x128xf32, #tpu.memory_space<hbm>>
        tpu.enqueue_indirect_dma source(%dma_start3A_212 : memref<10112x128xf32, #tpu.memory_space<hbm>>) target(%dma_start3A_206 : memref<32x128xf32, #tpu.memory_space<vmem>>) offsets(%dma_start3A_209 : memref<32xi32, #tpu.memory_space<vmem>>) semaphore(%arg18 : memref<!tpu.dma_semaphore, #tpu.memory_space<semaphore_mem>>)
      } else {
      }
      %lt3A_101 = arith.cmpi slt, %add3A_91, %select_n3A_8 : i32
      %convert_element_type3A_102 = arith.extui %lt3A_101 : i1 to i32
      %cond3A_103 = arith.constant 0 : i32
      %cond3A_104 = arith.cmpi ne, %convert_element_type3A_102, %cond3A_103 : i32
      scf.if %cond3A_104 {
        %dma_wait3A_165 = arith.constant 0 : i32
        %dma_wait3A_166 = arith.constant 0 : i32
        %dma_wait3A_167 = tpu.memref_slice %arg2[%dma_wait3A_165, %dma_wait3A_166] : memref<10112x128xf32, #tpu.memory_space<hbm>> -> memref<128x128xf32, #tpu.memory_space<hbm>>
        %dma_wait3A_168 = arith.constant 0 : i32
        %dma_wait3A_169 = arith.constant 0 : i32
        %dma_wait3A_170 = tpu.memref_slice %arg2[%dma_wait3A_168, %dma_wait3A_169] : memref<10112x128xf32, #tpu.memory_space<hbm>> -> memref<128x128xf32, #tpu.memory_space<hbm>>
        tpu.wait_dma2 semaphore(%arg17 : memref<!tpu.dma_semaphore, #tpu.memory_space<semaphore_mem>>) src(%dma_wait3A_170 : memref<128x128xf32, #tpu.memory_space<hbm>>) dst(%arg11 : memref<128x128xf32, #tpu.memory_space<vmem>>)
        %run_scoped3A = arith.constant 1 : i32
        "tpu.region"() ({
          %run_scoped3A_171 = tpu.sem_alloc : memref<!tpu.dma_semaphore, #tpu.memory_space<semaphore_mem>>
          %dma_start3A_172 = arith.constant 0 : i32
          %dma_start3A_173 = tpu.memref_slice %arg7[%run_scoped3A, %dma_start3A_172] : memref<2x128xi32, #tpu.memory_space<vmem>> -> memref<1x128xi32, #tpu.memory_space<vmem>>
          %dma_start3A_174 = tpu.memref_squeeze %dma_start3A_173 : memref<1x128xi32, #tpu.memory_space<vmem>> -> memref<128xi32, #tpu.memory_space<vmem>>
          %dma_start3A_175 = arith.constant 0 : i32
          %dma_start3A_176 = arith.constant 0 : i32
          %dma_start3A_177 = tpu.memref_slice %arg6[%dma_start3A_175, %dma_start3A_176] : memref<10112x128xf32, #tpu.memory_space<vmem_shared>> -> memref<10112x128xf32, #tpu.memory_space<vmem_shared>>
          tpu.enqueue_indirect_dma source(%arg11 : memref<128x128xf32, #tpu.memory_space<vmem>>) target(%dma_start3A_177 : memref<10112x128xf32, #tpu.memory_space<vmem_shared>>) offsets(%dma_start3A_174 : memref<128xi32, #tpu.memory_space<vmem>>) semaphore(%run_scoped3A_171 : memref<!tpu.dma_semaphore, #tpu.memory_space<semaphore_mem>>) {add = true}
          %dma_wait3A_178 = arith.constant 0 : i32
          %dma_wait3A_179 = tpu.memref_slice %arg7[%run_scoped3A, %dma_wait3A_178] : memref<2x128xi32, #tpu.memory_space<vmem>> -> memref<1x128xi32, #tpu.memory_space<vmem>>
          %dma_wait3A_180 = tpu.memref_squeeze %dma_wait3A_179 : memref<1x128xi32, #tpu.memory_space<vmem>> -> memref<128xi32, #tpu.memory_space<vmem>>
          %dma_wait3A_181 = arith.constant 0 : i32
          %dma_wait3A_182 = arith.constant 0 : i32
          %dma_wait3A_183 = tpu.memref_slice %arg6[%dma_wait3A_181, %dma_wait3A_182] : memref<10112x128xf32, #tpu.memory_space<vmem_shared>> -> memref<10112x128xf32, #tpu.memory_space<vmem_shared>>
          tpu.wait_indirect_dma semaphore(%run_scoped3A_171 : memref<!tpu.dma_semaphore, #tpu.memory_space<semaphore_mem>>) src(%arg11 : memref<128x128xf32, #tpu.memory_space<vmem>>) dst(%dma_wait3A_183 : memref<10112x128xf32, #tpu.memory_space<vmem_shared>>)
          tpu.yield
        }) : () -> ()
      } else {
      }
      %mul3A_105 = arith.constant 4 : i32
      %mul3A_106 = arith.muli %scan3A_87, %mul3A_105 : i32
      %add3A_107 = arith.constant 1 : i32
      %add3A_108 = arith.addi %mul3A_106, %add3A_107 : i32
      %add3A_109 = arith.constant 2 : i32
      %add3A_110 = arith.addi %add3A_108, %add3A_109 : i32
      %lt3A_111 = arith.cmpi slt, %add3A_110, %select_n3A_8 : i32
      %convert_element_type3A_112 = arith.extui %lt3A_111 : i1 to i32
      %cond3A_113 = arith.constant 0 : i32
      %cond3A_114 = arith.cmpi ne, %convert_element_type3A_112, %cond3A_113 : i32
      scf.if %cond3A_114 {
        %add3A_165 = arith.addi %select_n3A, %add3A_108 : i32
        %add3A_166 = arith.constant 2 : i32
        %add3A_167 = arith.addi %add3A_165, %add3A_166 : i32
        %dma_start3A_168 = arith.constant 0 : i32
        %dma_start3A_169 = arith.constant 0 : i32
        %dma_start3A_170 = tpu.memref_slice %arg3[%add3A_167, %dma_start3A_168, %dma_start3A_169] : memref<2640x2x128xi32, #tpu.memory_space<hbm>> -> memref<1x2x128xi32, #tpu.memory_space<hbm>>
        %dma_start3A_171 = tpu.memref_squeeze %dma_start3A_170 : memref<1x2x128xi32, #tpu.memory_space<hbm>> -> memref<2x128xi32, #tpu.memory_space<hbm>>
        %dma_start3A_172 = arith.constant 0 : i32
        %dma_start3A_173 = arith.constant 0 : i32
        %dma_start3A_174 = tpu.memref_slice %arg3[%add3A_167, %dma_start3A_172, %dma_start3A_173] : memref<2640x2x128xi32, #tpu.memory_space<hbm>> -> memref<1x2x128xi32, #tpu.memory_space<hbm>>
        %dma_start3A_175 = tpu.memref_squeeze %dma_start3A_174 : memref<1x2x128xi32, #tpu.memory_space<hbm>> -> memref<2x128xi32, #tpu.memory_space<hbm>>
        tpu.enqueue_dma source(%dma_start3A_175 : memref<2x128xi32, #tpu.memory_space<hbm>>) target(%arg10 : memref<2x128xi32, #tpu.memory_space<vmem>>) target_semaphore(%arg16 : memref<!tpu.dma_semaphore, #tpu.memory_space<semaphore_mem>>)
      } else {
      }
      %add3A_115 = arith.constant 1 : i32
      %add3A_116 = arith.addi %add3A_108, %add3A_115 : i32
      %lt3A_117 = arith.cmpi slt, %add3A_116, %select_n3A_8 : i32
      %convert_element_type3A_118 = arith.extui %lt3A_117 : i1 to i32
      %cond3A_119 = arith.constant 0 : i32
      %cond3A_120 = arith.cmpi ne, %convert_element_type3A_118, %cond3A_119 : i32
      scf.if %cond3A_120 {
        %dma_wait3A_165 = arith.constant 0 : i32
        %dma_wait3A_166 = arith.constant 0 : i32
        %dma_wait3A_167 = tpu.memref_slice %arg3[%select_n3A, %dma_wait3A_165, %dma_wait3A_166] : memref<2640x2x128xi32, #tpu.memory_space<hbm>> -> memref<1x2x128xi32, #tpu.memory_space<hbm>>
        %dma_wait3A_168 = tpu.memref_squeeze %dma_wait3A_167 : memref<1x2x128xi32, #tpu.memory_space<hbm>> -> memref<2x128xi32, #tpu.memory_space<hbm>>
        %dma_wait3A_169 = arith.constant 0 : i32
        %dma_wait3A_170 = arith.constant 0 : i32
        %dma_wait3A_171 = tpu.memref_slice %arg3[%select_n3A, %dma_wait3A_169, %dma_wait3A_170] : memref<2640x2x128xi32, #tpu.memory_space<hbm>> -> memref<1x2x128xi32, #tpu.memory_space<hbm>>
        %dma_wait3A_172 = tpu.memref_squeeze %dma_wait3A_171 : memref<1x2x128xi32, #tpu.memory_space<hbm>> -> memref<2x128xi32, #tpu.memory_space<hbm>>
        tpu.wait_dma2 semaphore(%arg15 : memref<!tpu.dma_semaphore, #tpu.memory_space<semaphore_mem>>) src(%dma_wait3A_172 : memref<2x128xi32, #tpu.memory_space<hbm>>) dst(%arg9 : memref<2x128xi32, #tpu.memory_space<vmem>>)
        %dma_start3A_173 = arith.constant 0 : i32
        %dma_start3A_174 = arith.constant 0 : i32
        %dma_start3A_175 = arith.constant 0 : i32
        %dma_start3A_176 = tpu.memref_slice %arg11[%dma_start3A_174, %dma_start3A_175] : memref<128x128xf32, #tpu.memory_space<vmem>> -> memref<32x128xf32, #tpu.memory_space<vmem>>
        %dma_start3A_177 = arith.constant 0 : i32
        %dma_start3A_178 = tpu.memref_slice %arg9[%dma_start3A_173, %dma_start3A_177] : memref<2x128xi32, #tpu.memory_space<vmem>> -> memref<1x32xi32, #tpu.memory_space<vmem>>
        %dma_start3A_179 = tpu.memref_squeeze %dma_start3A_178 : memref<1x32xi32, #tpu.memory_space<vmem>> -> memref<32xi32, #tpu.memory_space<vmem>>
        %dma_start3A_180 = arith.constant 0 : i32
        %dma_start3A_181 = arith.constant 0 : i32
        %dma_start3A_182 = tpu.memref_slice %arg2[%dma_start3A_180, %dma_start3A_181] : memref<10112x128xf32, #tpu.memory_space<hbm>> -> memref<10112x128xf32, #tpu.memory_space<hbm>>
        tpu.enqueue_indirect_dma source(%dma_start3A_182 : memref<10112x128xf32, #tpu.memory_space<hbm>>) target(%dma_start3A_176 : memref<32x128xf32, #tpu.memory_space<vmem>>) offsets(%dma_start3A_179 : memref<32xi32, #tpu.memory_space<vmem>>) semaphore(%arg17 : memref<!tpu.dma_semaphore, #tpu.memory_space<semaphore_mem>>)
        %dma_start3A_183 = arith.constant 0 : i32
        %dma_start3A_184 = arith.constant 32 : i32
        %dma_start3A_185 = arith.constant 0 : i32
        %dma_start3A_186 = tpu.memref_slice %arg11[%dma_start3A_184, %dma_start3A_185] : memref<128x128xf32, #tpu.memory_space<vmem>> -> memref<32x128xf32, #tpu.memory_space<vmem>>
        %dma_start3A_187 = arith.constant 32 : i32
        %dma_start3A_188 = tpu.memref_slice %arg9[%dma_start3A_183, %dma_start3A_187] : memref<2x128xi32, #tpu.memory_space<vmem>> -> memref<1x32xi32, #tpu.memory_space<vmem>>
        %dma_start3A_189 = tpu.memref_squeeze %dma_start3A_188 : memref<1x32xi32, #tpu.memory_space<vmem>> -> memref<32xi32, #tpu.memory_space<vmem>>
        %dma_start3A_190 = arith.constant 0 : i32
        %dma_start3A_191 = arith.constant 0 : i32
        %dma_start3A_192 = tpu.memref_slice %arg2[%dma_start3A_190, %dma_start3A_191] : memref<10112x128xf32, #tpu.memory_space<hbm>> -> memref<10112x128xf32, #tpu.memory_space<hbm>>
        tpu.enqueue_indirect_dma source(%dma_start3A_192 : memref<10112x128xf32, #tpu.memory_space<hbm>>) target(%dma_start3A_186 : memref<32x128xf32, #tpu.memory_space<vmem>>) offsets(%dma_start3A_189 : memref<32xi32, #tpu.memory_space<vmem>>) semaphore(%arg17 : memref<!tpu.dma_semaphore, #tpu.memory_space<semaphore_mem>>)
        %dma_start3A_193 = arith.constant 0 : i32
        %dma_start3A_194 = arith.constant 64 : i32
        %dma_start3A_195 = arith.constant 0 : i32
        %dma_start3A_196 = tpu.memref_slice %arg11[%dma_start3A_194, %dma_start3A_195] : memref<128x128xf32, #tpu.memory_space<vmem>> -> memref<32x128xf32, #tpu.memory_space<vmem>>
        %dma_start3A_197 = arith.constant 64 : i32
        %dma_start3A_198 = tpu.memref_slice %arg9[%dma_start3A_193, %dma_start3A_197] : memref<2x128xi32, #tpu.memory_space<vmem>> -> memref<1x32xi32, #tpu.memory_space<vmem>>
        %dma_start3A_199 = tpu.memref_squeeze %dma_start3A_198 : memref<1x32xi32, #tpu.memory_space<vmem>> -> memref<32xi32, #tpu.memory_space<vmem>>
        %dma_start3A_200 = arith.constant 0 : i32
        %dma_start3A_201 = arith.constant 0 : i32
        %dma_start3A_202 = tpu.memref_slice %arg2[%dma_start3A_200, %dma_start3A_201] : memref<10112x128xf32, #tpu.memory_space<hbm>> -> memref<10112x128xf32, #tpu.memory_space<hbm>>
        tpu.enqueue_indirect_dma source(%dma_start3A_202 : memref<10112x128xf32, #tpu.memory_space<hbm>>) target(%dma_start3A_196 : memref<32x128xf32, #tpu.memory_space<vmem>>) offsets(%dma_start3A_199 : memref<32xi32, #tpu.memory_space<vmem>>) semaphore(%arg17 : memref<!tpu.dma_semaphore, #tpu.memory_space<semaphore_mem>>)
        %dma_start3A_203 = arith.constant 0 : i32
        %dma_start3A_204 = arith.constant 96 : i32
        %dma_start3A_205 = arith.constant 0 : i32
        %dma_start3A_206 = tpu.memref_slice %arg11[%dma_start3A_204, %dma_start3A_205] : memref<128x128xf32, #tpu.memory_space<vmem>> -> memref<32x128xf32, #tpu.memory_space<vmem>>
        %dma_start3A_207 = arith.constant 96 : i32
        %dma_start3A_208 = tpu.memref_slice %arg9[%dma_start3A_203, %dma_start3A_207] : memref<2x128xi32, #tpu.memory_space<vmem>> -> memref<1x32xi32, #tpu.memory_space<vmem>>
        %dma_start3A_209 = tpu.memref_squeeze %dma_start3A_208 : memref<1x32xi32, #tpu.memory_space<vmem>> -> memref<32xi32, #tpu.memory_space<vmem>>
        %dma_start3A_210 = arith.constant 0 : i32
        %dma_start3A_211 = arith.constant 0 : i32
        %dma_start3A_212 = tpu.memref_slice %arg2[%dma_start3A_210, %dma_start3A_211] : memref<10112x128xf32, #tpu.memory_space<hbm>> -> memref<10112x128xf32, #tpu.memory_space<hbm>>
        tpu.enqueue_indirect_dma source(%dma_start3A_212 : memref<10112x128xf32, #tpu.memory_space<hbm>>) target(%dma_start3A_206 : memref<32x128xf32, #tpu.memory_space<vmem>>) offsets(%dma_start3A_209 : memref<32xi32, #tpu.memory_space<vmem>>) semaphore(%arg17 : memref<!tpu.dma_semaphore, #tpu.memory_space<semaphore_mem>>)
      } else {
      }
      %lt3A_121 = arith.cmpi slt, %add3A_108, %select_n3A_8 : i32
      %convert_element_type3A_122 = arith.extui %lt3A_121 : i1 to i32
      %cond3A_123 = arith.constant 0 : i32
      %cond3A_124 = arith.cmpi ne, %convert_element_type3A_122, %cond3A_123 : i32
      scf.if %cond3A_124 {
        %dma_wait3A_165 = arith.constant 0 : i32
        %dma_wait3A_166 = arith.constant 0 : i32
        %dma_wait3A_167 = tpu.memref_slice %arg2[%dma_wait3A_165, %dma_wait3A_166] : memref<10112x128xf32, #tpu.memory_space<hbm>> -> memref<128x128xf32, #tpu.memory_space<hbm>>
        %dma_wait3A_168 = arith.constant 0 : i32
        %dma_wait3A_169 = arith.constant 0 : i32
        %dma_wait3A_170 = tpu.memref_slice %arg2[%dma_wait3A_168, %dma_wait3A_169] : memref<10112x128xf32, #tpu.memory_space<hbm>> -> memref<128x128xf32, #tpu.memory_space<hbm>>
        tpu.wait_dma2 semaphore(%arg18 : memref<!tpu.dma_semaphore, #tpu.memory_space<semaphore_mem>>) src(%dma_wait3A_170 : memref<128x128xf32, #tpu.memory_space<hbm>>) dst(%arg12 : memref<128x128xf32, #tpu.memory_space<vmem>>)
        %run_scoped3A = arith.constant 1 : i32
        "tpu.region"() ({
          %run_scoped3A_171 = tpu.sem_alloc : memref<!tpu.dma_semaphore, #tpu.memory_space<semaphore_mem>>
          %dma_start3A_172 = arith.constant 0 : i32
          %dma_start3A_173 = tpu.memref_slice %arg8[%run_scoped3A, %dma_start3A_172] : memref<2x128xi32, #tpu.memory_space<vmem>> -> memref<1x128xi32, #tpu.memory_space<vmem>>
          %dma_start3A_174 = tpu.memref_squeeze %dma_start3A_173 : memref<1x128xi32, #tpu.memory_space<vmem>> -> memref<128xi32, #tpu.memory_space<vmem>>
          %dma_start3A_175 = arith.constant 0 : i32
          %dma_start3A_176 = arith.constant 0 : i32
          %dma_start3A_177 = tpu.memref_slice %arg6[%dma_start3A_175, %dma_start3A_176] : memref<10112x128xf32, #tpu.memory_space<vmem_shared>> -> memref<10112x128xf32, #tpu.memory_space<vmem_shared>>
          tpu.enqueue_indirect_dma source(%arg12 : memref<128x128xf32, #tpu.memory_space<vmem>>) target(%dma_start3A_177 : memref<10112x128xf32, #tpu.memory_space<vmem_shared>>) offsets(%dma_start3A_174 : memref<128xi32, #tpu.memory_space<vmem>>) semaphore(%run_scoped3A_171 : memref<!tpu.dma_semaphore, #tpu.memory_space<semaphore_mem>>) {add = true}
          %dma_wait3A_178 = arith.constant 0 : i32
          %dma_wait3A_179 = tpu.memref_slice %arg8[%run_scoped3A, %dma_wait3A_178] : memref<2x128xi32, #tpu.memory_space<vmem>> -> memref<1x128xi32, #tpu.memory_space<vmem>>
          %dma_wait3A_180 = tpu.memref_squeeze %dma_wait3A_179 : memref<1x128xi32, #tpu.memory_space<vmem>> -> memref<128xi32, #tpu.memory_space<vmem>>
          %dma_wait3A_181 = arith.constant 0 : i32
          %dma_wait3A_182 = arith.constant 0 : i32
          %dma_wait3A_183 = tpu.memref_slice %arg6[%dma_wait3A_181, %dma_wait3A_182] : memref<10112x128xf32, #tpu.memory_space<vmem_shared>> -> memref<10112x128xf32, #tpu.memory_space<vmem_shared>>
          tpu.wait_indirect_dma semaphore(%run_scoped3A_171 : memref<!tpu.dma_semaphore, #tpu.memory_space<semaphore_mem>>) src(%arg12 : memref<128x128xf32, #tpu.memory_space<vmem>>) dst(%dma_wait3A_183 : memref<10112x128xf32, #tpu.memory_space<vmem_shared>>)
          tpu.yield
        }) : () -> ()
      } else {
      }
      %mul3A_125 = arith.constant 4 : i32
      %mul3A_126 = arith.muli %scan3A_87, %mul3A_125 : i32
      %add3A_127 = arith.constant 2 : i32
      %add3A_128 = arith.addi %mul3A_126, %add3A_127 : i32
      %add3A_129 = arith.constant 2 : i32
      %add3A_130 = arith.addi %add3A_128, %add3A_129 : i32
      %lt3A_131 = arith.cmpi slt, %add3A_130, %select_n3A_8 : i32
      %convert_element_type3A_132 = arith.extui %lt3A_131 : i1 to i32
      %cond3A_133 = arith.constant 0 : i32
      %cond3A_134 = arith.cmpi ne, %convert_element_type3A_132, %cond3A_133 : i32
      scf.if %cond3A_134 {
        %add3A_165 = arith.addi %select_n3A, %add3A_128 : i32
        %add3A_166 = arith.constant 2 : i32
        %add3A_167 = arith.addi %add3A_165, %add3A_166 : i32
        %dma_start3A_168 = arith.constant 0 : i32
        %dma_start3A_169 = arith.constant 0 : i32
        %dma_start3A_170 = tpu.memref_slice %arg3[%add3A_167, %dma_start3A_168, %dma_start3A_169] : memref<2640x2x128xi32, #tpu.memory_space<hbm>> -> memref<1x2x128xi32, #tpu.memory_space<hbm>>
        %dma_start3A_171 = tpu.memref_squeeze %dma_start3A_170 : memref<1x2x128xi32, #tpu.memory_space<hbm>> -> memref<2x128xi32, #tpu.memory_space<hbm>>
        %dma_start3A_172 = arith.constant 0 : i32
        %dma_start3A_173 = arith.constant 0 : i32
        %dma_start3A_174 = tpu.memref_slice %arg3[%add3A_167, %dma_start3A_172, %dma_start3A_173] : memref<2640x2x128xi32, #tpu.memory_space<hbm>> -> memref<1x2x128xi32, #tpu.memory_space<hbm>>
        %dma_start3A_175 = tpu.memref_squeeze %dma_start3A_174 : memref<1x2x128xi32, #tpu.memory_space<hbm>> -> memref<2x128xi32, #tpu.memory_space<hbm>>
        tpu.enqueue_dma source(%dma_start3A_175 : memref<2x128xi32, #tpu.memory_space<hbm>>) target(%arg7 : memref<2x128xi32, #tpu.memory_space<vmem>>) target_semaphore(%arg13 : memref<!tpu.dma_semaphore, #tpu.memory_space<semaphore_mem>>)
      } else {
      }
      %add3A_135 = arith.constant 1 : i32
      %add3A_136 = arith.addi %add3A_128, %add3A_135 : i32
      %lt3A_137 = arith.cmpi slt, %add3A_136, %select_n3A_8 : i32
      %convert_element_type3A_138 = arith.extui %lt3A_137 : i1 to i32
      %cond3A_139 = arith.constant 0 : i32
      %cond3A_140 = arith.cmpi ne, %convert_element_type3A_138, %cond3A_139 : i32
      scf.if %cond3A_140 {
        %dma_wait3A_165 = arith.constant 0 : i32
        %dma_wait3A_166 = arith.constant 0 : i32
        %dma_wait3A_167 = tpu.memref_slice %arg3[%select_n3A, %dma_wait3A_165, %dma_wait3A_166] : memref<2640x2x128xi32, #tpu.memory_space<hbm>> -> memref<1x2x128xi32, #tpu.memory_space<hbm>>
        %dma_wait3A_168 = tpu.memref_squeeze %dma_wait3A_167 : memref<1x2x128xi32, #tpu.memory_space<hbm>> -> memref<2x128xi32, #tpu.memory_space<hbm>>
        %dma_wait3A_169 = arith.constant 0 : i32
        %dma_wait3A_170 = arith.constant 0 : i32
        %dma_wait3A_171 = tpu.memref_slice %arg3[%select_n3A, %dma_wait3A_169, %dma_wait3A_170] : memref<2640x2x128xi32, #tpu.memory_space<hbm>> -> memref<1x2x128xi32, #tpu.memory_space<hbm>>
        %dma_wait3A_172 = tpu.memref_squeeze %dma_wait3A_171 : memref<1x2x128xi32, #tpu.memory_space<hbm>> -> memref<2x128xi32, #tpu.memory_space<hbm>>
        tpu.wait_dma2 semaphore(%arg16 : memref<!tpu.dma_semaphore, #tpu.memory_space<semaphore_mem>>) src(%dma_wait3A_172 : memref<2x128xi32, #tpu.memory_space<hbm>>) dst(%arg10 : memref<2x128xi32, #tpu.memory_space<vmem>>)
        %dma_start3A_173 = arith.constant 0 : i32
        %dma_start3A_174 = arith.constant 0 : i32
        %dma_start3A_175 = arith.constant 0 : i32
        %dma_start3A_176 = tpu.memref_slice %arg12[%dma_start3A_174, %dma_start3A_175] : memref<128x128xf32, #tpu.memory_space<vmem>> -> memref<32x128xf32, #tpu.memory_space<vmem>>
        %dma_start3A_177 = arith.constant 0 : i32
        %dma_start3A_178 = tpu.memref_slice %arg10[%dma_start3A_173, %dma_start3A_177] : memref<2x128xi32, #tpu.memory_space<vmem>> -> memref<1x32xi32, #tpu.memory_space<vmem>>
        %dma_start3A_179 = tpu.memref_squeeze %dma_start3A_178 : memref<1x32xi32, #tpu.memory_space<vmem>> -> memref<32xi32, #tpu.memory_space<vmem>>
        %dma_start3A_180 = arith.constant 0 : i32
        %dma_start3A_181 = arith.constant 0 : i32
        %dma_start3A_182 = tpu.memref_slice %arg2[%dma_start3A_180, %dma_start3A_181] : memref<10112x128xf32, #tpu.memory_space<hbm>> -> memref<10112x128xf32, #tpu.memory_space<hbm>>
        tpu.enqueue_indirect_dma source(%dma_start3A_182 : memref<10112x128xf32, #tpu.memory_space<hbm>>) target(%dma_start3A_176 : memref<32x128xf32, #tpu.memory_space<vmem>>) offsets(%dma_start3A_179 : memref<32xi32, #tpu.memory_space<vmem>>) semaphore(%arg18 : memref<!tpu.dma_semaphore, #tpu.memory_space<semaphore_mem>>)
        %dma_start3A_183 = arith.constant 0 : i32
        %dma_start3A_184 = arith.constant 32 : i32
        %dma_start3A_185 = arith.constant 0 : i32
        %dma_start3A_186 = tpu.memref_slice %arg12[%dma_start3A_184, %dma_start3A_185] : memref<128x128xf32, #tpu.memory_space<vmem>> -> memref<32x128xf32, #tpu.memory_space<vmem>>
        %dma_start3A_187 = arith.constant 32 : i32
        %dma_start3A_188 = tpu.memref_slice %arg10[%dma_start3A_183, %dma_start3A_187] : memref<2x128xi32, #tpu.memory_space<vmem>> -> memref<1x32xi32, #tpu.memory_space<vmem>>
        %dma_start3A_189 = tpu.memref_squeeze %dma_start3A_188 : memref<1x32xi32, #tpu.memory_space<vmem>> -> memref<32xi32, #tpu.memory_space<vmem>>
        %dma_start3A_190 = arith.constant 0 : i32
        %dma_start3A_191 = arith.constant 0 : i32
        %dma_start3A_192 = tpu.memref_slice %arg2[%dma_start3A_190, %dma_start3A_191] : memref<10112x128xf32, #tpu.memory_space<hbm>> -> memref<10112x128xf32, #tpu.memory_space<hbm>>
        tpu.enqueue_indirect_dma source(%dma_start3A_192 : memref<10112x128xf32, #tpu.memory_space<hbm>>) target(%dma_start3A_186 : memref<32x128xf32, #tpu.memory_space<vmem>>) offsets(%dma_start3A_189 : memref<32xi32, #tpu.memory_space<vmem>>) semaphore(%arg18 : memref<!tpu.dma_semaphore, #tpu.memory_space<semaphore_mem>>)
        %dma_start3A_193 = arith.constant 0 : i32
        %dma_start3A_194 = arith.constant 64 : i32
        %dma_start3A_195 = arith.constant 0 : i32
        %dma_start3A_196 = tpu.memref_slice %arg12[%dma_start3A_194, %dma_start3A_195] : memref<128x128xf32, #tpu.memory_space<vmem>> -> memref<32x128xf32, #tpu.memory_space<vmem>>
        %dma_start3A_197 = arith.constant 64 : i32
        %dma_start3A_198 = tpu.memref_slice %arg10[%dma_start3A_193, %dma_start3A_197] : memref<2x128xi32, #tpu.memory_space<vmem>> -> memref<1x32xi32, #tpu.memory_space<vmem>>
        %dma_start3A_199 = tpu.memref_squeeze %dma_start3A_198 : memref<1x32xi32, #tpu.memory_space<vmem>> -> memref<32xi32, #tpu.memory_space<vmem>>
        %dma_start3A_200 = arith.constant 0 : i32
        %dma_start3A_201 = arith.constant 0 : i32
        %dma_start3A_202 = tpu.memref_slice %arg2[%dma_start3A_200, %dma_start3A_201] : memref<10112x128xf32, #tpu.memory_space<hbm>> -> memref<10112x128xf32, #tpu.memory_space<hbm>>
        tpu.enqueue_indirect_dma source(%dma_start3A_202 : memref<10112x128xf32, #tpu.memory_space<hbm>>) target(%dma_start3A_196 : memref<32x128xf32, #tpu.memory_space<vmem>>) offsets(%dma_start3A_199 : memref<32xi32, #tpu.memory_space<vmem>>) semaphore(%arg18 : memref<!tpu.dma_semaphore, #tpu.memory_space<semaphore_mem>>)
        %dma_start3A_203 = arith.constant 0 : i32
        %dma_start3A_204 = arith.constant 96 : i32
        %dma_start3A_205 = arith.constant 0 : i32
        %dma_start3A_206 = tpu.memref_slice %arg12[%dma_start3A_204, %dma_start3A_205] : memref<128x128xf32, #tpu.memory_space<vmem>> -> memref<32x128xf32, #tpu.memory_space<vmem>>
        %dma_start3A_207 = arith.constant 96 : i32
        %dma_start3A_208 = tpu.memref_slice %arg10[%dma_start3A_203, %dma_start3A_207] : memref<2x128xi32, #tpu.memory_space<vmem>> -> memref<1x32xi32, #tpu.memory_space<vmem>>
        %dma_start3A_209 = tpu.memref_squeeze %dma_start3A_208 : memref<1x32xi32, #tpu.memory_space<vmem>> -> memref<32xi32, #tpu.memory_space<vmem>>
        %dma_start3A_210 = arith.constant 0 : i32
        %dma_start3A_211 = arith.constant 0 : i32
        %dma_start3A_212 = tpu.memref_slice %arg2[%dma_start3A_210, %dma_start3A_211] : memref<10112x128xf32, #tpu.memory_space<hbm>> -> memref<10112x128xf32, #tpu.memory_space<hbm>>
        tpu.enqueue_indirect_dma source(%dma_start3A_212 : memref<10112x128xf32, #tpu.memory_space<hbm>>) target(%dma_start3A_206 : memref<32x128xf32, #tpu.memory_space<vmem>>) offsets(%dma_start3A_209 : memref<32xi32, #tpu.memory_space<vmem>>) semaphore(%arg18 : memref<!tpu.dma_semaphore, #tpu.memory_space<semaphore_mem>>)
      } else {
      }
      %lt3A_141 = arith.cmpi slt, %add3A_128, %select_n3A_8 : i32
      %convert_element_type3A_142 = arith.extui %lt3A_141 : i1 to i32
      %cond3A_143 = arith.constant 0 : i32
      %cond3A_144 = arith.cmpi ne, %convert_element_type3A_142, %cond3A_143 : i32
      scf.if %cond3A_144 {
        %dma_wait3A_165 = arith.constant 0 : i32
        %dma_wait3A_166 = arith.constant 0 : i32
        %dma_wait3A_167 = tpu.memref_slice %arg2[%dma_wait3A_165, %dma_wait3A_166] : memref<10112x128xf32, #tpu.memory_space<hbm>> -> memref<128x128xf32, #tpu.memory_space<hbm>>
        %dma_wait3A_168 = arith.constant 0 : i32
        %dma_wait3A_169 = arith.constant 0 : i32
        %dma_wait3A_170 = tpu.memref_slice %arg2[%dma_wait3A_168, %dma_wait3A_169] : memref<10112x128xf32, #tpu.memory_space<hbm>> -> memref<128x128xf32, #tpu.memory_space<hbm>>
        tpu.wait_dma2 semaphore(%arg17 : memref<!tpu.dma_semaphore, #tpu.memory_space<semaphore_mem>>) src(%dma_wait3A_170 : memref<128x128xf32, #tpu.memory_space<hbm>>) dst(%arg11 : memref<128x128xf32, #tpu.memory_space<vmem>>)
        %run_scoped3A = arith.constant 1 : i32
        "tpu.region"() ({
          %run_scoped3A_171 = tpu.sem_alloc : memref<!tpu.dma_semaphore, #tpu.memory_space<semaphore_mem>>
          %dma_start3A_172 = arith.constant 0 : i32
          %dma_start3A_173 = tpu.memref_slice %arg9[%run_scoped3A, %dma_start3A_172] : memref<2x128xi32, #tpu.memory_space<vmem>> -> memref<1x128xi32, #tpu.memory_space<vmem>>
          %dma_start3A_174 = tpu.memref_squeeze %dma_start3A_173 : memref<1x128xi32, #tpu.memory_space<vmem>> -> memref<128xi32, #tpu.memory_space<vmem>>
          %dma_start3A_175 = arith.constant 0 : i32
          %dma_start3A_176 = arith.constant 0 : i32
          %dma_start3A_177 = tpu.memref_slice %arg6[%dma_start3A_175, %dma_start3A_176] : memref<10112x128xf32, #tpu.memory_space<vmem_shared>> -> memref<10112x128xf32, #tpu.memory_space<vmem_shared>>
          tpu.enqueue_indirect_dma source(%arg11 : memref<128x128xf32, #tpu.memory_space<vmem>>) target(%dma_start3A_177 : memref<10112x128xf32, #tpu.memory_space<vmem_shared>>) offsets(%dma_start3A_174 : memref<128xi32, #tpu.memory_space<vmem>>) semaphore(%run_scoped3A_171 : memref<!tpu.dma_semaphore, #tpu.memory_space<semaphore_mem>>) {add = true}
          %dma_wait3A_178 = arith.constant 0 : i32
          %dma_wait3A_179 = tpu.memref_slice %arg9[%run_scoped3A, %dma_wait3A_178] : memref<2x128xi32, #tpu.memory_space<vmem>> -> memref<1x128xi32, #tpu.memory_space<vmem>>
          %dma_wait3A_180 = tpu.memref_squeeze %dma_wait3A_179 : memref<1x128xi32, #tpu.memory_space<vmem>> -> memref<128xi32, #tpu.memory_space<vmem>>
          %dma_wait3A_181 = arith.constant 0 : i32
          %dma_wait3A_182 = arith.constant 0 : i32
          %dma_wait3A_183 = tpu.memref_slice %arg6[%dma_wait3A_181, %dma_wait3A_182] : memref<10112x128xf32, #tpu.memory_space<vmem_shared>> -> memref<10112x128xf32, #tpu.memory_space<vmem_shared>>
          tpu.wait_indirect_dma semaphore(%run_scoped3A_171 : memref<!tpu.dma_semaphore, #tpu.memory_space<semaphore_mem>>) src(%arg11 : memref<128x128xf32, #tpu.memory_space<vmem>>) dst(%dma_wait3A_183 : memref<10112x128xf32, #tpu.memory_space<vmem_shared>>)
          tpu.yield
        }) : () -> ()
      } else {
      }
      %mul3A_145 = arith.constant 4 : i32
      %mul3A_146 = arith.muli %scan3A_87, %mul3A_145 : i32
      %add3A_147 = arith.constant 3 : i32
      %add3A_148 = arith.addi %mul3A_146, %add3A_147 : i32
      %add3A_149 = arith.constant 2 : i32
      %add3A_150 = arith.addi %add3A_148, %add3A_149 : i32
      %lt3A_151 = arith.cmpi slt, %add3A_150, %select_n3A_8 : i32
      %convert_element_type3A_152 = arith.extui %lt3A_151 : i1 to i32
      %cond3A_153 = arith.constant 0 : i32
      %cond3A_154 = arith.cmpi ne, %convert_element_type3A_152, %cond3A_153 : i32
      scf.if %cond3A_154 {
        %add3A_165 = arith.addi %select_n3A, %add3A_148 : i32
        %add3A_166 = arith.constant 2 : i32
        %add3A_167 = arith.addi %add3A_165, %add3A_166 : i32
        %dma_start3A_168 = arith.constant 0 : i32
        %dma_start3A_169 = arith.constant 0 : i32
        %dma_start3A_170 = tpu.memref_slice %arg3[%add3A_167, %dma_start3A_168, %dma_start3A_169] : memref<2640x2x128xi32, #tpu.memory_space<hbm>> -> memref<1x2x128xi32, #tpu.memory_space<hbm>>
        %dma_start3A_171 = tpu.memref_squeeze %dma_start3A_170 : memref<1x2x128xi32, #tpu.memory_space<hbm>> -> memref<2x128xi32, #tpu.memory_space<hbm>>
        %dma_start3A_172 = arith.constant 0 : i32
        %dma_start3A_173 = arith.constant 0 : i32
        %dma_start3A_174 = tpu.memref_slice %arg3[%add3A_167, %dma_start3A_172, %dma_start3A_173] : memref<2640x2x128xi32, #tpu.memory_space<hbm>> -> memref<1x2x128xi32, #tpu.memory_space<hbm>>
        %dma_start3A_175 = tpu.memref_squeeze %dma_start3A_174 : memref<1x2x128xi32, #tpu.memory_space<hbm>> -> memref<2x128xi32, #tpu.memory_space<hbm>>
        tpu.enqueue_dma source(%dma_start3A_175 : memref<2x128xi32, #tpu.memory_space<hbm>>) target(%arg8 : memref<2x128xi32, #tpu.memory_space<vmem>>) target_semaphore(%arg14 : memref<!tpu.dma_semaphore, #tpu.memory_space<semaphore_mem>>)
      } else {
      }
      %add3A_155 = arith.constant 1 : i32
      %add3A_156 = arith.addi %add3A_148, %add3A_155 : i32
      %lt3A_157 = arith.cmpi slt, %add3A_156, %select_n3A_8 : i32
      %convert_element_type3A_158 = arith.extui %lt3A_157 : i1 to i32
      %cond3A_159 = arith.constant 0 : i32
      %cond3A_160 = arith.cmpi ne, %convert_element_type3A_158, %cond3A_159 : i32
      scf.if %cond3A_160 {
        %dma_wait3A_165 = arith.constant 0 : i32
        %dma_wait3A_166 = arith.constant 0 : i32
        %dma_wait3A_167 = tpu.memref_slice %arg3[%select_n3A, %dma_wait3A_165, %dma_wait3A_166] : memref<2640x2x128xi32, #tpu.memory_space<hbm>> -> memref<1x2x128xi32, #tpu.memory_space<hbm>>
        %dma_wait3A_168 = tpu.memref_squeeze %dma_wait3A_167 : memref<1x2x128xi32, #tpu.memory_space<hbm>> -> memref<2x128xi32, #tpu.memory_space<hbm>>
        %dma_wait3A_169 = arith.constant 0 : i32
        %dma_wait3A_170 = arith.constant 0 : i32
        %dma_wait3A_171 = tpu.memref_slice %arg3[%select_n3A, %dma_wait3A_169, %dma_wait3A_170] : memref<2640x2x128xi32, #tpu.memory_space<hbm>> -> memref<1x2x128xi32, #tpu.memory_space<hbm>>
        %dma_wait3A_172 = tpu.memref_squeeze %dma_wait3A_171 : memref<1x2x128xi32, #tpu.memory_space<hbm>> -> memref<2x128xi32, #tpu.memory_space<hbm>>
        tpu.wait_dma2 semaphore(%arg13 : memref<!tpu.dma_semaphore, #tpu.memory_space<semaphore_mem>>) src(%dma_wait3A_172 : memref<2x128xi32, #tpu.memory_space<hbm>>) dst(%arg7 : memref<2x128xi32, #tpu.memory_space<vmem>>)
        %dma_start3A_173 = arith.constant 0 : i32
        %dma_start3A_174 = arith.constant 0 : i32
        %dma_start3A_175 = arith.constant 0 : i32
        %dma_start3A_176 = tpu.memref_slice %arg11[%dma_start3A_174, %dma_start3A_175] : memref<128x128xf32, #tpu.memory_space<vmem>> -> memref<32x128xf32, #tpu.memory_space<vmem>>
        %dma_start3A_177 = arith.constant 0 : i32
        %dma_start3A_178 = tpu.memref_slice %arg7[%dma_start3A_173, %dma_start3A_177] : memref<2x128xi32, #tpu.memory_space<vmem>> -> memref<1x32xi32, #tpu.memory_space<vmem>>
        %dma_start3A_179 = tpu.memref_squeeze %dma_start3A_178 : memref<1x32xi32, #tpu.memory_space<vmem>> -> memref<32xi32, #tpu.memory_space<vmem>>
        %dma_start3A_180 = arith.constant 0 : i32
        %dma_start3A_181 = arith.constant 0 : i32
        %dma_start3A_182 = tpu.memref_slice %arg2[%dma_start3A_180, %dma_start3A_181] : memref<10112x128xf32, #tpu.memory_space<hbm>> -> memref<10112x128xf32, #tpu.memory_space<hbm>>
        tpu.enqueue_indirect_dma source(%dma_start3A_182 : memref<10112x128xf32, #tpu.memory_space<hbm>>) target(%dma_start3A_176 : memref<32x128xf32, #tpu.memory_space<vmem>>) offsets(%dma_start3A_179 : memref<32xi32, #tpu.memory_space<vmem>>) semaphore(%arg17 : memref<!tpu.dma_semaphore, #tpu.memory_space<semaphore_mem>>)
        %dma_start3A_183 = arith.constant 0 : i32
        %dma_start3A_184 = arith.constant 32 : i32
        %dma_start3A_185 = arith.constant 0 : i32
        %dma_start3A_186 = tpu.memref_slice %arg11[%dma_start3A_184, %dma_start3A_185] : memref<128x128xf32, #tpu.memory_space<vmem>> -> memref<32x128xf32, #tpu.memory_space<vmem>>
        %dma_start3A_187 = arith.constant 32 : i32
        %dma_start3A_188 = tpu.memref_slice %arg7[%dma_start3A_183, %dma_start3A_187] : memref<2x128xi32, #tpu.memory_space<vmem>> -> memref<1x32xi32, #tpu.memory_space<vmem>>
        %dma_start3A_189 = tpu.memref_squeeze %dma_start3A_188 : memref<1x32xi32, #tpu.memory_space<vmem>> -> memref<32xi32, #tpu.memory_space<vmem>>
        %dma_start3A_190 = arith.constant 0 : i32
        %dma_start3A_191 = arith.constant 0 : i32
        %dma_start3A_192 = tpu.memref_slice %arg2[%dma_start3A_190, %dma_start3A_191] : memref<10112x128xf32, #tpu.memory_space<hbm>> -> memref<10112x128xf32, #tpu.memory_space<hbm>>
        tpu.enqueue_indirect_dma source(%dma_start3A_192 : memref<10112x128xf32, #tpu.memory_space<hbm>>) target(%dma_start3A_186 : memref<32x128xf32, #tpu.memory_space<vmem>>) offsets(%dma_start3A_189 : memref<32xi32, #tpu.memory_space<vmem>>) semaphore(%arg17 : memref<!tpu.dma_semaphore, #tpu.memory_space<semaphore_mem>>)
        %dma_start3A_193 = arith.constant 0 : i32
        %dma_start3A_194 = arith.constant 64 : i32
        %dma_start3A_195 = arith.constant 0 : i32
        %dma_start3A_196 = tpu.memref_slice %arg11[%dma_start3A_194, %dma_start3A_195] : memref<128x128xf32, #tpu.memory_space<vmem>> -> memref<32x128xf32, #tpu.memory_space<vmem>>
        %dma_start3A_197 = arith.constant 64 : i32
        %dma_start3A_198 = tpu.memref_slice %arg7[%dma_start3A_193, %dma_start3A_197] : memref<2x128xi32, #tpu.memory_space<vmem>> -> memref<1x32xi32, #tpu.memory_space<vmem>>
        %dma_start3A_199 = tpu.memref_squeeze %dma_start3A_198 : memref<1x32xi32, #tpu.memory_space<vmem>> -> memref<32xi32, #tpu.memory_space<vmem>>
        %dma_start3A_200 = arith.constant 0 : i32
        %dma_start3A_201 = arith.constant 0 : i32
        %dma_start3A_202 = tpu.memref_slice %arg2[%dma_start3A_200, %dma_start3A_201] : memref<10112x128xf32, #tpu.memory_space<hbm>> -> memref<10112x128xf32, #tpu.memory_space<hbm>>
        tpu.enqueue_indirect_dma source(%dma_start3A_202 : memref<10112x128xf32, #tpu.memory_space<hbm>>) target(%dma_start3A_196 : memref<32x128xf32, #tpu.memory_space<vmem>>) offsets(%dma_start3A_199 : memref<32xi32, #tpu.memory_space<vmem>>) semaphore(%arg17 : memref<!tpu.dma_semaphore, #tpu.memory_space<semaphore_mem>>)
        %dma_start3A_203 = arith.constant 0 : i32
        %dma_start3A_204 = arith.constant 96 : i32
        %dma_start3A_205 = arith.constant 0 : i32
        %dma_start3A_206 = tpu.memref_slice %arg11[%dma_start3A_204, %dma_start3A_205] : memref<128x128xf32, #tpu.memory_space<vmem>> -> memref<32x128xf32, #tpu.memory_space<vmem>>
        %dma_start3A_207 = arith.constant 96 : i32
        %dma_start3A_208 = tpu.memref_slice %arg7[%dma_start3A_203, %dma_start3A_207] : memref<2x128xi32, #tpu.memory_space<vmem>> -> memref<1x32xi32, #tpu.memory_space<vmem>>
        %dma_start3A_209 = tpu.memref_squeeze %dma_start3A_208 : memref<1x32xi32, #tpu.memory_space<vmem>> -> memref<32xi32, #tpu.memory_space<vmem>>
        %dma_start3A_210 = arith.constant 0 : i32
        %dma_start3A_211 = arith.constant 0 : i32
        %dma_start3A_212 = tpu.memref_slice %arg2[%dma_start3A_210, %dma_start3A_211] : memref<10112x128xf32, #tpu.memory_space<hbm>> -> memref<10112x128xf32, #tpu.memory_space<hbm>>
        tpu.enqueue_indirect_dma source(%dma_start3A_212 : memref<10112x128xf32, #tpu.memory_space<hbm>>) target(%dma_start3A_206 : memref<32x128xf32, #tpu.memory_space<vmem>>) offsets(%dma_start3A_209 : memref<32xi32, #tpu.memory_space<vmem>>) semaphore(%arg17 : memref<!tpu.dma_semaphore, #tpu.memory_space<semaphore_mem>>)
      } else {
      }
      %lt3A_161 = arith.cmpi slt, %add3A_148, %select_n3A_8 : i32
      %convert_element_type3A_162 = arith.extui %lt3A_161 : i1 to i32
      %cond3A_163 = arith.constant 0 : i32
      %cond3A_164 = arith.cmpi ne, %convert_element_type3A_162, %cond3A_163 : i32
      scf.if %cond3A_164 {
        %dma_wait3A_165 = arith.constant 0 : i32
        %dma_wait3A_166 = arith.constant 0 : i32
        %dma_wait3A_167 = tpu.memref_slice %arg2[%dma_wait3A_165, %dma_wait3A_166] : memref<10112x128xf32, #tpu.memory_space<hbm>> -> memref<128x128xf32, #tpu.memory_space<hbm>>
        %dma_wait3A_168 = arith.constant 0 : i32
        %dma_wait3A_169 = arith.constant 0 : i32
        %dma_wait3A_170 = tpu.memref_slice %arg2[%dma_wait3A_168, %dma_wait3A_169] : memref<10112x128xf32, #tpu.memory_space<hbm>> -> memref<128x128xf32, #tpu.memory_space<hbm>>
        tpu.wait_dma2 semaphore(%arg18 : memref<!tpu.dma_semaphore, #tpu.memory_space<semaphore_mem>>) src(%dma_wait3A_170 : memref<128x128xf32, #tpu.memory_space<hbm>>) dst(%arg12 : memref<128x128xf32, #tpu.memory_space<vmem>>)
        %run_scoped3A = arith.constant 1 : i32
        "tpu.region"() ({
          %run_scoped3A_171 = tpu.sem_alloc : memref<!tpu.dma_semaphore, #tpu.memory_space<semaphore_mem>>
          %dma_start3A_172 = arith.constant 0 : i32
          %dma_start3A_173 = tpu.memref_slice %arg10[%run_scoped3A, %dma_start3A_172] : memref<2x128xi32, #tpu.memory_space<vmem>> -> memref<1x128xi32, #tpu.memory_space<vmem>>
          %dma_start3A_174 = tpu.memref_squeeze %dma_start3A_173 : memref<1x128xi32, #tpu.memory_space<vmem>> -> memref<128xi32, #tpu.memory_space<vmem>>
          %dma_start3A_175 = arith.constant 0 : i32
          %dma_start3A_176 = arith.constant 0 : i32
          %dma_start3A_177 = tpu.memref_slice %arg6[%dma_start3A_175, %dma_start3A_176] : memref<10112x128xf32, #tpu.memory_space<vmem_shared>> -> memref<10112x128xf32, #tpu.memory_space<vmem_shared>>
          tpu.enqueue_indirect_dma source(%arg12 : memref<128x128xf32, #tpu.memory_space<vmem>>) target(%dma_start3A_177 : memref<10112x128xf32, #tpu.memory_space<vmem_shared>>) offsets(%dma_start3A_174 : memref<128xi32, #tpu.memory_space<vmem>>) semaphore(%run_scoped3A_171 : memref<!tpu.dma_semaphore, #tpu.memory_space<semaphore_mem>>) {add = true}
          %dma_wait3A_178 = arith.constant 0 : i32
          %dma_wait3A_179 = tpu.memref_slice %arg10[%run_scoped3A, %dma_wait3A_178] : memref<2x128xi32, #tpu.memory_space<vmem>> -> memref<1x128xi32, #tpu.memory_space<vmem>>
          %dma_wait3A_180 = tpu.memref_squeeze %dma_wait3A_179 : memref<1x128xi32, #tpu.memory_space<vmem>> -> memref<128xi32, #tpu.memory_space<vmem>>
          %dma_wait3A_181 = arith.constant 0 : i32
          %dma_wait3A_182 = arith.constant 0 : i32
          %dma_wait3A_183 = tpu.memref_slice %arg6[%dma_wait3A_181, %dma_wait3A_182] : memref<10112x128xf32, #tpu.memory_space<vmem_shared>> -> memref<10112x128xf32, #tpu.memory_space<vmem_shared>>
          tpu.wait_indirect_dma semaphore(%run_scoped3A_171 : memref<!tpu.dma_semaphore, #tpu.memory_space<semaphore_mem>>) src(%arg12 : memref<128x128xf32, #tpu.memory_space<vmem>>) dst(%dma_wait3A_183 : memref<10112x128xf32, #tpu.memory_space<vmem_shared>>)
          tpu.yield
        }) : () -> ()
      } else {
      }
    }
    %scan3A_81 = arith.constant 20 : i32
    %barrier3A_82 = arith.constant 0 : index
    tpu.barrier barrier_id(%barrier3A_82)
    %mul3A_83 = arith.constant 632 : i32
    %mul3A_84 = arith.muli %arg1, %mul3A_83 : i32
    %mul3A_85 = arith.constant 632 : i32
    %mul3A_86 = arith.muli %arg1, %mul3A_85 : i32
    "tpu.region"() ({
      %run_scoped3A = tpu.sem_alloc : memref<!tpu.dma_semaphore, #tpu.memory_space<semaphore_mem>>
      %dma_start3A_87 = arith.constant 0 : i32
      %dma_start3A_88 = tpu.memref_slice %arg5[%arg0, %mul3A_86, %dma_start3A_87] : memref<2x10112x128xf32, #tpu.memory_space<hbm>> -> memref<1x632x128xf32, #tpu.memory_space<hbm>>
      %dma_start3A_89 = tpu.memref_squeeze %dma_start3A_88 : memref<1x632x128xf32, #tpu.memory_space<hbm>> -> memref<632x128xf32, #tpu.memory_space<hbm>>
      %dma_start3A_90 = arith.constant 0 : i32
      %dma_start3A_91 = tpu.memref_slice %arg6[%mul3A_84, %dma_start3A_90] : memref<10112x128xf32, #tpu.memory_space<vmem_shared>> -> memref<632x128xf32, #tpu.memory_space<vmem_shared>>
      tpu.enqueue_dma source(%dma_start3A_91 : memref<632x128xf32, #tpu.memory_space<vmem_shared>>) target(%dma_start3A_89 : memref<632x128xf32, #tpu.memory_space<hbm>>) target_semaphore(%run_scoped3A : memref<!tpu.dma_semaphore, #tpu.memory_space<semaphore_mem>>)
      %dma_wait3A_92 = arith.constant 0 : i32
      %dma_wait3A_93 = tpu.memref_slice %arg5[%arg0, %mul3A_86, %dma_wait3A_92] : memref<2x10112x128xf32, #tpu.memory_space<hbm>> -> memref<1x632x128xf32, #tpu.memory_space<hbm>>
      %dma_wait3A_94 = tpu.memref_squeeze %dma_wait3A_93 : memref<1x632x128xf32, #tpu.memory_space<hbm>> -> memref<632x128xf32, #tpu.memory_space<hbm>>
      %dma_wait3A_95 = arith.constant 0 : i32
      %dma_wait3A_96 = tpu.memref_slice %arg6[%mul3A_84, %dma_wait3A_95] : memref<10112x128xf32, #tpu.memory_space<vmem_shared>> -> memref<632x128xf32, #tpu.memory_space<vmem_shared>>
      tpu.wait_dma2 semaphore(%run_scoped3A : memref<!tpu.dma_semaphore, #tpu.memory_space<semaphore_mem>>) src(%dma_wait3A_96 : memref<632x128xf32, #tpu.memory_space<vmem_shared>>) dst(%dma_wait3A_94 : memref<632x128xf32, #tpu.memory_space<hbm>>)
      tpu.yield
    }) : () -> ()
    return
  }
}

#map = affine_map<(d0, d1) -> (0, 0)>
#map1 = affine_map<(d0, d1) -> (0, 0, 0)>
module attributes {stable_mosaic.version = 14 : i64} {
  func.func @_scat_body(%arg0: i32, %arg1: i32, %arg2: memref<10112x128xf32, #tpu.memory_space<hbm>>, %arg3: memref<2640x2x128xi32, #tpu.memory_space<hbm>>, %arg4: memref<10112x128xf32, #tpu.memory_space<hbm>>, %arg5: memref<2x10112x128xf32, #tpu.memory_space<hbm>>, %arg6: memref<10112x128xf32, #tpu.memory_space<vmem_shared>>, %arg7: memref<2x128xi32, #tpu.memory_space<vmem>>, %arg8: memref<2x128xi32, #tpu.memory_space<vmem>>, %arg9: memref<2x128xi32, #tpu.memory_space<vmem>>, %arg10: memref<2x128xi32, #tpu.memory_space<vmem>>, %arg11: memref<128x128xf32, #tpu.memory_space<vmem>>, %arg12: memref<128x128xf32, #tpu.memory_space<vmem>>, %arg13: memref<!tpu.dma_semaphore, #tpu.memory_space<semaphore_mem>>, %arg14: memref<!tpu.dma_semaphore, #tpu.memory_space<semaphore_mem>>, %arg15: memref<!tpu.dma_semaphore, #tpu.memory_space<semaphore_mem>>, %arg16: memref<!tpu.dma_semaphore, #tpu.memory_space<semaphore_mem>>, %arg17: memref<!tpu.dma_semaphore, #tpu.memory_space<semaphore_mem>>, %arg18: memref<!tpu.dma_semaphore, #tpu.memory_space<semaphore_mem>>) attributes {dimension_semantics = [#tpu.dimension_semantics<core_parallel>, #tpu.dimension_semantics<subcore_parallel>], iteration_bounds = array<i64: 2, 16>, scalar_prefetch = 0 : i64, scratch_operands = 13 : i64, tpu.core_type = #tpu.core_type<sc_vector_subcore>, window_params = [{transform_indices = #map}, {transform_indices = #map1}, {transform_indices = #map}, {transform_indices = #map1}]} {
    %eq3A = arith.constant 0 : i32
    %eq3A_0 = arith.cmpi eq, %arg0, %eq3A : i32
    %mul3A = arith.constant 80 : i32
    %mul3A_1 = arith.muli %arg1, %mul3A : i32
    %mul3A_2 = arith.constant 80 : i32
    %mul3A_3 = arith.muli %arg1, %mul3A_2 : i32
    %add3A = arith.constant 1280 : i32
    %add3A_4 = arith.addi %add3A, %mul3A_3 : i32
    %select_n3A = arith.select %eq3A_0, %mul3A_1, %add3A_4 : i32
    %eq3A_5 = arith.constant 0 : i32
    %eq3A_6 = arith.cmpi eq, %arg0, %eq3A_5 : i32
    %jit3A = arith.constant 80 : i32
    %jit3A_7 = arith.constant 80 : i32
    %select_n3A_8 = arith.select %eq3A_6, %jit3A, %jit3A_7 : i32
    %mul3A_9 = arith.constant 632 : i32
    %mul3A_10 = arith.muli %arg1, %mul3A_9 : i32
    %mul3A_11 = arith.constant 632 : i32
    %mul3A_12 = arith.muli %arg1, %mul3A_11 : i32
    "tpu.region"() ({
      %run_scoped3A = tpu.sem_alloc : memref<!tpu.dma_semaphore, #tpu.memory_space<semaphore_mem>>
      %dma_start3A_87 = arith.constant 0 : i32
      %dma_start3A_88 = tpu.memref_slice %arg6[%mul3A_12, %dma_start3A_87] : memref<10112x128xf32, #tpu.memory_space<vmem_shared>> -> memref<632x128xf32, #tpu.memory_space<vmem_shared>>
      %dma_start3A_89 = arith.constant 0 : i32
      %dma_start3A_90 = tpu.memref_slice %arg4[%mul3A_10, %dma_start3A_89] : memref<10112x128xf32, #tpu.memory_space<hbm>> -> memref<632x128xf32, #tpu.memory_space<hbm>>
      tpu.enqueue_dma source(%dma_start3A_90 : memref<632x128xf32, #tpu.memory_space<hbm>>) target(%dma_start3A_88 : memref<632x128xf32, #tpu.memory_space<vmem_shared>>) target_semaphore(%run_scoped3A : memref<!tpu.dma_semaphore, #tpu.memory_space<semaphore_mem>>)
      %dma_wait3A_91 = arith.constant 0 : i32
      %dma_wait3A_92 = tpu.memref_slice %arg6[%mul3A_12, %dma_wait3A_91] : memref<10112x128xf32, #tpu.memory_space<vmem_shared>> -> memref<632x128xf32, #tpu.memory_space<vmem_shared>>
      %dma_wait3A_93 = arith.constant 0 : i32
      %dma_wait3A_94 = tpu.memref_slice %arg4[%mul3A_10, %dma_wait3A_93] : memref<10112x128xf32, #tpu.memory_space<hbm>> -> memref<632x128xf32, #tpu.memory_space<hbm>>
      tpu.wait_dma2 semaphore(%run_scoped3A : memref<!tpu.dma_semaphore, #tpu.memory_space<semaphore_mem>>) src(%dma_wait3A_94 : memref<632x128xf32, #tpu.memory_space<hbm>>) dst(%dma_wait3A_92 : memref<632x128xf32, #tpu.memory_space<vmem_shared>>)
      tpu.yield
    }) : () -> ()
    %barrier3A = arith.constant 0 : index
    tpu.barrier barrier_id(%barrier3A)
    %dma_start3A = arith.constant 0 : i32
    %dma_start3A_13 = arith.constant 0 : i32
    %dma_start3A_14 = tpu.memref_slice %arg3[%select_n3A, %dma_start3A, %dma_start3A_13] : memref<2640x2x128xi32, #tpu.memory_space<hbm>> -> memref<1x2x128xi32, #tpu.memory_space<hbm>>
    %dma_start3A_15 = tpu.memref_squeeze %dma_start3A_14 : memref<1x2x128xi32, #tpu.memory_space<hbm>> -> memref<2x128xi32, #tpu.memory_space<hbm>>
    %dma_start3A_16 = arith.constant 0 : i32
    %dma_start3A_17 = arith.constant 0 : i32
    %dma_start3A_18 = tpu.memref_slice %arg3[%select_n3A, %dma_start3A_16, %dma_start3A_17] : memref<2640x2x128xi32, #tpu.memory_space<hbm>> -> memref<1x2x128xi32, #tpu.memory_space<hbm>>
    %dma_start3A_19 = tpu.memref_squeeze %dma_start3A_18 : memref<1x2x128xi32, #tpu.memory_space<hbm>> -> memref<2x128xi32, #tpu.memory_space<hbm>>
    tpu.enqueue_dma source(%dma_start3A_19 : memref<2x128xi32, #tpu.memory_space<hbm>>) target(%arg7 : memref<2x128xi32, #tpu.memory_space<vmem>>) target_semaphore(%arg13 : memref<!tpu.dma_semaphore, #tpu.memory_space<semaphore_mem>>)
    %add3A_20 = arith.constant 1 : i32
    %add3A_21 = arith.addi %select_n3A, %add3A_20 : i32
    %dma_start3A_22 = arith.constant 0 : i32
    %dma_start3A_23 = arith.constant 0 : i32
    %dma_start3A_24 = tpu.memref_slice %arg3[%add3A_21, %dma_start3A_22, %dma_start3A_23] : memref<2640x2x128xi32, #tpu.memory_space<hbm>> -> memref<1x2x128xi32, #tpu.memory_space<hbm>>
    %dma_start3A_25 = tpu.memref_squeeze %dma_start3A_24 : memref<1x2x128xi32, #tpu.memory_space<hbm>> -> memref<2x128xi32, #tpu.memory_space<hbm>>
    %dma_start3A_26 = arith.constant 0 : i32
    %dma_start3A_27 = arith.constant 0 : i32
    %dma_start3A_28 = tpu.memref_slice %arg3[%add3A_21, %dma_start3A_26, %dma_start3A_27] : memref<2640x2x128xi32, #tpu.memory_space<hbm>> -> memref<1x2x128xi32, #tpu.memory_space<hbm>>
    %dma_start3A_29 = tpu.memref_squeeze %dma_start3A_28 : memref<1x2x128xi32, #tpu.memory_space<hbm>> -> memref<2x128xi32, #tpu.memory_space<hbm>>
    tpu.enqueue_dma source(%dma_start3A_29 : memref<2x128xi32, #tpu.memory_space<hbm>>) target(%arg8 : memref<2x128xi32, #tpu.memory_space<vmem>>) target_semaphore(%arg14 : memref<!tpu.dma_semaphore, #tpu.memory_space<semaphore_mem>>)
    %dma_wait3A = arith.constant 0 : i32
    %dma_wait3A_30 = arith.constant 0 : i32
    %dma_wait3A_31 = tpu.memref_slice %arg3[%select_n3A, %dma_wait3A, %dma_wait3A_30] : memref<2640x2x128xi32, #tpu.memory_space<hbm>> -> memref<1x2x128xi32, #tpu.memory_space<hbm>>
    %dma_wait3A_32 = tpu.memref_squeeze %dma_wait3A_31 : memref<1x2x128xi32, #tpu.memory_space<hbm>> -> memref<2x128xi32, #tpu.memory_space<hbm>>
    %dma_wait3A_33 = arith.constant 0 : i32
    %dma_wait3A_34 = arith.constant 0 : i32
    %dma_wait3A_35 = tpu.memref_slice %arg3[%select_n3A, %dma_wait3A_33, %dma_wait3A_34] : memref<2640x2x128xi32, #tpu.memory_space<hbm>> -> memref<1x2x128xi32, #tpu.memory_space<hbm>>
    %dma_wait3A_36 = tpu.memref_squeeze %dma_wait3A_35 : memref<1x2x128xi32, #tpu.memory_space<hbm>> -> memref<2x128xi32, #tpu.memory_space<hbm>>
    tpu.wait_dma2 semaphore(%arg13 : memref<!tpu.dma_semaphore, #tpu.memory_space<semaphore_mem>>) src(%dma_wait3A_36 : memref<2x128xi32, #tpu.memory_space<hbm>>) dst(%arg7 : memref<2x128xi32, #tpu.memory_space<vmem>>)
    %dma_start3A_37 = arith.constant 0 : i32
    %dma_start3A_38 = arith.constant 0 : i32
    %dma_start3A_39 = arith.constant 0 : i32
    %dma_start3A_40 = tpu.memref_slice %arg11[%dma_start3A_38, %dma_start3A_39] : memref<128x128xf32, #tpu.memory_space<vmem>> -> memref<32x128xf32, #tpu.memory_space<vmem>>
    %dma_start3A_41 = arith.constant 0 : i32
    %dma_start3A_42 = tpu.memref_slice %arg7[%dma_start3A_37, %dma_start3A_41] : memref<2x128xi32, #tpu.memory_space<vmem>> -> memref<1x32xi32, #tpu.memory_space<vmem>>
    %dma_start3A_43 = tpu.memref_squeeze %dma_start3A_42 : memref<1x32xi32, #tpu.memory_space<vmem>> -> memref<32xi32, #tpu.memory_space<vmem>>
    %dma_start3A_44 = arith.constant 0 : i32
    %dma_start3A_45 = arith.constant 0 : i32
    %dma_start3A_46 = tpu.memref_slice %arg2[%dma_start3A_44, %dma_start3A_45] : memref<10112x128xf32, #tpu.memory_space<hbm>> -> memref<10112x128xf32, #tpu.memory_space<hbm>>
    tpu.enqueue_indirect_dma source(%dma_start3A_46 : memref<10112x128xf32, #tpu.memory_space<hbm>>) target(%dma_start3A_40 : memref<32x128xf32, #tpu.memory_space<vmem>>) offsets(%dma_start3A_43 : memref<32xi32, #tpu.memory_space<vmem>>) semaphore(%arg17 : memref<!tpu.dma_semaphore, #tpu.memory_space<semaphore_mem>>)
    %dma_start3A_47 = arith.constant 0 : i32
    %dma_start3A_48 = arith.constant 32 : i32
    %dma_start3A_49 = arith.constant 0 : i32
    %dma_start3A_50 = tpu.memref_slice %arg11[%dma_start3A_48, %dma_start3A_49] : memref<128x128xf32, #tpu.memory_space<vmem>> -> memref<32x128xf32, #tpu.memory_space<vmem>>
    %dma_start3A_51 = arith.constant 32 : i32
    %dma_start3A_52 = tpu.memref_slice %arg7[%dma_start3A_47, %dma_start3A_51] : memref<2x128xi32, #tpu.memory_space<vmem>> -> memref<1x32xi32, #tpu.memory_space<vmem>>
    %dma_start3A_53 = tpu.memref_squeeze %dma_start3A_52 : memref<1x32xi32, #tpu.memory_space<vmem>> -> memref<32xi32, #tpu.memory_space<vmem>>
    %dma_start3A_54 = arith.constant 0 : i32
    %dma_start3A_55 = arith.constant 0 : i32
    %dma_start3A_56 = tpu.memref_slice %arg2[%dma_start3A_54, %dma_start3A_55] : memref<10112x128xf32, #tpu.memory_space<hbm>> -> memref<10112x128xf32, #tpu.memory_space<hbm>>
    tpu.enqueue_indirect_dma source(%dma_start3A_56 : memref<10112x128xf32, #tpu.memory_space<hbm>>) target(%dma_start3A_50 : memref<32x128xf32, #tpu.memory_space<vmem>>) offsets(%dma_start3A_53 : memref<32xi32, #tpu.memory_space<vmem>>) semaphore(%arg17 : memref<!tpu.dma_semaphore, #tpu.memory_space<semaphore_mem>>)
    %dma_start3A_57 = arith.constant 0 : i32
    %dma_start3A_58 = arith.constant 64 : i32
    %dma_start3A_59 = arith.constant 0 : i32
    %dma_start3A_60 = tpu.memref_slice %arg11[%dma_start3A_58, %dma_start3A_59] : memref<128x128xf32, #tpu.memory_space<vmem>> -> memref<32x128xf32, #tpu.memory_space<vmem>>
    %dma_start3A_61 = arith.constant 64 : i32
    %dma_start3A_62 = tpu.memref_slice %arg7[%dma_start3A_57, %dma_start3A_61] : memref<2x128xi32, #tpu.memory_space<vmem>> -> memref<1x32xi32, #tpu.memory_space<vmem>>
    %dma_start3A_63 = tpu.memref_squeeze %dma_start3A_62 : memref<1x32xi32, #tpu.memory_space<vmem>> -> memref<32xi32, #tpu.memory_space<vmem>>
    %dma_start3A_64 = arith.constant 0 : i32
    %dma_start3A_65 = arith.constant 0 : i32
    %dma_start3A_66 = tpu.memref_slice %arg2[%dma_start3A_64, %dma_start3A_65] : memref<10112x128xf32, #tpu.memory_space<hbm>> -> memref<10112x128xf32, #tpu.memory_space<hbm>>
    tpu.enqueue_indirect_dma source(%dma_start3A_66 : memref<10112x128xf32, #tpu.memory_space<hbm>>) target(%dma_start3A_60 : memref<32x128xf32, #tpu.memory_space<vmem>>) offsets(%dma_start3A_63 : memref<32xi32, #tpu.memory_space<vmem>>) semaphore(%arg17 : memref<!tpu.dma_semaphore, #tpu.memory_space<semaphore_mem>>)
    %dma_start3A_67 = arith.constant 0 : i32
    %dma_start3A_68 = arith.constant 96 : i32
    %dma_start3A_69 = arith.constant 0 : i32
    %dma_start3A_70 = tpu.memref_slice %arg11[%dma_start3A_68, %dma_start3A_69] : memref<128x128xf32, #tpu.memory_space<vmem>> -> memref<32x128xf32, #tpu.memory_space<vmem>>
    %dma_start3A_71 = arith.constant 96 : i32
    %dma_start3A_72 = tpu.memref_slice %arg7[%dma_start3A_67, %dma_start3A_71] : memref<2x128xi32, #tpu.memory_space<vmem>> -> memref<1x32xi32, #tpu.memory_space<vmem>>
    %dma_start3A_73 = tpu.memref_squeeze %dma_start3A_72 : memref<1x32xi32, #tpu.memory_space<vmem>> -> memref<32xi32, #tpu.memory_space<vmem>>
    %dma_start3A_74 = arith.constant 0 : i32
    %dma_start3A_75 = arith.constant 0 : i32
    %dma_start3A_76 = tpu.memref_slice %arg2[%dma_start3A_74, %dma_start3A_75] : memref<10112x128xf32, #tpu.memory_space<hbm>> -> memref<10112x128xf32, #tpu.memory_space<hbm>>
    tpu.enqueue_indirect_dma source(%dma_start3A_76 : memref<10112x128xf32, #tpu.memory_space<hbm>>) target(%dma_start3A_70 : memref<32x128xf32, #tpu.memory_space<vmem>>) offsets(%dma_start3A_73 : memref<32xi32, #tpu.memory_space<vmem>>) semaphore(%arg17 : memref<!tpu.dma_semaphore, #tpu.memory_space<semaphore_mem>>)
    %scan3A = arith.constant 0 : i32
    %scan3A_77 = arith.constant 0 : i32
    %scan3A_78 = arith.constant 20 : i32
    %scan3A_79 = arith.addi %scan3A_77, %scan3A_78 : i32
    %scan3A_80 = arith.constant 1 : i32
    scf.for %scan3A_87 = %scan3A_77 to %scan3A_79 step %scan3A_80  : i32 {
      %mul3A_88 = arith.constant 4 : i32
      %mul3A_89 = arith.muli %scan3A_87, %mul3A_88 : i32
      %add3A_90 = arith.constant 0 : i32
      %add3A_91 = arith.addi %mul3A_89, %add3A_90 : i32
      %add3A_92 = arith.constant 2 : i32
      %add3A_93 = arith.addi %add3A_91, %add3A_92 : i32
      %lt3A = arith.cmpi slt, %add3A_93, %select_n3A_8 : i32
      %convert_element_type3A = arith.extui %lt3A : i1 to i32
      %cond3A = arith.constant 0 : i32
      %cond3A_94 = arith.cmpi ne, %convert_element_type3A, %cond3A : i32
      scf.if %cond3A_94 {
        %add3A_165 = arith.addi %select_n3A, %add3A_91 : i32
        %add3A_166 = arith.constant 2 : i32
        %add3A_167 = arith.addi %add3A_165, %add3A_166 : i32
        %dma_start3A_168 = arith.constant 0 : i32
        %dma_start3A_169 = arith.constant 0 : i32
        %dma_start3A_170 = tpu.memref_slice %arg3[%add3A_167, %dma_start3A_168, %dma_start3A_169] : memref<2640x2x128xi32, #tpu.memory_space<hbm>> -> memref<1x2x128xi32, #tpu.memory_space<hbm>>
        %dma_start3A_171 = tpu.memref_squeeze %dma_start3A_170 : memref<1x2x128xi32, #tpu.memory_space<hbm>> -> memref<2x128xi32, #tpu.memory_space<hbm>>
        %dma_start3A_172 = arith.constant 0 : i32
        %dma_start3A_173 = arith.constant 0 : i32
        %dma_start3A_174 = tpu.memref_slice %arg3[%add3A_167, %dma_start3A_172, %dma_start3A_173] : memref<2640x2x128xi32, #tpu.memory_space<hbm>> -> memref<1x2x128xi32, #tpu.memory_space<hbm>>
        %dma_start3A_175 = tpu.memref_squeeze %dma_start3A_174 : memref<1x2x128xi32, #tpu.memory_space<hbm>> -> memref<2x128xi32, #tpu.memory_space<hbm>>
        tpu.enqueue_dma source(%dma_start3A_175 : memref<2x128xi32, #tpu.memory_space<hbm>>) target(%arg9 : memref<2x128xi32, #tpu.memory_space<vmem>>) target_semaphore(%arg15 : memref<!tpu.dma_semaphore, #tpu.memory_space<semaphore_mem>>)
      } else {
      }
      %add3A_95 = arith.constant 1 : i32
      %add3A_96 = arith.addi %add3A_91, %add3A_95 : i32
      %lt3A_97 = arith.cmpi slt, %add3A_96, %select_n3A_8 : i32
      %convert_element_type3A_98 = arith.extui %lt3A_97 : i1 to i32
      %cond3A_99 = arith.constant 0 : i32
      %cond3A_100 = arith.cmpi ne, %convert_element_type3A_98, %cond3A_99 : i32
      scf.if %cond3A_100 {
        %dma_wait3A_165 = arith.constant 0 : i32
        %dma_wait3A_166 = arith.constant 0 : i32
        %dma_wait3A_167 = tpu.memref_slice %arg3[%select_n3A, %dma_wait3A_165, %dma_wait3A_166] : memref<2640x2x128xi32, #tpu.memory_space<hbm>> -> memref<1x2x128xi32, #tpu.memory_space<hbm>>
        %dma_wait3A_168 = tpu.memref_squeeze %dma_wait3A_167 : memref<1x2x128xi32, #tpu.memory_space<hbm>> -> memref<2x128xi32, #tpu.memory_space<hbm>>
        %dma_wait3A_169 = arith.constant 0 : i32
        %dma_wait3A_170 = arith.constant 0 : i32
        %dma_wait3A_171 = tpu.memref_slice %arg3[%select_n3A, %dma_wait3A_169, %dma_wait3A_170] : memref<2640x2x128xi32, #tpu.memory_space<hbm>> -> memref<1x2x128xi32, #tpu.memory_space<hbm>>
        %dma_wait3A_172 = tpu.memref_squeeze %dma_wait3A_171 : memref<1x2x128xi32, #tpu.memory_space<hbm>> -> memref<2x128xi32, #tpu.memory_space<hbm>>
        tpu.wait_dma2 semaphore(%arg14 : memref<!tpu.dma_semaphore, #tpu.memory_space<semaphore_mem>>) src(%dma_wait3A_172 : memref<2x128xi32, #tpu.memory_space<hbm>>) dst(%arg8 : memref<2x128xi32, #tpu.memory_space<vmem>>)
        %dma_start3A_173 = arith.constant 0 : i32
        %dma_start3A_174 = arith.constant 0 : i32
        %dma_start3A_175 = arith.constant 0 : i32
        %dma_start3A_176 = tpu.memref_slice %arg12[%dma_start3A_174, %dma_start3A_175] : memref<128x128xf32, #tpu.memory_space<vmem>> -> memref<32x128xf32, #tpu.memory_space<vmem>>
        %dma_start3A_177 = arith.constant 0 : i32
        %dma_start3A_178 = tpu.memref_slice %arg8[%dma_start3A_173, %dma_start3A_177] : memref<2x128xi32, #tpu.memory_space<vmem>> -> memref<1x32xi32, #tpu.memory_space<vmem>>
        %dma_start3A_179 = tpu.memref_squeeze %dma_start3A_178 : memref<1x32xi32, #tpu.memory_space<vmem>> -> memref<32xi32, #tpu.memory_space<vmem>>
        %dma_start3A_180 = arith.constant 0 : i32
        %dma_start3A_181 = arith.constant 0 : i32
        %dma_start3A_182 = tpu.memref_slice %arg2[%dma_start3A_180, %dma_start3A_181] : memref<10112x128xf32, #tpu.memory_space<hbm>> -> memref<10112x128xf32, #tpu.memory_space<hbm>>
        tpu.enqueue_indirect_dma source(%dma_start3A_182 : memref<10112x128xf32, #tpu.memory_space<hbm>>) target(%dma_start3A_176 : memref<32x128xf32, #tpu.memory_space<vmem>>) offsets(%dma_start3A_179 : memref<32xi32, #tpu.memory_space<vmem>>) semaphore(%arg18 : memref<!tpu.dma_semaphore, #tpu.memory_space<semaphore_mem>>)
        %dma_start3A_183 = arith.constant 0 : i32
        %dma_start3A_184 = arith.constant 32 : i32
        %dma_start3A_185 = arith.constant 0 : i32
        %dma_start3A_186 = tpu.memref_slice %arg12[%dma_start3A_184, %dma_start3A_185] : memref<128x128xf32, #tpu.memory_space<vmem>> -> memref<32x128xf32, #tpu.memory_space<vmem>>
        %dma_start3A_187 = arith.constant 32 : i32
        %dma_start3A_188 = tpu.memref_slice %arg8[%dma_start3A_183, %dma_start3A_187] : memref<2x128xi32, #tpu.memory_space<vmem>> -> memref<1x32xi32, #tpu.memory_space<vmem>>
        %dma_start3A_189 = tpu.memref_squeeze %dma_start3A_188 : memref<1x32xi32, #tpu.memory_space<vmem>> -> memref<32xi32, #tpu.memory_space<vmem>>
        %dma_start3A_190 = arith.constant 0 : i32
        %dma_start3A_191 = arith.constant 0 : i32
        %dma_start3A_192 = tpu.memref_slice %arg2[%dma_start3A_190, %dma_start3A_191] : memref<10112x128xf32, #tpu.memory_space<hbm>> -> memref<10112x128xf32, #tpu.memory_space<hbm>>
        tpu.enqueue_indirect_dma source(%dma_start3A_192 : memref<10112x128xf32, #tpu.memory_space<hbm>>) target(%dma_start3A_186 : memref<32x128xf32, #tpu.memory_space<vmem>>) offsets(%dma_start3A_189 : memref<32xi32, #tpu.memory_space<vmem>>) semaphore(%arg18 : memref<!tpu.dma_semaphore, #tpu.memory_space<semaphore_mem>>)
        %dma_start3A_193 = arith.constant 0 : i32
        %dma_start3A_194 = arith.constant 64 : i32
        %dma_start3A_195 = arith.constant 0 : i32
        %dma_start3A_196 = tpu.memref_slice %arg12[%dma_start3A_194, %dma_start3A_195] : memref<128x128xf32, #tpu.memory_space<vmem>> -> memref<32x128xf32, #tpu.memory_space<vmem>>
        %dma_start3A_197 = arith.constant 64 : i32
        %dma_start3A_198 = tpu.memref_slice %arg8[%dma_start3A_193, %dma_start3A_197] : memref<2x128xi32, #tpu.memory_space<vmem>> -> memref<1x32xi32, #tpu.memory_space<vmem>>
        %dma_start3A_199 = tpu.memref_squeeze %dma_start3A_198 : memref<1x32xi32, #tpu.memory_space<vmem>> -> memref<32xi32, #tpu.memory_space<vmem>>
        %dma_start3A_200 = arith.constant 0 : i32
        %dma_start3A_201 = arith.constant 0 : i32
        %dma_start3A_202 = tpu.memref_slice %arg2[%dma_start3A_200, %dma_start3A_201] : memref<10112x128xf32, #tpu.memory_space<hbm>> -> memref<10112x128xf32, #tpu.memory_space<hbm>>
        tpu.enqueue_indirect_dma source(%dma_start3A_202 : memref<10112x128xf32, #tpu.memory_space<hbm>>) target(%dma_start3A_196 : memref<32x128xf32, #tpu.memory_space<vmem>>) offsets(%dma_start3A_199 : memref<32xi32, #tpu.memory_space<vmem>>) semaphore(%arg18 : memref<!tpu.dma_semaphore, #tpu.memory_space<semaphore_mem>>)
        %dma_start3A_203 = arith.constant 0 : i32
        %dma_start3A_204 = arith.constant 96 : i32
        %dma_start3A_205 = arith.constant 0 : i32
        %dma_start3A_206 = tpu.memref_slice %arg12[%dma_start3A_204, %dma_start3A_205] : memref<128x128xf32, #tpu.memory_space<vmem>> -> memref<32x128xf32, #tpu.memory_space<vmem>>
        %dma_start3A_207 = arith.constant 96 : i32
        %dma_start3A_208 = tpu.memref_slice %arg8[%dma_start3A_203, %dma_start3A_207] : memref<2x128xi32, #tpu.memory_space<vmem>> -> memref<1x32xi32, #tpu.memory_space<vmem>>
        %dma_start3A_209 = tpu.memref_squeeze %dma_start3A_208 : memref<1x32xi32, #tpu.memory_space<vmem>> -> memref<32xi32, #tpu.memory_space<vmem>>
        %dma_start3A_210 = arith.constant 0 : i32
        %dma_start3A_211 = arith.constant 0 : i32
        %dma_start3A_212 = tpu.memref_slice %arg2[%dma_start3A_210, %dma_start3A_211] : memref<10112x128xf32, #tpu.memory_space<hbm>> -> memref<10112x128xf32, #tpu.memory_space<hbm>>
        tpu.enqueue_indirect_dma source(%dma_start3A_212 : memref<10112x128xf32, #tpu.memory_space<hbm>>) target(%dma_start3A_206 : memref<32x128xf32, #tpu.memory_space<vmem>>) offsets(%dma_start3A_209 : memref<32xi32, #tpu.memory_space<vmem>>) semaphore(%arg18 : memref<!tpu.dma_semaphore, #tpu.memory_space<semaphore_mem>>)
      } else {
      }
      %lt3A_101 = arith.cmpi slt, %add3A_91, %select_n3A_8 : i32
      %convert_element_type3A_102 = arith.extui %lt3A_101 : i1 to i32
      %cond3A_103 = arith.constant 0 : i32
      %cond3A_104 = arith.cmpi ne, %convert_element_type3A_102, %cond3A_103 : i32
      scf.if %cond3A_104 {
        %dma_wait3A_165 = arith.constant 0 : i32
        %dma_wait3A_166 = arith.constant 0 : i32
        %dma_wait3A_167 = tpu.memref_slice %arg2[%dma_wait3A_165, %dma_wait3A_166] : memref<10112x128xf32, #tpu.memory_space<hbm>> -> memref<128x128xf32, #tpu.memory_space<hbm>>
        %dma_wait3A_168 = arith.constant 0 : i32
        %dma_wait3A_169 = arith.constant 0 : i32
        %dma_wait3A_170 = tpu.memref_slice %arg2[%dma_wait3A_168, %dma_wait3A_169] : memref<10112x128xf32, #tpu.memory_space<hbm>> -> memref<128x128xf32, #tpu.memory_space<hbm>>
        tpu.wait_dma2 semaphore(%arg17 : memref<!tpu.dma_semaphore, #tpu.memory_space<semaphore_mem>>) src(%dma_wait3A_170 : memref<128x128xf32, #tpu.memory_space<hbm>>) dst(%arg11 : memref<128x128xf32, #tpu.memory_space<vmem>>)
        %run_scoped3A = arith.constant 1 : i32
        "tpu.region"() ({
          %run_scoped3A_171 = tpu.sem_alloc : memref<!tpu.dma_semaphore, #tpu.memory_space<semaphore_mem>>
          %dma_start3A_172 = arith.constant 0 : i32
          %dma_start3A_173 = tpu.memref_slice %arg7[%run_scoped3A, %dma_start3A_172] : memref<2x128xi32, #tpu.memory_space<vmem>> -> memref<1x128xi32, #tpu.memory_space<vmem>>
          %dma_start3A_174 = tpu.memref_squeeze %dma_start3A_173 : memref<1x128xi32, #tpu.memory_space<vmem>> -> memref<128xi32, #tpu.memory_space<vmem>>
          %dma_start3A_175 = arith.constant 0 : i32
          %dma_start3A_176 = arith.constant 0 : i32
          %dma_start3A_177 = tpu.memref_slice %arg6[%dma_start3A_175, %dma_start3A_176] : memref<10112x128xf32, #tpu.memory_space<vmem_shared>> -> memref<10112x128xf32, #tpu.memory_space<vmem_shared>>
          tpu.enqueue_indirect_dma source(%arg11 : memref<128x128xf32, #tpu.memory_space<vmem>>) target(%dma_start3A_177 : memref<10112x128xf32, #tpu.memory_space<vmem_shared>>) offsets(%dma_start3A_174 : memref<128xi32, #tpu.memory_space<vmem>>) semaphore(%run_scoped3A_171 : memref<!tpu.dma_semaphore, #tpu.memory_space<semaphore_mem>>) {add = true}
          %dma_wait3A_178 = arith.constant 0 : i32
          %dma_wait3A_179 = tpu.memref_slice %arg7[%run_scoped3A, %dma_wait3A_178] : memref<2x128xi32, #tpu.memory_space<vmem>> -> memref<1x128xi32, #tpu.memory_space<vmem>>
          %dma_wait3A_180 = tpu.memref_squeeze %dma_wait3A_179 : memref<1x128xi32, #tpu.memory_space<vmem>> -> memref<128xi32, #tpu.memory_space<vmem>>
          %dma_wait3A_181 = arith.constant 0 : i32
          %dma_wait3A_182 = arith.constant 0 : i32
          %dma_wait3A_183 = tpu.memref_slice %arg6[%dma_wait3A_181, %dma_wait3A_182] : memref<10112x128xf32, #tpu.memory_space<vmem_shared>> -> memref<10112x128xf32, #tpu.memory_space<vmem_shared>>
          tpu.wait_indirect_dma semaphore(%run_scoped3A_171 : memref<!tpu.dma_semaphore, #tpu.memory_space<semaphore_mem>>) src(%arg11 : memref<128x128xf32, #tpu.memory_space<vmem>>) dst(%dma_wait3A_183 : memref<10112x128xf32, #tpu.memory_space<vmem_shared>>)
          tpu.yield
        }) : () -> ()
      } else {
      }
      %mul3A_105 = arith.constant 4 : i32
      %mul3A_106 = arith.muli %scan3A_87, %mul3A_105 : i32
      %add3A_107 = arith.constant 1 : i32
      %add3A_108 = arith.addi %mul3A_106, %add3A_107 : i32
      %add3A_109 = arith.constant 2 : i32
      %add3A_110 = arith.addi %add3A_108, %add3A_109 : i32
      %lt3A_111 = arith.cmpi slt, %add3A_110, %select_n3A_8 : i32
      %convert_element_type3A_112 = arith.extui %lt3A_111 : i1 to i32
      %cond3A_113 = arith.constant 0 : i32
      %cond3A_114 = arith.cmpi ne, %convert_element_type3A_112, %cond3A_113 : i32
      scf.if %cond3A_114 {
        %add3A_165 = arith.addi %select_n3A, %add3A_108 : i32
        %add3A_166 = arith.constant 2 : i32
        %add3A_167 = arith.addi %add3A_165, %add3A_166 : i32
        %dma_start3A_168 = arith.constant 0 : i32
        %dma_start3A_169 = arith.constant 0 : i32
        %dma_start3A_170 = tpu.memref_slice %arg3[%add3A_167, %dma_start3A_168, %dma_start3A_169] : memref<2640x2x128xi32, #tpu.memory_space<hbm>> -> memref<1x2x128xi32, #tpu.memory_space<hbm>>
        %dma_start3A_171 = tpu.memref_squeeze %dma_start3A_170 : memref<1x2x128xi32, #tpu.memory_space<hbm>> -> memref<2x128xi32, #tpu.memory_space<hbm>>
        %dma_start3A_172 = arith.constant 0 : i32
        %dma_start3A_173 = arith.constant 0 : i32
        %dma_start3A_174 = tpu.memref_slice %arg3[%add3A_167, %dma_start3A_172, %dma_start3A_173] : memref<2640x2x128xi32, #tpu.memory_space<hbm>> -> memref<1x2x128xi32, #tpu.memory_space<hbm>>
        %dma_start3A_175 = tpu.memref_squeeze %dma_start3A_174 : memref<1x2x128xi32, #tpu.memory_space<hbm>> -> memref<2x128xi32, #tpu.memory_space<hbm>>
        tpu.enqueue_dma source(%dma_start3A_175 : memref<2x128xi32, #tpu.memory_space<hbm>>) target(%arg10 : memref<2x128xi32, #tpu.memory_space<vmem>>) target_semaphore(%arg16 : memref<!tpu.dma_semaphore, #tpu.memory_space<semaphore_mem>>)
      } else {
      }
      %add3A_115 = arith.constant 1 : i32
      %add3A_116 = arith.addi %add3A_108, %add3A_115 : i32
      %lt3A_117 = arith.cmpi slt, %add3A_116, %select_n3A_8 : i32
      %convert_element_type3A_118 = arith.extui %lt3A_117 : i1 to i32
      %cond3A_119 = arith.constant 0 : i32
      %cond3A_120 = arith.cmpi ne, %convert_element_type3A_118, %cond3A_119 : i32
      scf.if %cond3A_120 {
        %dma_wait3A_165 = arith.constant 0 : i32
        %dma_wait3A_166 = arith.constant 0 : i32
        %dma_wait3A_167 = tpu.memref_slice %arg3[%select_n3A, %dma_wait3A_165, %dma_wait3A_166] : memref<2640x2x128xi32, #tpu.memory_space<hbm>> -> memref<1x2x128xi32, #tpu.memory_space<hbm>>
        %dma_wait3A_168 = tpu.memref_squeeze %dma_wait3A_167 : memref<1x2x128xi32, #tpu.memory_space<hbm>> -> memref<2x128xi32, #tpu.memory_space<hbm>>
        %dma_wait3A_169 = arith.constant 0 : i32
        %dma_wait3A_170 = arith.constant 0 : i32
        %dma_wait3A_171 = tpu.memref_slice %arg3[%select_n3A, %dma_wait3A_169, %dma_wait3A_170] : memref<2640x2x128xi32, #tpu.memory_space<hbm>> -> memref<1x2x128xi32, #tpu.memory_space<hbm>>
        %dma_wait3A_172 = tpu.memref_squeeze %dma_wait3A_171 : memref<1x2x128xi32, #tpu.memory_space<hbm>> -> memref<2x128xi32, #tpu.memory_space<hbm>>
        tpu.wait_dma2 semaphore(%arg15 : memref<!tpu.dma_semaphore, #tpu.memory_space<semaphore_mem>>) src(%dma_wait3A_172 : memref<2x128xi32, #tpu.memory_space<hbm>>) dst(%arg9 : memref<2x128xi32, #tpu.memory_space<vmem>>)
        %dma_start3A_173 = arith.constant 0 : i32
        %dma_start3A_174 = arith.constant 0 : i32
        %dma_start3A_175 = arith.constant 0 : i32
        %dma_start3A_176 = tpu.memref_slice %arg11[%dma_start3A_174, %dma_start3A_175] : memref<128x128xf32, #tpu.memory_space<vmem>> -> memref<32x128xf32, #tpu.memory_space<vmem>>
        %dma_start3A_177 = arith.constant 0 : i32
        %dma_start3A_178 = tpu.memref_slice %arg9[%dma_start3A_173, %dma_start3A_177] : memref<2x128xi32, #tpu.memory_space<vmem>> -> memref<1x32xi32, #tpu.memory_space<vmem>>
        %dma_start3A_179 = tpu.memref_squeeze %dma_start3A_178 : memref<1x32xi32, #tpu.memory_space<vmem>> -> memref<32xi32, #tpu.memory_space<vmem>>
        %dma_start3A_180 = arith.constant 0 : i32
        %dma_start3A_181 = arith.constant 0 : i32
        %dma_start3A_182 = tpu.memref_slice %arg2[%dma_start3A_180, %dma_start3A_181] : memref<10112x128xf32, #tpu.memory_space<hbm>> -> memref<10112x128xf32, #tpu.memory_space<hbm>>
        tpu.enqueue_indirect_dma source(%dma_start3A_182 : memref<10112x128xf32, #tpu.memory_space<hbm>>) target(%dma_start3A_176 : memref<32x128xf32, #tpu.memory_space<vmem>>) offsets(%dma_start3A_179 : memref<32xi32, #tpu.memory_space<vmem>>) semaphore(%arg17 : memref<!tpu.dma_semaphore, #tpu.memory_space<semaphore_mem>>)
        %dma_start3A_183 = arith.constant 0 : i32
        %dma_start3A_184 = arith.constant 32 : i32
        %dma_start3A_185 = arith.constant 0 : i32
        %dma_start3A_186 = tpu.memref_slice %arg11[%dma_start3A_184, %dma_start3A_185] : memref<128x128xf32, #tpu.memory_space<vmem>> -> memref<32x128xf32, #tpu.memory_space<vmem>>
        %dma_start3A_187 = arith.constant 32 : i32
        %dma_start3A_188 = tpu.memref_slice %arg9[%dma_start3A_183, %dma_start3A_187] : memref<2x128xi32, #tpu.memory_space<vmem>> -> memref<1x32xi32, #tpu.memory_space<vmem>>
        %dma_start3A_189 = tpu.memref_squeeze %dma_start3A_188 : memref<1x32xi32, #tpu.memory_space<vmem>> -> memref<32xi32, #tpu.memory_space<vmem>>
        %dma_start3A_190 = arith.constant 0 : i32
        %dma_start3A_191 = arith.constant 0 : i32
        %dma_start3A_192 = tpu.memref_slice %arg2[%dma_start3A_190, %dma_start3A_191] : memref<10112x128xf32, #tpu.memory_space<hbm>> -> memref<10112x128xf32, #tpu.memory_space<hbm>>
        tpu.enqueue_indirect_dma source(%dma_start3A_192 : memref<10112x128xf32, #tpu.memory_space<hbm>>) target(%dma_start3A_186 : memref<32x128xf32, #tpu.memory_space<vmem>>) offsets(%dma_start3A_189 : memref<32xi32, #tpu.memory_space<vmem>>) semaphore(%arg17 : memref<!tpu.dma_semaphore, #tpu.memory_space<semaphore_mem>>)
        %dma_start3A_193 = arith.constant 0 : i32
        %dma_start3A_194 = arith.constant 64 : i32
        %dma_start3A_195 = arith.constant 0 : i32
        %dma_start3A_196 = tpu.memref_slice %arg11[%dma_start3A_194, %dma_start3A_195] : memref<128x128xf32, #tpu.memory_space<vmem>> -> memref<32x128xf32, #tpu.memory_space<vmem>>
        %dma_start3A_197 = arith.constant 64 : i32
        %dma_start3A_198 = tpu.memref_slice %arg9[%dma_start3A_193, %dma_start3A_197] : memref<2x128xi32, #tpu.memory_space<vmem>> -> memref<1x32xi32, #tpu.memory_space<vmem>>
        %dma_start3A_199 = tpu.memref_squeeze %dma_start3A_198 : memref<1x32xi32, #tpu.memory_space<vmem>> -> memref<32xi32, #tpu.memory_space<vmem>>
        %dma_start3A_200 = arith.constant 0 : i32
        %dma_start3A_201 = arith.constant 0 : i32
        %dma_start3A_202 = tpu.memref_slice %arg2[%dma_start3A_200, %dma_start3A_201] : memref<10112x128xf32, #tpu.memory_space<hbm>> -> memref<10112x128xf32, #tpu.memory_space<hbm>>
        tpu.enqueue_indirect_dma source(%dma_start3A_202 : memref<10112x128xf32, #tpu.memory_space<hbm>>) target(%dma_start3A_196 : memref<32x128xf32, #tpu.memory_space<vmem>>) offsets(%dma_start3A_199 : memref<32xi32, #tpu.memory_space<vmem>>) semaphore(%arg17 : memref<!tpu.dma_semaphore, #tpu.memory_space<semaphore_mem>>)
        %dma_start3A_203 = arith.constant 0 : i32
        %dma_start3A_204 = arith.constant 96 : i32
        %dma_start3A_205 = arith.constant 0 : i32
        %dma_start3A_206 = tpu.memref_slice %arg11[%dma_start3A_204, %dma_start3A_205] : memref<128x128xf32, #tpu.memory_space<vmem>> -> memref<32x128xf32, #tpu.memory_space<vmem>>
        %dma_start3A_207 = arith.constant 96 : i32
        %dma_start3A_208 = tpu.memref_slice %arg9[%dma_start3A_203, %dma_start3A_207] : memref<2x128xi32, #tpu.memory_space<vmem>> -> memref<1x32xi32, #tpu.memory_space<vmem>>
        %dma_start3A_209 = tpu.memref_squeeze %dma_start3A_208 : memref<1x32xi32, #tpu.memory_space<vmem>> -> memref<32xi32, #tpu.memory_space<vmem>>
        %dma_start3A_210 = arith.constant 0 : i32
        %dma_start3A_211 = arith.constant 0 : i32
        %dma_start3A_212 = tpu.memref_slice %arg2[%dma_start3A_210, %dma_start3A_211] : memref<10112x128xf32, #tpu.memory_space<hbm>> -> memref<10112x128xf32, #tpu.memory_space<hbm>>
        tpu.enqueue_indirect_dma source(%dma_start3A_212 : memref<10112x128xf32, #tpu.memory_space<hbm>>) target(%dma_start3A_206 : memref<32x128xf32, #tpu.memory_space<vmem>>) offsets(%dma_start3A_209 : memref<32xi32, #tpu.memory_space<vmem>>) semaphore(%arg17 : memref<!tpu.dma_semaphore, #tpu.memory_space<semaphore_mem>>)
      } else {
      }
      %lt3A_121 = arith.cmpi slt, %add3A_108, %select_n3A_8 : i32
      %convert_element_type3A_122 = arith.extui %lt3A_121 : i1 to i32
      %cond3A_123 = arith.constant 0 : i32
      %cond3A_124 = arith.cmpi ne, %convert_element_type3A_122, %cond3A_123 : i32
      scf.if %cond3A_124 {
        %dma_wait3A_165 = arith.constant 0 : i32
        %dma_wait3A_166 = arith.constant 0 : i32
        %dma_wait3A_167 = tpu.memref_slice %arg2[%dma_wait3A_165, %dma_wait3A_166] : memref<10112x128xf32, #tpu.memory_space<hbm>> -> memref<128x128xf32, #tpu.memory_space<hbm>>
        %dma_wait3A_168 = arith.constant 0 : i32
        %dma_wait3A_169 = arith.constant 0 : i32
        %dma_wait3A_170 = tpu.memref_slice %arg2[%dma_wait3A_168, %dma_wait3A_169] : memref<10112x128xf32, #tpu.memory_space<hbm>> -> memref<128x128xf32, #tpu.memory_space<hbm>>
        tpu.wait_dma2 semaphore(%arg18 : memref<!tpu.dma_semaphore, #tpu.memory_space<semaphore_mem>>) src(%dma_wait3A_170 : memref<128x128xf32, #tpu.memory_space<hbm>>) dst(%arg12 : memref<128x128xf32, #tpu.memory_space<vmem>>)
        %run_scoped3A = arith.constant 1 : i32
        "tpu.region"() ({
          %run_scoped3A_171 = tpu.sem_alloc : memref<!tpu.dma_semaphore, #tpu.memory_space<semaphore_mem>>
          %dma_start3A_172 = arith.constant 0 : i32
          %dma_start3A_173 = tpu.memref_slice %arg8[%run_scoped3A, %dma_start3A_172] : memref<2x128xi32, #tpu.memory_space<vmem>> -> memref<1x128xi32, #tpu.memory_space<vmem>>
          %dma_start3A_174 = tpu.memref_squeeze %dma_start3A_173 : memref<1x128xi32, #tpu.memory_space<vmem>> -> memref<128xi32, #tpu.memory_space<vmem>>
          %dma_start3A_175 = arith.constant 0 : i32
          %dma_start3A_176 = arith.constant 0 : i32
          %dma_start3A_177 = tpu.memref_slice %arg6[%dma_start3A_175, %dma_start3A_176] : memref<10112x128xf32, #tpu.memory_space<vmem_shared>> -> memref<10112x128xf32, #tpu.memory_space<vmem_shared>>
          tpu.enqueue_indirect_dma source(%arg12 : memref<128x128xf32, #tpu.memory_space<vmem>>) target(%dma_start3A_177 : memref<10112x128xf32, #tpu.memory_space<vmem_shared>>) offsets(%dma_start3A_174 : memref<128xi32, #tpu.memory_space<vmem>>) semaphore(%run_scoped3A_171 : memref<!tpu.dma_semaphore, #tpu.memory_space<semaphore_mem>>) {add = true}
          %dma_wait3A_178 = arith.constant 0 : i32
          %dma_wait3A_179 = tpu.memref_slice %arg8[%run_scoped3A, %dma_wait3A_178] : memref<2x128xi32, #tpu.memory_space<vmem>> -> memref<1x128xi32, #tpu.memory_space<vmem>>
          %dma_wait3A_180 = tpu.memref_squeeze %dma_wait3A_179 : memref<1x128xi32, #tpu.memory_space<vmem>> -> memref<128xi32, #tpu.memory_space<vmem>>
          %dma_wait3A_181 = arith.constant 0 : i32
          %dma_wait3A_182 = arith.constant 0 : i32
          %dma_wait3A_183 = tpu.memref_slice %arg6[%dma_wait3A_181, %dma_wait3A_182] : memref<10112x128xf32, #tpu.memory_space<vmem_shared>> -> memref<10112x128xf32, #tpu.memory_space<vmem_shared>>
          tpu.wait_indirect_dma semaphore(%run_scoped3A_171 : memref<!tpu.dma_semaphore, #tpu.memory_space<semaphore_mem>>) src(%arg12 : memref<128x128xf32, #tpu.memory_space<vmem>>) dst(%dma_wait3A_183 : memref<10112x128xf32, #tpu.memory_space<vmem_shared>>)
          tpu.yield
        }) : () -> ()
      } else {
      }
      %mul3A_125 = arith.constant 4 : i32
      %mul3A_126 = arith.muli %scan3A_87, %mul3A_125 : i32
      %add3A_127 = arith.constant 2 : i32
      %add3A_128 = arith.addi %mul3A_126, %add3A_127 : i32
      %add3A_129 = arith.constant 2 : i32
      %add3A_130 = arith.addi %add3A_128, %add3A_129 : i32
      %lt3A_131 = arith.cmpi slt, %add3A_130, %select_n3A_8 : i32
      %convert_element_type3A_132 = arith.extui %lt3A_131 : i1 to i32
      %cond3A_133 = arith.constant 0 : i32
      %cond3A_134 = arith.cmpi ne, %convert_element_type3A_132, %cond3A_133 : i32
      scf.if %cond3A_134 {
        %add3A_165 = arith.addi %select_n3A, %add3A_128 : i32
        %add3A_166 = arith.constant 2 : i32
        %add3A_167 = arith.addi %add3A_165, %add3A_166 : i32
        %dma_start3A_168 = arith.constant 0 : i32
        %dma_start3A_169 = arith.constant 0 : i32
        %dma_start3A_170 = tpu.memref_slice %arg3[%add3A_167, %dma_start3A_168, %dma_start3A_169] : memref<2640x2x128xi32, #tpu.memory_space<hbm>> -> memref<1x2x128xi32, #tpu.memory_space<hbm>>
        %dma_start3A_171 = tpu.memref_squeeze %dma_start3A_170 : memref<1x2x128xi32, #tpu.memory_space<hbm>> -> memref<2x128xi32, #tpu.memory_space<hbm>>
        %dma_start3A_172 = arith.constant 0 : i32
        %dma_start3A_173 = arith.constant 0 : i32
        %dma_start3A_174 = tpu.memref_slice %arg3[%add3A_167, %dma_start3A_172, %dma_start3A_173] : memref<2640x2x128xi32, #tpu.memory_space<hbm>> -> memref<1x2x128xi32, #tpu.memory_space<hbm>>
        %dma_start3A_175 = tpu.memref_squeeze %dma_start3A_174 : memref<1x2x128xi32, #tpu.memory_space<hbm>> -> memref<2x128xi32, #tpu.memory_space<hbm>>
        tpu.enqueue_dma source(%dma_start3A_175 : memref<2x128xi32, #tpu.memory_space<hbm>>) target(%arg7 : memref<2x128xi32, #tpu.memory_space<vmem>>) target_semaphore(%arg13 : memref<!tpu.dma_semaphore, #tpu.memory_space<semaphore_mem>>)
      } else {
      }
      %add3A_135 = arith.constant 1 : i32
      %add3A_136 = arith.addi %add3A_128, %add3A_135 : i32
      %lt3A_137 = arith.cmpi slt, %add3A_136, %select_n3A_8 : i32
      %convert_element_type3A_138 = arith.extui %lt3A_137 : i1 to i32
      %cond3A_139 = arith.constant 0 : i32
      %cond3A_140 = arith.cmpi ne, %convert_element_type3A_138, %cond3A_139 : i32
      scf.if %cond3A_140 {
        %dma_wait3A_165 = arith.constant 0 : i32
        %dma_wait3A_166 = arith.constant 0 : i32
        %dma_wait3A_167 = tpu.memref_slice %arg3[%select_n3A, %dma_wait3A_165, %dma_wait3A_166] : memref<2640x2x128xi32, #tpu.memory_space<hbm>> -> memref<1x2x128xi32, #tpu.memory_space<hbm>>
        %dma_wait3A_168 = tpu.memref_squeeze %dma_wait3A_167 : memref<1x2x128xi32, #tpu.memory_space<hbm>> -> memref<2x128xi32, #tpu.memory_space<hbm>>
        %dma_wait3A_169 = arith.constant 0 : i32
        %dma_wait3A_170 = arith.constant 0 : i32
        %dma_wait3A_171 = tpu.memref_slice %arg3[%select_n3A, %dma_wait3A_169, %dma_wait3A_170] : memref<2640x2x128xi32, #tpu.memory_space<hbm>> -> memref<1x2x128xi32, #tpu.memory_space<hbm>>
        %dma_wait3A_172 = tpu.memref_squeeze %dma_wait3A_171 : memref<1x2x128xi32, #tpu.memory_space<hbm>> -> memref<2x128xi32, #tpu.memory_space<hbm>>
        tpu.wait_dma2 semaphore(%arg16 : memref<!tpu.dma_semaphore, #tpu.memory_space<semaphore_mem>>) src(%dma_wait3A_172 : memref<2x128xi32, #tpu.memory_space<hbm>>) dst(%arg10 : memref<2x128xi32, #tpu.memory_space<vmem>>)
        %dma_start3A_173 = arith.constant 0 : i32
        %dma_start3A_174 = arith.constant 0 : i32
        %dma_start3A_175 = arith.constant 0 : i32
        %dma_start3A_176 = tpu.memref_slice %arg12[%dma_start3A_174, %dma_start3A_175] : memref<128x128xf32, #tpu.memory_space<vmem>> -> memref<32x128xf32, #tpu.memory_space<vmem>>
        %dma_start3A_177 = arith.constant 0 : i32
        %dma_start3A_178 = tpu.memref_slice %arg10[%dma_start3A_173, %dma_start3A_177] : memref<2x128xi32, #tpu.memory_space<vmem>> -> memref<1x32xi32, #tpu.memory_space<vmem>>
        %dma_start3A_179 = tpu.memref_squeeze %dma_start3A_178 : memref<1x32xi32, #tpu.memory_space<vmem>> -> memref<32xi32, #tpu.memory_space<vmem>>
        %dma_start3A_180 = arith.constant 0 : i32
        %dma_start3A_181 = arith.constant 0 : i32
        %dma_start3A_182 = tpu.memref_slice %arg2[%dma_start3A_180, %dma_start3A_181] : memref<10112x128xf32, #tpu.memory_space<hbm>> -> memref<10112x128xf32, #tpu.memory_space<hbm>>
        tpu.enqueue_indirect_dma source(%dma_start3A_182 : memref<10112x128xf32, #tpu.memory_space<hbm>>) target(%dma_start3A_176 : memref<32x128xf32, #tpu.memory_space<vmem>>) offsets(%dma_start3A_179 : memref<32xi32, #tpu.memory_space<vmem>>) semaphore(%arg18 : memref<!tpu.dma_semaphore, #tpu.memory_space<semaphore_mem>>)
        %dma_start3A_183 = arith.constant 0 : i32
        %dma_start3A_184 = arith.constant 32 : i32
        %dma_start3A_185 = arith.constant 0 : i32
        %dma_start3A_186 = tpu.memref_slice %arg12[%dma_start3A_184, %dma_start3A_185] : memref<128x128xf32, #tpu.memory_space<vmem>> -> memref<32x128xf32, #tpu.memory_space<vmem>>
        %dma_start3A_187 = arith.constant 32 : i32
        %dma_start3A_188 = tpu.memref_slice %arg10[%dma_start3A_183, %dma_start3A_187] : memref<2x128xi32, #tpu.memory_space<vmem>> -> memref<1x32xi32, #tpu.memory_space<vmem>>
        %dma_start3A_189 = tpu.memref_squeeze %dma_start3A_188 : memref<1x32xi32, #tpu.memory_space<vmem>> -> memref<32xi32, #tpu.memory_space<vmem>>
        %dma_start3A_190 = arith.constant 0 : i32
        %dma_start3A_191 = arith.constant 0 : i32
        %dma_start3A_192 = tpu.memref_slice %arg2[%dma_start3A_190, %dma_start3A_191] : memref<10112x128xf32, #tpu.memory_space<hbm>> -> memref<10112x128xf32, #tpu.memory_space<hbm>>
        tpu.enqueue_indirect_dma source(%dma_start3A_192 : memref<10112x128xf32, #tpu.memory_space<hbm>>) target(%dma_start3A_186 : memref<32x128xf32, #tpu.memory_space<vmem>>) offsets(%dma_start3A_189 : memref<32xi32, #tpu.memory_space<vmem>>) semaphore(%arg18 : memref<!tpu.dma_semaphore, #tpu.memory_space<semaphore_mem>>)
        %dma_start3A_193 = arith.constant 0 : i32
        %dma_start3A_194 = arith.constant 64 : i32
        %dma_start3A_195 = arith.constant 0 : i32
        %dma_start3A_196 = tpu.memref_slice %arg12[%dma_start3A_194, %dma_start3A_195] : memref<128x128xf32, #tpu.memory_space<vmem>> -> memref<32x128xf32, #tpu.memory_space<vmem>>
        %dma_start3A_197 = arith.constant 64 : i32
        %dma_start3A_198 = tpu.memref_slice %arg10[%dma_start3A_193, %dma_start3A_197] : memref<2x128xi32, #tpu.memory_space<vmem>> -> memref<1x32xi32, #tpu.memory_space<vmem>>
        %dma_start3A_199 = tpu.memref_squeeze %dma_start3A_198 : memref<1x32xi32, #tpu.memory_space<vmem>> -> memref<32xi32, #tpu.memory_space<vmem>>
        %dma_start3A_200 = arith.constant 0 : i32
        %dma_start3A_201 = arith.constant 0 : i32
        %dma_start3A_202 = tpu.memref_slice %arg2[%dma_start3A_200, %dma_start3A_201] : memref<10112x128xf32, #tpu.memory_space<hbm>> -> memref<10112x128xf32, #tpu.memory_space<hbm>>
        tpu.enqueue_indirect_dma source(%dma_start3A_202 : memref<10112x128xf32, #tpu.memory_space<hbm>>) target(%dma_start3A_196 : memref<32x128xf32, #tpu.memory_space<vmem>>) offsets(%dma_start3A_199 : memref<32xi32, #tpu.memory_space<vmem>>) semaphore(%arg18 : memref<!tpu.dma_semaphore, #tpu.memory_space<semaphore_mem>>)
        %dma_start3A_203 = arith.constant 0 : i32
        %dma_start3A_204 = arith.constant 96 : i32
        %dma_start3A_205 = arith.constant 0 : i32
        %dma_start3A_206 = tpu.memref_slice %arg12[%dma_start3A_204, %dma_start3A_205] : memref<128x128xf32, #tpu.memory_space<vmem>> -> memref<32x128xf32, #tpu.memory_space<vmem>>
        %dma_start3A_207 = arith.constant 96 : i32
        %dma_start3A_208 = tpu.memref_slice %arg10[%dma_start3A_203, %dma_start3A_207] : memref<2x128xi32, #tpu.memory_space<vmem>> -> memref<1x32xi32, #tpu.memory_space<vmem>>
        %dma_start3A_209 = tpu.memref_squeeze %dma_start3A_208 : memref<1x32xi32, #tpu.memory_space<vmem>> -> memref<32xi32, #tpu.memory_space<vmem>>
        %dma_start3A_210 = arith.constant 0 : i32
        %dma_start3A_211 = arith.constant 0 : i32
        %dma_start3A_212 = tpu.memref_slice %arg2[%dma_start3A_210, %dma_start3A_211] : memref<10112x128xf32, #tpu.memory_space<hbm>> -> memref<10112x128xf32, #tpu.memory_space<hbm>>
        tpu.enqueue_indirect_dma source(%dma_start3A_212 : memref<10112x128xf32, #tpu.memory_space<hbm>>) target(%dma_start3A_206 : memref<32x128xf32, #tpu.memory_space<vmem>>) offsets(%dma_start3A_209 : memref<32xi32, #tpu.memory_space<vmem>>) semaphore(%arg18 : memref<!tpu.dma_semaphore, #tpu.memory_space<semaphore_mem>>)
      } else {
      }
      %lt3A_141 = arith.cmpi slt, %add3A_128, %select_n3A_8 : i32
      %convert_element_type3A_142 = arith.extui %lt3A_141 : i1 to i32
      %cond3A_143 = arith.constant 0 : i32
      %cond3A_144 = arith.cmpi ne, %convert_element_type3A_142, %cond3A_143 : i32
      scf.if %cond3A_144 {
        %dma_wait3A_165 = arith.constant 0 : i32
        %dma_wait3A_166 = arith.constant 0 : i32
        %dma_wait3A_167 = tpu.memref_slice %arg2[%dma_wait3A_165, %dma_wait3A_166] : memref<10112x128xf32, #tpu.memory_space<hbm>> -> memref<128x128xf32, #tpu.memory_space<hbm>>
        %dma_wait3A_168 = arith.constant 0 : i32
        %dma_wait3A_169 = arith.constant 0 : i32
        %dma_wait3A_170 = tpu.memref_slice %arg2[%dma_wait3A_168, %dma_wait3A_169] : memref<10112x128xf32, #tpu.memory_space<hbm>> -> memref<128x128xf32, #tpu.memory_space<hbm>>
        tpu.wait_dma2 semaphore(%arg17 : memref<!tpu.dma_semaphore, #tpu.memory_space<semaphore_mem>>) src(%dma_wait3A_170 : memref<128x128xf32, #tpu.memory_space<hbm>>) dst(%arg11 : memref<128x128xf32, #tpu.memory_space<vmem>>)
        %run_scoped3A = arith.constant 1 : i32
        "tpu.region"() ({
          %run_scoped3A_171 = tpu.sem_alloc : memref<!tpu.dma_semaphore, #tpu.memory_space<semaphore_mem>>
          %dma_start3A_172 = arith.constant 0 : i32
          %dma_start3A_173 = tpu.memref_slice %arg9[%run_scoped3A, %dma_start3A_172] : memref<2x128xi32, #tpu.memory_space<vmem>> -> memref<1x128xi32, #tpu.memory_space<vmem>>
          %dma_start3A_174 = tpu.memref_squeeze %dma_start3A_173 : memref<1x128xi32, #tpu.memory_space<vmem>> -> memref<128xi32, #tpu.memory_space<vmem>>
          %dma_start3A_175 = arith.constant 0 : i32
          %dma_start3A_176 = arith.constant 0 : i32
          %dma_start3A_177 = tpu.memref_slice %arg6[%dma_start3A_175, %dma_start3A_176] : memref<10112x128xf32, #tpu.memory_space<vmem_shared>> -> memref<10112x128xf32, #tpu.memory_space<vmem_shared>>
          tpu.enqueue_indirect_dma source(%arg11 : memref<128x128xf32, #tpu.memory_space<vmem>>) target(%dma_start3A_177 : memref<10112x128xf32, #tpu.memory_space<vmem_shared>>) offsets(%dma_start3A_174 : memref<128xi32, #tpu.memory_space<vmem>>) semaphore(%run_scoped3A_171 : memref<!tpu.dma_semaphore, #tpu.memory_space<semaphore_mem>>) {add = true}
          %dma_wait3A_178 = arith.constant 0 : i32
          %dma_wait3A_179 = tpu.memref_slice %arg9[%run_scoped3A, %dma_wait3A_178] : memref<2x128xi32, #tpu.memory_space<vmem>> -> memref<1x128xi32, #tpu.memory_space<vmem>>
          %dma_wait3A_180 = tpu.memref_squeeze %dma_wait3A_179 : memref<1x128xi32, #tpu.memory_space<vmem>> -> memref<128xi32, #tpu.memory_space<vmem>>
          %dma_wait3A_181 = arith.constant 0 : i32
          %dma_wait3A_182 = arith.constant 0 : i32
          %dma_wait3A_183 = tpu.memref_slice %arg6[%dma_wait3A_181, %dma_wait3A_182] : memref<10112x128xf32, #tpu.memory_space<vmem_shared>> -> memref<10112x128xf32, #tpu.memory_space<vmem_shared>>
          tpu.wait_indirect_dma semaphore(%run_scoped3A_171 : memref<!tpu.dma_semaphore, #tpu.memory_space<semaphore_mem>>) src(%arg11 : memref<128x128xf32, #tpu.memory_space<vmem>>) dst(%dma_wait3A_183 : memref<10112x128xf32, #tpu.memory_space<vmem_shared>>)
          tpu.yield
        }) : () -> ()
      } else {
      }
      %mul3A_145 = arith.constant 4 : i32
      %mul3A_146 = arith.muli %scan3A_87, %mul3A_145 : i32
      %add3A_147 = arith.constant 3 : i32
      %add3A_148 = arith.addi %mul3A_146, %add3A_147 : i32
      %add3A_149 = arith.constant 2 : i32
      %add3A_150 = arith.addi %add3A_148, %add3A_149 : i32
      %lt3A_151 = arith.cmpi slt, %add3A_150, %select_n3A_8 : i32
      %convert_element_type3A_152 = arith.extui %lt3A_151 : i1 to i32
      %cond3A_153 = arith.constant 0 : i32
      %cond3A_154 = arith.cmpi ne, %convert_element_type3A_152, %cond3A_153 : i32
      scf.if %cond3A_154 {
        %add3A_165 = arith.addi %select_n3A, %add3A_148 : i32
        %add3A_166 = arith.constant 2 : i32
        %add3A_167 = arith.addi %add3A_165, %add3A_166 : i32
        %dma_start3A_168 = arith.constant 0 : i32
        %dma_start3A_169 = arith.constant 0 : i32
        %dma_start3A_170 = tpu.memref_slice %arg3[%add3A_167, %dma_start3A_168, %dma_start3A_169] : memref<2640x2x128xi32, #tpu.memory_space<hbm>> -> memref<1x2x128xi32, #tpu.memory_space<hbm>>
        %dma_start3A_171 = tpu.memref_squeeze %dma_start3A_170 : memref<1x2x128xi32, #tpu.memory_space<hbm>> -> memref<2x128xi32, #tpu.memory_space<hbm>>
        %dma_start3A_172 = arith.constant 0 : i32
        %dma_start3A_173 = arith.constant 0 : i32
        %dma_start3A_174 = tpu.memref_slice %arg3[%add3A_167, %dma_start3A_172, %dma_start3A_173] : memref<2640x2x128xi32, #tpu.memory_space<hbm>> -> memref<1x2x128xi32, #tpu.memory_space<hbm>>
        %dma_start3A_175 = tpu.memref_squeeze %dma_start3A_174 : memref<1x2x128xi32, #tpu.memory_space<hbm>> -> memref<2x128xi32, #tpu.memory_space<hbm>>
        tpu.enqueue_dma source(%dma_start3A_175 : memref<2x128xi32, #tpu.memory_space<hbm>>) target(%arg8 : memref<2x128xi32, #tpu.memory_space<vmem>>) target_semaphore(%arg14 : memref<!tpu.dma_semaphore, #tpu.memory_space<semaphore_mem>>)
      } else {
      }
      %add3A_155 = arith.constant 1 : i32
      %add3A_156 = arith.addi %add3A_148, %add3A_155 : i32
      %lt3A_157 = arith.cmpi slt, %add3A_156, %select_n3A_8 : i32
      %convert_element_type3A_158 = arith.extui %lt3A_157 : i1 to i32
      %cond3A_159 = arith.constant 0 : i32
      %cond3A_160 = arith.cmpi ne, %convert_element_type3A_158, %cond3A_159 : i32
      scf.if %cond3A_160 {
        %dma_wait3A_165 = arith.constant 0 : i32
        %dma_wait3A_166 = arith.constant 0 : i32
        %dma_wait3A_167 = tpu.memref_slice %arg3[%select_n3A, %dma_wait3A_165, %dma_wait3A_166] : memref<2640x2x128xi32, #tpu.memory_space<hbm>> -> memref<1x2x128xi32, #tpu.memory_space<hbm>>
        %dma_wait3A_168 = tpu.memref_squeeze %dma_wait3A_167 : memref<1x2x128xi32, #tpu.memory_space<hbm>> -> memref<2x128xi32, #tpu.memory_space<hbm>>
        %dma_wait3A_169 = arith.constant 0 : i32
        %dma_wait3A_170 = arith.constant 0 : i32
        %dma_wait3A_171 = tpu.memref_slice %arg3[%select_n3A, %dma_wait3A_169, %dma_wait3A_170] : memref<2640x2x128xi32, #tpu.memory_space<hbm>> -> memref<1x2x128xi32, #tpu.memory_space<hbm>>
        %dma_wait3A_172 = tpu.memref_squeeze %dma_wait3A_171 : memref<1x2x128xi32, #tpu.memory_space<hbm>> -> memref<2x128xi32, #tpu.memory_space<hbm>>
        tpu.wait_dma2 semaphore(%arg13 : memref<!tpu.dma_semaphore, #tpu.memory_space<semaphore_mem>>) src(%dma_wait3A_172 : memref<2x128xi32, #tpu.memory_space<hbm>>) dst(%arg7 : memref<2x128xi32, #tpu.memory_space<vmem>>)
        %dma_start3A_173 = arith.constant 0 : i32
        %dma_start3A_174 = arith.constant 0 : i32
        %dma_start3A_175 = arith.constant 0 : i32
        %dma_start3A_176 = tpu.memref_slice %arg11[%dma_start3A_174, %dma_start3A_175] : memref<128x128xf32, #tpu.memory_space<vmem>> -> memref<32x128xf32, #tpu.memory_space<vmem>>
        %dma_start3A_177 = arith.constant 0 : i32
        %dma_start3A_178 = tpu.memref_slice %arg7[%dma_start3A_173, %dma_start3A_177] : memref<2x128xi32, #tpu.memory_space<vmem>> -> memref<1x32xi32, #tpu.memory_space<vmem>>
        %dma_start3A_179 = tpu.memref_squeeze %dma_start3A_178 : memref<1x32xi32, #tpu.memory_space<vmem>> -> memref<32xi32, #tpu.memory_space<vmem>>
        %dma_start3A_180 = arith.constant 0 : i32
        %dma_start3A_181 = arith.constant 0 : i32
        %dma_start3A_182 = tpu.memref_slice %arg2[%dma_start3A_180, %dma_start3A_181] : memref<10112x128xf32, #tpu.memory_space<hbm>> -> memref<10112x128xf32, #tpu.memory_space<hbm>>
        tpu.enqueue_indirect_dma source(%dma_start3A_182 : memref<10112x128xf32, #tpu.memory_space<hbm>>) target(%dma_start3A_176 : memref<32x128xf32, #tpu.memory_space<vmem>>) offsets(%dma_start3A_179 : memref<32xi32, #tpu.memory_space<vmem>>) semaphore(%arg17 : memref<!tpu.dma_semaphore, #tpu.memory_space<semaphore_mem>>)
        %dma_start3A_183 = arith.constant 0 : i32
        %dma_start3A_184 = arith.constant 32 : i32
        %dma_start3A_185 = arith.constant 0 : i32
        %dma_start3A_186 = tpu.memref_slice %arg11[%dma_start3A_184, %dma_start3A_185] : memref<128x128xf32, #tpu.memory_space<vmem>> -> memref<32x128xf32, #tpu.memory_space<vmem>>
        %dma_start3A_187 = arith.constant 32 : i32
        %dma_start3A_188 = tpu.memref_slice %arg7[%dma_start3A_183, %dma_start3A_187] : memref<2x128xi32, #tpu.memory_space<vmem>> -> memref<1x32xi32, #tpu.memory_space<vmem>>
        %dma_start3A_189 = tpu.memref_squeeze %dma_start3A_188 : memref<1x32xi32, #tpu.memory_space<vmem>> -> memref<32xi32, #tpu.memory_space<vmem>>
        %dma_start3A_190 = arith.constant 0 : i32
        %dma_start3A_191 = arith.constant 0 : i32
        %dma_start3A_192 = tpu.memref_slice %arg2[%dma_start3A_190, %dma_start3A_191] : memref<10112x128xf32, #tpu.memory_space<hbm>> -> memref<10112x128xf32, #tpu.memory_space<hbm>>
        tpu.enqueue_indirect_dma source(%dma_start3A_192 : memref<10112x128xf32, #tpu.memory_space<hbm>>) target(%dma_start3A_186 : memref<32x128xf32, #tpu.memory_space<vmem>>) offsets(%dma_start3A_189 : memref<32xi32, #tpu.memory_space<vmem>>) semaphore(%arg17 : memref<!tpu.dma_semaphore, #tpu.memory_space<semaphore_mem>>)
        %dma_start3A_193 = arith.constant 0 : i32
        %dma_start3A_194 = arith.constant 64 : i32
        %dma_start3A_195 = arith.constant 0 : i32
        %dma_start3A_196 = tpu.memref_slice %arg11[%dma_start3A_194, %dma_start3A_195] : memref<128x128xf32, #tpu.memory_space<vmem>> -> memref<32x128xf32, #tpu.memory_space<vmem>>
        %dma_start3A_197 = arith.constant 64 : i32
        %dma_start3A_198 = tpu.memref_slice %arg7[%dma_start3A_193, %dma_start3A_197] : memref<2x128xi32, #tpu.memory_space<vmem>> -> memref<1x32xi32, #tpu.memory_space<vmem>>
        %dma_start3A_199 = tpu.memref_squeeze %dma_start3A_198 : memref<1x32xi32, #tpu.memory_space<vmem>> -> memref<32xi32, #tpu.memory_space<vmem>>
        %dma_start3A_200 = arith.constant 0 : i32
        %dma_start3A_201 = arith.constant 0 : i32
        %dma_start3A_202 = tpu.memref_slice %arg2[%dma_start3A_200, %dma_start3A_201] : memref<10112x128xf32, #tpu.memory_space<hbm>> -> memref<10112x128xf32, #tpu.memory_space<hbm>>
        tpu.enqueue_indirect_dma source(%dma_start3A_202 : memref<10112x128xf32, #tpu.memory_space<hbm>>) target(%dma_start3A_196 : memref<32x128xf32, #tpu.memory_space<vmem>>) offsets(%dma_start3A_199 : memref<32xi32, #tpu.memory_space<vmem>>) semaphore(%arg17 : memref<!tpu.dma_semaphore, #tpu.memory_space<semaphore_mem>>)
        %dma_start3A_203 = arith.constant 0 : i32
        %dma_start3A_204 = arith.constant 96 : i32
        %dma_start3A_205 = arith.constant 0 : i32
        %dma_start3A_206 = tpu.memref_slice %arg11[%dma_start3A_204, %dma_start3A_205] : memref<128x128xf32, #tpu.memory_space<vmem>> -> memref<32x128xf32, #tpu.memory_space<vmem>>
        %dma_start3A_207 = arith.constant 96 : i32
        %dma_start3A_208 = tpu.memref_slice %arg7[%dma_start3A_203, %dma_start3A_207] : memref<2x128xi32, #tpu.memory_space<vmem>> -> memref<1x32xi32, #tpu.memory_space<vmem>>
        %dma_start3A_209 = tpu.memref_squeeze %dma_start3A_208 : memref<1x32xi32, #tpu.memory_space<vmem>> -> memref<32xi32, #tpu.memory_space<vmem>>
        %dma_start3A_210 = arith.constant 0 : i32
        %dma_start3A_211 = arith.constant 0 : i32
        %dma_start3A_212 = tpu.memref_slice %arg2[%dma_start3A_210, %dma_start3A_211] : memref<10112x128xf32, #tpu.memory_space<hbm>> -> memref<10112x128xf32, #tpu.memory_space<hbm>>
        tpu.enqueue_indirect_dma source(%dma_start3A_212 : memref<10112x128xf32, #tpu.memory_space<hbm>>) target(%dma_start3A_206 : memref<32x128xf32, #tpu.memory_space<vmem>>) offsets(%dma_start3A_209 : memref<32xi32, #tpu.memory_space<vmem>>) semaphore(%arg17 : memref<!tpu.dma_semaphore, #tpu.memory_space<semaphore_mem>>)
      } else {
      }
      %lt3A_161 = arith.cmpi slt, %add3A_148, %select_n3A_8 : i32
      %convert_element_type3A_162 = arith.extui %lt3A_161 : i1 to i32
      %cond3A_163 = arith.constant 0 : i32
      %cond3A_164 = arith.cmpi ne, %convert_element_type3A_162, %cond3A_163 : i32
      scf.if %cond3A_164 {
        %dma_wait3A_165 = arith.constant 0 : i32
        %dma_wait3A_166 = arith.constant 0 : i32
        %dma_wait3A_167 = tpu.memref_slice %arg2[%dma_wait3A_165, %dma_wait3A_166] : memref<10112x128xf32, #tpu.memory_space<hbm>> -> memref<128x128xf32, #tpu.memory_space<hbm>>
        %dma_wait3A_168 = arith.constant 0 : i32
        %dma_wait3A_169 = arith.constant 0 : i32
        %dma_wait3A_170 = tpu.memref_slice %arg2[%dma_wait3A_168, %dma_wait3A_169] : memref<10112x128xf32, #tpu.memory_space<hbm>> -> memref<128x128xf32, #tpu.memory_space<hbm>>
        tpu.wait_dma2 semaphore(%arg18 : memref<!tpu.dma_semaphore, #tpu.memory_space<semaphore_mem>>) src(%dma_wait3A_170 : memref<128x128xf32, #tpu.memory_space<hbm>>) dst(%arg12 : memref<128x128xf32, #tpu.memory_space<vmem>>)
        %run_scoped3A = arith.constant 1 : i32
        "tpu.region"() ({
          %run_scoped3A_171 = tpu.sem_alloc : memref<!tpu.dma_semaphore, #tpu.memory_space<semaphore_mem>>
          %dma_start3A_172 = arith.constant 0 : i32
          %dma_start3A_173 = tpu.memref_slice %arg10[%run_scoped3A, %dma_start3A_172] : memref<2x128xi32, #tpu.memory_space<vmem>> -> memref<1x128xi32, #tpu.memory_space<vmem>>
          %dma_start3A_174 = tpu.memref_squeeze %dma_start3A_173 : memref<1x128xi32, #tpu.memory_space<vmem>> -> memref<128xi32, #tpu.memory_space<vmem>>
          %dma_start3A_175 = arith.constant 0 : i32
          %dma_start3A_176 = arith.constant 0 : i32
          %dma_start3A_177 = tpu.memref_slice %arg6[%dma_start3A_175, %dma_start3A_176] : memref<10112x128xf32, #tpu.memory_space<vmem_shared>> -> memref<10112x128xf32, #tpu.memory_space<vmem_shared>>
          tpu.enqueue_indirect_dma source(%arg12 : memref<128x128xf32, #tpu.memory_space<vmem>>) target(%dma_start3A_177 : memref<10112x128xf32, #tpu.memory_space<vmem_shared>>) offsets(%dma_start3A_174 : memref<128xi32, #tpu.memory_space<vmem>>) semaphore(%run_scoped3A_171 : memref<!tpu.dma_semaphore, #tpu.memory_space<semaphore_mem>>) {add = true}
          %dma_wait3A_178 = arith.constant 0 : i32
          %dma_wait3A_179 = tpu.memref_slice %arg10[%run_scoped3A, %dma_wait3A_178] : memref<2x128xi32, #tpu.memory_space<vmem>> -> memref<1x128xi32, #tpu.memory_space<vmem>>
          %dma_wait3A_180 = tpu.memref_squeeze %dma_wait3A_179 : memref<1x128xi32, #tpu.memory_space<vmem>> -> memref<128xi32, #tpu.memory_space<vmem>>
          %dma_wait3A_181 = arith.constant 0 : i32
          %dma_wait3A_182 = arith.constant 0 : i32
          %dma_wait3A_183 = tpu.memref_slice %arg6[%dma_wait3A_181, %dma_wait3A_182] : memref<10112x128xf32, #tpu.memory_space<vmem_shared>> -> memref<10112x128xf32, #tpu.memory_space<vmem_shared>>
          tpu.wait_indirect_dma semaphore(%run_scoped3A_171 : memref<!tpu.dma_semaphore, #tpu.memory_space<semaphore_mem>>) src(%arg12 : memref<128x128xf32, #tpu.memory_space<vmem>>) dst(%dma_wait3A_183 : memref<10112x128xf32, #tpu.memory_space<vmem_shared>>)
          tpu.yield
        }) : () -> ()
      } else {
      }
    }
    %scan3A_81 = arith.constant 20 : i32
    %barrier3A_82 = arith.constant 0 : index
    tpu.barrier barrier_id(%barrier3A_82)
    %mul3A_83 = arith.constant 632 : i32
    %mul3A_84 = arith.muli %arg1, %mul3A_83 : i32
    %mul3A_85 = arith.constant 632 : i32
    %mul3A_86 = arith.muli %arg1, %mul3A_85 : i32
    "tpu.region"() ({
      %run_scoped3A = tpu.sem_alloc : memref<!tpu.dma_semaphore, #tpu.memory_space<semaphore_mem>>
      %dma_start3A_87 = arith.constant 0 : i32
      %dma_start3A_88 = tpu.memref_slice %arg5[%arg0, %mul3A_86, %dma_start3A_87] : memref<2x10112x128xf32, #tpu.memory_space<hbm>> -> memref<1x632x128xf32, #tpu.memory_space<hbm>>
      %dma_start3A_89 = tpu.memref_squeeze %dma_start3A_88 : memref<1x632x128xf32, #tpu.memory_space<hbm>> -> memref<632x128xf32, #tpu.memory_space<hbm>>
      %dma_start3A_90 = arith.constant 0 : i32
      %dma_start3A_91 = tpu.memref_slice %arg6[%mul3A_84, %dma_start3A_90] : memref<10112x128xf32, #tpu.memory_space<vmem_shared>> -> memref<632x128xf32, #tpu.memory_space<vmem_shared>>
      tpu.enqueue_dma source(%dma_start3A_91 : memref<632x128xf32, #tpu.memory_space<vmem_shared>>) target(%dma_start3A_89 : memref<632x128xf32, #tpu.memory_space<hbm>>) target_semaphore(%run_scoped3A : memref<!tpu.dma_semaphore, #tpu.memory_space<semaphore_mem>>)
      %dma_wait3A_92 = arith.constant 0 : i32
      %dma_wait3A_93 = tpu.memref_slice %arg5[%arg0, %mul3A_86, %dma_wait3A_92] : memref<2x10112x128xf32, #tpu.memory_space<hbm>> -> memref<1x632x128xf32, #tpu.memory_space<hbm>>
      %dma_wait3A_94 = tpu.memref_squeeze %dma_wait3A_93 : memref<1x632x128xf32, #tpu.memory_space<hbm>> -> memref<632x128xf32, #tpu.memory_space<hbm>>
      %dma_wait3A_95 = arith.constant 0 : i32
      %dma_wait3A_96 = tpu.memref_slice %arg6[%mul3A_84, %dma_wait3A_95] : memref<10112x128xf32, #tpu.memory_space<vmem_shared>> -> memref<632x128xf32, #tpu.memory_space<vmem_shared>>
      tpu.wait_dma2 semaphore(%run_scoped3A : memref<!tpu.dma_semaphore, #tpu.memory_space<semaphore_mem>>) src(%dma_wait3A_96 : memref<632x128xf32, #tpu.memory_space<vmem_shared>>) dst(%dma_wait3A_94 : memref<632x128xf32, #tpu.memory_space<hbm>>)
      tpu.yield
    }) : () -> ()
    return
  }
}

module attributes {stable_mosaic.version = 14 : i64} {
  func.func @_g1_body(%arg0: i32, %arg1: memref<1264x128xf32, #tpu.memory_space<vmem>>, %arg2: memref<2x1264x128xf32, #tpu.memory_space<vmem>>, %arg3: memref<128x128xf32, #tpu.memory_space<vmem>>, %arg4: memref<1264x128xf32, #tpu.memory_space<vmem>>, %arg5: memref<1264x128xf32, #tpu.memory_space<vmem>>) attributes {dimension_semantics = [#tpu.dimension_semantics<arbitrary>], iteration_bounds = array<i64: 8>, scalar_prefetch = 0 : i64, scratch_operands = 0 : i64, tpu.core_type = #tpu.core_type<tc>, window_params = [{transform_indices = @transform_0, window_bounds = array<i64: 1264, 128>}, {transform_indices = @transform_1, window_bounds = array<i64: 2, 1264, 128>}, {pipeline_mode = #tpu.pipeline_mode<synchronous>, transform_indices = @transform_2, window_bounds = array<i64: 128, 128>}, {transform_indices = @transform_3, window_bounds = array<i64: 1264, 128>}, {transform_indices = @transform_4, window_bounds = array<i64: 1264, 128>}]} {
    %get3A = arith.constant 0 : index
    %get3A_0 = arith.constant 0 : index
    %get3A_1 = arith.constant 0 : index
    %get3A_2 = vector.load %arg2[%get3A, %get3A_0, %get3A_1] : memref<2x1264x128xf32, #tpu.memory_space<vmem>>, vector<1x1264x128xf32>
    %get3A_3 = vector.shape_cast %get3A_2 : vector<1x1264x128xf32> to vector<1264x128xf32>
    %get3A_4 = arith.constant 1 : index
    %get3A_5 = arith.constant 0 : index
    %get3A_6 = arith.constant 0 : index
    %get3A_7 = vector.load %arg2[%get3A_4, %get3A_5, %get3A_6] : memref<2x1264x128xf32, #tpu.memory_space<vmem>>, vector<1x1264x128xf32>
    %get3A_8 = vector.shape_cast %get3A_7 : vector<1x1264x128xf32> to vector<1264x128xf32>
    %add3A = arith.addf %get3A_3, %get3A_8 : vector<1264x128xf32>
    %reduce_sum3A = arith.constant dense<0.000000e+00> : vector<1264xf32>
    %reduce_sum3A_9 = vector.multi_reduction <add>, %add3A, %reduce_sum3A [1] : vector<1264x128xf32> to vector<1264xf32>
    %mul3A = arith.constant 7.812500e-03 : f32
    %mul3A_10 = vector.broadcast %mul3A : f32 to vector<1264xf32>
    %mul3A_11 = arith.mulf %reduce_sum3A_9, %mul3A_10 : vector<1264xf32>
    %add3A_12 = arith.constant 1.000000e+00 : f32
    %add3A_13 = vector.broadcast %add3A_12 : f32 to vector<1264xf32>
    %add3A_14 = arith.addf %mul3A_11, %add3A_13 : vector<1264xf32>
    %sqrt3A = math.sqrt %add3A_14 : vector<1264xf32>
    %div3A = arith.constant 1.000000e+00 : f32
    %div3A_15 = vector.broadcast %div3A : f32 to vector<1264xf32>
    %div3A_16 = arith.divf %div3A_15, %sqrt3A : vector<1264xf32>
    %broadcast_in_dim3A = vector.shape_cast %div3A_16 : vector<1264xf32> to vector<1264x1xf32>
    %broadcast_in_dim3A_17 = vector.shape_cast %broadcast_in_dim3A : vector<1264x1xf32> to vector<1264x1xf32>
    %broadcast_in_dim3A_18 = vector.broadcast %broadcast_in_dim3A_17 : vector<1264x1xf32> to vector<1264x128xf32>
    %swap3A = arith.constant 0 : index
    %swap3A_19 = arith.constant 0 : index
    %swap3A_20 = vector.load %arg5[%swap3A, %swap3A_19] : memref<1264x128xf32, #tpu.memory_space<vmem>>, vector<1264x128xf32>
    tpu.vector_store %arg5[%swap3A, %swap3A_19], %broadcast_in_dim3A_18 {strides = array<i32>} : memref<1264x128xf32, #tpu.memory_space<vmem>>, vector<1264x128xf32>,
    %get3A_21 = arith.constant 0 : index
    %get3A_22 = arith.constant 0 : index
    %get3A_23 = vector.load %arg1[%get3A_21, %get3A_22] : memref<1264x128xf32, #tpu.memory_space<vmem>>, vector<1264x128xf32>
    %get3A_24 = arith.constant 0 : index
    %get3A_25 = arith.constant 0 : index
    %get3A_26 = vector.load %arg3[%get3A_24, %get3A_25] : memref<128x128xf32, #tpu.memory_space<vmem>>, vector<128x128xf32>
    %dot_general3A = arith.constant dense<0.000000e+00> : vector<1264x128xf32>
    %dot_general3A_27 = tpu.matmul %get3A_23, %get3A_26, %dot_general3A {dimension_numbers = #tpu.dot_dimension_numbers<[1], [0], [0], [1], [0, 0, 1, 1], [], []>, transpose_lhs_hint = false} : vector<1264x128xf32>, vector<128x128xf32>, vector<1264x128xf32> -> vector<1264x128xf32>
    %mul3A_28 = vector.broadcast %broadcast_in_dim3A : vector<1264x1xf32> to vector<1264x128xf32>
    %mul3A_29 = arith.mulf %dot_general3A_27, %mul3A_28 : vector<1264x128xf32>
    %swap3A_30 = arith.constant 0 : index
    %swap3A_31 = arith.constant 0 : index
    %swap3A_32 = vector.load %arg4[%swap3A_30, %swap3A_31] : memref<1264x128xf32, #tpu.memory_space<vmem>>, vector<1264x128xf32>
    tpu.vector_store %arg4[%swap3A_30, %swap3A_31], %mul3A_29 {strides = array<i32>} : memref<1264x128xf32, #tpu.memory_space<vmem>>, vector<1264x128xf32>,
    return
  }
  func.func @transform_0(%arg0: i32) -> (i32, i32) {
    %c0_i32 = arith.constant 0 : i32
    %c0_i32_0 = arith.constant 0 : i32
    return %arg0, %c0_i32 : i32, i32
  }
  func.func @transform_1(%arg0: i32) -> (i32, i32, i32) {
    %c0_i32 = arith.constant 0 : i32
    %c0_i32_0 = arith.constant 0 : i32
    %c0_i32_1 = arith.constant 0 : i32
    return %c0_i32, %arg0, %c0_i32_0 : i32, i32, i32
  }
  func.func @transform_2(%arg0: i32) -> (i32, i32) {
    %c0_i32 = arith.constant 0 : i32
    %c0_i32_0 = arith.constant 0 : i32
    %c0_i32_1 = arith.constant 0 : i32
    return %c0_i32, %c0_i32_0 : i32, i32
  }
  func.func @transform_3(%arg0: i32) -> (i32, i32) {
    %c0_i32 = arith.constant 0 : i32
    %c0_i32_0 = arith.constant 0 : i32
    return %arg0, %c0_i32 : i32, i32
  }
  func.func @transform_4(%arg0: i32) -> (i32, i32) {
    %c0_i32 = arith.constant 0 : i32
    %c0_i32_0 = arith.constant 0 : i32
    return %arg0, %c0_i32 : i32, i32
  }
}

module attributes {stable_mosaic.version = 14 : i64} {
  func.func @_mid_body(%arg0: i32, %arg1: memref<2x1264x128xf32, #tpu.memory_space<vmem>>, %arg2: memref<1264x128xf32, #tpu.memory_space<vmem>>, %arg3: memref<1264x128xf32, #tpu.memory_space<vmem>>, %arg4: memref<128xf32, #tpu.memory_space<vmem>>, %arg5: memref<128x128xf32, #tpu.memory_space<vmem>>, %arg6: memref<1264x128xf32, #tpu.memory_space<vmem>>) attributes {dimension_semantics = [#tpu.dimension_semantics<arbitrary>], iteration_bounds = array<i64: 8>, scalar_prefetch = 0 : i64, scratch_operands = 0 : i64, tpu.core_type = #tpu.core_type<tc>, window_params = [{transform_indices = @transform_0, window_bounds = array<i64: 2, 1264, 128>}, {transform_indices = @transform_1, window_bounds = array<i64: 1264, 128>}, {transform_indices = @transform_2, window_bounds = array<i64: 1264, 128>}, {pipeline_mode = #tpu.pipeline_mode<synchronous>, transform_indices = @transform_3, window_bounds = array<i64: 128>}, {pipeline_mode = #tpu.pipeline_mode<synchronous>, transform_indices = @transform_4, window_bounds = array<i64: 128, 128>}, {transform_indices = @transform_5, window_bounds = array<i64: 1264, 128>}]} {
    %get3A = arith.constant 0 : index
    %get3A_0 = arith.constant 0 : index
    %get3A_1 = vector.load %arg3[%get3A, %get3A_0] : memref<1264x128xf32, #tpu.memory_space<vmem>>, vector<1264x128xf32>
    %get3A_2 = arith.constant 0 : index
    %get3A_3 = arith.constant 0 : index
    %get3A_4 = arith.constant 0 : index
    %get3A_5 = vector.load %arg1[%get3A_2, %get3A_3, %get3A_4] : memref<2x1264x128xf32, #tpu.memory_space<vmem>>, vector<1x1264x128xf32>
    %get3A_6 = vector.shape_cast %get3A_5 : vector<1x1264x128xf32> to vector<1264x128xf32>
    %get3A_7 = arith.constant 1 : index
    %get3A_8 = arith.constant 0 : index
    %get3A_9 = arith.constant 0 : index
    %get3A_10 = vector.load %arg1[%get3A_7, %get3A_8, %get3A_9] : memref<2x1264x128xf32, #tpu.memory_space<vmem>>, vector<1x1264x128xf32>
    %get3A_11 = vector.shape_cast %get3A_10 : vector<1x1264x128xf32> to vector<1264x128xf32>
    %add3A = arith.addf %get3A_6, %get3A_11 : vector<1264x128xf32>
    %get3A_12 = arith.constant 0 : index
    %get3A_13 = arith.constant 0 : index
    %get3A_14 = vector.load %arg2[%get3A_12, %get3A_13] : memref<1264x128xf32, #tpu.memory_space<vmem>>, vector<1264x128xf32>
    %add3A_15 = arith.addf %add3A, %get3A_14 : vector<1264x128xf32>
    %mul3A = arith.mulf %add3A_15, %get3A_1 : vector<1264x128xf32>
    %get3A_16 = arith.constant 0 : index
    %get3A_17 = vector.load %arg4[%get3A_16] : memref<128xf32, #tpu.memory_space<vmem>>, vector<128xf32>
    %broadcast_in_dim3A = vector.shape_cast %get3A_17 : vector<128xf32> to vector<1x128xf32>
    %add3A_18 = vector.broadcast %broadcast_in_dim3A : vector<1x128xf32> to vector<1264x128xf32>
    %add3A_19 = arith.addf %mul3A, %add3A_18 : vector<1264x128xf32>
    %mul3A_20 = arith.constant 0.00999999977 : f32
    %mul3A_21 = vector.broadcast %mul3A_20 : f32 to vector<1264x128xf32>
    %mul3A_22 = arith.mulf %mul3A_21, %add3A_19 : vector<1264x128xf32>
    %max3A = arith.maximumf %add3A_19, %mul3A_22 : vector<1264x128xf32>
    %get3A_23 = arith.constant 0 : index
    %get3A_24 = arith.constant 0 : index
    %get3A_25 = vector.load %arg5[%get3A_23, %get3A_24] : memref<128x128xf32, #tpu.memory_space<vmem>>, vector<128x128xf32>
    %dot_general3A = arith.constant dense<0.000000e+00> : vector<1264x128xf32>
    %dot_general3A_26 = tpu.matmul %max3A, %get3A_25, %dot_general3A {dimension_numbers = #tpu.dot_dimension_numbers<[1], [0], [0], [1], [0, 0, 1, 1], [], []>, transpose_lhs_hint = false} : vector<1264x128xf32>, vector<128x128xf32>, vector<1264x128xf32> -> vector<1264x128xf32>
    %mul3A_27 = arith.mulf %dot_general3A_26, %get3A_1 : vector<1264x128xf32>
    %swap3A = arith.constant 0 : index
    %swap3A_28 = arith.constant 0 : index
    %swap3A_29 = vector.load %arg6[%swap3A, %swap3A_28] : memref<1264x128xf32, #tpu.memory_space<vmem>>, vector<1264x128xf32>
    tpu.vector_store %arg6[%swap3A, %swap3A_28], %mul3A_27 {strides = array<i32>} : memref<1264x128xf32, #tpu.memory_space<vmem>>, vector<1264x128xf32>,
    return
  }
  func.func @transform_0(%arg0: i32) -> (i32, i32, i32) {
    %c0_i32 = arith.constant 0 : i32
    %c0_i32_0 = arith.constant 0 : i32
    %c0_i32_1 = arith.constant 0 : i32
    return %c0_i32, %arg0, %c0_i32_0 : i32, i32, i32
  }
  func.func @transform_1(%arg0: i32) -> (i32, i32) {
    %c0_i32 = arith.constant 0 : i32
    %c0_i32_0 = arith.constant 0 : i32
    return %arg0, %c0_i32 : i32, i32
  }
  func.func @transform_2(%arg0: i32) -> (i32, i32) {
    %c0_i32 = arith.constant 0 : i32
    %c0_i32_0 = arith.constant 0 : i32
    return %arg0, %c0_i32 : i32, i32
  }
  func.func @transform_3(%arg0: i32) -> i32 {
    %c0_i32 = arith.constant 0 : i32
    %c0_i32_0 = arith.constant 0 : i32
    return %c0_i32 : i32
  }
  func.func @transform_4(%arg0: i32) -> (i32, i32) {
    %c0_i32 = arith.constant 0 : i32
    %c0_i32_0 = arith.constant 0 : i32
    %c0_i32_1 = arith.constant 0 : i32
    return %c0_i32, %c0_i32_0 : i32, i32
  }
  func.func @transform_5(%arg0: i32) -> (i32, i32) {
    %c0_i32 = arith.constant 0 : i32
    %c0_i32_0 = arith.constant 0 : i32
    return %arg0, %c0_i32 : i32, i32
  }
}

module attributes {stable_mosaic.version = 14 : i64} {
  func.func @_final_body(%arg0: i32, %arg1: memref<2x1264x128xf32, #tpu.memory_space<vmem>>, %arg2: memref<1264x128xf32, #tpu.memory_space<vmem>>, %arg3: memref<1264x128xf32, #tpu.memory_space<vmem>>, %arg4: memref<128xf32, #tpu.memory_space<vmem>>, %arg5: memref<128x21xf32, #tpu.memory_space<vmem>>, %arg6: memref<21xf32, #tpu.memory_space<vmem>>, %arg7: memref<1264x21xf32, #tpu.memory_space<vmem>>) attributes {dimension_semantics = [#tpu.dimension_semantics<arbitrary>], iteration_bounds = array<i64: 8>, scalar_prefetch = 0 : i64, scratch_operands = 0 : i64, tpu.core_type = #tpu.core_type<tc>, window_params = [{transform_indices = @transform_0, window_bounds = array<i64: 2, 1264, 128>}, {transform_indices = @transform_1, window_bounds = array<i64: 1264, 128>}, {transform_indices = @transform_2, window_bounds = array<i64: 1264, 128>}, {pipeline_mode = #tpu.pipeline_mode<synchronous>, transform_indices = @transform_3, window_bounds = array<i64: 128>}, {pipeline_mode = #tpu.pipeline_mode<synchronous>, transform_indices = @transform_4, window_bounds = array<i64: 128, 21>}, {pipeline_mode = #tpu.pipeline_mode<synchronous>, transform_indices = @transform_5, window_bounds = array<i64: 21>}, {transform_indices = @transform_6, window_bounds = array<i64: 1264, 21>}]} {
    %get3A = arith.constant 0 : index
    %get3A_0 = arith.constant 0 : index
    %get3A_1 = vector.load %arg3[%get3A, %get3A_0] : memref<1264x128xf32, #tpu.memory_space<vmem>>, vector<1264x128xf32>
    %get3A_2 = arith.constant 0 : index
    %get3A_3 = arith.constant 0 : index
    %get3A_4 = arith.constant 0 : index
    %get3A_5 = vector.load %arg1[%get3A_2, %get3A_3, %get3A_4] : memref<2x1264x128xf32, #tpu.memory_space<vmem>>, vector<1x1264x128xf32>
    %get3A_6 = vector.shape_cast %get3A_5 : vector<1x1264x128xf32> to vector<1264x128xf32>
    %get3A_7 = arith.constant 1 : index
    %get3A_8 = arith.constant 0 : index
    %get3A_9 = arith.constant 0 : index
    %get3A_10 = vector.load %arg1[%get3A_7, %get3A_8, %get3A_9] : memref<2x1264x128xf32, #tpu.memory_space<vmem>>, vector<1x1264x128xf32>
    %get3A_11 = vector.shape_cast %get3A_10 : vector<1x1264x128xf32> to vector<1264x128xf32>
    %add3A = arith.addf %get3A_6, %get3A_11 : vector<1264x128xf32>
    %get3A_12 = arith.constant 0 : index
    %get3A_13 = arith.constant 0 : index
    %get3A_14 = vector.load %arg2[%get3A_12, %get3A_13] : memref<1264x128xf32, #tpu.memory_space<vmem>>, vector<1264x128xf32>
    %add3A_15 = arith.addf %add3A, %get3A_14 : vector<1264x128xf32>
    %mul3A = arith.mulf %add3A_15, %get3A_1 : vector<1264x128xf32>
    %get3A_16 = arith.constant 0 : index
    %get3A_17 = vector.load %arg4[%get3A_16] : memref<128xf32, #tpu.memory_space<vmem>>, vector<128xf32>
    %broadcast_in_dim3A = vector.shape_cast %get3A_17 : vector<128xf32> to vector<1x128xf32>
    %add3A_18 = vector.broadcast %broadcast_in_dim3A : vector<1x128xf32> to vector<1264x128xf32>
    %add3A_19 = arith.addf %mul3A, %add3A_18 : vector<1264x128xf32>
    %mul3A_20 = arith.constant 0.00999999977 : f32
    %mul3A_21 = vector.broadcast %mul3A_20 : f32 to vector<1264x128xf32>
    %mul3A_22 = arith.mulf %mul3A_21, %add3A_19 : vector<1264x128xf32>
    %max3A = arith.maximumf %add3A_19, %mul3A_22 : vector<1264x128xf32>
    %get3A_23 = arith.constant 0 : index
    %get3A_24 = arith.constant 0 : index
    %get3A_25 = vector.load %arg5[%get3A_23, %get3A_24] : memref<128x21xf32, #tpu.memory_space<vmem>>, vector<128x21xf32>
    %dot_general3A = arith.constant dense<0.000000e+00> : vector<1264x21xf32>
    %dot_general3A_26 = tpu.matmul %max3A, %get3A_25, %dot_general3A {dimension_numbers = #tpu.dot_dimension_numbers<[1], [0], [0], [1], [0, 0, 1, 1], [], []>, transpose_lhs_hint = false} : vector<1264x128xf32>, vector<128x21xf32>, vector<1264x21xf32> -> vector<1264x21xf32>
    %get3A_27 = arith.constant 0 : index
    %get3A_28 = vector.load %arg6[%get3A_27] : memref<21xf32, #tpu.memory_space<vmem>>, vector<21xf32>
    %broadcast_in_dim3A_29 = vector.shape_cast %get3A_28 : vector<21xf32> to vector<1x21xf32>
    %add3A_30 = vector.broadcast %broadcast_in_dim3A_29 : vector<1x21xf32> to vector<1264x21xf32>
    %add3A_31 = arith.addf %dot_general3A_26, %add3A_30 : vector<1264x21xf32>
    %swap3A = arith.constant 0 : index
    %swap3A_32 = arith.constant 0 : index
    %swap3A_33 = vector.load %arg7[%swap3A, %swap3A_32] : memref<1264x21xf32, #tpu.memory_space<vmem>>, vector<1264x21xf32>
    tpu.vector_store %arg7[%swap3A, %swap3A_32], %add3A_31 {strides = array<i32>} : memref<1264x21xf32, #tpu.memory_space<vmem>>, vector<1264x21xf32>,
    return
  }
  func.func @transform_0(%arg0: i32) -> (i32, i32, i32) {
    %c0_i32 = arith.constant 0 : i32
    %c0_i32_0 = arith.constant 0 : i32
    %c0_i32_1 = arith.constant 0 : i32
    return %c0_i32, %arg0, %c0_i32_0 : i32, i32, i32
  }
  func.func @transform_1(%arg0: i32) -> (i32, i32) {
    %c0_i32 = arith.constant 0 : i32
    %c0_i32_0 = arith.constant 0 : i32
    return %arg0, %c0_i32 : i32, i32
  }
  func.func @transform_2(%arg0: i32) -> (i32, i32) {
    %c0_i32 = arith.constant 0 : i32
    %c0_i32_0 = arith.constant 0 : i32
    return %arg0, %c0_i32 : i32, i32
  }
  func.func @transform_3(%arg0: i32) -> i32 {
    %c0_i32 = arith.constant 0 : i32
    %c0_i32_0 = arith.constant 0 : i32
    return %c0_i32 : i32
  }
  func.func @transform_4(%arg0: i32) -> (i32, i32) {
    %c0_i32 = arith.constant 0 : i32
    %c0_i32_0 = arith.constant 0 : i32
    %c0_i32_1 = arith.constant 0 : i32
    return %c0_i32, %c0_i32_0 : i32, i32
  }
  func.func @transform_5(%arg0: i32) -> i32 {
    %c0_i32 = arith.constant 0 : i32
    %c0_i32_0 = arith.constant 0 : i32
    return %c0_i32 : i32
  }
  func.func @transform_6(%arg0: i32) -> (i32, i32) {
    %c0_i32 = arith.constant 0 : i32
    %c0_i32_0 = arith.constant 0 : i32
    return %arg0, %c0_i32 : i32, i32
  }
}

</mosaic_0001>

<sc_bundles>
// kernel: kernel.10.cloned.1.call-start
scs
__scs_entry_jumppad:
0x0: {  	(pc) =	sbr.rel $0x88, $3  }
0x1: {  	(tag) =	ssettag $0x0;
	lr =	simm.s32 $0x1  }
0x2: {  	[smem:$0x3F97] =	sst lr;
	_ =	strace $0xD0000000  }
0x3: {  	_ = 	snop  }
0x4: {  	_ = 	snop  }
0x5: {  	_ = 	snop  }
0x6: {  	_ = 	snop  }
0x7: {  	_ = 	snop  }
__scs_overlays_trampoline_lowered:
0x8: {  	[smem:$0x3FA6] =	sst s0  }
0x9: {  	[smem:$0x3FA7] =	sst s1  }
0xa: {  	[smem:$0x3FA8] =	sst s2  }
0xb: {  	[smem:$0x3FA9] =	sst s3  }
0xc: {  	[smem:$0x3FAA] =	sst s4  }
0xd: {  	[smem:$0x3FAB] =	sst s5  }
0xe: {  	[smem:$0x3FAC] =	sst s6  }
0xf: {  	[smem:$0x3FAD] =	sst s7  }
0x10: {  	[smem:$0x3FAE] =	sst s8  }
0x11: {  	[smem:$0x3FAF] =	sst s9;
	s0 =	simm.s32 @!p0 $0x0  }
0x12: {  	s1 =	sld [smem:$0x3F95];
	s0 =	simm.s32 @p0 $0x1  }
0x13: {  	[smem:$0x3FB0] =	sst s0;
	s0 =	simm.s32 @!p1 $0x0  }
0x14: {  	s2 =	sld [smem:$0x3F94];
	s0 =	simm.s32 @p1 $0x1  }
0x15: {  	[smem:$0x3FB1] =	sst s0;
	s0 =	simm.s32 @!p2 $0x0  }
0x16: {  	s3 =	sld [smem:$0x3FDB];
	s0 =	simm.s32 @p2 $0x1  }
0x17: {  	s4 =	simm.s32 $0x1BF5;
	[smem:$0x3FB3] =	sst s0  }
0x18: {  	s0 =	sld [smem:$0x3F96];
	_ =	swait.ge [sflag:s4], $0x0  }
0x19: {  	s7 =	sld [smem:$0x3F97]  }
0x1a: {  	s8 =	sadd.s32 $0xFFFFE003, lr  }
0x1b: {  	s9 =	sadd.s32 $0xFFFFFEF7, lr;
	s5 =	simm.s32 $0xFFFFFFFF;
	p2 =	slt.u32 s8, $0xFFFFF086  }
0x1c: {  	p1 =	slt.u32 s9, $0xF7A;
	s5 =	simm.s32 @!p2 $0x0  }
0x1d: {  	s5 =	simm.s32 @p1 $0x1;
	p0 =	seq.s32 s7, s2  }
0x1e: {  	s7 =	smul.u32 @!p0 $0xF7A, s2;
	p2 =	seq.s32 @!p0 s5, $0x0  }
0x1f: {  	s9 =	smul.u32 $0xF7A, s1;
	s8 =	simm.s32 @!p0 $0x1BF5;
	p2 =	por !p2, p0  }
0x20: {  	[sflag:s8] =	ssyncset.s32 @!p0 $0xFFFFF086;
	s6 =	sadd.s32 @!p0 s3, s7;
	s7 =	simm.s32 @!p0 $0x108  }
0x21: {  	s3 =	sadd.s32 s3, s9;
	s6 =	sadd.s32 @!p0 $0x88, s6;
	s7 =	simm.s32 @p2 $0x1082  }
0x22: {  	[simem:s7], [sflag:s8] =	dma.local @!p0 [hbm:s6], $0xF7A  }
0x23: {  	s9 =	sor.u32 $0xD0000000, s2;
	s6 =	simm.s32 $0x108;
	_ =	swait.ge @!p0 [sflag:s8], $0x0  }
0x24: {  	s3 =	sadd.s32 $0x88, s3;
	s6 =	simm.s32 @!p1 $0x1082;
	[sflag:s4] =	ssyncset.s32 $0xFFFFF086  }
0x25: {  	[simem:s6], [sflag:s4] =	dma.local [hbm:s3], $0xF7A  }
0x26: {  	[smem:$0x3F97] =	sst s1;
	(tag) =	ssettag s2;
	_ =	strace s9  }
0x27: {  	s1 =	sld [smem:$0x3FA7]  }
0x28: {  	s2 =	sld [smem:$0x3FA8]  }
0x29: {  	s4 =	sld [smem:$0x3FAA]  }
0x2a: {  	p0 =	seq.s32 s5, $0x0;
	s5 =	sld [smem:$0x3FAB]  }
0x2b: {  	s6 =	sld [smem:$0x3FAC]  }
0x2c: {  	s7 =	sld [smem:$0x3FAD]  }
0x2d: {  	s3 =	simm.s32 $0x108;
	s8 =	sld [smem:$0x3FAE]  }
0x2e: {  	s3 =	simm.s32 @!p0 $0x1082;
	s9 =	sld [smem:$0x3FAF]  }
0x2f: {  	lr =	sadd.s32 s0, s3;
	s0 =	sld [smem:$0x3FA6]  }
0x30: {  	s3 =	sld [smem:$0x3FA9]  }
0x31: {  	[smem:$0x3FB2] =	sst s10  }
0x32: {  	s10 =	sld [smem:$0x3FB0];
	_ =	sdelay $0x3  }
0x33: {  	p0 =	seq.s32 s10, $0x1;
	s10 =	sld [smem:$0x3FB2];
	_ =	sdelay $0x3  }
0x34: {  	[smem:$0x3FB2] =	sst s10  }
0x35: {  	s10 =	sld [smem:$0x3FB1];
	_ =	sdelay $0x3  }
0x36: {  	p1 =	seq.s32 s10, $0x1;
	s10 =	sld [smem:$0x3FB2];
	_ =	sdelay $0x3  }
0x37: {  	[smem:$0x3FB2] =	sst s10  }
0x38: {  	s10 =	sld [smem:$0x3FB3]  }
0x39: {  	_ = 	snop;
	(pc) =	sbr.ind lr, $3  }
0x3a: {  	_ = 	snop  }
0x3b: {  	_ = 	snop  }
0x3c: {  	p2 =	seq.s32 s10, $0x1;
	s10 =	sld [smem:$0x3FB2]  }
0x3d: {  	_ =	shalt  }
0x3e: {  	_ =	shalt  }
0x3f: {  	_ =	shalt  }
0x40: {  	_ =	shalt  }
0x41: {  	_ =	shalt  }
0x42: {  	_ =	shalt  }
0x43: {  	_ =	shalt  }
0x44: {  	_ =	shalt  }
0x45: {  	_ =	shalt  }
0x46: {  	_ =	shalt  }
0x47: {  	_ =	shalt  }
0x48: {  	_ =	shalt  }
0x49: {  	_ =	shalt  }
0x4a: {  	_ =	shalt  }
0x4b: {  	_ =	shalt  }
0x4c: {  	_ =	shalt  }
0x4d: {  	_ =	shalt  }
0x4e: {  	_ =	shalt  }
0x4f: {  	_ =	shalt  }
0x50: {  	_ =	shalt  }
0x51: {  	_ =	shalt  }
0x52: {  	_ =	shalt  }
0x53: {  	_ =	shalt  }
0x54: {  	_ =	shalt  }
0x55: {  	_ =	shalt  }
0x56: {  	_ =	shalt  }
0x57: {  	_ =	shalt  }
0x58: {  	_ =	shalt  }
0x59: {  	_ =	shalt  }
0x5a: {  	_ =	shalt  }
0x5b: {  	_ =	shalt  }
0x5c: {  	_ =	shalt  }
0x5d: {  	_ =	shalt  }
0x5e: {  	_ =	shalt  }
0x5f: {  	_ =	shalt  }
0x60: {  	_ =	shalt  }
0x61: {  	_ =	shalt  }
0x62: {  	_ =	shalt  }
0x63: {  	_ =	shalt  }
0x64: {  	_ =	shalt  }
0x65: {  	_ =	shalt  }
0x66: {  	_ =	shalt  }
0x67: {  	_ =	shalt  }
0x68: {  	_ =	shalt  }
0x69: {  	_ =	shalt  }
0x6a: {  	_ =	shalt  }
0x6b: {  	_ =	shalt  }
0x6c: {  	_ =	shalt  }
0x6d: {  	_ =	shalt  }
0x6e: {  	_ =	shalt  }
0x6f: {  	_ =	shalt  }
0x70: {  	_ =	shalt  }
0x71: {  	_ =	shalt  }
0x72: {  	_ =	shalt  }
0x73: {  	_ =	shalt  }
0x74: {  	_ =	shalt  }
0x75: {  	_ =	shalt  }
0x76: {  	_ =	shalt  }
0x77: {  	_ =	shalt  }
0x78: {  	_ =	shalt  }
0x79: {  	_ =	shalt  }
0x7a: {  	_ =	shalt  }
0x7b: {  	_ =	shalt  }
0x7c: {  	_ =	shalt  }
0x7d: {  	_ =	shalt  }
0x7e: {  	_ =	shalt  }
0x7f: {  	_ =	shalt  }
0x80: {  	_ =	shalt  }
0x81: {  	_ =	shalt  }
0x82: {  	_ =	shalt  }
0x83: {  	_ =	shalt  }
0x84: {  	_ =	shalt  }
0x85: {  	_ =	shalt  }
0x86: {  	_ =	shalt  }
0x87: {  	_ =	shalt  }
.Lfunc_end0:
.L_simem_size_0:
called_computation_lowered:
.L_overlay_start_0:
0x88: {  	s2 =	sld [smem:$0x3FD9]  }
0x89: {  	s3 =	sld [smem:$0x3FFE];
	_ =	sdelay $0x1  }
0x8a: {  	s1 =	srdreg.scid  }
0x8b: {  	s0 =	sand.u32 $0x1, s1  }
0x8c: {  	s17 =	sshll.u32 s0, $0xA;
	s2 =	sadd.s32 s3, s2  }
0x8d: {  	s2 =	sadd.s32 s2, s17  }
0x8e: {  	[smem:$0x3FBE] =	sst s2  }
0x8f: {  	_ = 	snop  }
0x90: {  	s2 =	sld [smem:$0x3FD0];
	(tm) =	ssettm $0x1  }
0x91: {  	s18 =	sld [smem:$0x3FFB];
	_ =	sdelay $0x3  }
0x92: {  	_ =	strace s18  }
0x93: {  	s3 =	sld [smem:$0x3FFC];
	_ =	sdelay $0x3  }
0x94: {  	_ =	strace s3  }
0x95: {  	s3 =	sld [smem:$0x3FFD];
	_ =	sdelay $0x3  }
0x96: {  	_ =	strace s3  }
0x97: {  	_ =	strace $0x8FFFFFFF  }
0x98: {  	s19 =	sld [smem:$0x3FDB];
	_ =	sdelay $0x1  }
0x99: {  	s4 =	simm.s32 $_scs_section_size  }
0x9a: {  	s5 =	simm.s32 $_size__tile_overlayer_lowered;
	s6 =	simm.s32 $_tile_overlayer_lowered  }
0x9b: {  	s22 =	simm.s32 $0x1BFF;
	s21 =	sshll.u32 s6, $0x1;
	s3 =	sadd.s32 s4, s19  }
0x9c: {  	s7 =	simm.s32 $0x0;
	s20 =	sshll.u32 s5, $0x1;
	s5 =	sadd.s32 s21, s3  }
0x9d: {  	[timem:s7], [sflag:s22] =	dma.local [hbm:s5], s20  }
0x9e: {  	_ =	swait.ge [sflag:s22], s20  }
0x9f: {  	s4 =	ssub.s32 $0x0, s20;
	[sflag:s22] =	ssyncset.done $0x0  }
0xa0: {  	[sflag:s22] =	ssyncadd.s32 s4;
	_ =	sdelay $0x1  }
0xa1: {  	s23 =	simm.s32 $0x1B8B  }
0xa2: {  	_ =	swait.ge [sflag:s23], $0x1  }
0xa3: {  	[sflag:s23] =	ssyncset.done $0x0  }
0xa4: {  	s25 =	simm.s32 $0x1B8E;
	s24 =	sld [smem:$0x3FFE];
	[sflag:s23] =	ssyncadd.s32 $0xFFFFFFFF  }
0xa5: {  	s26 =	simm.s32 $execute0_lowered;
	[smem:$0x3FD2] =	sst s25  }
0xa6: {  	s5 =	sshll.u32 s26, $0x1;
	_ =	strace $0x80000046;
	[dreg:$0x1] =	wrdreg $0xFFFFFFFF  }
0xa7: {  	s28 =	simm.s32 $_size_execute0_lowered;
	s3 =	sadd.s32 s3, s5;
	[dreg:$0x0] =	wrdreg $0x0  }
0xa8: {  	s5 =	sshll.u32 s28, $0x1;
	[dreg:$0x2] =	wrdreg s3  }
0xa9: {  	[dreg:$0x3] =	wrdreg s5  }
0xaa: {  	[dreg:$0x4] =	wrdreg $0xC0  }
0xab: {  	_ =	task [dreg:s7], $0x5FFFF  }
0xac: {  	[dreg:$0x1] =	wrdreg $0xFFFFFFFF  }
0xad: {  	[dreg:$0x0] =	wrdreg $0x60  }
0xae: {  	[dreg:$0x2] =	wrdreg s24  }
0xaf: {  	[dreg:$0x3] =	wrdreg s2  }
0xb0: {  	[dreg:$0x4] =	wrdreg $0x0  }
0xb1: {  	[dreg:$0x5] =	wrdreg $0x9  }
0xb2: {  	_ =	task.clear_ibuf [dreg:s7], $0x6FFFF;
	_ =	strace $0x90000046  }
0xb3: {  	s29 =	simm.s32 $0x9;
	_ =	strace $0x80000048  }
0xb4: {  	_ =	swait.ge [sflag:s29], $0x1  }
0xb5: {  	[sflag:s29] =	ssyncadd.s32 $0xFFFFFFFF  }
0xb6: {  	_ =	strace $0x90000048  }
0xb7: {  	_ =	sfence  }
0xb8: {  	s30 =	sld [smem:$0x0];
	_ =	sdelay $0x2  }
0xb9: {  	s31 =	sshll.u32 s1, $0xD;
	s1 =	sshrl.u32 s1, $0x2  }
0xba: {  	s3 =	sand.u32 $0x4000, s31;
	s1 =	sadd.s32 s1, s30  }
0xbb: {  	s0 =	sor.u32 s3, s0;
	s1 =	sshll.u32 s1, $0x11  }
0xbc: {  	s0 =	sor.u32 s1, s0  }
0xbd: {  	s0 =	sadd.s32 $0x8F2B, s0  }
0xbe: {  	[sflag:s0] =	ssyncadd.remote.s32 $0x1  }
0xbf: {  	_ =	sfence.sel $0xFFFF  }
0xc0: {  	[dreg:$0x0] =	wrdreg $0xFFFFFFFF;
	(pc) =	sbr.abs _section_cstart, $3  }
0xc1: {  	[dreg:$0x1] =	wrdreg $0xFFFFFFFF  }
0xc2: {  	_ =	task.clear_ibuf [dreg:s7], $0x2FFFF;
	_ =	strace $0x9FFFFFFF  }
0xc3: {  	(tm) =	ssettm $0x7FFFFFFF  }
tec
execute0_lowered:
.L_overlay_start_1:
0x0: {  	(tag) =	ssettag $0x1  }
0x1: {  	s6 =	rddreg [dreg:$0x0]  }
0x2: {  	s0 =	srdreg.scid;
	s2 =	rddreg [dreg:$0x1]  }
0x3: {  	s3 =	rddreg [dreg:$0x2];
	s4 =	simm.s32 $0x0;
	s13 =	simm.s32 $0x16400  }
0x4: {  	s14 =	simm.s32 $0x80;
	s5 =	sand.u32 $0x1, s0;
	s0 =	stileid.u32  }
0x5: {  	s15 =	simm.s32 $0x0;
	[smem:$0x7FF] =	sst s4;
	s8 =	smul.u32 $0x13C00, s0  }
0x6: {  	s1 =	sshll.u32 s5, $0x4;
	s9 =	smul.u32 $0x13C000, s5;
	s5 =	ssub.s32 $0x2, s5  }
0x7: {  	s28 =	smul.u32 $0x4F000, s0;
	s31 =	sshll.u32 s0, $0x6;
	s1 =	sor.u32 s0, s1  }
0x8: {  	s29 =	sshrl.u32 s5, $0x1;
	s7 =	smul.u32 $0x500, s1;
	s1 =	rddreg [dreg:$0x3]  }
0x9: {  	_ =	strace $0x80000047;
	s10 =	sshrl.u32 s8, $0x3;
	s8 =	sadd.s32 s8, s9  }
0xa: {  	s11 =	ssub.s32 s5, s29;
	s30 =	sshrl.u32 s28, $0x2;
	s8 =	sshrl.u32 s8, $0x3  }
0xb: {  	s10 =	sadd.s32 s10, s6;
	s12 =	sadd.s32 s30, s3;
	s9 =	smax.u32 s11, $0x1  }
0xc: {  	s11 =	simm.s32 $0x1;
	s7 =	sadd.s32 s7, s6;
	s8 =	sadd.s32 s8, s6  }
0xd: {  	s5 =	sadd.s32 $0xDC00, s10;
	s6 =	sor.u32 $0x1C01, s31;
	s10 =	sshrl.u32 s12, $0x3  }
0xe: {  	s12 =	simm.s32 $0x13C00;
	s7 =	sadd.s32 $0x3600, s7;
	s8 =	sadd.s32 $0x35400, s8  }
.LBB2_1:
0xf: {  	[spmem:s10], [sflag:s6] =	dma.local [hbm:s5], $0x2780  }
0x10: {  	_ =	swait.ge [sflag:s11], $0x2780  }
0x11: {  	[sflag:s11] =	ssyncset.done $0x0  }
0x12: {  	[sflag:s11] =	ssyncadd.s32 $0xFFFFD880  }
0x13: {  	[tilespmem:s12], [sflag:$0x1] =	stream.linear.gather [hbm4b:s7+s4], $0x2800, $0x38;
	[tilespmem:$0x1A400] =	vst v63  }
0x14: {  	_ =	swait.ge [sflag:s11], $0x2800  }
0x15: {  	[sflag:s11] =	ssyncset.done $0x0  }
0x16: {  	[sflag:s11] =	ssyncadd.s32 $0xFFFFD800  }
0x17: {  	[tilespmem:s13], [sflag:$0x1] =	stream.linear.gather [hbm4b:s2+s4], $0x4000, $0x38;
	[tilespmem:$0x1A400] =	vst v63  }
0x18: {  	_ =	swait.ge [sflag:s11], $0x4000  }
0x19: {  	[sflag:s11] =	ssyncset.done $0x0  }
0x1a: {  	[sflag:s11] =	ssyncadd.s32 $0xFFFFC000  }
0x1b: {  	s16 =	simm.s32 $0x13C00;
	[bflag:$0x0] =	sbarrier.arrive $0xFFFF  }
0x1c: {  	[spmem:s3] =	stream.indirect.scatter.add.f32 [tilespmem:s13], [sflag:$0x1], $0x80, s16, s14, $0xb8;
	[tilespmem:$0x1A400] =	vst v63  }
0x1d: {  	s16 =	simm.s32 $0x200;
	_ =	swait.ge [sflag:s11], $0x4000  }
.LBB2_2:
0x1e: {  	s17 =	sshra.s32 s16, $0x2;
	[sflag:s11] =	ssyncset.done $0x0;
	p0 =	sne.s32 s16, $0x9E00  }
.Ltmp0:
0x1f: {  	s17 =	sadd.s32 $0x13C00, s17;
	[sflag:s11] =	ssyncadd.s32 $0xFFFFC000;
	(pc) =	sbr.rel @p0 .LBB2_2-.Ltmp0, $3  }
0x20: {  	[spmem:s3] =	stream.indirect.scatter.add.f32 [tilespmem:s13], [sflag:$0x1], $0x80, s17, s14, $0xb8;
	[tilespmem:$0x1A400] =	vst v63  }
0x21: {  	s16 =	sadd.s32 $0x200, s16;
	_ =	sdelay $0x1  }
0x22: {  	_ =	swait.ge [sflag:s11], $0x4000  }
0x23: {  	[sflag:s11] =	ssyncset.done $0x0;
	s15 =	sadd.s32 $0x1, s15  }
0x24: {  	[sflag:s11] =	ssyncadd.s32 $0xFFFFC000;
	p0 =	sne.s32 s15, s9  }
.Ltmp1:
0x25: {  	[bflag:$0x0] =	sbarrier.arrive $0xFFFF;
	(pc) =	sbr.rel @p0 .LBB2_1-.Ltmp1, $4  }
0x26: {  	[hbm:s8], [sflag:s6] =	dma.local [spmem:s10], $0x2780  }
0x27: {  	_ =	swait.ge [sflag:s11], $0x2780  }
0x28: {  	[sflag:s11] =	ssyncset.done $0x0  }
0x29: {  	[sflag:s11] =	ssyncadd.s32 $0xFFFFD880  }
0x2a: {  	_ =	sfence.sel $0x180000  }
0x2b: {  	[bflag:$0x0] =	sbarrier.arrive $0xFFFF  }
0x2c: {  	p0 =	sne.s32 s0, $0x0;
	_ =	strace $0x90000047  }
0x2d: {  	s0 =	sadd.s32 @!p0 $0x100000, s1;
	[bflag:$0x2] =	sbarrier.arrive $0xFFFF  }
0x2e: {  	[sflag:s0] =	ssyncadd.tile.s32 @!p0 $0x1;
	_ =	shalt  }
.Lfunc_end2:
_tile_overlayer_lowered:
.L_overlay_start_2:
0x2f: {  	(tag) =	ssettag $0x2  }
0x30: {  	s0 =	rddreg [dreg:$0x0];
	s2 =	stileid.u32  }
0x31: {  	s1 =	rddreg [dreg:$0x1];
	p0 =	sne.s32 s2, $0x0  }
0x32: {  	s3 =	rddreg [dreg:$0x2];
	[bflag:$0x3] =	sbarrier.arrive $0xFFFF;
	s2 =	simm.s32 @!p0 $0x1C01  }
0x33: {  	[timem:s3], [sflag:s2] =	dma.local @!p0 [hbm:s0], s1  }
0x34: {  	s0 =	simm.s32 @!p0 $0x1  }
0x35: {  	_ =	swait.ge @!p0 [sflag:s0], s1  }
0x36: {  	s1 =	ssub.s32 @!p0 $0x0, s1;
	[sflag:s0] =	ssyncset.done @!p0 $0x0  }
0x37: {  	[sflag:s0] =	ssyncadd.s32 @!p0 s1  }
0x38: {  	[bflag:$0x3] =	sbarrier.arrive $0xFFFF  }
0x39: {  	_ =	shalt  }

// kernel: kernel.13.cloned.1.call-start
scs
__scs_entry_jumppad:
0x0: {  	(pc) =	sbr.rel $0x88, $3  }
0x1: {  	(tag) =	ssettag $0x0;
	lr =	simm.s32 $0x1  }
0x2: {  	[smem:$0x3F97] =	sst lr;
	_ =	strace $0xD0000000  }
0x3: {  	_ = 	snop  }
0x4: {  	_ = 	snop  }
0x5: {  	_ = 	snop  }
0x6: {  	_ = 	snop  }
0x7: {  	_ = 	snop  }
__scs_overlays_trampoline_lowered:
0x8: {  	[smem:$0x3FA6] =	sst s0  }
0x9: {  	[smem:$0x3FA7] =	sst s1  }
0xa: {  	[smem:$0x3FA8] =	sst s2  }
0xb: {  	[smem:$0x3FA9] =	sst s3  }
0xc: {  	[smem:$0x3FAA] =	sst s4  }
0xd: {  	[smem:$0x3FAB] =	sst s5  }
0xe: {  	[smem:$0x3FAC] =	sst s6  }
0xf: {  	[smem:$0x3FAD] =	sst s7  }
0x10: {  	[smem:$0x3FAE] =	sst s8  }
0x11: {  	[smem:$0x3FAF] =	sst s9;
	s0 =	simm.s32 @!p0 $0x0  }
0x12: {  	s1 =	sld [smem:$0x3F95];
	s0 =	simm.s32 @p0 $0x1  }
0x13: {  	[smem:$0x3FB0] =	sst s0;
	s0 =	simm.s32 @!p1 $0x0  }
0x14: {  	s2 =	sld [smem:$0x3F94];
	s0 =	simm.s32 @p1 $0x1  }
0x15: {  	[smem:$0x3FB1] =	sst s0;
	s0 =	simm.s32 @!p2 $0x0  }
0x16: {  	s3 =	sld [smem:$0x3FDB];
	s0 =	simm.s32 @p2 $0x1  }
0x17: {  	s4 =	simm.s32 $0x1BF5;
	[smem:$0x3FB3] =	sst s0  }
0x18: {  	s0 =	sld [smem:$0x3F96];
	_ =	swait.ge [sflag:s4], $0x0  }
0x19: {  	s7 =	sld [smem:$0x3F97]  }
0x1a: {  	s8 =	sadd.s32 $0xFFFFE003, lr  }
0x1b: {  	s9 =	sadd.s32 $0xFFFFFEF7, lr;
	s5 =	simm.s32 $0xFFFFFFFF;
	p2 =	slt.u32 s8, $0xFFFFF086  }
0x1c: {  	p1 =	slt.u32 s9, $0xF7A;
	s5 =	simm.s32 @!p2 $0x0  }
0x1d: {  	s5 =	simm.s32 @p1 $0x1;
	p0 =	seq.s32 s7, s2  }
0x1e: {  	s7 =	smul.u32 @!p0 $0xF7A, s2;
	p2 =	seq.s32 @!p0 s5, $0x0  }
0x1f: {  	s9 =	smul.u32 $0xF7A, s1;
	s8 =	simm.s32 @!p0 $0x1BF5;
	p2 =	por !p2, p0  }
0x20: {  	[sflag:s8] =	ssyncset.s32 @!p0 $0xFFFFF086;
	s6 =	sadd.s32 @!p0 s3, s7;
	s7 =	simm.s32 @!p0 $0x108  }
0x21: {  	s3 =	sadd.s32 s3, s9;
	s6 =	sadd.s32 @!p0 $0x88, s6;
	s7 =	simm.s32 @p2 $0x1082  }
0x22: {  	[simem:s7], [sflag:s8] =	dma.local @!p0 [hbm:s6], $0xF7A  }
0x23: {  	s9 =	sor.u32 $0xD0000000, s2;
	s6 =	simm.s32 $0x108;
	_ =	swait.ge @!p0 [sflag:s8], $0x0  }
0x24: {  	s3 =	sadd.s32 $0x88, s3;
	s6 =	simm.s32 @!p1 $0x1082;
	[sflag:s4] =	ssyncset.s32 $0xFFFFF086  }
0x25: {  	[simem:s6], [sflag:s4] =	dma.local [hbm:s3], $0xF7A  }
0x26: {  	[smem:$0x3F97] =	sst s1;
	(tag) =	ssettag s2;
	_ =	strace s9  }
0x27: {  	s1 =	sld [smem:$0x3FA7]  }
0x28: {  	s2 =	sld [smem:$0x3FA8]  }
0x29: {  	s4 =	sld [smem:$0x3FAA]  }
0x2a: {  	p0 =	seq.s32 s5, $0x0;
	s5 =	sld [smem:$0x3FAB]  }
0x2b: {  	s6 =	sld [smem:$0x3FAC]  }
0x2c: {  	s7 =	sld [smem:$0x3FAD]  }
0x2d: {  	s3 =	simm.s32 $0x108;
	s8 =	sld [smem:$0x3FAE]  }
0x2e: {  	s3 =	simm.s32 @!p0 $0x1082;
	s9 =	sld [smem:$0x3FAF]  }
0x2f: {  	lr =	sadd.s32 s0, s3;
	s0 =	sld [smem:$0x3FA6]  }
0x30: {  	s3 =	sld [smem:$0x3FA9]  }
0x31: {  	[smem:$0x3FB2] =	sst s10  }
0x32: {  	s10 =	sld [smem:$0x3FB0];
	_ =	sdelay $0x3  }
0x33: {  	p0 =	seq.s32 s10, $0x1;
	s10 =	sld [smem:$0x3FB2];
	_ =	sdelay $0x3  }
0x34: {  	[smem:$0x3FB2] =	sst s10  }
0x35: {  	s10 =	sld [smem:$0x3FB1];
	_ =	sdelay $0x3  }
0x36: {  	p1 =	seq.s32 s10, $0x1;
	s10 =	sld [smem:$0x3FB2];
	_ =	sdelay $0x3  }
0x37: {  	[smem:$0x3FB2] =	sst s10  }
0x38: {  	s10 =	sld [smem:$0x3FB3]  }
0x39: {  	_ = 	snop;
	(pc) =	sbr.ind lr, $3  }
0x3a: {  	_ = 	snop  }
0x3b: {  	_ = 	snop  }
0x3c: {  	p2 =	seq.s32 s10, $0x1;
	s10 =	sld [smem:$0x3FB2]  }
0x3d: {  	_ =	shalt  }
0x3e: {  	_ =	shalt  }
0x3f: {  	_ =	shalt  }
0x40: {  	_ =	shalt  }
0x41: {  	_ =	shalt  }
0x42: {  	_ =	shalt  }
0x43: {  	_ =	shalt  }
0x44: {  	_ =	shalt  }
0x45: {  	_ =	shalt  }
0x46: {  	_ =	shalt  }
0x47: {  	_ =	shalt  }
0x48: {  	_ =	shalt  }
0x49: {  	_ =	shalt  }
0x4a: {  	_ =	shalt  }
0x4b: {  	_ =	shalt  }
0x4c: {  	_ =	shalt  }
0x4d: {  	_ =	shalt  }
0x4e: {  	_ =	shalt  }
0x4f: {  	_ =	shalt  }
0x50: {  	_ =	shalt  }
0x51: {  	_ =	shalt  }
0x52: {  	_ =	shalt  }
0x53: {  	_ =	shalt  }
0x54: {  	_ =	shalt  }
0x55: {  	_ =	shalt  }
0x56: {  	_ =	shalt  }
0x57: {  	_ =	shalt  }
0x58: {  	_ =	shalt  }
0x59: {  	_ =	shalt  }
0x5a: {  	_ =	shalt  }
0x5b: {  	_ =	shalt  }
0x5c: {  	_ =	shalt  }
0x5d: {  	_ =	shalt  }
0x5e: {  	_ =	shalt  }
0x5f: {  	_ =	shalt  }
0x60: {  	_ =	shalt  }
0x61: {  	_ =	shalt  }
0x62: {  	_ =	shalt  }
0x63: {  	_ =	shalt  }
0x64: {  	_ =	shalt  }
0x65: {  	_ =	shalt  }
0x66: {  	_ =	shalt  }
0x67: {  	_ =	shalt  }
0x68: {  	_ =	shalt  }
0x69: {  	_ =	shalt  }
0x6a: {  	_ =	shalt  }
0x6b: {  	_ =	shalt  }
0x6c: {  	_ =	shalt  }
0x6d: {  	_ =	shalt  }
0x6e: {  	_ =	shalt  }
0x6f: {  	_ =	shalt  }
0x70: {  	_ =	shalt  }
0x71: {  	_ =	shalt  }
0x72: {  	_ =	shalt  }
0x73: {  	_ =	shalt  }
0x74: {  	_ =	shalt  }
0x75: {  	_ =	shalt  }
0x76: {  	_ =	shalt  }
0x77: {  	_ =	shalt  }
0x78: {  	_ =	shalt  }
0x79: {  	_ =	shalt  }
0x7a: {  	_ =	shalt  }
0x7b: {  	_ =	shalt  }
0x7c: {  	_ =	shalt  }
0x7d: {  	_ =	shalt  }
0x7e: {  	_ =	shalt  }
0x7f: {  	_ =	shalt  }
0x80: {  	_ =	shalt  }
0x81: {  	_ =	shalt  }
0x82: {  	_ =	shalt  }
0x83: {  	_ =	shalt  }
0x84: {  	_ =	shalt  }
0x85: {  	_ =	shalt  }
0x86: {  	_ =	shalt  }
0x87: {  	_ =	shalt  }
.Lfunc_end0:
.L_simem_size_0:
called_computation.1_lowered:
.L_overlay_start_0:
0x88: {  	s2 =	sld [smem:$0x3FD9]  }
0x89: {  	s3 =	sld [smem:$0x3FFE];
	_ =	sdelay $0x1  }
0x8a: {  	s1 =	srdreg.scid  }
0x8b: {  	s0 =	sand.u32 $0x1, s1  }
0x8c: {  	s16 =	sshll.u32 s0, $0xA;
	s2 =	sadd.s32 s3, s2  }
0x8d: {  	s2 =	sadd.s32 s2, s16  }
0x8e: {  	[smem:$0x3FBE] =	sst s2  }
0x8f: {  	_ = 	snop  }
0x90: {  	(tm) =	ssettm $0x1  }
0x91: {  	s17 =	sld [smem:$0x3FFB];
	_ =	sdelay $0x3  }
0x92: {  	_ =	strace s17  }
0x93: {  	s2 =	sld [smem:$0x3FFC];
	_ =	sdelay $0x3  }
0x94: {  	_ =	strace s2  }
0x95: {  	s2 =	sld [smem:$0x3FFD];
	_ =	sdelay $0x3  }
0x96: {  	_ =	strace s2  }
0x97: {  	_ =	strace $0x8FFFFFFF  }
0x98: {  	s18 =	sld [smem:$0x3FDB];
	_ =	sdelay $0x1  }
0x99: {  	s19 =	simm.s32 $_scs_section_size  }
0x9a: {  	s4 =	simm.s32 $_size__tile_overlayer_lowered;
	s5 =	simm.s32 $_tile_overlayer_lowered  }
0x9b: {  	s22 =	simm.s32 $0x1BFF;
	s21 =	sshll.u32 s5, $0x1;
	s2 =	sadd.s32 s19, s18  }
0x9c: {  	s6 =	simm.s32 $0x0;
	s20 =	sshll.u32 s4, $0x1;
	s4 =	sadd.s32 s21, s2  }
0x9d: {  	[timem:s6], [sflag:s22] =	dma.local [hbm:s4], s20  }
0x9e: {  	_ =	swait.ge [sflag:s22], s20  }
0x9f: {  	s3 =	ssub.s32 $0x0, s20;
	[sflag:s22] =	ssyncset.done $0x0  }
0xa0: {  	[sflag:s22] =	ssyncadd.s32 s3;
	_ =	sdelay $0x1  }
0xa1: {  	s23 =	simm.s32 $0x1B8B  }
0xa2: {  	_ =	swait.ge [sflag:s23], $0x1  }
0xa3: {  	[sflag:s23] =	ssyncset.done $0x0  }
0xa4: {  	s25 =	simm.s32 $0x1B8E;
	s24 =	sld [smem:$0x3FFE];
	[sflag:s23] =	ssyncadd.s32 $0xFFFFFFFF  }
0xa5: {  	s26 =	simm.s32 $execute0_lowered;
	[smem:$0x3FD2] =	sst s25  }
0xa6: {  	s4 =	sshll.u32 s26, $0x1;
	_ =	strace $0x80000049;
	[dreg:$0x1] =	wrdreg $0xFFFFFFFF  }
0xa7: {  	s28 =	simm.s32 $_size_execute0_lowered;
	s2 =	sadd.s32 s2, s4;
	[dreg:$0x0] =	wrdreg $0x0  }
0xa8: {  	s4 =	sshll.u32 s28, $0x1;
	[dreg:$0x2] =	wrdreg s2  }
0xa9: {  	[dreg:$0x3] =	wrdreg s4  }
0xaa: {  	[dreg:$0x4] =	wrdreg $0xC0  }
0xab: {  	_ =	task [dreg:s6], $0x5FFFF  }
0xac: {  	[dreg:$0x1] =	wrdreg $0xFFFFFFFF  }
0xad: {  	[dreg:$0x0] =	wrdreg $0x60  }
0xae: {  	[dreg:$0x2] =	wrdreg s24  }
0xaf: {  	[dreg:$0x3] =	wrdreg $0x0  }
0xb0: {  	[dreg:$0x4] =	wrdreg $0x9  }
0xb1: {  	_ =	task.clear_ibuf [dreg:s6], $0x5FFFF;
	_ =	strace $0x90000049  }
0xb2: {  	s29 =	simm.s32 $0x9;
	_ =	strace $0x8000004B  }
0xb3: {  	_ =	swait.ge [sflag:s29], $0x1  }
0xb4: {  	[sflag:s29] =	ssyncadd.s32 $0xFFFFFFFF  }
0xb5: {  	_ =	strace $0x9000004B  }
0xb6: {  	_ =	sfence  }
0xb7: {  	s30 =	sld [smem:$0x0];
	_ =	sdelay $0x2  }
0xb8: {  	s31 =	sshll.u32 s1, $0xD;
	s1 =	sshrl.u32 s1, $0x2  }
0xb9: {  	s3 =	sand.u32 $0x4000, s31;
	s1 =	sadd.s32 s1, s30  }
0xba: {  	s0 =	sor.u32 s3, s0;
	s1 =	sshll.u32 s1, $0x11  }
0xbb: {  	s0 =	sor.u32 s1, s0  }
0xbc: {  	s0 =	sadd.s32 $0x8F2B, s0  }
0xbd: {  	[sflag:s0] =	ssyncadd.remote.s32 $0x1  }
0xbe: {  	_ =	sfence.sel $0xFFFF  }
0xbf: {  	[dreg:$0x0] =	wrdreg $0xFFFFFFFF;
	(pc) =	sbr.abs _section_cstart, $3  }
0xc0: {  	[dreg:$0x1] =	wrdreg $0xFFFFFFFF  }
0xc1: {  	_ =	task.clear_ibuf [dreg:s6], $0x2FFFF;
	_ =	strace $0x9FFFFFFF  }
0xc2: {  	(tm) =	ssettm $0x7FFFFFFF  }
0xc3: {  	_ =	shalt  }
tec
execute0_lowered:
.L_overlay_start_1:
0x0: {  	(tag) =	ssettag $0x1  }
0x1: {  	s0 =	rddreg [dreg:$0x0]  }
0x2: {  	s2 =	rddreg [dreg:$0x1]  }
0x3: {  	s10 =	stileid.u32;
	s1 =	srdreg.scid  }
0x4: {  	s3 =	simm.s32 $0x0;
	s14 =	simm.s32 $0x13D20;
	s15 =	simm.s32 $0x13D40  }
0x5: {  	s16 =	simm.s32 $0x13D60;
	s17 =	simm.s32 $0x13C80;
	s18 =	simm.s32 $0x13E20  }
0x6: {  	s19 =	simm.s32 $0x13E40;
	s20 =	simm.s32 $0x13E60;
	s21 =	simm.s32 $0x13D80  }
0x7: {  	s22 =	simm.s32 $0x13F20;
	s23 =	simm.s32 $0x13F40;
	[smem:$0x7FF] =	sst s3  }
0x8: {  	s28 =	simm.s32 $0x19000;
	_ =	strace $0x8000004A;
	[dreg:$0x4] =	wrdreg s14  }
0x9: {  	s29 =	simm.s32 $0x1A000;
	s30 =	simm.s32 $0x1B000;
	[dreg:$0x5] =	wrdreg s15  }
0xa: {  	s31 =	simm.s32 $0x5;
	s4 =	smul.u32 $0x50, s10;
	[dreg:$0x6] =	wrdreg s16  }
0xb: {  	s1 =	sand.u32 $0x1, s1;
	s6 =	smul.u32 $0x13C00, s10;
	[dreg:$0x7] =	wrdreg s17  }
0xc: {  	s24 =	smul.u32 $0x4F000, s10;
	s10 =	sshll.u32 s10, $0x6;
	[dreg:$0x8] =	wrdreg s18  }
0xd: {  	p0 =	seq.s32 s1, $0x0;
	s7 =	smul.u32 $0x13C000, s1;
	[dreg:$0x9] =	wrdreg s19  }
0xe: {  	s1 =	ssub.s32 $0x2, s1;
	s14 =	simm.s32 $0x13D00;
	[dreg:$0xa] =	wrdreg s20  }
0xf: {  	s16 =	simm.s32 $0x20;
	s17 =	simm.s32 $0x14000;
	[dreg:$0xb] =	wrdreg s21  }
0x10: {  	s19 =	simm.s32 $0x15000;
	[dreg:$0xc] =	wrdreg s22;
	s21 =	simm.s32 $0x16000  }
0x11: {  	[dreg:$0xd] =	wrdreg s23;
	s23 =	simm.s32 $0x17000;
	s18 =	simm.s32 $0x13F00  }
0x12: {  	s20 =	simm.s32 $0x3;
	s22 =	simm.s32 $0x6;
	s5 =	sadd.s32 $0x500, s4  }
0x13: {  	s8 =	sshrl.u32 s6, $0x3;
	s9 =	sshrl.u32 s1, $0x1;
	s25 =	sshrl.u32 s24, $0x2  }
0x14: {  	s24 =	simm.s32 $0x13F60;
	s5 =	smov.u32 @p0 s4;
	s4 =	sadd.s32 $0x35400, s0  }
0x15: {  	s6 =	sadd.s32 s6, s7;
	s8 =	sadd.s32 s8, s0;
	s1 =	ssub.s32 s1, s9  }
0x16: {  	s26 =	sadd.s32 s25, s2;
	[dreg:$0xe] =	wrdreg s24;
	s25 =	simm.s32 $0x13E80  }
0x17: {  	s24 =	simm.s32 $0x13E00;
	s5 =	sshll.u32 s5, $0x5;
	s6 =	sshrl.u32 s6, $0x3  }
0x18: {  	s8 =	sadd.s32 $0xDC00, s8;
	s12 =	smax.u32 s1, $0x1;
	[dreg:$0xf] =	wrdreg s25  }
0x19: {  	s9 =	sshrl.u32 s26, $0x3;
	s26 =	simm.s32 $0x13F80;
	[dreg:$0x11] =	wrdreg s8  }
0x1a: {  	s25 =	simm.s32 $0x2;
	s1 =	simm.s32 $0x80;
	[dreg:$0x15] =	wrdreg s12  }
0x1b: {  	s5 =	sadd.s32 s5, s0;
	s0 =	sadd.s32 s6, s0;
	[dreg:$0x10] =	wrdreg s26  }
0x1c: {  	s8 =	sor.u32 $0x1C07, s10;
	s12 =	simm.s32 $0x7;
	[dreg:$0x16] =	wrdreg s9  }
0x1d: {  	s26 =	simm.s32 $0x18000;
	s11 =	sadd.s32 $0x84420, s5;
	[dreg:$0x12] =	wrdreg s8  }
0x1e: {  	s10 =	simm.s32 $0x0;
	s0 =	sadd.s32 $0x98E00, s0;
	[dreg:$0x13] =	wrdreg s11  }
0x1f: {  	s7 =	sadd.s32 $0x84400, s5;
	s13 =	sadd.s32 $0x84440, s5;
	[dreg:$0x14] =	wrdreg s0  }
0x20: {  	s5 =	simm.s32 $0x4;
	[dreg:$0x3] =	wrdreg s13;
	s0 =	simm.s32 $0x8  }
.LBB2_1:
0x21: {  	[dreg:$0x17] =	wrdreg s10  }
0x22: {  	s6 =	rddreg [dreg:$0x11]  }
0x23: {  	[spmem:s9], [sflag:s8] =	dma.local [hbm:s6], $0x2780  }
0x24: {  	_ =	swait.ge [sflag:s12], $0x2780  }
0x25: {  	[sflag:s12] =	ssyncset.done $0x0  }
0x26: {  	[sflag:s12] =	ssyncadd.s32 $0xFFFFD880  }
0x27: {  	s9 =	simm.s32 $0x13C00;
	[bflag:$0x0] =	sbarrier.arrive $0xFFFF  }
0x28: {  	[tilespmem:s9], [sflag:$0x1] =	stream.linear.gather [hbm4b:s7+s3], $0x100, $0x38;
	[tilespmem:$0x1C000] =	vst v63  }
0x29: {  	s11 =	simm.s32 $0x1;
	s10 =	rddreg [dreg:$0x13]  }
0x2a: {  	[tilespmem:s14], [sflag:$0x2] =	stream.linear.gather [hbm4b:s10+s3], $0x100, $0x38;
	[tilespmem:$0x1C000] =	vst v63  }
0x2b: {  	_ =	swait.ge [sflag:s11], $0x100  }
0x2c: {  	[sflag:s11] =	ssyncset.done $0x0  }
0x2d: {  	[sflag:s11] =	ssyncadd.s32 $0xFFFFFF00  }
0x2e: {  	[tilespmem:s17], [sflag:$0x5] =	stream.indirect.gather [hbm4b:s4+s16], $0x80, s9, s16, $0xb8;
	[tilespmem:$0x1C000] =	vst v63  }
0x2f: {  	s13 =	simm.s32 $0x13C20  }
0x30: {  	[tilespmem:s19], [sflag:$0x5] =	stream.indirect.gather [hbm4b:s4+s16], $0x80, s13, s16, $0xb8;
	[tilespmem:$0x1C000] =	vst v63  }
0x31: {  	s15 =	simm.s32 $0x13C40  }
0x32: {  	[tilespmem:s21], [sflag:$0x5] =	stream.indirect.gather [hbm4b:s4+s16], $0x80, s15, s16, $0xb8;
	[tilespmem:$0x1C000] =	vst v63  }
0x33: {  	s10 =	simm.s32 $0x13C60;
	s8 =	rddreg [dreg:$0x3]  }
0x34: {  	[tilespmem:s23], [sflag:$0x5] =	stream.indirect.gather [hbm4b:s4+s16], $0x80, s10, s16, $0xb8;
	[tilespmem:$0x1C000] =	vst v63  }
0x35: {  	s9 =	sadd.s32 $0x0, s8  }
0x36: {  	[tilespmem:s24], [sflag:$0x3] =	stream.linear.gather [hbm4b:s9+s3], $0x100, $0x38;
	[tilespmem:$0x1C000] =	vst v63  }
0x37: {  	_ =	swait.ge [sflag:s25], $0x100  }
0x38: {  	[sflag:s25] =	ssyncset.done $0x0  }
0x39: {  	[sflag:s25] =	ssyncadd.s32 $0xFFFFFF00  }
0x3a: {  	[tilespmem:s26], [sflag:$0x6] =	stream.indirect.gather [hbm4b:s4+s16], $0x80, s14, s16, $0xb8;
	[tilespmem:$0x1C000] =	vst v63  }
0x3b: {  	s11 =	rddreg [dreg:$0x4]  }
0x3c: {  	[tilespmem:s28], [sflag:$0x6] =	stream.indirect.gather [hbm4b:s4+s16], $0x80, s11, s16, $0xb8;
	[tilespmem:$0x1C000] =	vst v63  }
0x3d: {  	s13 =	rddreg [dreg:$0x5]  }
0x3e: {  	[tilespmem:s29], [sflag:$0x6] =	stream.indirect.gather [hbm4b:s4+s16], $0x80, s13, s16, $0xb8;
	[tilespmem:$0x1C000] =	vst v63  }
0x3f: {  	s15 =	rddreg [dreg:$0x6]  }
0x40: {  	[tilespmem:s30], [sflag:$0x6] =	stream.indirect.gather [hbm4b:s4+s16], $0x80, s15, s16, $0xb8;
	[tilespmem:$0x1C000] =	vst v63  }
0x41: {  	_ =	swait.ge [sflag:s31], $0x4000  }
0x42: {  	[sflag:s31] =	ssyncset.done $0x0  }
0x43: {  	s6 =	rddreg [dreg:$0x7];
	[sflag:s31] =	ssyncadd.s32 $0xFFFFC000  }
0x44: {  	[spmem:s2] =	stream.indirect.scatter.add.f32 [tilespmem:s17], [sflag:$0x8], $0x80, s6, s1, $0xb8;
	[tilespmem:$0x1C000] =	vst v63  }
0x45: {  	_ =	swait.ge [sflag:s0], $0x4000  }
0x46: {  	s8 =	sadd.s32 $0x0, s7;
	[sflag:s0] =	ssyncset.done $0x0  }
0x47: {  	s9 =	sadd.s32 $0x60, s8;
	[sflag:s0] =	ssyncadd.s32 $0xFFFFC000  }
0x48: {  	[tilespmem:s18], [sflag:$0x4] =	stream.linear.gather [hbm4b:s9+s3], $0x100, $0x38;
	[tilespmem:$0x1C000] =	vst v63  }
0x49: {  	_ =	swait.ge [sflag:s20], $0x100  }
0x4a: {  	[sflag:s20] =	ssyncset.done $0x0  }
0x4b: {  	[sflag:s20] =	ssyncadd.s32 $0xFFFFFF00  }
0x4c: {  	[tilespmem:s17], [sflag:$0x5] =	stream.indirect.gather [hbm4b:s4+s16], $0x80, s24, s16, $0xb8;
	[tilespmem:$0x1C000] =	vst v63  }
0x4d: {  	s10 =	rddreg [dreg:$0x8]  }
0x4e: {  	[tilespmem:s19], [sflag:$0x5] =	stream.indirect.gather [hbm4b:s4+s16], $0x80, s10, s16, $0xb8;
	[tilespmem:$0x1C000] =	vst v63  }
0x4f: {  	s11 =	rddreg [dreg:$0x9]  }
0x50: {  	[tilespmem:s21], [sflag:$0x5] =	stream.indirect.gather [hbm4b:s4+s16], $0x80, s11, s16, $0xb8;
	[tilespmem:$0x1C000] =	vst v63  }
0x51: {  	s13 =	rddreg [dreg:$0xa]  }
0x52: {  	[tilespmem:s23], [sflag:$0x5] =	stream.indirect.gather [hbm4b:s4+s16], $0x80, s13, s16, $0xb8;
	[tilespmem:$0x1C000] =	vst v63  }
0x53: {  	_ =	swait.ge [sflag:s22], $0x4000  }
0x54: {  	[sflag:s22] =	ssyncset.done $0x0  }
0x55: {  	s15 =	rddreg [dreg:$0xb];
	[sflag:s22] =	ssyncadd.s32 $0xFFFFC000  }
0x56: {  	[spmem:s2] =	stream.indirect.scatter.add.f32 [tilespmem:s26], [sflag:$0x8], $0x80, s15, s1, $0xb8;
	[tilespmem:$0x1C000] =	vst v63  }
0x57: {  	p0 =	por $0x0, $0x0;
	_ =	swait.ge [sflag:s0], $0x4000  }
0x58: {  	s9 =	sadd.s32 @!p0 $0x0, s7;
	s10 =	simm.s32 @!p0 $0x13C00;
	[sflag:s0] =	ssyncset.done $0x0  }
0x59: {  	s13 =	sadd.s32 @!p0 $0x80, s9;
	s15 =	simm.s32 @!p0 $0x0;
	[sflag:s0] =	ssyncadd.s32 $0xFFFFC000  }
0x5a: {  	[tilespmem:s10], [sflag:$0x1] =	stream.linear.gather @!p0 [hbm4b:s13+s15], $0x100, $0x38;
	[tilespmem:$0x1C000] =	vst v63  }
0x5b: {  	_ =	swait.ge [sflag:s5], $0x100  }
0x5c: {  	[sflag:s5] =	ssyncset.done $0x0  }
0x5d: {  	[sflag:s5] =	ssyncadd.s32 $0xFFFFFF00  }
0x5e: {  	[tilespmem:s26], [sflag:$0x6] =	stream.indirect.gather [hbm4b:s4+s16], $0x80, s18, s16, $0xb8;
	[tilespmem:$0x1C000] =	vst v63  }
0x5f: {  	s6 =	rddreg [dreg:$0xc]  }
0x60: {  	[tilespmem:s28], [sflag:$0x6] =	stream.indirect.gather [hbm4b:s4+s16], $0x80, s6, s16, $0xb8;
	[tilespmem:$0x1C000] =	vst v63  }
0x61: {  	s8 =	rddreg [dreg:$0xd]  }
0x62: {  	[tilespmem:s29], [sflag:$0x6] =	stream.indirect.gather [hbm4b:s4+s16], $0x80, s8, s16, $0xb8;
	[tilespmem:$0x1C000] =	vst v63  }
0x63: {  	s11 =	rddreg [dreg:$0xe]  }
0x64: {  	[tilespmem:s30], [sflag:$0x6] =	stream.indirect.gather [hbm4b:s4+s16], $0x80, s11, s16, $0xb8;
	[tilespmem:$0x1C000] =	vst v63  }
0x65: {  	_ =	swait.ge [sflag:s31], $0x4000  }
0x66: {  	[sflag:s31] =	ssyncset.done $0x0  }
0x67: {  	s13 =	rddreg [dreg:$0xf];
	[sflag:s31] =	ssyncadd.s32 $0xFFFFC000  }
0x68: {  	[spmem:s2] =	stream.indirect.scatter.add.f32 [tilespmem:s17], [sflag:$0x8], $0x80, s13, s1, $0xb8;
	[tilespmem:$0x1C000] =	vst v63  }
0x69: {  	_ =	swait.ge [sflag:s0], $0x4000  }
0x6a: {  	[sflag:s0] =	ssyncset.done $0x0  }
0x6b: {  	s6 =	sadd.s32 @!p0 $0xA0, s9;
	s9 =	simm.s32 @!p0 $0x13D00;
	[sflag:s0] =	ssyncadd.s32 $0xFFFFC000  }
0x6c: {  	[tilespmem:s9], [sflag:$0x2] =	stream.linear.gather @!p0 [hbm4b:s6+s15], $0x100, $0x38;
	[tilespmem:$0x1C000] =	vst v63  }
0x6d: {  	s6 =	simm.s32 @!p0 $0x1  }
0x6e: {  	_ =	swait.ge @!p0 [sflag:s6], $0x100  }
0x6f: {  	[sflag:s6] =	ssyncset.done @!p0 $0x0  }
0x70: {  	s9 =	simm.s32 @!p0 $0x14000;
	[sflag:s6] =	ssyncadd.s32 @!p0 $0xFFFFFF00;
	s6 =	simm.s32 @!p0 $0x20  }
0x71: {  	[tilespmem:s9], [sflag:$0x5] =	stream.indirect.gather @!p0 [hbm4b:s4+s6], $0x80, s10, s6, $0xb8;
	[tilespmem:$0x1C000] =	vst v63  }
0x72: {  	s9 =	simm.s32 @!p0 $0x13C20;
	s10 =	simm.s32 @!p0 $0x15000  }
0x73: {  	[tilespmem:s10], [sflag:$0x5] =	stream.indirect.gather @!p0 [hbm4b:s4+s6], $0x80, s9, s6, $0xb8;
	[tilespmem:$0x1C000] =	vst v63  }
0x74: {  	s9 =	simm.s32 @!p0 $0x13C40;
	s10 =	simm.s32 @!p0 $0x16000  }
0x75: {  	[tilespmem:s10], [sflag:$0x5] =	stream.indirect.gather @!p0 [hbm4b:s4+s6], $0x80, s9, s6, $0xb8;
	[tilespmem:$0x1C000] =	vst v63  }
0x76: {  	s9 =	simm.s32 @!p0 $0x13C60;
	s10 =	simm.s32 @!p0 $0x17000  }
0x77: {  	[tilespmem:s10], [sflag:$0x5] =	stream.indirect.gather @!p0 [hbm4b:s4+s6], $0x80, s9, s6, $0xb8;
	[tilespmem:$0x1C000] =	vst v63  }
0x78: {  	_ =	swait.ge [sflag:s22], $0x4000  }
0x79: {  	[sflag:s22] =	ssyncset.done $0x0  }
0x7a: {  	s15 =	rddreg [dreg:$0x10];
	[sflag:s22] =	ssyncadd.s32 $0xFFFFC000  }
0x7b: {  	[spmem:s2] =	stream.indirect.scatter.add.f32 [tilespmem:s26], [sflag:$0x7], $0x80, s15, s1, $0xb8;
	[tilespmem:$0x1C000] =	vst v63  }
0x7c: {  	s9 =	simm.s32 $0x80;
	_ =	swait.ge [sflag:s12], $0x4000  }
0x7d: {  	s10 =	simm.s32 $0x100;
	s15 =	rddreg [dreg:$0x3];
	[sflag:s12] =	ssyncset.done $0x0  }
.LBB2_2:
0x7e: {  	[sflag:s12] =	ssyncadd.s32 $0xFFFFC000;
	s6 =	sadd.s32 s9, s15  }
0x7f: {  	[tilespmem:s24], [sflag:$0x3] =	stream.linear.gather [hbm4b:s6+s3], $0x100, $0x38;
	[tilespmem:$0x1C000] =	vst v63  }
0x80: {  	_ =	swait.ge [sflag:s25], $0x100  }
0x81: {  	[sflag:s25] =	ssyncset.done $0x0  }
0x82: {  	[sflag:s25] =	ssyncadd.s32 $0xFFFFFF00  }
0x83: {  	[tilespmem:s26], [sflag:$0x6] =	stream.indirect.gather [hbm4b:s4+s16], $0x80, s14, s16, $0xb8;
	[tilespmem:$0x1C000] =	vst v63  }
0x84: {  	s8 =	rddreg [dreg:$0x4]  }
0x85: {  	[tilespmem:s28], [sflag:$0x6] =	stream.indirect.gather [hbm4b:s4+s16], $0x80, s8, s16, $0xb8;
	[tilespmem:$0x1C000] =	vst v63  }
0x86: {  	s11 =	rddreg [dreg:$0x5]  }
0x87: {  	[tilespmem:s29], [sflag:$0x6] =	stream.indirect.gather [hbm4b:s4+s16], $0x80, s11, s16, $0xb8;
	[tilespmem:$0x1C000] =	vst v63  }
0x88: {  	s8 =	rddreg [dreg:$0x6]  }
0x89: {  	[tilespmem:s30], [sflag:$0x6] =	stream.indirect.gather [hbm4b:s4+s16], $0x80, s8, s16, $0xb8;
	[tilespmem:$0x1C000] =	vst v63  }
0x8a: {  	_ =	swait.ge [sflag:s31], $0x4000  }
0x8b: {  	[sflag:s31] =	ssyncset.done $0x0  }
0x8c: {  	s11 =	rddreg [dreg:$0x7];
	[sflag:s31] =	ssyncadd.s32 $0xFFFFC000  }
0x8d: {  	[spmem:s2] =	stream.indirect.scatter.add.f32 [tilespmem:s17], [sflag:$0x8], $0x80, s11, s1, $0xb8;
	[tilespmem:$0x1C000] =	vst v63  }
0x8e: {  	_ =	swait.ge [sflag:s0], $0x4000  }
0x8f: {  	s15 =	sadd.s32 s9, s7;
	[sflag:s0] =	ssyncset.done $0x0  }
0x90: {  	s6 =	sadd.s32 $0x60, s15;
	[sflag:s0] =	ssyncadd.s32 $0xFFFFC000  }
0x91: {  	[tilespmem:s18], [sflag:$0x4] =	stream.linear.gather [hbm4b:s6+s3], $0x100, $0x38;
	[tilespmem:$0x1C000] =	vst v63  }
0x92: {  	_ =	swait.ge [sflag:s20], $0x100  }
0x93: {  	[sflag:s20] =	ssyncset.done $0x0  }
0x94: {  	[sflag:s20] =	ssyncadd.s32 $0xFFFFFF00  }
0x95: {  	[tilespmem:s17], [sflag:$0x5] =	stream.indirect.gather [hbm4b:s4+s16], $0x80, s24, s16, $0xb8;
	[tilespmem:$0x1C000] =	vst v63  }
0x96: {  	s8 =	rddreg [dreg:$0x8]  }
0x97: {  	[tilespmem:s19], [sflag:$0x5] =	stream.indirect.gather [hbm4b:s4+s16], $0x80, s8, s16, $0xb8;
	[tilespmem:$0x1C000] =	vst v63  }
0x98: {  	s11 =	rddreg [dreg:$0x9]  }
0x99: {  	[tilespmem:s21], [sflag:$0x5] =	stream.indirect.gather [hbm4b:s4+s16], $0x80, s11, s16, $0xb8;
	[tilespmem:$0x1C000] =	vst v63  }
0x9a: {  	s8 =	rddreg [dreg:$0xa]  }
0x9b: {  	[tilespmem:s23], [sflag:$0x5] =	stream.indirect.gather [hbm4b:s4+s16], $0x80, s8, s16, $0xb8;
	[tilespmem:$0x1C000] =	vst v63  }
0x9c: {  	_ =	swait.ge [sflag:s22], $0x4000  }
0x9d: {  	[sflag:s22] =	ssyncset.done $0x0  }
0x9e: {  	s11 =	rddreg [dreg:$0xb];
	[sflag:s22] =	ssyncadd.s32 $0xFFFFC000  }
0x9f: {  	[spmem:s2] =	stream.indirect.scatter.add.f32 [tilespmem:s26], [sflag:$0x8], $0x80, s11, s1, $0xb8;
	[tilespmem:$0x1C000] =	vst v63  }
0xa0: {  	p1 =	seq.s32 s9, $0x980;
	_ =	swait.ge [sflag:s0], $0x4000  }
0xa1: {  	s15 =	simm.s32 @!p1 $0x13C00;
	s6 =	sadd.s32 @!p1 s9, s7;
	[sflag:s0] =	ssyncset.done $0x0  }
0xa2: {  	s9 =	sadd.s32 @!p1 $0x80, s6;
	s11 =	simm.s32 @!p1 $0x0;
	[sflag:s0] =	ssyncadd.s32 $0xFFFFC000  }
0xa3: {  	[tilespmem:s15], [sflag:$0x1] =	stream.linear.gather @!p1 [hbm4b:s9+s11], $0x100, $0x38;
	[tilespmem:$0x1C000] =	vst v63  }
0xa4: {  	_ =	swait.ge [sflag:s5], $0x100  }
0xa5: {  	[sflag:s5] =	ssyncset.done $0x0  }
0xa6: {  	s13 =	smov.u32 s10;
	[sflag:s5] =	ssyncadd.s32 $0xFFFFFF00  }
0xa7: {  	[tilespmem:s26], [sflag:$0x6] =	stream.indirect.gather [hbm4b:s4+s16], $0x80, s18, s16, $0xb8;
	[tilespmem:$0x1C000] =	vst v63  }
0xa8: {  	s9 =	smov.u32 s13;
	s13 =	rddreg [dreg:$0xc]  }
0xa9: {  	[tilespmem:s28], [sflag:$0x6] =	stream.indirect.gather [hbm4b:s4+s16], $0x80, s13, s16, $0xb8;
	[tilespmem:$0x1C000] =	vst v63  }
0xaa: {  	s8 =	rddreg [dreg:$0xd]  }
0xab: {  	[tilespmem:s29], [sflag:$0x6] =	stream.indirect.gather [hbm4b:s4+s16], $0x80, s8, s16, $0xb8;
	[tilespmem:$0x1C000] =	vst v63  }
0xac: {  	s13 =	rddreg [dreg:$0xe]  }
0xad: {  	[tilespmem:s30], [sflag:$0x6] =	stream.indirect.gather [hbm4b:s4+s16], $0x80, s13, s16, $0xb8;
	[tilespmem:$0x1C000] =	vst v63  }
0xae: {  	_ =	swait.ge [sflag:s31], $0x4000  }
0xaf: {  	[sflag:s31] =	ssyncset.done $0x0  }
0xb0: {  	s13 =	rddreg [dreg:$0xf];
	[sflag:s31] =	ssyncadd.s32 $0xFFFFC000  }
0xb1: {  	[spmem:s2] =	stream.indirect.scatter.add.f32 [tilespmem:s17], [sflag:$0x8], $0x80, s13, s1, $0xb8;
	[tilespmem:$0x1C000] =	vst v63  }
0xb2: {  	_ =	swait.ge [sflag:s0], $0x4000  }
0xb3: {  	s6 =	sadd.s32 @!p1 $0xA0, s6;
	[sflag:s0] =	ssyncset.done $0x0  }
0xb4: {  	s8 =	simm.s32 @!p1 $0x13D00;
	s13 =	simm.s32 @!p1 $0x1;
	[sflag:s0] =	ssyncadd.s32 $0xFFFFC000  }
0xb5: {  	[tilespmem:s8], [sflag:$0x2] =	stream.linear.gather @!p1 [hbm4b:s6+s11], $0x100, $0x38;
	[tilespmem:$0x1C000] =	vst v63  }
0xb6: {  	_ =	swait.ge @!p1 [sflag:s13], $0x100  }
0xb7: {  	[sflag:s13] =	ssyncset.done @!p1 $0x0  }
0xb8: {  	s6 =	simm.s32 @!p1 $0x20;
	s8 =	simm.s32 @!p1 $0x14000;
	[sflag:s13] =	ssyncadd.s32 @!p1 $0xFFFFFF00  }
0xb9: {  	[tilespmem:s8], [sflag:$0x5] =	stream.indirect.gather @!p1 [hbm4b:s4+s6], $0x80, s15, s6, $0xb8;
	[tilespmem:$0x1C000] =	vst v63  }
0xba: {  	s11 =	simm.s32 @!p1 $0x15000;
	s8 =	simm.s32 @!p1 $0x13C20  }
0xbb: {  	[tilespmem:s11], [sflag:$0x5] =	stream.indirect.gather @!p1 [hbm4b:s4+s6], $0x80, s8, s6, $0xb8;
	[tilespmem:$0x1C000] =	vst v63  }
0xbc: {  	s8 =	simm.s32 @!p1 $0x13C40;
	s11 =	simm.s32 @!p1 $0x16000  }
0xbd: {  	[tilespmem:s11], [sflag:$0x5] =	stream.indirect.gather @!p1 [hbm4b:s4+s6], $0x80, s8, s6, $0xb8;
	[tilespmem:$0x1C000] =	vst v63  }
0xbe: {  	s10 =	sadd.s32 $0x80, s10;
	s8 =	simm.s32 @!p1 $0x13C60;
	s11 =	simm.s32 @!p1 $0x17000  }
0xbf: {  	[tilespmem:s11], [sflag:$0x5] =	stream.indirect.gather @!p1 [hbm4b:s4+s6], $0x80, s8, s6, $0xb8;
	[tilespmem:$0x1C000] =	vst v63  }
0xc0: {  	p0 =	sne.s32 s10, $0xA00;
	_ =	swait.ge [sflag:s22], $0x4000  }
.Ltmp0:
0xc1: {  	[sflag:s22] =	ssyncset.done $0x0;
	(pc) =	sbr.rel @p0 .LBB2_2-.Ltmp0, $4  }
0xc2: {  	s15 =	rddreg [dreg:$0x10];
	[sflag:s22] =	ssyncadd.s32 $0xFFFFC000  }
0xc3: {  	[spmem:s2] =	stream.indirect.scatter.add.f32 [tilespmem:s26], [sflag:$0x7], $0x80, s15, s1, $0xb8;
	[tilespmem:$0x1C000] =	vst v63  }
0xc4: {  	_ =	swait.ge [sflag:s12], $0x4000  }
0xc5: {  	s15 =	rddreg [dreg:$0x3];
	[sflag:s12] =	ssyncset.done $0x0  }
0xc6: {  	[sflag:s12] =	ssyncadd.s32 $0xFFFFC000;
	s6 =	sadd.s32 s9, s15  }
0xc7: {  	[tilespmem:s24], [sflag:$0x3] =	stream.linear.gather [hbm4b:s6+s3], $0x100, $0x38;
	[tilespmem:$0x1C000] =	vst v63  }
0xc8: {  	_ =	swait.ge [sflag:s25], $0x100  }
0xc9: {  	[sflag:s25] =	ssyncset.done $0x0  }
0xca: {  	[sflag:s25] =	ssyncadd.s32 $0xFFFFFF00  }
0xcb: {  	[tilespmem:s26], [sflag:$0x6] =	stream.indirect.gather [hbm4b:s4+s16], $0x80, s14, s16, $0xb8;
	[tilespmem:$0x1C000] =	vst v63  }
0xcc: {  	s10 =	rddreg [dreg:$0x4]  }
0xcd: {  	[tilespmem:s28], [sflag:$0x6] =	stream.indirect.gather [hbm4b:s4+s16], $0x80, s10, s16, $0xb8;
	[tilespmem:$0x1C000] =	vst v63  }
0xce: {  	s8 =	rddreg [dreg:$0x5]  }
0xcf: {  	[tilespmem:s29], [sflag:$0x6] =	stream.indirect.gather [hbm4b:s4+s16], $0x80, s8, s16, $0xb8;
	[tilespmem:$0x1C000] =	vst v63  }
0xd0: {  	s11 =	rddreg [dreg:$0x6]  }
0xd1: {  	[tilespmem:s30], [sflag:$0x6] =	stream.indirect.gather [hbm4b:s4+s16], $0x80, s11, s16, $0xb8;
	[tilespmem:$0x1C000] =	vst v63  }
0xd2: {  	_ =	swait.ge [sflag:s31], $0x4000  }
0xd3: {  	[sflag:s31] =	ssyncset.done $0x0  }
0xd4: {  	s13 =	rddreg [dreg:$0x7];
	[sflag:s31] =	ssyncadd.s32 $0xFFFFC000  }
0xd5: {  	[spmem:s2] =	stream.indirect.scatter.add.f32 [tilespmem:s17], [sflag:$0x8], $0x80, s13, s1, $0xb8;
	[tilespmem:$0x1C000] =	vst v63  }
0xd6: {  	_ =	swait.ge [sflag:s0], $0x4000  }
0xd7: {  	s15 =	sadd.s32 s9, s7;
	[sflag:s0] =	ssyncset.done $0x0  }
0xd8: {  	s6 =	sadd.s32 $0x60, s15;
	[sflag:s0] =	ssyncadd.s32 $0xFFFFC000  }
0xd9: {  	[tilespmem:s18], [sflag:$0x4] =	stream.linear.gather [hbm4b:s6+s3], $0x100, $0x38;
	[tilespmem:$0x1C000] =	vst v63  }
0xda: {  	_ =	swait.ge [sflag:s20], $0x100  }
0xdb: {  	[sflag:s20] =	ssyncset.done $0x0  }
0xdc: {  	[sflag:s20] =	ssyncadd.s32 $0xFFFFFF00  }
0xdd: {  	[tilespmem:s17], [sflag:$0x5] =	stream.indirect.gather [hbm4b:s4+s16], $0x80, s24, s16, $0xb8;
	[tilespmem:$0x1C000] =	vst v63  }
0xde: {  	s8 =	rddreg [dreg:$0x8]  }
0xdf: {  	[tilespmem:s19], [sflag:$0x5] =	stream.indirect.gather [hbm4b:s4+s16], $0x80, s8, s16, $0xb8;
	[tilespmem:$0x1C000] =	vst v63  }
0xe0: {  	s10 =	rddreg [dreg:$0x9]  }
0xe1: {  	[tilespmem:s21], [sflag:$0x5] =	stream.indirect.gather [hbm4b:s4+s16], $0x80, s10, s16, $0xb8;
	[tilespmem:$0x1C000] =	vst v63  }
0xe2: {  	s11 =	rddreg [dreg:$0xa]  }
0xe3: {  	[tilespmem:s23], [sflag:$0x5] =	stream.indirect.gather [hbm4b:s4+s16], $0x80, s11, s16, $0xb8;
	[tilespmem:$0x1C000] =	vst v63  }
0xe4: {  	_ =	swait.ge [sflag:s22], $0x4000  }
0xe5: {  	[sflag:s22] =	ssyncset.done $0x0  }
0xe6: {  	p0 =	seq.s32 s9, $0x980;
	s13 =	rddreg [dreg:$0xb];
	[sflag:s22] =	ssyncadd.s32 $0xFFFFC000  }
0xe7: {  	[spmem:s2] =	stream.indirect.scatter.add.f32 [tilespmem:s26], [sflag:$0x8], $0x80, s13, s1, $0xb8;
	[tilespmem:$0x1C000] =	vst v63  }
0xe8: {  	s6 =	sadd.s32 @!p0 s9, s7;
	_ =	swait.ge [sflag:s0], $0x4000  }
0xe9: {  	s9 =	sadd.s32 @!p0 $0x80, s6;
	[sflag:s0] =	ssyncset.done $0x0  }
0xea: {  	s8 =	simm.s32 @!p0 $0x13C00;
	s10 =	simm.s32 @!p0 $0x0;
	[sflag:s0] =	ssyncadd.s32 $0xFFFFC000  }
0xeb: {  	[tilespmem:s8], [sflag:$0x1] =	stream.linear.gather @!p0 [hbm4b:s9+s10], $0x100, $0x38;
	[tilespmem:$0x1C000] =	vst v63  }
0xec: {  	_ =	swait.ge [sflag:s5], $0x100  }
0xed: {  	[sflag:s5] =	ssyncset.done $0x0  }
0xee: {  	[sflag:s5] =	ssyncadd.s32 $0xFFFFFF00  }
0xef: {  	[tilespmem:s26], [sflag:$0x6] =	stream.indirect.gather [hbm4b:s4+s16], $0x80, s18, s16, $0xb8;
	[tilespmem:$0x1C000] =	vst v63  }
0xf0: {  	s15 =	rddreg [dreg:$0xc]  }
0xf1: {  	[tilespmem:s28], [sflag:$0x6] =	stream.indirect.gather [hbm4b:s4+s16], $0x80, s15, s16, $0xb8;
	[tilespmem:$0x1C000] =	vst v63  }
0xf2: {  	s11 =	rddreg [dreg:$0xd]  }
0xf3: {  	[tilespmem:s29], [sflag:$0x6] =	stream.indirect.gather [hbm4b:s4+s16], $0x80, s11, s16, $0xb8;
	[tilespmem:$0x1C000] =	vst v63  }
0xf4: {  	s13 =	rddreg [dreg:$0xe]  }
0xf5: {  	[tilespmem:s30], [sflag:$0x6] =	stream.indirect.gather [hbm4b:s4+s16], $0x80, s13, s16, $0xb8;
	[tilespmem:$0x1C000] =	vst v63  }
0xf6: {  	_ =	swait.ge [sflag:s31], $0x4000  }
0xf7: {  	[sflag:s31] =	ssyncset.done $0x0  }
0xf8: {  	s15 =	rddreg [dreg:$0xf];
	[sflag:s31] =	ssyncadd.s32 $0xFFFFC000  }
0xf9: {  	[spmem:s2] =	stream.indirect.scatter.add.f32 [tilespmem:s17], [sflag:$0x8], $0x80, s15, s1, $0xb8;
	[tilespmem:$0x1C000] =	vst v63  }
0xfa: {  	_ =	swait.ge [sflag:s0], $0x4000  }
0xfb: {  	[sflag:s0] =	ssyncset.done $0x0  }
0xfc: {  	s6 =	sadd.s32 @!p0 $0xA0, s6;
	s9 =	simm.s32 @!p0 $0x13D00;
	[sflag:s0] =	ssyncadd.s32 $0xFFFFC000  }
0xfd: {  	[tilespmem:s9], [sflag:$0x2] =	stream.linear.gather @!p0 [hbm4b:s6+s10], $0x100, $0x38;
	[tilespmem:$0x1C000] =	vst v63  }
0xfe: {  	s6 =	simm.s32 @!p0 $0x1  }
0xff: {  	_ =	swait.ge @!p0 [sflag:s6], $0x100  }
0x100: {  	[sflag:s6] =	ssyncset.done @!p0 $0x0  }
0x101: {  	s9 =	simm.s32 @!p0 $0x14000;
	[sflag:s6] =	ssyncadd.s32 @!p0 $0xFFFFFF00;
	s6 =	simm.s32 @!p0 $0x20  }
0x102: {  	[tilespmem:s9], [sflag:$0x5] =	stream.indirect.gather @!p0 [hbm4b:s4+s6], $0x80, s8, s6, $0xb8;
	[tilespmem:$0x1C000] =	vst v63  }
0x103: {  	s8 =	simm.s32 @!p0 $0x13C20;
	s9 =	simm.s32 @!p0 $0x15000  }
0x104: {  	[tilespmem:s9], [sflag:$0x5] =	stream.indirect.gather @!p0 [hbm4b:s4+s6], $0x80, s8, s6, $0xb8;
	[tilespmem:$0x1C000] =	vst v63  }
0x105: {  	s8 =	simm.s32 @!p0 $0x13C40;
	s9 =	simm.s32 @!p0 $0x16000  }
0x106: {  	[tilespmem:s9], [sflag:$0x5] =	stream.indirect.gather @!p0 [hbm4b:s4+s6], $0x80, s8, s6, $0xb8;
	[tilespmem:$0x1C000] =	vst v63  }
0x107: {  	s8 =	simm.s32 @!p0 $0x13C60;
	s9 =	simm.s32 @!p0 $0x17000  }
0x108: {  	[tilespmem:s9], [sflag:$0x5] =	stream.indirect.gather @!p0 [hbm4b:s4+s6], $0x80, s8, s6, $0xb8;
	[tilespmem:$0x1C000] =	vst v63  }
0x109: {  	_ =	swait.ge [sflag:s22], $0x4000  }
0x10a: {  	[sflag:s22] =	ssyncset.done $0x0  }
0x10b: {  	s10 =	rddreg [dreg:$0x10];
	[sflag:s22] =	ssyncadd.s32 $0xFFFFC000  }
0x10c: {  	[spmem:s2] =	stream.indirect.scatter.add.f32 [tilespmem:s26], [sflag:$0x7], $0x80, s10, s1, $0xb8;
	[tilespmem:$0x1C000] =	vst v63  }
0x10d: {  	_ =	swait.ge [sflag:s12], $0x4000  }
0x10e: {  	[sflag:s12] =	ssyncset.done $0x0  }
0x10f: {  	[sflag:s12] =	ssyncadd.s32 $0xFFFFC000  }
0x110: {  	[bflag:$0x0] =	sbarrier.arrive $0xFFFF  }
0x111: {  	s8 =	rddreg [dreg:$0x12]  }
0x112: {  	s11 =	rddreg [dreg:$0x14]  }
0x113: {  	s9 =	rddreg [dreg:$0x16]  }
0x114: {  	[hbm:s11], [sflag:s8] =	dma.local [spmem:s9], $0x2780  }
0x115: {  	_ =	swait.ge [sflag:s12], $0x2780  }
0x116: {  	s13 =	rddreg [dreg:$0x17]  }
0x117: {  	s15 =	rddreg [dreg:$0x15];
	s10 =	sadd.s32 $0x1, s13  }
0x118: {  	p0 =	sne.s32 s10, s15  }
.Ltmp1:
0x119: {  	_ = 	snop;
	(pc) =	sbr.rel @p0 .LBB2_1-.Ltmp1, $3  }
0x11a: {  	_ =	sdelay $0x1  }
0x11b: {  	[sflag:s12] =	ssyncset.done $0x0  }
0x11c: {  	[sflag:s12] =	ssyncadd.s32 $0xFFFFD880  }
0x11d: {  	_ =	sfence.sel $0x180000  }
0x11e: {  	[bflag:$0x0] =	sbarrier.arrive $0xFFFF  }
0x11f: {  	_ =	strace $0x9000004A  }
0x120: {  	s0 =	stileid.u32;
	[bflag:$0x2] =	sbarrier.arrive $0xFFFF  }
0x121: {  	p0 =	sne.s32 s0, $0x0;
	s0 =	rddreg [dreg:$0x2]  }
0x122: {  	s0 =	sadd.s32 @!p0 $0x100000, s0  }
0x123: {  	[sflag:s0] =	ssyncadd.tile.s32 @!p0 $0x1;
	_ =	shalt  }
.Lfunc_end2:
_tile_overlayer_lowered:
.L_overlay_start_2:
0x124: {  	(tag) =	ssettag $0x2  }
0x125: {  	s0 =	rddreg [dreg:$0x0];
	s2 =	stileid.u32  }
0x126: {  	s1 =	rddreg [dreg:$0x1];
	p0 =	sne.s32 s2, $0x0  }
0x127: {  	s3 =	rddreg [dreg:$0x2];
	[bflag:$0x3] =	sbarrier.arrive $0xFFFF;
	s2 =	simm.s32 @!p0 $0x1C07  }
0x128: {  	[timem:s3], [sflag:s2] =	dma.local @!p0 [hbm:s0], s1  }
0x129: {  	s0 =	simm.s32 @!p0 $0x7  }
0x12a: {  	_ =	swait.ge @!p0 [sflag:s0], s1  }
0x12b: {  	s1 =	ssub.s32 @!p0 $0x0, s1;
	[sflag:s0] =	ssyncset.done @!p0 $0x0  }
0x12c: {  	[sflag:s0] =	ssyncadd.s32 @!p0 s1  }
0x12d: {  	[bflag:$0x3] =	sbarrier.arrive $0xFFFF  }
0x12e: {  	_ =	shalt  }

// kernel: kernel.16.cloned.1.call-start
scs
__scs_entry_jumppad:
0x0: {  	(pc) =	sbr.rel $0x88, $3  }
0x1: {  	(tag) =	ssettag $0x0;
	lr =	simm.s32 $0x1  }
0x2: {  	[smem:$0x3F97] =	sst lr;
	_ =	strace $0xD0000000  }
0x3: {  	_ = 	snop  }
0x4: {  	_ = 	snop  }
0x5: {  	_ = 	snop  }
0x6: {  	_ = 	snop  }
0x7: {  	_ = 	snop  }
__scs_overlays_trampoline_lowered:
0x8: {  	[smem:$0x3FA6] =	sst s0  }
0x9: {  	[smem:$0x3FA7] =	sst s1  }
0xa: {  	[smem:$0x3FA8] =	sst s2  }
0xb: {  	[smem:$0x3FA9] =	sst s3  }
0xc: {  	[smem:$0x3FAA] =	sst s4  }
0xd: {  	[smem:$0x3FAB] =	sst s5  }
0xe: {  	[smem:$0x3FAC] =	sst s6  }
0xf: {  	[smem:$0x3FAD] =	sst s7  }
0x10: {  	[smem:$0x3FAE] =	sst s8  }
0x11: {  	[smem:$0x3FAF] =	sst s9;
	s0 =	simm.s32 @!p0 $0x0  }
0x12: {  	s1 =	sld [smem:$0x3F95];
	s0 =	simm.s32 @p0 $0x1  }
0x13: {  	[smem:$0x3FB0] =	sst s0;
	s0 =	simm.s32 @!p1 $0x0  }
0x14: {  	s2 =	sld [smem:$0x3F94];
	s0 =	simm.s32 @p1 $0x1  }
0x15: {  	[smem:$0x3FB1] =	sst s0;
	s0 =	simm.s32 @!p2 $0x0  }
0x16: {  	s3 =	sld [smem:$0x3FDB];
	s0 =	simm.s32 @p2 $0x1  }
0x17: {  	s4 =	simm.s32 $0x1BF5;
	[smem:$0x3FB3] =	sst s0  }
0x18: {  	s0 =	sld [smem:$0x3F96];
	_ =	swait.ge [sflag:s4], $0x0  }
0x19: {  	s7 =	sld [smem:$0x3F97]  }
0x1a: {  	s8 =	sadd.s32 $0xFFFFE003, lr  }
0x1b: {  	s9 =	sadd.s32 $0xFFFFFEF7, lr;
	s5 =	simm.s32 $0xFFFFFFFF;
	p2 =	slt.u32 s8, $0xFFFFF086  }
0x1c: {  	p1 =	slt.u32 s9, $0xF7A;
	s5 =	simm.s32 @!p2 $0x0  }
0x1d: {  	s5 =	simm.s32 @p1 $0x1;
	p0 =	seq.s32 s7, s2  }
0x1e: {  	s7 =	smul.u32 @!p0 $0xF7A, s2;
	p2 =	seq.s32 @!p0 s5, $0x0  }
0x1f: {  	s9 =	smul.u32 $0xF7A, s1;
	s8 =	simm.s32 @!p0 $0x1BF5;
	p2 =	por !p2, p0  }
0x20: {  	[sflag:s8] =	ssyncset.s32 @!p0 $0xFFFFF086;
	s6 =	sadd.s32 @!p0 s3, s7;
	s7 =	simm.s32 @!p0 $0x108  }
0x21: {  	s3 =	sadd.s32 s3, s9;
	s6 =	sadd.s32 @!p0 $0x88, s6;
	s7 =	simm.s32 @p2 $0x1082  }
0x22: {  	[simem:s7], [sflag:s8] =	dma.local @!p0 [hbm:s6], $0xF7A  }
0x23: {  	s9 =	sor.u32 $0xD0000000, s2;
	s6 =	simm.s32 $0x108;
	_ =	swait.ge @!p0 [sflag:s8], $0x0  }
0x24: {  	s3 =	sadd.s32 $0x88, s3;
	s6 =	simm.s32 @!p1 $0x1082;
	[sflag:s4] =	ssyncset.s32 $0xFFFFF086  }
0x25: {  	[simem:s6], [sflag:s4] =	dma.local [hbm:s3], $0xF7A  }
0x26: {  	[smem:$0x3F97] =	sst s1;
	(tag) =	ssettag s2;
	_ =	strace s9  }
0x27: {  	s1 =	sld [smem:$0x3FA7]  }
0x28: {  	s2 =	sld [smem:$0x3FA8]  }
0x29: {  	s4 =	sld [smem:$0x3FAA]  }
0x2a: {  	p0 =	seq.s32 s5, $0x0;
	s5 =	sld [smem:$0x3FAB]  }
0x2b: {  	s6 =	sld [smem:$0x3FAC]  }
0x2c: {  	s7 =	sld [smem:$0x3FAD]  }
0x2d: {  	s3 =	simm.s32 $0x108;
	s8 =	sld [smem:$0x3FAE]  }
0x2e: {  	s3 =	simm.s32 @!p0 $0x1082;
	s9 =	sld [smem:$0x3FAF]  }
0x2f: {  	lr =	sadd.s32 s0, s3;
	s0 =	sld [smem:$0x3FA6]  }
0x30: {  	s3 =	sld [smem:$0x3FA9]  }
0x31: {  	[smem:$0x3FB2] =	sst s10  }
0x32: {  	s10 =	sld [smem:$0x3FB0];
	_ =	sdelay $0x3  }
0x33: {  	p0 =	seq.s32 s10, $0x1;
	s10 =	sld [smem:$0x3FB2];
	_ =	sdelay $0x3  }
0x34: {  	[smem:$0x3FB2] =	sst s10  }
0x35: {  	s10 =	sld [smem:$0x3FB1];
	_ =	sdelay $0x3  }
0x36: {  	p1 =	seq.s32 s10, $0x1;
	s10 =	sld [smem:$0x3FB2];
	_ =	sdelay $0x3  }
0x37: {  	[smem:$0x3FB2] =	sst s10  }
0x38: {  	s10 =	sld [smem:$0x3FB3]  }
0x39: {  	_ = 	snop;
	(pc) =	sbr.ind lr, $3  }
0x3a: {  	_ = 	snop  }
0x3b: {  	_ = 	snop  }
0x3c: {  	p2 =	seq.s32 s10, $0x1;
	s10 =	sld [smem:$0x3FB2]  }
0x3d: {  	_ =	shalt  }
0x3e: {  	_ =	shalt  }
0x3f: {  	_ =	shalt  }
0x40: {  	_ =	shalt  }
0x41: {  	_ =	shalt  }
0x42: {  	_ =	shalt  }
0x43: {  	_ =	shalt  }
0x44: {  	_ =	shalt  }
0x45: {  	_ =	shalt  }
0x46: {  	_ =	shalt  }
0x47: {  	_ =	shalt  }
0x48: {  	_ =	shalt  }
0x49: {  	_ =	shalt  }
0x4a: {  	_ =	shalt  }
0x4b: {  	_ =	shalt  }
0x4c: {  	_ =	shalt  }
0x4d: {  	_ =	shalt  }
0x4e: {  	_ =	shalt  }
0x4f: {  	_ =	shalt  }
0x50: {  	_ =	shalt  }
0x51: {  	_ =	shalt  }
0x52: {  	_ =	shalt  }
0x53: {  	_ =	shalt  }
0x54: {  	_ =	shalt  }
0x55: {  	_ =	shalt  }
0x56: {  	_ =	shalt  }
0x57: {  	_ =	shalt  }
0x58: {  	_ =	shalt  }
0x59: {  	_ =	shalt  }
0x5a: {  	_ =	shalt  }
0x5b: {  	_ =	shalt  }
0x5c: {  	_ =	shalt  }
0x5d: {  	_ =	shalt  }
0x5e: {  	_ =	shalt  }
0x5f: {  	_ =	shalt  }
0x60: {  	_ =	shalt  }
0x61: {  	_ =	shalt  }
0x62: {  	_ =	shalt  }
0x63: {  	_ =	shalt  }
0x64: {  	_ =	shalt  }
0x65: {  	_ =	shalt  }
0x66: {  	_ =	shalt  }
0x67: {  	_ =	shalt  }
0x68: {  	_ =	shalt  }
0x69: {  	_ =	shalt  }
0x6a: {  	_ =	shalt  }
0x6b: {  	_ =	shalt  }
0x6c: {  	_ =	shalt  }
0x6d: {  	_ =	shalt  }
0x6e: {  	_ =	shalt  }
0x6f: {  	_ =	shalt  }
0x70: {  	_ =	shalt  }
0x71: {  	_ =	shalt  }
0x72: {  	_ =	shalt  }
0x73: {  	_ =	shalt  }
0x74: {  	_ =	shalt  }
0x75: {  	_ =	shalt  }
0x76: {  	_ =	shalt  }
0x77: {  	_ =	shalt  }
0x78: {  	_ =	shalt  }
0x79: {  	_ =	shalt  }
0x7a: {  	_ =	shalt  }
0x7b: {  	_ =	shalt  }
0x7c: {  	_ =	shalt  }
0x7d: {  	_ =	shalt  }
0x7e: {  	_ =	shalt  }
0x7f: {  	_ =	shalt  }
0x80: {  	_ =	shalt  }
0x81: {  	_ =	shalt  }
0x82: {  	_ =	shalt  }
0x83: {  	_ =	shalt  }
0x84: {  	_ =	shalt  }
0x85: {  	_ =	shalt  }
0x86: {  	_ =	shalt  }
0x87: {  	_ =	shalt  }
.Lfunc_end0:
.L_simem_size_0:
called_computation.2_lowered:
.L_overlay_start_0:
0x88: {  	s2 =	sld [smem:$0x3FD9]  }
0x89: {  	s3 =	sld [smem:$0x3FFE];
	_ =	sdelay $0x1  }
0x8a: {  	s1 =	srdreg.scid  }
0x8b: {  	s0 =	sand.u32 $0x1, s1  }
0x8c: {  	s16 =	sshll.u32 s0, $0xA;
	s2 =	sadd.s32 s3, s2  }
0x8d: {  	s2 =	sadd.s32 s2, s16  }
0x8e: {  	[smem:$0x3FBE] =	sst s2  }
0x8f: {  	_ = 	snop  }
0x90: {  	(tm) =	ssettm $0x1  }
0x91: {  	s17 =	sld [smem:$0x3FFB];
	_ =	sdelay $0x3  }
0x92: {  	_ =	strace s17  }
0x93: {  	s2 =	sld [smem:$0x3FFC];
	_ =	sdelay $0x3  }
0x94: {  	_ =	strace s2  }
0x95: {  	s2 =	sld [smem:$0x3FFD];
	_ =	sdelay $0x3  }
0x96: {  	_ =	strace s2  }
0x97: {  	_ =	strace $0x8FFFFFFF  }
0x98: {  	s18 =	sld [smem:$0x3FDB];
	_ =	sdelay $0x1  }
0x99: {  	s19 =	simm.s32 $_scs_section_size  }
0x9a: {  	s4 =	simm.s32 $_size__tile_overlayer_lowered;
	s5 =	simm.s32 $_tile_overlayer_lowered  }
0x9b: {  	s22 =	simm.s32 $0x1BFF;
	s21 =	sshll.u32 s5, $0x1;
	s2 =	sadd.s32 s19, s18  }
0x9c: {  	s6 =	simm.s32 $0x0;
	s20 =	sshll.u32 s4, $0x1;
	s4 =	sadd.s32 s21, s2  }
0x9d: {  	[timem:s6], [sflag:s22] =	dma.local [hbm:s4], s20  }
0x9e: {  	_ =	swait.ge [sflag:s22], s20  }
0x9f: {  	s3 =	ssub.s32 $0x0, s20;
	[sflag:s22] =	ssyncset.done $0x0  }
0xa0: {  	[sflag:s22] =	ssyncadd.s32 s3;
	_ =	sdelay $0x1  }
0xa1: {  	s23 =	simm.s32 $0x1B8B  }
0xa2: {  	_ =	swait.ge [sflag:s23], $0x1  }
0xa3: {  	[sflag:s23] =	ssyncset.done $0x0  }
0xa4: {  	s25 =	simm.s32 $0x1B8E;
	s24 =	sld [smem:$0x3FFE];
	[sflag:s23] =	ssyncadd.s32 $0xFFFFFFFF  }
0xa5: {  	s26 =	simm.s32 $execute0_lowered;
	[smem:$0x3FD2] =	sst s25  }
0xa6: {  	s4 =	sshll.u32 s26, $0x1;
	_ =	strace $0x8000004C;
	[dreg:$0x1] =	wrdreg $0xFFFFFFFF  }
0xa7: {  	s28 =	simm.s32 $_size_execute0_lowered;
	s2 =	sadd.s32 s2, s4;
	[dreg:$0x0] =	wrdreg $0x0  }
0xa8: {  	s4 =	sshll.u32 s28, $0x1;
	[dreg:$0x2] =	wrdreg s2  }
0xa9: {  	[dreg:$0x3] =	wrdreg s4  }
0xaa: {  	[dreg:$0x4] =	wrdreg $0xC0  }
0xab: {  	_ =	task [dreg:s6], $0x5FFFF  }
0xac: {  	[dreg:$0x1] =	wrdreg $0xFFFFFFFF  }
0xad: {  	[dreg:$0x0] =	wrdreg $0x60  }
0xae: {  	[dreg:$0x2] =	wrdreg s24  }
0xaf: {  	[dreg:$0x3] =	wrdreg $0x0  }
0xb0: {  	[dreg:$0x4] =	wrdreg $0x9  }
0xb1: {  	_ =	task.clear_ibuf [dreg:s6], $0x5FFFF;
	_ =	strace $0x9000004C  }
0xb2: {  	s29 =	simm.s32 $0x9;
	_ =	strace $0x8000004E  }
0xb3: {  	_ =	swait.ge [sflag:s29], $0x1  }
0xb4: {  	[sflag:s29] =	ssyncadd.s32 $0xFFFFFFFF  }
0xb5: {  	_ =	strace $0x9000004E  }
0xb6: {  	_ =	sfence  }
0xb7: {  	s30 =	sld [smem:$0x0];
	_ =	sdelay $0x2  }
0xb8: {  	s31 =	sshll.u32 s1, $0xD;
	s1 =	sshrl.u32 s1, $0x2  }
0xb9: {  	s3 =	sand.u32 $0x4000, s31;
	s1 =	sadd.s32 s1, s30  }
0xba: {  	s0 =	sor.u32 s3, s0;
	s1 =	sshll.u32 s1, $0x11  }
0xbb: {  	s0 =	sor.u32 s1, s0  }
0xbc: {  	s0 =	sadd.s32 $0x8F2B, s0  }
0xbd: {  	[sflag:s0] =	ssyncadd.remote.s32 $0x1  }
0xbe: {  	_ =	sfence.sel $0xFFFF  }
0xbf: {  	[dreg:$0x0] =	wrdreg $0xFFFFFFFF;
	(pc) =	sbr.abs _section_cstart, $3  }
0xc0: {  	[dreg:$0x1] =	wrdreg $0xFFFFFFFF  }
0xc1: {  	_ =	task.clear_ibuf [dreg:s6], $0x2FFFF;
	_ =	strace $0x9FFFFFFF  }
0xc2: {  	(tm) =	ssettm $0x7FFFFFFF  }
0xc3: {  	_ =	shalt  }
tec
execute0_lowered:
.L_overlay_start_1:
0x0: {  	(tag) =	ssettag $0x1  }
0x1: {  	s0 =	rddreg [dreg:$0x0]  }
0x2: {  	s2 =	rddreg [dreg:$0x1]  }
0x3: {  	s10 =	stileid.u32;
	s1 =	srdreg.scid  }
0x4: {  	s3 =	simm.s32 $0x0;
	s14 =	simm.s32 $0x13D20;
	s15 =	simm.s32 $0x13D40  }
0x5: {  	s16 =	simm.s32 $0x13D60;
	s17 =	simm.s32 $0x13C80;
	s18 =	simm.s32 $0x13E20  }
0x6: {  	s19 =	simm.s32 $0x13E40;
	s20 =	simm.s32 $0x13E60;
	s21 =	simm.s32 $0x13D80  }
0x7: {  	s22 =	simm.s32 $0x13F20;
	s23 =	simm.s32 $0x13F40;
	[smem:$0x7FF] =	sst s3  }
0x8: {  	s28 =	simm.s32 $0x19000;
	_ =	strace $0x8000004D;
	[dreg:$0x4] =	wrdreg s14  }
0x9: {  	s29 =	simm.s32 $0x1A000;
	s30 =	simm.s32 $0x1B000;
	[dreg:$0x5] =	wrdreg s15  }
0xa: {  	s31 =	simm.s32 $0x5;
	s4 =	smul.u32 $0x50, s10;
	[dreg:$0x6] =	wrdreg s16  }
0xb: {  	s1 =	sand.u32 $0x1, s1;
	s6 =	smul.u32 $0x13C00, s10;
	[dreg:$0x7] =	wrdreg s17  }
0xc: {  	s24 =	smul.u32 $0x4F000, s10;
	s10 =	sshll.u32 s10, $0x6;
	[dreg:$0x8] =	wrdreg s18  }
0xd: {  	p0 =	seq.s32 s1, $0x0;
	s7 =	smul.u32 $0x13C000, s1;
	[dreg:$0x9] =	wrdreg s19  }
0xe: {  	s1 =	ssub.s32 $0x2, s1;
	s14 =	simm.s32 $0x13D00;
	[dreg:$0xa] =	wrdreg s20  }
0xf: {  	s16 =	simm.s32 $0x20;
	s17 =	simm.s32 $0x14000;
	[dreg:$0xb] =	wrdreg s21  }
0x10: {  	s19 =	simm.s32 $0x15000;
	[dreg:$0xc] =	wrdreg s22;
	s21 =	simm.s32 $0x16000  }
0x11: {  	[dreg:$0xd] =	wrdreg s23;
	s23 =	simm.s32 $0x17000;
	s18 =	simm.s32 $0x13F00  }
0x12: {  	s20 =	simm.s32 $0x3;
	s22 =	simm.s32 $0x6;
	s5 =	sadd.s32 $0x500, s4  }
0x13: {  	s8 =	sshrl.u32 s6, $0x3;
	s9 =	sshrl.u32 s1, $0x1;
	s25 =	sshrl.u32 s24, $0x2  }
0x14: {  	s24 =	simm.s32 $0x13F60;
	s5 =	smov.u32 @p0 s4;
	s4 =	sadd.s32 $0x35400, s0  }
0x15: {  	s6 =	sadd.s32 s6, s7;
	s8 =	sadd.s32 s8, s0;
	s1 =	ssub.s32 s1, s9  }
0x16: {  	s26 =	sadd.s32 s25, s2;
	[dreg:$0xe] =	wrdreg s24;
	s25 =	simm.s32 $0x13E80  }
0x17: {  	s24 =	simm.s32 $0x13E00;
	s5 =	sshll.u32 s5, $0x5;
	s6 =	sshrl.u32 s6, $0x3  }
0x18: {  	s8 =	sadd.s32 $0xDC00, s8;
	s12 =	smax.u32 s1, $0x1;
	[dreg:$0xf] =	wrdreg s25  }
0x19: {  	s9 =	sshrl.u32 s26, $0x3;
	s26 =	simm.s32 $0x13F80;
	[dreg:$0x11] =	wrdreg s8  }
0x1a: {  	s25 =	simm.s32 $0x2;
	s1 =	simm.s32 $0x80;
	[dreg:$0x15] =	wrdreg s12  }
0x1b: {  	s5 =	sadd.s32 s5, s0;
	s0 =	sadd.s32 s6, s0;
	[dreg:$0x10] =	wrdreg s26  }
0x1c: {  	s8 =	sor.u32 $0x1C07, s10;
	s12 =	simm.s32 $0x7;
	[dreg:$0x16] =	wrdreg s9  }
0x1d: {  	s26 =	simm.s32 $0x18000;
	s11 =	sadd.s32 $0x84420, s5;
	[dreg:$0x12] =	wrdreg s8  }
0x1e: {  	s10 =	simm.s32 $0x0;
	s0 =	sadd.s32 $0x98E00, s0;
	[dreg:$0x13] =	wrdreg s11  }
0x1f: {  	s7 =	sadd.s32 $0x84400, s5;
	s13 =	sadd.s32 $0x84440, s5;
	[dreg:$0x14] =	wrdreg s0  }
0x20: {  	s5 =	simm.s32 $0x4;
	[dreg:$0x3] =	wrdreg s13;
	s0 =	simm.s32 $0x8  }
.LBB2_1:
0x21: {  	[dreg:$0x17] =	wrdreg s10  }
0x22: {  	s6 =	rddreg [dreg:$0x11]  }
0x23: {  	[spmem:s9], [sflag:s8] =	dma.local [hbm:s6], $0x2780  }
0x24: {  	_ =	swait.ge [sflag:s12], $0x2780  }
0x25: {  	[sflag:s12] =	ssyncset.done $0x0  }
0x26: {  	[sflag:s12] =	ssyncadd.s32 $0xFFFFD880  }
0x27: {  	s9 =	simm.s32 $0x13C00;
	[bflag:$0x0] =	sbarrier.arrive $0xFFFF  }
0x28: {  	[tilespmem:s9], [sflag:$0x1] =	stream.linear.gather [hbm4b:s7+s3], $0x100, $0x38;
	[tilespmem:$0x1C000] =	vst v63  }
0x29: {  	s11 =	simm.s32 $0x1;
	s10 =	rddreg [dreg:$0x13]  }
0x2a: {  	[tilespmem:s14], [sflag:$0x2] =	stream.linear.gather [hbm4b:s10+s3], $0x100, $0x38;
	[tilespmem:$0x1C000] =	vst v63  }
0x2b: {  	_ =	swait.ge [sflag:s11], $0x100  }
0x2c: {  	[sflag:s11] =	ssyncset.done $0x0  }
0x2d: {  	[sflag:s11] =	ssyncadd.s32 $0xFFFFFF00  }
0x2e: {  	[tilespmem:s17], [sflag:$0x5] =	stream.indirect.gather [hbm4b:s4+s16], $0x80, s9, s16, $0xb8;
	[tilespmem:$0x1C000] =	vst v63  }
0x2f: {  	s13 =	simm.s32 $0x13C20  }
0x30: {  	[tilespmem:s19], [sflag:$0x5] =	stream.indirect.gather [hbm4b:s4+s16], $0x80, s13, s16, $0xb8;
	[tilespmem:$0x1C000] =	vst v63  }
0x31: {  	s15 =	simm.s32 $0x13C40  }
0x32: {  	[tilespmem:s21], [sflag:$0x5] =	stream.indirect.gather [hbm4b:s4+s16], $0x80, s15, s16, $0xb8;
	[tilespmem:$0x1C000] =	vst v63  }
0x33: {  	s10 =	simm.s32 $0x13C60;
	s8 =	rddreg [dreg:$0x3]  }
0x34: {  	[tilespmem:s23], [sflag:$0x5] =	stream.indirect.gather [hbm4b:s4+s16], $0x80, s10, s16, $0xb8;
	[tilespmem:$0x1C000] =	vst v63  }
0x35: {  	s9 =	sadd.s32 $0x0, s8  }
0x36: {  	[tilespmem:s24], [sflag:$0x3] =	stream.linear.gather [hbm4b:s9+s3], $0x100, $0x38;
	[tilespmem:$0x1C000] =	vst v63  }
0x37: {  	_ =	swait.ge [sflag:s25], $0x100  }
0x38: {  	[sflag:s25] =	ssyncset.done $0x0  }
0x39: {  	[sflag:s25] =	ssyncadd.s32 $0xFFFFFF00  }
0x3a: {  	[tilespmem:s26], [sflag:$0x6] =	stream.indirect.gather [hbm4b:s4+s16], $0x80, s14, s16, $0xb8;
	[tilespmem:$0x1C000] =	vst v63  }
0x3b: {  	s11 =	rddreg [dreg:$0x4]  }
0x3c: {  	[tilespmem:s28], [sflag:$0x6] =	stream.indirect.gather [hbm4b:s4+s16], $0x80, s11, s16, $0xb8;
	[tilespmem:$0x1C000] =	vst v63  }
0x3d: {  	s13 =	rddreg [dreg:$0x5]  }
0x3e: {  	[tilespmem:s29], [sflag:$0x6] =	stream.indirect.gather [hbm4b:s4+s16], $0x80, s13, s16, $0xb8;
	[tilespmem:$0x1C000] =	vst v63  }
0x3f: {  	s15 =	rddreg [dreg:$0x6]  }
0x40: {  	[tilespmem:s30], [sflag:$0x6] =	stream.indirect.gather [hbm4b:s4+s16], $0x80, s15, s16, $0xb8;
	[tilespmem:$0x1C000] =	vst v63  }
0x41: {  	_ =	swait.ge [sflag:s31], $0x4000  }
0x42: {  	[sflag:s31] =	ssyncset.done $0x0  }
0x43: {  	s6 =	rddreg [dreg:$0x7];
	[sflag:s31] =	ssyncadd.s32 $0xFFFFC000  }
0x44: {  	[spmem:s2] =	stream.indirect.scatter.add.f32 [tilespmem:s17], [sflag:$0x8], $0x80, s6, s1, $0xb8;
	[tilespmem:$0x1C000] =	vst v63  }
0x45: {  	_ =	swait.ge [sflag:s0], $0x4000  }
0x46: {  	s8 =	sadd.s32 $0x0, s7;
	[sflag:s0] =	ssyncset.done $0x0  }
0x47: {  	s9 =	sadd.s32 $0x60, s8;
	[sflag:s0] =	ssyncadd.s32 $0xFFFFC000  }
0x48: {  	[tilespmem:s18], [sflag:$0x4] =	stream.linear.gather [hbm4b:s9+s3], $0x100, $0x38;
	[tilespmem:$0x1C000] =	vst v63  }
0x49: {  	_ =	swait.ge [sflag:s20], $0x100  }
0x4a: {  	[sflag:s20] =	ssyncset.done $0x0  }
0x4b: {  	[sflag:s20] =	ssyncadd.s32 $0xFFFFFF00  }
0x4c: {  	[tilespmem:s17], [sflag:$0x5] =	stream.indirect.gather [hbm4b:s4+s16], $0x80, s24, s16, $0xb8;
	[tilespmem:$0x1C000] =	vst v63  }
0x4d: {  	s10 =	rddreg [dreg:$0x8]  }
0x4e: {  	[tilespmem:s19], [sflag:$0x5] =	stream.indirect.gather [hbm4b:s4+s16], $0x80, s10, s16, $0xb8;
	[tilespmem:$0x1C000] =	vst v63  }
0x4f: {  	s11 =	rddreg [dreg:$0x9]  }
0x50: {  	[tilespmem:s21], [sflag:$0x5] =	stream.indirect.gather [hbm4b:s4+s16], $0x80, s11, s16, $0xb8;
	[tilespmem:$0x1C000] =	vst v63  }
0x51: {  	s13 =	rddreg [dreg:$0xa]  }
0x52: {  	[tilespmem:s23], [sflag:$0x5] =	stream.indirect.gather [hbm4b:s4+s16], $0x80, s13, s16, $0xb8;
	[tilespmem:$0x1C000] =	vst v63  }
0x53: {  	_ =	swait.ge [sflag:s22], $0x4000  }
0x54: {  	[sflag:s22] =	ssyncset.done $0x0  }
0x55: {  	s15 =	rddreg [dreg:$0xb];
	[sflag:s22] =	ssyncadd.s32 $0xFFFFC000  }
0x56: {  	[spmem:s2] =	stream.indirect.scatter.add.f32 [tilespmem:s26], [sflag:$0x8], $0x80, s15, s1, $0xb8;
	[tilespmem:$0x1C000] =	vst v63  }
0x57: {  	p0 =	por $0x0, $0x0;
	_ =	swait.ge [sflag:s0], $0x4000  }
0x58: {  	s9 =	sadd.s32 @!p0 $0x0, s7;
	s10 =	simm.s32 @!p0 $0x13C00;
	[sflag:s0] =	ssyncset.done $0x0  }
0x59: {  	s13 =	sadd.s32 @!p0 $0x80, s9;
	s15 =	simm.s32 @!p0 $0x0;
	[sflag:s0] =	ssyncadd.s32 $0xFFFFC000  }
0x5a: {  	[tilespmem:s10], [sflag:$0x1] =	stream.linear.gather @!p0 [hbm4b:s13+s15], $0x100, $0x38;
	[tilespmem:$0x1C000] =	vst v63  }
0x5b: {  	_ =	swait.ge [sflag:s5], $0x100  }
0x5c: {  	[sflag:s5] =	ssyncset.done $0x0  }
0x5d: {  	[sflag:s5] =	ssyncadd.s32 $0xFFFFFF00  }
0x5e: {  	[tilespmem:s26], [sflag:$0x6] =	stream.indirect.gather [hbm4b:s4+s16], $0x80, s18, s16, $0xb8;
	[tilespmem:$0x1C000] =	vst v63  }
0x5f: {  	s6 =	rddreg [dreg:$0xc]  }
0x60: {  	[tilespmem:s28], [sflag:$0x6] =	stream.indirect.gather [hbm4b:s4+s16], $0x80, s6, s16, $0xb8;
	[tilespmem:$0x1C000] =	vst v63  }
0x61: {  	s8 =	rddreg [dreg:$0xd]  }
0x62: {  	[tilespmem:s29], [sflag:$0x6] =	stream.indirect.gather [hbm4b:s4+s16], $0x80, s8, s16, $0xb8;
	[tilespmem:$0x1C000] =	vst v63  }
0x63: {  	s11 =	rddreg [dreg:$0xe]  }
0x64: {  	[tilespmem:s30], [sflag:$0x6] =	stream.indirect.gather [hbm4b:s4+s16], $0x80, s11, s16, $0xb8;
	[tilespmem:$0x1C000] =	vst v63  }
0x65: {  	_ =	swait.ge [sflag:s31], $0x4000  }
0x66: {  	[sflag:s31] =	ssyncset.done $0x0  }
0x67: {  	s13 =	rddreg [dreg:$0xf];
	[sflag:s31] =	ssyncadd.s32 $0xFFFFC000  }
0x68: {  	[spmem:s2] =	stream.indirect.scatter.add.f32 [tilespmem:s17], [sflag:$0x8], $0x80, s13, s1, $0xb8;
	[tilespmem:$0x1C000] =	vst v63  }
0x69: {  	_ =	swait.ge [sflag:s0], $0x4000  }
0x6a: {  	[sflag:s0] =	ssyncset.done $0x0  }
0x6b: {  	s6 =	sadd.s32 @!p0 $0xA0, s9;
	s9 =	simm.s32 @!p0 $0x13D00;
	[sflag:s0] =	ssyncadd.s32 $0xFFFFC000  }
0x6c: {  	[tilespmem:s9], [sflag:$0x2] =	stream.linear.gather @!p0 [hbm4b:s6+s15], $0x100, $0x38;
	[tilespmem:$0x1C000] =	vst v63  }
0x6d: {  	s6 =	simm.s32 @!p0 $0x1  }
0x6e: {  	_ =	swait.ge @!p0 [sflag:s6], $0x100  }
0x6f: {  	[sflag:s6] =	ssyncset.done @!p0 $0x0  }
0x70: {  	s9 =	simm.s32 @!p0 $0x14000;
	[sflag:s6] =	ssyncadd.s32 @!p0 $0xFFFFFF00;
	s6 =	simm.s32 @!p0 $0x20  }
0x71: {  	[tilespmem:s9], [sflag:$0x5] =	stream.indirect.gather @!p0 [hbm4b:s4+s6], $0x80, s10, s6, $0xb8;
	[tilespmem:$0x1C000] =	vst v63  }
0x72: {  	s9 =	simm.s32 @!p0 $0x13C20;
	s10 =	simm.s32 @!p0 $0x15000  }
0x73: {  	[tilespmem:s10], [sflag:$0x5] =	stream.indirect.gather @!p0 [hbm4b:s4+s6], $0x80, s9, s6, $0xb8;
	[tilespmem:$0x1C000] =	vst v63  }
0x74: {  	s9 =	simm.s32 @!p0 $0x13C40;
	s10 =	simm.s32 @!p0 $0x16000  }
0x75: {  	[tilespmem:s10], [sflag:$0x5] =	stream.indirect.gather @!p0 [hbm4b:s4+s6], $0x80, s9, s6, $0xb8;
	[tilespmem:$0x1C000] =	vst v63  }
0x76: {  	s9 =	simm.s32 @!p0 $0x13C60;
	s10 =	simm.s32 @!p0 $0x17000  }
0x77: {  	[tilespmem:s10], [sflag:$0x5] =	stream.indirect.gather @!p0 [hbm4b:s4+s6], $0x80, s9, s6, $0xb8;
	[tilespmem:$0x1C000] =	vst v63  }
0x78: {  	_ =	swait.ge [sflag:s22], $0x4000  }
0x79: {  	[sflag:s22] =	ssyncset.done $0x0  }
0x7a: {  	s15 =	rddreg [dreg:$0x10];
	[sflag:s22] =	ssyncadd.s32 $0xFFFFC000  }
0x7b: {  	[spmem:s2] =	stream.indirect.scatter.add.f32 [tilespmem:s26], [sflag:$0x7], $0x80, s15, s1, $0xb8;
	[tilespmem:$0x1C000] =	vst v63  }
0x7c: {  	s9 =	simm.s32 $0x80;
	_ =	swait.ge [sflag:s12], $0x4000  }
0x7d: {  	s10 =	simm.s32 $0x100;
	s15 =	rddreg [dreg:$0x3];
	[sflag:s12] =	ssyncset.done $0x0  }
.LBB2_2:
0x7e: {  	[sflag:s12] =	ssyncadd.s32 $0xFFFFC000;
	s6 =	sadd.s32 s9, s15  }
0x7f: {  	[tilespmem:s24], [sflag:$0x3] =	stream.linear.gather [hbm4b:s6+s3], $0x100, $0x38;
	[tilespmem:$0x1C000] =	vst v63  }
0x80: {  	_ =	swait.ge [sflag:s25], $0x100  }
0x81: {  	[sflag:s25] =	ssyncset.done $0x0  }
0x82: {  	[sflag:s25] =	ssyncadd.s32 $0xFFFFFF00  }
0x83: {  	[tilespmem:s26], [sflag:$0x6] =	stream.indirect.gather [hbm4b:s4+s16], $0x80, s14, s16, $0xb8;
	[tilespmem:$0x1C000] =	vst v63  }
0x84: {  	s8 =	rddreg [dreg:$0x4]  }
0x85: {  	[tilespmem:s28], [sflag:$0x6] =	stream.indirect.gather [hbm4b:s4+s16], $0x80, s8, s16, $0xb8;
	[tilespmem:$0x1C000] =	vst v63  }
0x86: {  	s11 =	rddreg [dreg:$0x5]  }
0x87: {  	[tilespmem:s29], [sflag:$0x6] =	stream.indirect.gather [hbm4b:s4+s16], $0x80, s11, s16, $0xb8;
	[tilespmem:$0x1C000] =	vst v63  }
0x88: {  	s8 =	rddreg [dreg:$0x6]  }
0x89: {  	[tilespmem:s30], [sflag:$0x6] =	stream.indirect.gather [hbm4b:s4+s16], $0x80, s8, s16, $0xb8;
	[tilespmem:$0x1C000] =	vst v63  }
0x8a: {  	_ =	swait.ge [sflag:s31], $0x4000  }
0x8b: {  	[sflag:s31] =	ssyncset.done $0x0  }
0x8c: {  	s11 =	rddreg [dreg:$0x7];
	[sflag:s31] =	ssyncadd.s32 $0xFFFFC000  }
0x8d: {  	[spmem:s2] =	stream.indirect.scatter.add.f32 [tilespmem:s17], [sflag:$0x8], $0x80, s11, s1, $0xb8;
	[tilespmem:$0x1C000] =	vst v63  }
0x8e: {  	_ =	swait.ge [sflag:s0], $0x4000  }
0x8f: {  	s15 =	sadd.s32 s9, s7;
	[sflag:s0] =	ssyncset.done $0x0  }
0x90: {  	s6 =	sadd.s32 $0x60, s15;
	[sflag:s0] =	ssyncadd.s32 $0xFFFFC000  }
0x91: {  	[tilespmem:s18], [sflag:$0x4] =	stream.linear.gather [hbm4b:s6+s3], $0x100, $0x38;
	[tilespmem:$0x1C000] =	vst v63  }
0x92: {  	_ =	swait.ge [sflag:s20], $0x100  }
0x93: {  	[sflag:s20] =	ssyncset.done $0x0  }
0x94: {  	[sflag:s20] =	ssyncadd.s32 $0xFFFFFF00  }
0x95: {  	[tilespmem:s17], [sflag:$0x5] =	stream.indirect.gather [hbm4b:s4+s16], $0x80, s24, s16, $0xb8;
	[tilespmem:$0x1C000] =	vst v63  }
0x96: {  	s8 =	rddreg [dreg:$0x8]  }
0x97: {  	[tilespmem:s19], [sflag:$0x5] =	stream.indirect.gather [hbm4b:s4+s16], $0x80, s8, s16, $0xb8;
	[tilespmem:$0x1C000] =	vst v63  }
0x98: {  	s11 =	rddreg [dreg:$0x9]  }
0x99: {  	[tilespmem:s21], [sflag:$0x5] =	stream.indirect.gather [hbm4b:s4+s16], $0x80, s11, s16, $0xb8;
	[tilespmem:$0x1C000] =	vst v63  }
0x9a: {  	s8 =	rddreg [dreg:$0xa]  }
0x9b: {  	[tilespmem:s23], [sflag:$0x5] =	stream.indirect.gather [hbm4b:s4+s16], $0x80, s8, s16, $0xb8;
	[tilespmem:$0x1C000] =	vst v63  }
0x9c: {  	_ =	swait.ge [sflag:s22], $0x4000  }
0x9d: {  	[sflag:s22] =	ssyncset.done $0x0  }
0x9e: {  	s11 =	rddreg [dreg:$0xb];
	[sflag:s22] =	ssyncadd.s32 $0xFFFFC000  }
0x9f: {  	[spmem:s2] =	stream.indirect.scatter.add.f32 [tilespmem:s26], [sflag:$0x8], $0x80, s11, s1, $0xb8;
	[tilespmem:$0x1C000] =	vst v63  }
0xa0: {  	p1 =	seq.s32 s9, $0x980;
	_ =	swait.ge [sflag:s0], $0x4000  }
0xa1: {  	s15 =	simm.s32 @!p1 $0x13C00;
	s6 =	sadd.s32 @!p1 s9, s7;
	[sflag:s0] =	ssyncset.done $0x0  }
0xa2: {  	s9 =	sadd.s32 @!p1 $0x80, s6;
	s11 =	simm.s32 @!p1 $0x0;
	[sflag:s0] =	ssyncadd.s32 $0xFFFFC000  }
0xa3: {  	[tilespmem:s15], [sflag:$0x1] =	stream.linear.gather @!p1 [hbm4b:s9+s11], $0x100, $0x38;
	[tilespmem:$0x1C000] =	vst v63  }
0xa4: {  	_ =	swait.ge [sflag:s5], $0x100  }
0xa5: {  	[sflag:s5] =	ssyncset.done $0x0  }
0xa6: {  	s13 =	smov.u32 s10;
	[sflag:s5] =	ssyncadd.s32 $0xFFFFFF00  }
0xa7: {  	[tilespmem:s26], [sflag:$0x6] =	stream.indirect.gather [hbm4b:s4+s16], $0x80, s18, s16, $0xb8;
	[tilespmem:$0x1C000] =	vst v63  }
0xa8: {  	s9 =	smov.u32 s13;
	s13 =	rddreg [dreg:$0xc]  }
0xa9: {  	[tilespmem:s28], [sflag:$0x6] =	stream.indirect.gather [hbm4b:s4+s16], $0x80, s13, s16, $0xb8;
	[tilespmem:$0x1C000] =	vst v63  }
0xaa: {  	s8 =	rddreg [dreg:$0xd]  }
0xab: {  	[tilespmem:s29], [sflag:$0x6] =	stream.indirect.gather [hbm4b:s4+s16], $0x80, s8, s16, $0xb8;
	[tilespmem:$0x1C000] =	vst v63  }
0xac: {  	s13 =	rddreg [dreg:$0xe]  }
0xad: {  	[tilespmem:s30], [sflag:$0x6] =	stream.indirect.gather [hbm4b:s4+s16], $0x80, s13, s16, $0xb8;
	[tilespmem:$0x1C000] =	vst v63  }
0xae: {  	_ =	swait.ge [sflag:s31], $0x4000  }
0xaf: {  	[sflag:s31] =	ssyncset.done $0x0  }
0xb0: {  	s13 =	rddreg [dreg:$0xf];
	[sflag:s31] =	ssyncadd.s32 $0xFFFFC000  }
0xb1: {  	[spmem:s2] =	stream.indirect.scatter.add.f32 [tilespmem:s17], [sflag:$0x8], $0x80, s13, s1, $0xb8;
	[tilespmem:$0x1C000] =	vst v63  }
0xb2: {  	_ =	swait.ge [sflag:s0], $0x4000  }
0xb3: {  	s6 =	sadd.s32 @!p1 $0xA0, s6;
	[sflag:s0] =	ssyncset.done $0x0  }
0xb4: {  	s8 =	simm.s32 @!p1 $0x13D00;
	s13 =	simm.s32 @!p1 $0x1;
	[sflag:s0] =	ssyncadd.s32 $0xFFFFC000  }
0xb5: {  	[tilespmem:s8], [sflag:$0x2] =	stream.linear.gather @!p1 [hbm4b:s6+s11], $0x100, $0x38;
	[tilespmem:$0x1C000] =	vst v63  }
0xb6: {  	_ =	swait.ge @!p1 [sflag:s13], $0x100  }
0xb7: {  	[sflag:s13] =	ssyncset.done @!p1 $0x0  }
0xb8: {  	s6 =	simm.s32 @!p1 $0x20;
	s8 =	simm.s32 @!p1 $0x14000;
	[sflag:s13] =	ssyncadd.s32 @!p1 $0xFFFFFF00  }
0xb9: {  	[tilespmem:s8], [sflag:$0x5] =	stream.indirect.gather @!p1 [hbm4b:s4+s6], $0x80, s15, s6, $0xb8;
	[tilespmem:$0x1C000] =	vst v63  }
0xba: {  	s11 =	simm.s32 @!p1 $0x15000;
	s8 =	simm.s32 @!p1 $0x13C20  }
0xbb: {  	[tilespmem:s11], [sflag:$0x5] =	stream.indirect.gather @!p1 [hbm4b:s4+s6], $0x80, s8, s6, $0xb8;
	[tilespmem:$0x1C000] =	vst v63  }
0xbc: {  	s8 =	simm.s32 @!p1 $0x13C40;
	s11 =	simm.s32 @!p1 $0x16000  }
0xbd: {  	[tilespmem:s11], [sflag:$0x5] =	stream.indirect.gather @!p1 [hbm4b:s4+s6], $0x80, s8, s6, $0xb8;
	[tilespmem:$0x1C000] =	vst v63  }
0xbe: {  	s10 =	sadd.s32 $0x80, s10;
	s8 =	simm.s32 @!p1 $0x13C60;
	s11 =	simm.s32 @!p1 $0x17000  }
0xbf: {  	[tilespmem:s11], [sflag:$0x5] =	stream.indirect.gather @!p1 [hbm4b:s4+s6], $0x80, s8, s6, $0xb8;
	[tilespmem:$0x1C000] =	vst v63  }
0xc0: {  	p0 =	sne.s32 s10, $0xA00;
	_ =	swait.ge [sflag:s22], $0x4000  }
.Ltmp0:
0xc1: {  	[sflag:s22] =	ssyncset.done $0x0;
	(pc) =	sbr.rel @p0 .LBB2_2-.Ltmp0, $4  }
0xc2: {  	s15 =	rddreg [dreg:$0x10];
	[sflag:s22] =	ssyncadd.s32 $0xFFFFC000  }
0xc3: {  	[spmem:s2] =	stream.indirect.scatter.add.f32 [tilespmem:s26], [sflag:$0x7], $0x80, s15, s1, $0xb8;
	[tilespmem:$0x1C000] =	vst v63  }
0xc4: {  	_ =	swait.ge [sflag:s12], $0x4000  }
0xc5: {  	s15 =	rddreg [dreg:$0x3];
	[sflag:s12] =	ssyncset.done $0x0  }
0xc6: {  	[sflag:s12] =	ssyncadd.s32 $0xFFFFC000;
	s6 =	sadd.s32 s9, s15  }
0xc7: {  	[tilespmem:s24], [sflag:$0x3] =	stream.linear.gather [hbm4b:s6+s3], $0x100, $0x38;
	[tilespmem:$0x1C000] =	vst v63  }
0xc8: {  	_ =	swait.ge [sflag:s25], $0x100  }
0xc9: {  	[sflag:s25] =	ssyncset.done $0x0  }
0xca: {  	[sflag:s25] =	ssyncadd.s32 $0xFFFFFF00  }
0xcb: {  	[tilespmem:s26], [sflag:$0x6] =	stream.indirect.gather [hbm4b:s4+s16], $0x80, s14, s16, $0xb8;
	[tilespmem:$0x1C000] =	vst v63  }
0xcc: {  	s10 =	rddreg [dreg:$0x4]  }
0xcd: {  	[tilespmem:s28], [sflag:$0x6] =	stream.indirect.gather [hbm4b:s4+s16], $0x80, s10, s16, $0xb8;
	[tilespmem:$0x1C000] =	vst v63  }
0xce: {  	s8 =	rddreg [dreg:$0x5]  }
0xcf: {  	[tilespmem:s29], [sflag:$0x6] =	stream.indirect.gather [hbm4b:s4+s16], $0x80, s8, s16, $0xb8;
	[tilespmem:$0x1C000] =	vst v63  }
0xd0: {  	s11 =	rddreg [dreg:$0x6]  }
0xd1: {  	[tilespmem:s30], [sflag:$0x6] =	stream.indirect.gather [hbm4b:s4+s16], $0x80, s11, s16, $0xb8;
	[tilespmem:$0x1C000] =	vst v63  }
0xd2: {  	_ =	swait.ge [sflag:s31], $0x4000  }
0xd3: {  	[sflag:s31] =	ssyncset.done $0x0  }
0xd4: {  	s13 =	rddreg [dreg:$0x7];
	[sflag:s31] =	ssyncadd.s32 $0xFFFFC000  }
0xd5: {  	[spmem:s2] =	stream.indirect.scatter.add.f32 [tilespmem:s17], [sflag:$0x8], $0x80, s13, s1, $0xb8;
	[tilespmem:$0x1C000] =	vst v63  }
0xd6: {  	_ =	swait.ge [sflag:s0], $0x4000  }
0xd7: {  	s15 =	sadd.s32 s9, s7;
	[sflag:s0] =	ssyncset.done $0x0  }
0xd8: {  	s6 =	sadd.s32 $0x60, s15;
	[sflag:s0] =	ssyncadd.s32 $0xFFFFC000  }
0xd9: {  	[tilespmem:s18], [sflag:$0x4] =	stream.linear.gather [hbm4b:s6+s3], $0x100, $0x38;
	[tilespmem:$0x1C000] =	vst v63  }
0xda: {  	_ =	swait.ge [sflag:s20], $0x100  }
0xdb: {  	[sflag:s20] =	ssyncset.done $0x0  }
0xdc: {  	[sflag:s20] =	ssyncadd.s32 $0xFFFFFF00  }
0xdd: {  	[tilespmem:s17], [sflag:$0x5] =	stream.indirect.gather [hbm4b:s4+s16], $0x80, s24, s16, $0xb8;
	[tilespmem:$0x1C000] =	vst v63  }
0xde: {  	s8 =	rddreg [dreg:$0x8]  }
0xdf: {  	[tilespmem:s19], [sflag:$0x5] =	stream.indirect.gather [hbm4b:s4+s16], $0x80, s8, s16, $0xb8;
	[tilespmem:$0x1C000] =	vst v63  }
0xe0: {  	s10 =	rddreg [dreg:$0x9]  }
0xe1: {  	[tilespmem:s21], [sflag:$0x5] =	stream.indirect.gather [hbm4b:s4+s16], $0x80, s10, s16, $0xb8;
	[tilespmem:$0x1C000] =	vst v63  }
0xe2: {  	s11 =	rddreg [dreg:$0xa]  }
0xe3: {  	[tilespmem:s23], [sflag:$0x5] =	stream.indirect.gather [hbm4b:s4+s16], $0x80, s11, s16, $0xb8;
	[tilespmem:$0x1C000] =	vst v63  }
0xe4: {  	_ =	swait.ge [sflag:s22], $0x4000  }
0xe5: {  	[sflag:s22] =	ssyncset.done $0x0  }
0xe6: {  	p0 =	seq.s32 s9, $0x980;
	s13 =	rddreg [dreg:$0xb];
	[sflag:s22] =	ssyncadd.s32 $0xFFFFC000  }
0xe7: {  	[spmem:s2] =	stream.indirect.scatter.add.f32 [tilespmem:s26], [sflag:$0x8], $0x80, s13, s1, $0xb8;
	[tilespmem:$0x1C000] =	vst v63  }
0xe8: {  	s6 =	sadd.s32 @!p0 s9, s7;
	_ =	swait.ge [sflag:s0], $0x4000  }
0xe9: {  	s9 =	sadd.s32 @!p0 $0x80, s6;
	[sflag:s0] =	ssyncset.done $0x0  }
0xea: {  	s8 =	simm.s32 @!p0 $0x13C00;
	s10 =	simm.s32 @!p0 $0x0;
	[sflag:s0] =	ssyncadd.s32 $0xFFFFC000  }
0xeb: {  	[tilespmem:s8], [sflag:$0x1] =	stream.linear.gather @!p0 [hbm4b:s9+s10], $0x100, $0x38;
	[tilespmem:$0x1C000] =	vst v63  }
0xec: {  	_ =	swait.ge [sflag:s5], $0x100  }
0xed: {  	[sflag:s5] =	ssyncset.done $0x0  }
0xee: {  	[sflag:s5] =	ssyncadd.s32 $0xFFFFFF00  }
0xef: {  	[tilespmem:s26], [sflag:$0x6] =	stream.indirect.gather [hbm4b:s4+s16], $0x80, s18, s16, $0xb8;
	[tilespmem:$0x1C000] =	vst v63  }
0xf0: {  	s15 =	rddreg [dreg:$0xc]  }
0xf1: {  	[tilespmem:s28], [sflag:$0x6] =	stream.indirect.gather [hbm4b:s4+s16], $0x80, s15, s16, $0xb8;
	[tilespmem:$0x1C000] =	vst v63  }
0xf2: {  	s11 =	rddreg [dreg:$0xd]  }
0xf3: {  	[tilespmem:s29], [sflag:$0x6] =	stream.indirect.gather [hbm4b:s4+s16], $0x80, s11, s16, $0xb8;
	[tilespmem:$0x1C000] =	vst v63  }
0xf4: {  	s13 =	rddreg [dreg:$0xe]  }
0xf5: {  	[tilespmem:s30], [sflag:$0x6] =	stream.indirect.gather [hbm4b:s4+s16], $0x80, s13, s16, $0xb8;
	[tilespmem:$0x1C000] =	vst v63  }
0xf6: {  	_ =	swait.ge [sflag:s31], $0x4000  }
0xf7: {  	[sflag:s31] =	ssyncset.done $0x0  }
0xf8: {  	s15 =	rddreg [dreg:$0xf];
	[sflag:s31] =	ssyncadd.s32 $0xFFFFC000  }
0xf9: {  	[spmem:s2] =	stream.indirect.scatter.add.f32 [tilespmem:s17], [sflag:$0x8], $0x80, s15, s1, $0xb8;
	[tilespmem:$0x1C000] =	vst v63  }
0xfa: {  	_ =	swait.ge [sflag:s0], $0x4000  }
0xfb: {  	[sflag:s0] =	ssyncset.done $0x0  }
0xfc: {  	s6 =	sadd.s32 @!p0 $0xA0, s6;
	s9 =	simm.s32 @!p0 $0x13D00;
	[sflag:s0] =	ssyncadd.s32 $0xFFFFC000  }
0xfd: {  	[tilespmem:s9], [sflag:$0x2] =	stream.linear.gather @!p0 [hbm4b:s6+s10], $0x100, $0x38;
	[tilespmem:$0x1C000] =	vst v63  }
0xfe: {  	s6 =	simm.s32 @!p0 $0x1  }
0xff: {  	_ =	swait.ge @!p0 [sflag:s6], $0x100  }
0x100: {  	[sflag:s6] =	ssyncset.done @!p0 $0x0  }
0x101: {  	s9 =	simm.s32 @!p0 $0x14000;
	[sflag:s6] =	ssyncadd.s32 @!p0 $0xFFFFFF00;
	s6 =	simm.s32 @!p0 $0x20  }
0x102: {  	[tilespmem:s9], [sflag:$0x5] =	stream.indirect.gather @!p0 [hbm4b:s4+s6], $0x80, s8, s6, $0xb8;
	[tilespmem:$0x1C000] =	vst v63  }
0x103: {  	s8 =	simm.s32 @!p0 $0x13C20;
	s9 =	simm.s32 @!p0 $0x15000  }
0x104: {  	[tilespmem:s9], [sflag:$0x5] =	stream.indirect.gather @!p0 [hbm4b:s4+s6], $0x80, s8, s6, $0xb8;
	[tilespmem:$0x1C000] =	vst v63  }
0x105: {  	s8 =	simm.s32 @!p0 $0x13C40;
	s9 =	simm.s32 @!p0 $0x16000  }
0x106: {  	[tilespmem:s9], [sflag:$0x5] =	stream.indirect.gather @!p0 [hbm4b:s4+s6], $0x80, s8, s6, $0xb8;
	[tilespmem:$0x1C000] =	vst v63  }
0x107: {  	s8 =	simm.s32 @!p0 $0x13C60;
	s9 =	simm.s32 @!p0 $0x17000  }
0x108: {  	[tilespmem:s9], [sflag:$0x5] =	stream.indirect.gather @!p0 [hbm4b:s4+s6], $0x80, s8, s6, $0xb8;
	[tilespmem:$0x1C000] =	vst v63  }
0x109: {  	_ =	swait.ge [sflag:s22], $0x4000  }
0x10a: {  	[sflag:s22] =	ssyncset.done $0x0  }
0x10b: {  	s10 =	rddreg [dreg:$0x10];
	[sflag:s22] =	ssyncadd.s32 $0xFFFFC000  }
0x10c: {  	[spmem:s2] =	stream.indirect.scatter.add.f32 [tilespmem:s26], [sflag:$0x7], $0x80, s10, s1, $0xb8;
	[tilespmem:$0x1C000] =	vst v63  }
0x10d: {  	_ =	swait.ge [sflag:s12], $0x4000  }
0x10e: {  	[sflag:s12] =	ssyncset.done $0x0  }
0x10f: {  	[sflag:s12] =	ssyncadd.s32 $0xFFFFC000  }
0x110: {  	[bflag:$0x0] =	sbarrier.arrive $0xFFFF  }
0x111: {  	s8 =	rddreg [dreg:$0x12]  }
0x112: {  	s11 =	rddreg [dreg:$0x14]  }
0x113: {  	s9 =	rddreg [dreg:$0x16]  }
0x114: {  	[hbm:s11], [sflag:s8] =	dma.local [spmem:s9], $0x2780  }
0x115: {  	_ =	swait.ge [sflag:s12], $0x2780  }
0x116: {  	s13 =	rddreg [dreg:$0x17]  }
0x117: {  	s15 =	rddreg [dreg:$0x15];
	s10 =	sadd.s32 $0x1, s13  }
0x118: {  	p0 =	sne.s32 s10, s15  }
.Ltmp1:
0x119: {  	_ = 	snop;
	(pc) =	sbr.rel @p0 .LBB2_1-.Ltmp1, $3  }
0x11a: {  	_ =	sdelay $0x1  }
0x11b: {  	[sflag:s12] =	ssyncset.done $0x0  }
0x11c: {  	[sflag:s12] =	ssyncadd.s32 $0xFFFFD880  }
0x11d: {  	_ =	sfence.sel $0x180000  }
0x11e: {  	[bflag:$0x0] =	sbarrier.arrive $0xFFFF  }
0x11f: {  	_ =	strace $0x9000004D  }
0x120: {  	s0 =	stileid.u32;
	[bflag:$0x2] =	sbarrier.arrive $0xFFFF  }
0x121: {  	p0 =	sne.s32 s0, $0x0;
	s0 =	rddreg [dreg:$0x2]  }
0x122: {  	s0 =	sadd.s32 @!p0 $0x100000, s0  }
0x123: {  	[sflag:s0] =	ssyncadd.tile.s32 @!p0 $0x1;
	_ =	shalt  }
.Lfunc_end2:
_tile_overlayer_lowered:
.L_overlay_start_2:
0x124: {  	(tag) =	ssettag $0x2  }
0x125: {  	s0 =	rddreg [dreg:$0x0];
	s2 =	stileid.u32  }
0x126: {  	s1 =	rddreg [dreg:$0x1];
	p0 =	sne.s32 s2, $0x0  }
0x127: {  	s3 =	rddreg [dreg:$0x2];
	[bflag:$0x3] =	sbarrier.arrive $0xFFFF;
	s2 =	simm.s32 @!p0 $0x1C07  }
0x128: {  	[timem:s3], [sflag:s2] =	dma.local @!p0 [hbm:s0], s1  }
0x129: {  	s0 =	simm.s32 @!p0 $0x7  }
0x12a: {  	_ =	swait.ge @!p0 [sflag:s0], s1  }
0x12b: {  	s1 =	ssub.s32 @!p0 $0x0, s1;
	[sflag:s0] =	ssyncset.done @!p0 $0x0  }
0x12c: {  	[sflag:s0] =	ssyncadd.s32 @!p0 s1  }
0x12d: {  	[bflag:$0x3] =	sbarrier.arrive $0xFFFF  }
0x12e: {  	_ =	shalt  }

// kernel: kernel.19.cloned.1.call-start
scs
__scs_entry_jumppad:
0x0: {  	(pc) =	sbr.rel $0x88, $3  }
0x1: {  	(tag) =	ssettag $0x0;
	lr =	simm.s32 $0x1  }
0x2: {  	[smem:$0x3F97] =	sst lr;
	_ =	strace $0xD0000000  }
0x3: {  	_ = 	snop  }
0x4: {  	_ = 	snop  }
0x5: {  	_ = 	snop  }
0x6: {  	_ = 	snop  }
0x7: {  	_ = 	snop  }
__scs_overlays_trampoline_lowered:
0x8: {  	[smem:$0x3FA6] =	sst s0  }
0x9: {  	[smem:$0x3FA7] =	sst s1  }
0xa: {  	[smem:$0x3FA8] =	sst s2  }
0xb: {  	[smem:$0x3FA9] =	sst s3  }
0xc: {  	[smem:$0x3FAA] =	sst s4  }
0xd: {  	[smem:$0x3FAB] =	sst s5  }
0xe: {  	[smem:$0x3FAC] =	sst s6  }
0xf: {  	[smem:$0x3FAD] =	sst s7  }
0x10: {  	[smem:$0x3FAE] =	sst s8  }
0x11: {  	[smem:$0x3FAF] =	sst s9;
	s0 =	simm.s32 @!p0 $0x0  }
0x12: {  	s1 =	sld [smem:$0x3F95];
	s0 =	simm.s32 @p0 $0x1  }
0x13: {  	[smem:$0x3FB0] =	sst s0;
	s0 =	simm.s32 @!p1 $0x0  }
0x14: {  	s2 =	sld [smem:$0x3F94];
	s0 =	simm.s32 @p1 $0x1  }
0x15: {  	[smem:$0x3FB1] =	sst s0;
	s0 =	simm.s32 @!p2 $0x0  }
0x16: {  	s3 =	sld [smem:$0x3FDB];
	s0 =	simm.s32 @p2 $0x1  }
0x17: {  	s4 =	simm.s32 $0x1BF5;
	[smem:$0x3FB3] =	sst s0  }
0x18: {  	s0 =	sld [smem:$0x3F96];
	_ =	swait.ge [sflag:s4], $0x0  }
0x19: {  	s7 =	sld [smem:$0x3F97]  }
0x1a: {  	s8 =	sadd.s32 $0xFFFFE003, lr  }
0x1b: {  	s9 =	sadd.s32 $0xFFFFFEF7, lr;
	s5 =	simm.s32 $0xFFFFFFFF;
	p2 =	slt.u32 s8, $0xFFFFF086  }
0x1c: {  	p1 =	slt.u32 s9, $0xF7A;
	s5 =	simm.s32 @!p2 $0x0  }
0x1d: {  	s5 =	simm.s32 @p1 $0x1;
	p0 =	seq.s32 s7, s2  }
0x1e: {  	s7 =	smul.u32 @!p0 $0xF7A, s2;
	p2 =	seq.s32 @!p0 s5, $0x0  }
0x1f: {  	s9 =	smul.u32 $0xF7A, s1;
	s8 =	simm.s32 @!p0 $0x1BF5;
	p2 =	por !p2, p0  }
0x20: {  	[sflag:s8] =	ssyncset.s32 @!p0 $0xFFFFF086;
	s6 =	sadd.s32 @!p0 s3, s7;
	s7 =	simm.s32 @!p0 $0x108  }
0x21: {  	s3 =	sadd.s32 s3, s9;
	s6 =	sadd.s32 @!p0 $0x88, s6;
	s7 =	simm.s32 @p2 $0x1082  }
0x22: {  	[simem:s7], [sflag:s8] =	dma.local @!p0 [hbm:s6], $0xF7A  }
0x23: {  	s9 =	sor.u32 $0xD0000000, s2;
	s6 =	simm.s32 $0x108;
	_ =	swait.ge @!p0 [sflag:s8], $0x0  }
0x24: {  	s3 =	sadd.s32 $0x88, s3;
	s6 =	simm.s32 @!p1 $0x1082;
	[sflag:s4] =	ssyncset.s32 $0xFFFFF086  }
0x25: {  	[simem:s6], [sflag:s4] =	dma.local [hbm:s3], $0xF7A  }
0x26: {  	[smem:$0x3F97] =	sst s1;
	(tag) =	ssettag s2;
	_ =	strace s9  }
0x27: {  	s1 =	sld [smem:$0x3FA7]  }
0x28: {  	s2 =	sld [smem:$0x3FA8]  }
0x29: {  	s4 =	sld [smem:$0x3FAA]  }
0x2a: {  	p0 =	seq.s32 s5, $0x0;
	s5 =	sld [smem:$0x3FAB]  }
0x2b: {  	s6 =	sld [smem:$0x3FAC]  }
0x2c: {  	s7 =	sld [smem:$0x3FAD]  }
0x2d: {  	s3 =	simm.s32 $0x108;
	s8 =	sld [smem:$0x3FAE]  }
0x2e: {  	s3 =	simm.s32 @!p0 $0x1082;
	s9 =	sld [smem:$0x3FAF]  }
0x2f: {  	lr =	sadd.s32 s0, s3;
	s0 =	sld [smem:$0x3FA6]  }
0x30: {  	s3 =	sld [smem:$0x3FA9]  }
0x31: {  	[smem:$0x3FB2] =	sst s10  }
0x32: {  	s10 =	sld [smem:$0x3FB0];
	_ =	sdelay $0x3  }
0x33: {  	p0 =	seq.s32 s10, $0x1;
	s10 =	sld [smem:$0x3FB2];
	_ =	sdelay $0x3  }
0x34: {  	[smem:$0x3FB2] =	sst s10  }
0x35: {  	s10 =	sld [smem:$0x3FB1];
	_ =	sdelay $0x3  }
0x36: {  	p1 =	seq.s32 s10, $0x1;
	s10 =	sld [smem:$0x3FB2];
	_ =	sdelay $0x3  }
0x37: {  	[smem:$0x3FB2] =	sst s10  }
0x38: {  	s10 =	sld [smem:$0x3FB3]  }
0x39: {  	_ = 	snop;
	(pc) =	sbr.ind lr, $3  }
0x3a: {  	_ = 	snop  }
0x3b: {  	_ = 	snop  }
0x3c: {  	p2 =	seq.s32 s10, $0x1;
	s10 =	sld [smem:$0x3FB2]  }
0x3d: {  	_ =	shalt  }
0x3e: {  	_ =	shalt  }
0x3f: {  	_ =	shalt  }
0x40: {  	_ =	shalt  }
0x41: {  	_ =	shalt  }
0x42: {  	_ =	shalt  }
0x43: {  	_ =	shalt  }
0x44: {  	_ =	shalt  }
0x45: {  	_ =	shalt  }
0x46: {  	_ =	shalt  }
0x47: {  	_ =	shalt  }
0x48: {  	_ =	shalt  }
0x49: {  	_ =	shalt  }
0x4a: {  	_ =	shalt  }
0x4b: {  	_ =	shalt  }
0x4c: {  	_ =	shalt  }
0x4d: {  	_ =	shalt  }
0x4e: {  	_ =	shalt  }
0x4f: {  	_ =	shalt  }
0x50: {  	_ =	shalt  }
0x51: {  	_ =	shalt  }
0x52: {  	_ =	shalt  }
0x53: {  	_ =	shalt  }
0x54: {  	_ =	shalt  }
0x55: {  	_ =	shalt  }
0x56: {  	_ =	shalt  }
0x57: {  	_ =	shalt  }
0x58: {  	_ =	shalt  }
0x59: {  	_ =	shalt  }
0x5a: {  	_ =	shalt  }
0x5b: {  	_ =	shalt  }
0x5c: {  	_ =	shalt  }
0x5d: {  	_ =	shalt  }
0x5e: {  	_ =	shalt  }
0x5f: {  	_ =	shalt  }
0x60: {  	_ =	shalt  }
0x61: {  	_ =	shalt  }
0x62: {  	_ =	shalt  }
0x63: {  	_ =	shalt  }
0x64: {  	_ =	shalt  }
0x65: {  	_ =	shalt  }
0x66: {  	_ =	shalt  }
0x67: {  	_ =	shalt  }
0x68: {  	_ =	shalt  }
0x69: {  	_ =	shalt  }
0x6a: {  	_ =	shalt  }
0x6b: {  	_ =	shalt  }
0x6c: {  	_ =	shalt  }
0x6d: {  	_ =	shalt  }
0x6e: {  	_ =	shalt  }
0x6f: {  	_ =	shalt  }
0x70: {  	_ =	shalt  }
0x71: {  	_ =	shalt  }
0x72: {  	_ =	shalt  }
0x73: {  	_ =	shalt  }
0x74: {  	_ =	shalt  }
0x75: {  	_ =	shalt  }
0x76: {  	_ =	shalt  }
0x77: {  	_ =	shalt  }
0x78: {  	_ =	shalt  }
0x79: {  	_ =	shalt  }
0x7a: {  	_ =	shalt  }
0x7b: {  	_ =	shalt  }
0x7c: {  	_ =	shalt  }
0x7d: {  	_ =	shalt  }
0x7e: {  	_ =	shalt  }
0x7f: {  	_ =	shalt  }
0x80: {  	_ =	shalt  }
0x81: {  	_ =	shalt  }
0x82: {  	_ =	shalt  }
0x83: {  	_ =	shalt  }
0x84: {  	_ =	shalt  }
0x85: {  	_ =	shalt  }
0x86: {  	_ =	shalt  }
0x87: {  	_ =	shalt  }
.Lfunc_end0:
.L_simem_size_0:
called_computation.3_lowered:
.L_overlay_start_0:
0x88: {  	s2 =	sld [smem:$0x3FD9]  }
0x89: {  	s3 =	sld [smem:$0x3FFE];
	_ =	sdelay $0x1  }
0x8a: {  	s1 =	srdreg.scid  }
0x8b: {  	s0 =	sand.u32 $0x1, s1  }
0x8c: {  	s16 =	sshll.u32 s0, $0xA;
	s2 =	sadd.s32 s3, s2  }
0x8d: {  	s2 =	sadd.s32 s2, s16  }
0x8e: {  	[smem:$0x3FBE] =	sst s2  }
0x8f: {  	_ = 	snop  }
0x90: {  	(tm) =	ssettm $0x1  }
0x91: {  	s17 =	sld [smem:$0x3FFB];
	_ =	sdelay $0x3  }
0x92: {  	_ =	strace s17  }
0x93: {  	s2 =	sld [smem:$0x3FFC];
	_ =	sdelay $0x3  }
0x94: {  	_ =	strace s2  }
0x95: {  	s2 =	sld [smem:$0x3FFD];
	_ =	sdelay $0x3  }
0x96: {  	_ =	strace s2  }
0x97: {  	_ =	strace $0x8FFFFFFF  }
0x98: {  	s18 =	sld [smem:$0x3FDB];
	_ =	sdelay $0x1  }
0x99: {  	s19 =	simm.s32 $_scs_section_size  }
0x9a: {  	s4 =	simm.s32 $_size__tile_overlayer_lowered;
	s5 =	simm.s32 $_tile_overlayer_lowered  }
0x9b: {  	s22 =	simm.s32 $0x1BFF;
	s21 =	sshll.u32 s5, $0x1;
	s2 =	sadd.s32 s19, s18  }
0x9c: {  	s6 =	simm.s32 $0x0;
	s20 =	sshll.u32 s4, $0x1;
	s4 =	sadd.s32 s21, s2  }
0x9d: {  	[timem:s6], [sflag:s22] =	dma.local [hbm:s4], s20  }
0x9e: {  	_ =	swait.ge [sflag:s22], s20  }
0x9f: {  	s3 =	ssub.s32 $0x0, s20;
	[sflag:s22] =	ssyncset.done $0x0  }
0xa0: {  	[sflag:s22] =	ssyncadd.s32 s3;
	_ =	sdelay $0x1  }
0xa1: {  	s23 =	simm.s32 $0x1B8B  }
0xa2: {  	_ =	swait.ge [sflag:s23], $0x1  }
0xa3: {  	[sflag:s23] =	ssyncset.done $0x0  }
0xa4: {  	s25 =	simm.s32 $0x1B8E;
	s24 =	sld [smem:$0x3FFE];
	[sflag:s23] =	ssyncadd.s32 $0xFFFFFFFF  }
0xa5: {  	s26 =	simm.s32 $execute0_lowered;
	[smem:$0x3FD2] =	sst s25  }
0xa6: {  	s4 =	sshll.u32 s26, $0x1;
	_ =	strace $0x8000004F;
	[dreg:$0x1] =	wrdreg $0xFFFFFFFF  }
0xa7: {  	s28 =	simm.s32 $_size_execute0_lowered;
	s2 =	sadd.s32 s2, s4;
	[dreg:$0x0] =	wrdreg $0x0  }
0xa8: {  	s4 =	sshll.u32 s28, $0x1;
	[dreg:$0x2] =	wrdreg s2  }
0xa9: {  	[dreg:$0x3] =	wrdreg s4  }
0xaa: {  	[dreg:$0x4] =	wrdreg $0xC0  }
0xab: {  	_ =	task [dreg:s6], $0x5FFFF  }
0xac: {  	[dreg:$0x1] =	wrdreg $0xFFFFFFFF  }
0xad: {  	[dreg:$0x0] =	wrdreg $0x60  }
0xae: {  	[dreg:$0x2] =	wrdreg s24  }
0xaf: {  	[dreg:$0x3] =	wrdreg $0x0  }
0xb0: {  	[dreg:$0x4] =	wrdreg $0x9  }
0xb1: {  	_ =	task.clear_ibuf [dreg:s6], $0x5FFFF;
	_ =	strace $0x9000004F  }
0xb2: {  	s29 =	simm.s32 $0x9;
	_ =	strace $0x80000051  }
0xb3: {  	_ =	swait.ge [sflag:s29], $0x1  }
0xb4: {  	[sflag:s29] =	ssyncadd.s32 $0xFFFFFFFF  }
0xb5: {  	_ =	strace $0x90000051  }
0xb6: {  	_ =	sfence  }
0xb7: {  	s30 =	sld [smem:$0x0];
	_ =	sdelay $0x2  }
0xb8: {  	s31 =	sshll.u32 s1, $0xD;
	s1 =	sshrl.u32 s1, $0x2  }
0xb9: {  	s3 =	sand.u32 $0x4000, s31;
	s1 =	sadd.s32 s1, s30  }
0xba: {  	s0 =	sor.u32 s3, s0;
	s1 =	sshll.u32 s1, $0x11  }
0xbb: {  	s0 =	sor.u32 s1, s0  }
0xbc: {  	s0 =	sadd.s32 $0x8F2B, s0  }
0xbd: {  	[sflag:s0] =	ssyncadd.remote.s32 $0x1  }
0xbe: {  	_ =	sfence.sel $0xFFFF  }
0xbf: {  	[dreg:$0x0] =	wrdreg $0xFFFFFFFF;
	(pc) =	sbr.abs _section_cstart, $3  }
0xc0: {  	[dreg:$0x1] =	wrdreg $0xFFFFFFFF  }
0xc1: {  	_ =	task.clear_ibuf [dreg:s6], $0x2FFFF;
	_ =	strace $0x9FFFFFFF  }
0xc2: {  	(tm) =	ssettm $0x7FFFFFFF  }
0xc3: {  	_ =	shalt  }
tec
execute0_lowered:
.L_overlay_start_1:
0x0: {  	(tag) =	ssettag $0x1  }
0x1: {  	s0 =	rddreg [dreg:$0x0]  }
0x2: {  	s2 =	rddreg [dreg:$0x1]  }
0x3: {  	s10 =	stileid.u32;
	s1 =	srdreg.scid  }
0x4: {  	s3 =	simm.s32 $0x0;
	s14 =	simm.s32 $0x13D20;
	s15 =	simm.s32 $0x13D40  }
0x5: {  	s16 =	simm.s32 $0x13D60;
	s17 =	simm.s32 $0x13C80;
	s18 =	simm.s32 $0x13E20  }
0x6: {  	s19 =	simm.s32 $0x13E40;
	s20 =	simm.s32 $0x13E60;
	s21 =	simm.s32 $0x13D80  }
0x7: {  	s22 =	simm.s32 $0x13F20;
	s23 =	simm.s32 $0x13F40;
	[smem:$0x7FF] =	sst s3  }
0x8: {  	s28 =	simm.s32 $0x19000;
	_ =	strace $0x80000050;
	[dreg:$0x4] =	wrdreg s14  }
0x9: {  	s29 =	simm.s32 $0x1A000;
	s30 =	simm.s32 $0x1B000;
	[dreg:$0x5] =	wrdreg s15  }
0xa: {  	s31 =	simm.s32 $0x5;
	s4 =	smul.u32 $0x50, s10;
	[dreg:$0x6] =	wrdreg s16  }
0xb: {  	s1 =	sand.u32 $0x1, s1;
	s6 =	smul.u32 $0x13C00, s10;
	[dreg:$0x7] =	wrdreg s17  }
0xc: {  	s24 =	smul.u32 $0x4F000, s10;
	s10 =	sshll.u32 s10, $0x6;
	[dreg:$0x8] =	wrdreg s18  }
0xd: {  	p0 =	seq.s32 s1, $0x0;
	s7 =	smul.u32 $0x13C000, s1;
	[dreg:$0x9] =	wrdreg s19  }
0xe: {  	s1 =	ssub.s32 $0x2, s1;
	s14 =	simm.s32 $0x13D00;
	[dreg:$0xa] =	wrdreg s20  }
0xf: {  	s16 =	simm.s32 $0x20;
	s17 =	simm.s32 $0x14000;
	[dreg:$0xb] =	wrdreg s21  }
0x10: {  	s19 =	simm.s32 $0x15000;
	[dreg:$0xc] =	wrdreg s22;
	s21 =	simm.s32 $0x16000  }
0x11: {  	[dreg:$0xd] =	wrdreg s23;
	s23 =	simm.s32 $0x17000;
	s18 =	simm.s32 $0x13F00  }
0x12: {  	s20 =	simm.s32 $0x3;
	s22 =	simm.s32 $0x6;
	s5 =	sadd.s32 $0x500, s4  }
0x13: {  	s8 =	sshrl.u32 s6, $0x3;
	s9 =	sshrl.u32 s1, $0x1;
	s25 =	sshrl.u32 s24, $0x2  }
0x14: {  	s24 =	simm.s32 $0x13F60;
	s5 =	smov.u32 @p0 s4;
	s4 =	sadd.s32 $0x35400, s0  }
0x15: {  	s6 =	sadd.s32 s6, s7;
	s8 =	sadd.s32 s8, s0;
	s1 =	ssub.s32 s1, s9  }
0x16: {  	s26 =	sadd.s32 s25, s2;
	[dreg:$0xe] =	wrdreg s24;
	s25 =	simm.s32 $0x13E80  }
0x17: {  	s24 =	simm.s32 $0x13E00;
	s5 =	sshll.u32 s5, $0x5;
	s6 =	sshrl.u32 s6, $0x3  }
0x18: {  	s8 =	sadd.s32 $0xDC00, s8;
	s12 =	smax.u32 s1, $0x1;
	[dreg:$0xf] =	wrdreg s25  }
0x19: {  	s9 =	sshrl.u32 s26, $0x3;
	s26 =	simm.s32 $0x13F80;
	[dreg:$0x11] =	wrdreg s8  }
0x1a: {  	s25 =	simm.s32 $0x2;
	s1 =	simm.s32 $0x80;
	[dreg:$0x15] =	wrdreg s12  }
0x1b: {  	s5 =	sadd.s32 s5, s0;
	s0 =	sadd.s32 s6, s0;
	[dreg:$0x10] =	wrdreg s26  }
0x1c: {  	s8 =	sor.u32 $0x1C07, s10;
	s12 =	simm.s32 $0x7;
	[dreg:$0x16] =	wrdreg s9  }
0x1d: {  	s26 =	simm.s32 $0x18000;
	s11 =	sadd.s32 $0x84420, s5;
	[dreg:$0x12] =	wrdreg s8  }
0x1e: {  	s10 =	simm.s32 $0x0;
	s0 =	sadd.s32 $0x98E00, s0;
	[dreg:$0x13] =	wrdreg s11  }
0x1f: {  	s7 =	sadd.s32 $0x84400, s5;
	s13 =	sadd.s32 $0x84440, s5;
	[dreg:$0x14] =	wrdreg s0  }
0x20: {  	s5 =	simm.s32 $0x4;
	[dreg:$0x3] =	wrdreg s13;
	s0 =	simm.s32 $0x8  }
.LBB2_1:
0x21: {  	[dreg:$0x17] =	wrdreg s10  }
0x22: {  	s6 =	rddreg [dreg:$0x11]  }
0x23: {  	[spmem:s9], [sflag:s8] =	dma.local [hbm:s6], $0x2780  }
0x24: {  	_ =	swait.ge [sflag:s12], $0x2780  }
0x25: {  	[sflag:s12] =	ssyncset.done $0x0  }
0x26: {  	[sflag:s12] =	ssyncadd.s32 $0xFFFFD880  }
0x27: {  	s9 =	simm.s32 $0x13C00;
	[bflag:$0x0] =	sbarrier.arrive $0xFFFF  }
0x28: {  	[tilespmem:s9], [sflag:$0x1] =	stream.linear.gather [hbm4b:s7+s3], $0x100, $0x38;
	[tilespmem:$0x1C000] =	vst v63  }
0x29: {  	s11 =	simm.s32 $0x1;
	s10 =	rddreg [dreg:$0x13]  }
0x2a: {  	[tilespmem:s14], [sflag:$0x2] =	stream.linear.gather [hbm4b:s10+s3], $0x100, $0x38;
	[tilespmem:$0x1C000] =	vst v63  }
0x2b: {  	_ =	swait.ge [sflag:s11], $0x100  }
0x2c: {  	[sflag:s11] =	ssyncset.done $0x0  }
0x2d: {  	[sflag:s11] =	ssyncadd.s32 $0xFFFFFF00  }
0x2e: {  	[tilespmem:s17], [sflag:$0x5] =	stream.indirect.gather [hbm4b:s4+s16], $0x80, s9, s16, $0xb8;
	[tilespmem:$0x1C000] =	vst v63  }
0x2f: {  	s13 =	simm.s32 $0x13C20  }
0x30: {  	[tilespmem:s19], [sflag:$0x5] =	stream.indirect.gather [hbm4b:s4+s16], $0x80, s13, s16, $0xb8;
	[tilespmem:$0x1C000] =	vst v63  }
0x31: {  	s15 =	simm.s32 $0x13C40  }
0x32: {  	[tilespmem:s21], [sflag:$0x5] =	stream.indirect.gather [hbm4b:s4+s16], $0x80, s15, s16, $0xb8;
	[tilespmem:$0x1C000] =	vst v63  }
0x33: {  	s10 =	simm.s32 $0x13C60;
	s8 =	rddreg [dreg:$0x3]  }
0x34: {  	[tilespmem:s23], [sflag:$0x5] =	stream.indirect.gather [hbm4b:s4+s16], $0x80, s10, s16, $0xb8;
	[tilespmem:$0x1C000] =	vst v63  }
0x35: {  	s9 =	sadd.s32 $0x0, s8  }
0x36: {  	[tilespmem:s24], [sflag:$0x3] =	stream.linear.gather [hbm4b:s9+s3], $0x100, $0x38;
	[tilespmem:$0x1C000] =	vst v63  }
0x37: {  	_ =	swait.ge [sflag:s25], $0x100  }
0x38: {  	[sflag:s25] =	ssyncset.done $0x0  }
0x39: {  	[sflag:s25] =	ssyncadd.s32 $0xFFFFFF00  }
0x3a: {  	[tilespmem:s26], [sflag:$0x6] =	stream.indirect.gather [hbm4b:s4+s16], $0x80, s14, s16, $0xb8;
	[tilespmem:$0x1C000] =	vst v63  }
0x3b: {  	s11 =	rddreg [dreg:$0x4]  }
0x3c: {  	[tilespmem:s28], [sflag:$0x6] =	stream.indirect.gather [hbm4b:s4+s16], $0x80, s11, s16, $0xb8;
	[tilespmem:$0x1C000] =	vst v63  }
0x3d: {  	s13 =	rddreg [dreg:$0x5]  }
0x3e: {  	[tilespmem:s29], [sflag:$0x6] =	stream.indirect.gather [hbm4b:s4+s16], $0x80, s13, s16, $0xb8;
	[tilespmem:$0x1C000] =	vst v63  }
0x3f: {  	s15 =	rddreg [dreg:$0x6]  }
0x40: {  	[tilespmem:s30], [sflag:$0x6] =	stream.indirect.gather [hbm4b:s4+s16], $0x80, s15, s16, $0xb8;
	[tilespmem:$0x1C000] =	vst v63  }
0x41: {  	_ =	swait.ge [sflag:s31], $0x4000  }
0x42: {  	[sflag:s31] =	ssyncset.done $0x0  }
0x43: {  	s6 =	rddreg [dreg:$0x7];
	[sflag:s31] =	ssyncadd.s32 $0xFFFFC000  }
0x44: {  	[spmem:s2] =	stream.indirect.scatter.add.f32 [tilespmem:s17], [sflag:$0x8], $0x80, s6, s1, $0xb8;
	[tilespmem:$0x1C000] =	vst v63  }
0x45: {  	_ =	swait.ge [sflag:s0], $0x4000  }
0x46: {  	s8 =	sadd.s32 $0x0, s7;
	[sflag:s0] =	ssyncset.done $0x0  }
0x47: {  	s9 =	sadd.s32 $0x60, s8;
	[sflag:s0] =	ssyncadd.s32 $0xFFFFC000  }
0x48: {  	[tilespmem:s18], [sflag:$0x4] =	stream.linear.gather [hbm4b:s9+s3], $0x100, $0x38;
	[tilespmem:$0x1C000] =	vst v63  }
0x49: {  	_ =	swait.ge [sflag:s20], $0x100  }
0x4a: {  	[sflag:s20] =	ssyncset.done $0x0  }
0x4b: {  	[sflag:s20] =	ssyncadd.s32 $0xFFFFFF00  }
0x4c: {  	[tilespmem:s17], [sflag:$0x5] =	stream.indirect.gather [hbm4b:s4+s16], $0x80, s24, s16, $0xb8;
	[tilespmem:$0x1C000] =	vst v63  }
0x4d: {  	s10 =	rddreg [dreg:$0x8]  }
0x4e: {  	[tilespmem:s19], [sflag:$0x5] =	stream.indirect.gather [hbm4b:s4+s16], $0x80, s10, s16, $0xb8;
	[tilespmem:$0x1C000] =	vst v63  }
0x4f: {  	s11 =	rddreg [dreg:$0x9]  }
0x50: {  	[tilespmem:s21], [sflag:$0x5] =	stream.indirect.gather [hbm4b:s4+s16], $0x80, s11, s16, $0xb8;
	[tilespmem:$0x1C000] =	vst v63  }
0x51: {  	s13 =	rddreg [dreg:$0xa]  }
0x52: {  	[tilespmem:s23], [sflag:$0x5] =	stream.indirect.gather [hbm4b:s4+s16], $0x80, s13, s16, $0xb8;
	[tilespmem:$0x1C000] =	vst v63  }
0x53: {  	_ =	swait.ge [sflag:s22], $0x4000  }
0x54: {  	[sflag:s22] =	ssyncset.done $0x0  }
0x55: {  	s15 =	rddreg [dreg:$0xb];
	[sflag:s22] =	ssyncadd.s32 $0xFFFFC000  }
0x56: {  	[spmem:s2] =	stream.indirect.scatter.add.f32 [tilespmem:s26], [sflag:$0x8], $0x80, s15, s1, $0xb8;
	[tilespmem:$0x1C000] =	vst v63  }
0x57: {  	p0 =	por $0x0, $0x0;
	_ =	swait.ge [sflag:s0], $0x4000  }
0x58: {  	s9 =	sadd.s32 @!p0 $0x0, s7;
	s10 =	simm.s32 @!p0 $0x13C00;
	[sflag:s0] =	ssyncset.done $0x0  }
0x59: {  	s13 =	sadd.s32 @!p0 $0x80, s9;
	s15 =	simm.s32 @!p0 $0x0;
	[sflag:s0] =	ssyncadd.s32 $0xFFFFC000  }
0x5a: {  	[tilespmem:s10], [sflag:$0x1] =	stream.linear.gather @!p0 [hbm4b:s13+s15], $0x100, $0x38;
	[tilespmem:$0x1C000] =	vst v63  }
0x5b: {  	_ =	swait.ge [sflag:s5], $0x100  }
0x5c: {  	[sflag:s5] =	ssyncset.done $0x0  }
0x5d: {  	[sflag:s5] =	ssyncadd.s32 $0xFFFFFF00  }
0x5e: {  	[tilespmem:s26], [sflag:$0x6] =	stream.indirect.gather [hbm4b:s4+s16], $0x80, s18, s16, $0xb8;
	[tilespmem:$0x1C000] =	vst v63  }
0x5f: {  	s6 =	rddreg [dreg:$0xc]  }
0x60: {  	[tilespmem:s28], [sflag:$0x6] =	stream.indirect.gather [hbm4b:s4+s16], $0x80, s6, s16, $0xb8;
	[tilespmem:$0x1C000] =	vst v63  }
0x61: {  	s8 =	rddreg [dreg:$0xd]  }
0x62: {  	[tilespmem:s29], [sflag:$0x6] =	stream.indirect.gather [hbm4b:s4+s16], $0x80, s8, s16, $0xb8;
	[tilespmem:$0x1C000] =	vst v63  }
0x63: {  	s11 =	rddreg [dreg:$0xe]  }
0x64: {  	[tilespmem:s30], [sflag:$0x6] =	stream.indirect.gather [hbm4b:s4+s16], $0x80, s11, s16, $0xb8;
	[tilespmem:$0x1C000] =	vst v63  }
0x65: {  	_ =	swait.ge [sflag:s31], $0x4000  }
0x66: {  	[sflag:s31] =	ssyncset.done $0x0  }
0x67: {  	s13 =	rddreg [dreg:$0xf];
	[sflag:s31] =	ssyncadd.s32 $0xFFFFC000  }
0x68: {  	[spmem:s2] =	stream.indirect.scatter.add.f32 [tilespmem:s17], [sflag:$0x8], $0x80, s13, s1, $0xb8;
	[tilespmem:$0x1C000] =	vst v63  }
0x69: {  	_ =	swait.ge [sflag:s0], $0x4000  }
0x6a: {  	[sflag:s0] =	ssyncset.done $0x0  }
0x6b: {  	s6 =	sadd.s32 @!p0 $0xA0, s9;
	s9 =	simm.s32 @!p0 $0x13D00;
	[sflag:s0] =	ssyncadd.s32 $0xFFFFC000  }
0x6c: {  	[tilespmem:s9], [sflag:$0x2] =	stream.linear.gather @!p0 [hbm4b:s6+s15], $0x100, $0x38;
	[tilespmem:$0x1C000] =	vst v63  }
0x6d: {  	s6 =	simm.s32 @!p0 $0x1  }
0x6e: {  	_ =	swait.ge @!p0 [sflag:s6], $0x100  }
0x6f: {  	[sflag:s6] =	ssyncset.done @!p0 $0x0  }
0x70: {  	s9 =	simm.s32 @!p0 $0x14000;
	[sflag:s6] =	ssyncadd.s32 @!p0 $0xFFFFFF00;
	s6 =	simm.s32 @!p0 $0x20  }
0x71: {  	[tilespmem:s9], [sflag:$0x5] =	stream.indirect.gather @!p0 [hbm4b:s4+s6], $0x80, s10, s6, $0xb8;
	[tilespmem:$0x1C000] =	vst v63  }
0x72: {  	s9 =	simm.s32 @!p0 $0x13C20;
	s10 =	simm.s32 @!p0 $0x15000  }
0x73: {  	[tilespmem:s10], [sflag:$0x5] =	stream.indirect.gather @!p0 [hbm4b:s4+s6], $0x80, s9, s6, $0xb8;
	[tilespmem:$0x1C000] =	vst v63  }
0x74: {  	s9 =	simm.s32 @!p0 $0x13C40;
	s10 =	simm.s32 @!p0 $0x16000  }
0x75: {  	[tilespmem:s10], [sflag:$0x5] =	stream.indirect.gather @!p0 [hbm4b:s4+s6], $0x80, s9, s6, $0xb8;
	[tilespmem:$0x1C000] =	vst v63  }
0x76: {  	s9 =	simm.s32 @!p0 $0x13C60;
	s10 =	simm.s32 @!p0 $0x17000  }
0x77: {  	[tilespmem:s10], [sflag:$0x5] =	stream.indirect.gather @!p0 [hbm4b:s4+s6], $0x80, s9, s6, $0xb8;
	[tilespmem:$0x1C000] =	vst v63  }
0x78: {  	_ =	swait.ge [sflag:s22], $0x4000  }
0x79: {  	[sflag:s22] =	ssyncset.done $0x0  }
0x7a: {  	s15 =	rddreg [dreg:$0x10];
	[sflag:s22] =	ssyncadd.s32 $0xFFFFC000  }
0x7b: {  	[spmem:s2] =	stream.indirect.scatter.add.f32 [tilespmem:s26], [sflag:$0x7], $0x80, s15, s1, $0xb8;
	[tilespmem:$0x1C000] =	vst v63  }
0x7c: {  	s9 =	simm.s32 $0x80;
	_ =	swait.ge [sflag:s12], $0x4000  }
0x7d: {  	s10 =	simm.s32 $0x100;
	s15 =	rddreg [dreg:$0x3];
	[sflag:s12] =	ssyncset.done $0x0  }
.LBB2_2:
0x7e: {  	[sflag:s12] =	ssyncadd.s32 $0xFFFFC000;
	s6 =	sadd.s32 s9, s15  }
0x7f: {  	[tilespmem:s24], [sflag:$0x3] =	stream.linear.gather [hbm4b:s6+s3], $0x100, $0x38;
	[tilespmem:$0x1C000] =	vst v63  }
0x80: {  	_ =	swait.ge [sflag:s25], $0x100  }
0x81: {  	[sflag:s25] =	ssyncset.done $0x0  }
0x82: {  	[sflag:s25] =	ssyncadd.s32 $0xFFFFFF00  }
0x83: {  	[tilespmem:s26], [sflag:$0x6] =	stream.indirect.gather [hbm4b:s4+s16], $0x80, s14, s16, $0xb8;
	[tilespmem:$0x1C000] =	vst v63  }
0x84: {  	s8 =	rddreg [dreg:$0x4]  }
0x85: {  	[tilespmem:s28], [sflag:$0x6] =	stream.indirect.gather [hbm4b:s4+s16], $0x80, s8, s16, $0xb8;
	[tilespmem:$0x1C000] =	vst v63  }
0x86: {  	s11 =	rddreg [dreg:$0x5]  }
0x87: {  	[tilespmem:s29], [sflag:$0x6] =	stream.indirect.gather [hbm4b:s4+s16], $0x80, s11, s16, $0xb8;
	[tilespmem:$0x1C000] =	vst v63  }
0x88: {  	s8 =	rddreg [dreg:$0x6]  }
0x89: {  	[tilespmem:s30], [sflag:$0x6] =	stream.indirect.gather [hbm4b:s4+s16], $0x80, s8, s16, $0xb8;
	[tilespmem:$0x1C000] =	vst v63  }
0x8a: {  	_ =	swait.ge [sflag:s31], $0x4000  }
0x8b: {  	[sflag:s31] =	ssyncset.done $0x0  }
0x8c: {  	s11 =	rddreg [dreg:$0x7];
	[sflag:s31] =	ssyncadd.s32 $0xFFFFC000  }
0x8d: {  	[spmem:s2] =	stream.indirect.scatter.add.f32 [tilespmem:s17], [sflag:$0x8], $0x80, s11, s1, $0xb8;
	[tilespmem:$0x1C000] =	vst v63  }
0x8e: {  	_ =	swait.ge [sflag:s0], $0x4000  }
0x8f: {  	s15 =	sadd.s32 s9, s7;
	[sflag:s0] =	ssyncset.done $0x0  }
0x90: {  	s6 =	sadd.s32 $0x60, s15;
	[sflag:s0] =	ssyncadd.s32 $0xFFFFC000  }
0x91: {  	[tilespmem:s18], [sflag:$0x4] =	stream.linear.gather [hbm4b:s6+s3], $0x100, $0x38;
	[tilespmem:$0x1C000] =	vst v63  }
0x92: {  	_ =	swait.ge [sflag:s20], $0x100  }
0x93: {  	[sflag:s20] =	ssyncset.done $0x0  }
0x94: {  	[sflag:s20] =	ssyncadd.s32 $0xFFFFFF00  }
0x95: {  	[tilespmem:s17], [sflag:$0x5] =	stream.indirect.gather [hbm4b:s4+s16], $0x80, s24, s16, $0xb8;
	[tilespmem:$0x1C000] =	vst v63  }
0x96: {  	s8 =	rddreg [dreg:$0x8]  }
0x97: {  	[tilespmem:s19], [sflag:$0x5] =	stream.indirect.gather [hbm4b:s4+s16], $0x80, s8, s16, $0xb8;
	[tilespmem:$0x1C000] =	vst v63  }
0x98: {  	s11 =	rddreg [dreg:$0x9]  }
0x99: {  	[tilespmem:s21], [sflag:$0x5] =	stream.indirect.gather [hbm4b:s4+s16], $0x80, s11, s16, $0xb8;
	[tilespmem:$0x1C000] =	vst v63  }
0x9a: {  	s8 =	rddreg [dreg:$0xa]  }
0x9b: {  	[tilespmem:s23], [sflag:$0x5] =	stream.indirect.gather [hbm4b:s4+s16], $0x80, s8, s16, $0xb8;
	[tilespmem:$0x1C000] =	vst v63  }
0x9c: {  	_ =	swait.ge [sflag:s22], $0x4000  }
0x9d: {  	[sflag:s22] =	ssyncset.done $0x0  }
0x9e: {  	s11 =	rddreg [dreg:$0xb];
	[sflag:s22] =	ssyncadd.s32 $0xFFFFC000  }
0x9f: {  	[spmem:s2] =	stream.indirect.scatter.add.f32 [tilespmem:s26], [sflag:$0x8], $0x80, s11, s1, $0xb8;
	[tilespmem:$0x1C000] =	vst v63  }
0xa0: {  	p1 =	seq.s32 s9, $0x980;
	_ =	swait.ge [sflag:s0], $0x4000  }
0xa1: {  	s15 =	simm.s32 @!p1 $0x13C00;
	s6 =	sadd.s32 @!p1 s9, s7;
	[sflag:s0] =	ssyncset.done $0x0  }
0xa2: {  	s9 =	sadd.s32 @!p1 $0x80, s6;
	s11 =	simm.s32 @!p1 $0x0;
	[sflag:s0] =	ssyncadd.s32 $0xFFFFC000  }
0xa3: {  	[tilespmem:s15], [sflag:$0x1] =	stream.linear.gather @!p1 [hbm4b:s9+s11], $0x100, $0x38;
	[tilespmem:$0x1C000] =	vst v63  }
0xa4: {  	_ =	swait.ge [sflag:s5], $0x100  }
0xa5: {  	[sflag:s5] =	ssyncset.done $0x0  }
0xa6: {  	s13 =	smov.u32 s10;
	[sflag:s5] =	ssyncadd.s32 $0xFFFFFF00  }
0xa7: {  	[tilespmem:s26], [sflag:$0x6] =	stream.indirect.gather [hbm4b:s4+s16], $0x80, s18, s16, $0xb8;
	[tilespmem:$0x1C000] =	vst v63  }
0xa8: {  	s9 =	smov.u32 s13;
	s13 =	rddreg [dreg:$0xc]  }
0xa9: {  	[tilespmem:s28], [sflag:$0x6] =	stream.indirect.gather [hbm4b:s4+s16], $0x80, s13, s16, $0xb8;
	[tilespmem:$0x1C000] =	vst v63  }
0xaa: {  	s8 =	rddreg [dreg:$0xd]  }
0xab: {  	[tilespmem:s29], [sflag:$0x6] =	stream.indirect.gather [hbm4b:s4+s16], $0x80, s8, s16, $0xb8;
	[tilespmem:$0x1C000] =	vst v63  }
0xac: {  	s13 =	rddreg [dreg:$0xe]  }
0xad: {  	[tilespmem:s30], [sflag:$0x6] =	stream.indirect.gather [hbm4b:s4+s16], $0x80, s13, s16, $0xb8;
	[tilespmem:$0x1C000] =	vst v63  }
0xae: {  	_ =	swait.ge [sflag:s31], $0x4000  }
0xaf: {  	[sflag:s31] =	ssyncset.done $0x0  }
0xb0: {  	s13 =	rddreg [dreg:$0xf];
	[sflag:s31] =	ssyncadd.s32 $0xFFFFC000  }
0xb1: {  	[spmem:s2] =	stream.indirect.scatter.add.f32 [tilespmem:s17], [sflag:$0x8], $0x80, s13, s1, $0xb8;
	[tilespmem:$0x1C000] =	vst v63  }
0xb2: {  	_ =	swait.ge [sflag:s0], $0x4000  }
0xb3: {  	s6 =	sadd.s32 @!p1 $0xA0, s6;
	[sflag:s0] =	ssyncset.done $0x0  }
0xb4: {  	s8 =	simm.s32 @!p1 $0x13D00;
	s13 =	simm.s32 @!p1 $0x1;
	[sflag:s0] =	ssyncadd.s32 $0xFFFFC000  }
0xb5: {  	[tilespmem:s8], [sflag:$0x2] =	stream.linear.gather @!p1 [hbm4b:s6+s11], $0x100, $0x38;
	[tilespmem:$0x1C000] =	vst v63  }
0xb6: {  	_ =	swait.ge @!p1 [sflag:s13], $0x100  }
0xb7: {  	[sflag:s13] =	ssyncset.done @!p1 $0x0  }
0xb8: {  	s6 =	simm.s32 @!p1 $0x20;
	s8 =	simm.s32 @!p1 $0x14000;
	[sflag:s13] =	ssyncadd.s32 @!p1 $0xFFFFFF00  }
0xb9: {  	[tilespmem:s8], [sflag:$0x5] =	stream.indirect.gather @!p1 [hbm4b:s4+s6], $0x80, s15, s6, $0xb8;
	[tilespmem:$0x1C000] =	vst v63  }
0xba: {  	s11 =	simm.s32 @!p1 $0x15000;
	s8 =	simm.s32 @!p1 $0x13C20  }
0xbb: {  	[tilespmem:s11], [sflag:$0x5] =	stream.indirect.gather @!p1 [hbm4b:s4+s6], $0x80, s8, s6, $0xb8;
	[tilespmem:$0x1C000] =	vst v63  }
0xbc: {  	s8 =	simm.s32 @!p1 $0x13C40;
	s11 =	simm.s32 @!p1 $0x16000  }
0xbd: {  	[tilespmem:s11], [sflag:$0x5] =	stream.indirect.gather @!p1 [hbm4b:s4+s6], $0x80, s8, s6, $0xb8;
	[tilespmem:$0x1C000] =	vst v63  }
0xbe: {  	s10 =	sadd.s32 $0x80, s10;
	s8 =	simm.s32 @!p1 $0x13C60;
	s11 =	simm.s32 @!p1 $0x17000  }
0xbf: {  	[tilespmem:s11], [sflag:$0x5] =	stream.indirect.gather @!p1 [hbm4b:s4+s6], $0x80, s8, s6, $0xb8;
	[tilespmem:$0x1C000] =	vst v63  }
0xc0: {  	p0 =	sne.s32 s10, $0xA00;
	_ =	swait.ge [sflag:s22], $0x4000  }
.Ltmp0:
0xc1: {  	[sflag:s22] =	ssyncset.done $0x0;
	(pc) =	sbr.rel @p0 .LBB2_2-.Ltmp0, $4  }
0xc2: {  	s15 =	rddreg [dreg:$0x10];
	[sflag:s22] =	ssyncadd.s32 $0xFFFFC000  }
0xc3: {  	[spmem:s2] =	stream.indirect.scatter.add.f32 [tilespmem:s26], [sflag:$0x7], $0x80, s15, s1, $0xb8;
	[tilespmem:$0x1C000] =	vst v63  }
0xc4: {  	_ =	swait.ge [sflag:s12], $0x4000  }
0xc5: {  	s15 =	rddreg [dreg:$0x3];
	[sflag:s12] =	ssyncset.done $0x0  }
0xc6: {  	[sflag:s12] =	ssyncadd.s32 $0xFFFFC000;
	s6 =	sadd.s32 s9, s15  }
0xc7: {  	[tilespmem:s24], [sflag:$0x3] =	stream.linear.gather [hbm4b:s6+s3], $0x100, $0x38;
	[tilespmem:$0x1C000] =	vst v63  }
0xc8: {  	_ =	swait.ge [sflag:s25], $0x100  }
0xc9: {  	[sflag:s25] =	ssyncset.done $0x0  }
0xca: {  	[sflag:s25] =	ssyncadd.s32 $0xFFFFFF00  }
0xcb: {  	[tilespmem:s26], [sflag:$0x6] =	stream.indirect.gather [hbm4b:s4+s16], $0x80, s14, s16, $0xb8;
	[tilespmem:$0x1C000] =	vst v63  }
0xcc: {  	s10 =	rddreg [dreg:$0x4]  }
0xcd: {  	[tilespmem:s28], [sflag:$0x6] =	stream.indirect.gather [hbm4b:s4+s16], $0x80, s10, s16, $0xb8;
	[tilespmem:$0x1C000] =	vst v63  }
0xce: {  	s8 =	rddreg [dreg:$0x5]  }
0xcf: {  	[tilespmem:s29], [sflag:$0x6] =	stream.indirect.gather [hbm4b:s4+s16], $0x80, s8, s16, $0xb8;
	[tilespmem:$0x1C000] =	vst v63  }
0xd0: {  	s11 =	rddreg [dreg:$0x6]  }
0xd1: {  	[tilespmem:s30], [sflag:$0x6] =	stream.indirect.gather [hbm4b:s4+s16], $0x80, s11, s16, $0xb8;
	[tilespmem:$0x1C000] =	vst v63  }
0xd2: {  	_ =	swait.ge [sflag:s31], $0x4000  }
0xd3: {  	[sflag:s31] =	ssyncset.done $0x0  }
0xd4: {  	s13 =	rddreg [dreg:$0x7];
	[sflag:s31] =	ssyncadd.s32 $0xFFFFC000  }
0xd5: {  	[spmem:s2] =	stream.indirect.scatter.add.f32 [tilespmem:s17], [sflag:$0x8], $0x80, s13, s1, $0xb8;
	[tilespmem:$0x1C000] =	vst v63  }
0xd6: {  	_ =	swait.ge [sflag:s0], $0x4000  }
0xd7: {  	s15 =	sadd.s32 s9, s7;
	[sflag:s0] =	ssyncset.done $0x0  }
0xd8: {  	s6 =	sadd.s32 $0x60, s15;
	[sflag:s0] =	ssyncadd.s32 $0xFFFFC000  }
0xd9: {  	[tilespmem:s18], [sflag:$0x4] =	stream.linear.gather [hbm4b:s6+s3], $0x100, $0x38;
	[tilespmem:$0x1C000] =	vst v63  }
0xda: {  	_ =	swait.ge [sflag:s20], $0x100  }
0xdb: {  	[sflag:s20] =	ssyncset.done $0x0  }
0xdc: {  	[sflag:s20] =	ssyncadd.s32 $0xFFFFFF00  }
0xdd: {  	[tilespmem:s17], [sflag:$0x5] =	stream.indirect.gather [hbm4b:s4+s16], $0x80, s24, s16, $0xb8;
	[tilespmem:$0x1C000] =	vst v63  }
0xde: {  	s8 =	rddreg [dreg:$0x8]  }
0xdf: {  	[tilespmem:s19], [sflag:$0x5] =	stream.indirect.gather [hbm4b:s4+s16], $0x80, s8, s16, $0xb8;
	[tilespmem:$0x1C000] =	vst v63  }
0xe0: {  	s10 =	rddreg [dreg:$0x9]  }
0xe1: {  	[tilespmem:s21], [sflag:$0x5] =	stream.indirect.gather [hbm4b:s4+s16], $0x80, s10, s16, $0xb8;
	[tilespmem:$0x1C000] =	vst v63  }
0xe2: {  	s11 =	rddreg [dreg:$0xa]  }
0xe3: {  	[tilespmem:s23], [sflag:$0x5] =	stream.indirect.gather [hbm4b:s4+s16], $0x80, s11, s16, $0xb8;
	[tilespmem:$0x1C000] =	vst v63  }
0xe4: {  	_ =	swait.ge [sflag:s22], $0x4000  }
0xe5: {  	[sflag:s22] =	ssyncset.done $0x0  }
0xe6: {  	p0 =	seq.s32 s9, $0x980;
	s13 =	rddreg [dreg:$0xb];
	[sflag:s22] =	ssyncadd.s32 $0xFFFFC000  }
0xe7: {  	[spmem:s2] =	stream.indirect.scatter.add.f32 [tilespmem:s26], [sflag:$0x8], $0x80, s13, s1, $0xb8;
	[tilespmem:$0x1C000] =	vst v63  }
0xe8: {  	s6 =	sadd.s32 @!p0 s9, s7;
	_ =	swait.ge [sflag:s0], $0x4000  }
0xe9: {  	s9 =	sadd.s32 @!p0 $0x80, s6;
	[sflag:s0] =	ssyncset.done $0x0  }
0xea: {  	s8 =	simm.s32 @!p0 $0x13C00;
	s10 =	simm.s32 @!p0 $0x0;
	[sflag:s0] =	ssyncadd.s32 $0xFFFFC000  }
0xeb: {  	[tilespmem:s8], [sflag:$0x1] =	stream.linear.gather @!p0 [hbm4b:s9+s10], $0x100, $0x38;
	[tilespmem:$0x1C000] =	vst v63  }
0xec: {  	_ =	swait.ge [sflag:s5], $0x100  }
0xed: {  	[sflag:s5] =	ssyncset.done $0x0  }
0xee: {  	[sflag:s5] =	ssyncadd.s32 $0xFFFFFF00  }
0xef: {  	[tilespmem:s26], [sflag:$0x6] =	stream.indirect.gather [hbm4b:s4+s16], $0x80, s18, s16, $0xb8;
	[tilespmem:$0x1C000] =	vst v63  }
0xf0: {  	s15 =	rddreg [dreg:$0xc]  }
0xf1: {  	[tilespmem:s28], [sflag:$0x6] =	stream.indirect.gather [hbm4b:s4+s16], $0x80, s15, s16, $0xb8;
	[tilespmem:$0x1C000] =	vst v63  }
0xf2: {  	s11 =	rddreg [dreg:$0xd]  }
0xf3: {  	[tilespmem:s29], [sflag:$0x6] =	stream.indirect.gather [hbm4b:s4+s16], $0x80, s11, s16, $0xb8;
	[tilespmem:$0x1C000] =	vst v63  }
0xf4: {  	s13 =	rddreg [dreg:$0xe]  }
0xf5: {  	[tilespmem:s30], [sflag:$0x6] =	stream.indirect.gather [hbm4b:s4+s16], $0x80, s13, s16, $0xb8;
	[tilespmem:$0x1C000] =	vst v63  }
0xf6: {  	_ =	swait.ge [sflag:s31], $0x4000  }
0xf7: {  	[sflag:s31] =	ssyncset.done $0x0  }
0xf8: {  	s15 =	rddreg [dreg:$0xf];
	[sflag:s31] =	ssyncadd.s32 $0xFFFFC000  }
0xf9: {  	[spmem:s2] =	stream.indirect.scatter.add.f32 [tilespmem:s17], [sflag:$0x8], $0x80, s15, s1, $0xb8;
	[tilespmem:$0x1C000] =	vst v63  }
0xfa: {  	_ =	swait.ge [sflag:s0], $0x4000  }
0xfb: {  	[sflag:s0] =	ssyncset.done $0x0  }
0xfc: {  	s6 =	sadd.s32 @!p0 $0xA0, s6;
	s9 =	simm.s32 @!p0 $0x13D00;
	[sflag:s0] =	ssyncadd.s32 $0xFFFFC000  }
0xfd: {  	[tilespmem:s9], [sflag:$0x2] =	stream.linear.gather @!p0 [hbm4b:s6+s10], $0x100, $0x38;
	[tilespmem:$0x1C000] =	vst v63  }
0xfe: {  	s6 =	simm.s32 @!p0 $0x1  }
0xff: {  	_ =	swait.ge @!p0 [sflag:s6], $0x100  }
0x100: {  	[sflag:s6] =	ssyncset.done @!p0 $0x0  }
0x101: {  	s9 =	simm.s32 @!p0 $0x14000;
	[sflag:s6] =	ssyncadd.s32 @!p0 $0xFFFFFF00;
	s6 =	simm.s32 @!p0 $0x20  }
0x102: {  	[tilespmem:s9], [sflag:$0x5] =	stream.indirect.gather @!p0 [hbm4b:s4+s6], $0x80, s8, s6, $0xb8;
	[tilespmem:$0x1C000] =	vst v63  }
0x103: {  	s8 =	simm.s32 @!p0 $0x13C20;
	s9 =	simm.s32 @!p0 $0x15000  }
0x104: {  	[tilespmem:s9], [sflag:$0x5] =	stream.indirect.gather @!p0 [hbm4b:s4+s6], $0x80, s8, s6, $0xb8;
	[tilespmem:$0x1C000] =	vst v63  }
0x105: {  	s8 =	simm.s32 @!p0 $0x13C40;
	s9 =	simm.s32 @!p0 $0x16000  }
0x106: {  	[tilespmem:s9], [sflag:$0x5] =	stream.indirect.gather @!p0 [hbm4b:s4+s6], $0x80, s8, s6, $0xb8;
	[tilespmem:$0x1C000] =	vst v63  }
0x107: {  	s8 =	simm.s32 @!p0 $0x13C60;
	s9 =	simm.s32 @!p0 $0x17000  }
0x108: {  	[tilespmem:s9], [sflag:$0x5] =	stream.indirect.gather @!p0 [hbm4b:s4+s6], $0x80, s8, s6, $0xb8;
	[tilespmem:$0x1C000] =	vst v63  }
0x109: {  	_ =	swait.ge [sflag:s22], $0x4000  }
0x10a: {  	[sflag:s22] =	ssyncset.done $0x0  }
0x10b: {  	s10 =	rddreg [dreg:$0x10];
	[sflag:s22] =	ssyncadd.s32 $0xFFFFC000  }
0x10c: {  	[spmem:s2] =	stream.indirect.scatter.add.f32 [tilespmem:s26], [sflag:$0x7], $0x80, s10, s1, $0xb8;
	[tilespmem:$0x1C000] =	vst v63  }
0x10d: {  	_ =	swait.ge [sflag:s12], $0x4000  }
0x10e: {  	[sflag:s12] =	ssyncset.done $0x0  }
0x10f: {  	[sflag:s12] =	ssyncadd.s32 $0xFFFFC000  }
0x110: {  	[bflag:$0x0] =	sbarrier.arrive $0xFFFF  }
0x111: {  	s8 =	rddreg [dreg:$0x12]  }
0x112: {  	s11 =	rddreg [dreg:$0x14]  }
0x113: {  	s9 =	rddreg [dreg:$0x16]  }
0x114: {  	[hbm:s11], [sflag:s8] =	dma.local [spmem:s9], $0x2780  }
0x115: {  	_ =	swait.ge [sflag:s12], $0x2780  }
0x116: {  	s13 =	rddreg [dreg:$0x17]  }
0x117: {  	s15 =	rddreg [dreg:$0x15];
	s10 =	sadd.s32 $0x1, s13  }
0x118: {  	p0 =	sne.s32 s10, s15  }
.Ltmp1:
0x119: {  	_ = 	snop;
	(pc) =	sbr.rel @p0 .LBB2_1-.Ltmp1, $3  }
0x11a: {  	_ =	sdelay $0x1  }
0x11b: {  	[sflag:s12] =	ssyncset.done $0x0  }
0x11c: {  	[sflag:s12] =	ssyncadd.s32 $0xFFFFD880  }
0x11d: {  	_ =	sfence.sel $0x180000  }
0x11e: {  	[bflag:$0x0] =	sbarrier.arrive $0xFFFF  }
0x11f: {  	_ =	strace $0x90000050  }
0x120: {  	s0 =	stileid.u32;
	[bflag:$0x2] =	sbarrier.arrive $0xFFFF  }
0x121: {  	p0 =	sne.s32 s0, $0x0;
	s0 =	rddreg [dreg:$0x2]  }
0x122: {  	s0 =	sadd.s32 @!p0 $0x100000, s0  }
0x123: {  	[sflag:s0] =	ssyncadd.tile.s32 @!p0 $0x1;
	_ =	shalt  }
.Lfunc_end2:
_tile_overlayer_lowered:
.L_overlay_start_2:
0x124: {  	(tag) =	ssettag $0x2  }
0x125: {  	s0 =	rddreg [dreg:$0x0];
	s2 =	stileid.u32  }
0x126: {  	s1 =	rddreg [dreg:$0x1];
	p0 =	sne.s32 s2, $0x0  }
0x127: {  	s3 =	rddreg [dreg:$0x2];
	[bflag:$0x3] =	sbarrier.arrive $0xFFFF;
	s2 =	simm.s32 @!p0 $0x1C07  }
0x128: {  	[timem:s3], [sflag:s2] =	dma.local @!p0 [hbm:s0], s1  }
0x129: {  	s0 =	simm.s32 @!p0 $0x7  }
0x12a: {  	_ =	swait.ge @!p0 [sflag:s0], s1  }
0x12b: {  	s1 =	ssub.s32 @!p0 $0x0, s1;
	[sflag:s0] =	ssyncset.done @!p0 $0x0  }
0x12c: {  	[sflag:s0] =	ssyncadd.s32 @!p0 s1  }
0x12d: {  	[bflag:$0x3] =	sbarrier.arrive $0xFFFF  }
0x12e: {  	_ =	shalt  }

</sc_bundles>
